<compile_context>
chip_gen: v7x
topology: tpu7x:2x2x1
jax: 0.10.2.dev20260603
libtpu: 0.0.44.dev20260713+nightly
codegen_flags: <defaults>
</compile_context>

<pallas_src>
import functools

import jax
import jax.numpy as jnp
from jax.experimental import pallas as pl
from jax.experimental.pallas import tpu as pltpu
from jax.experimental.pallas import tpu_sc as plsc

B = 128
N = 100000
BLK = 2048
NB = (N + BLK - 1) // BLK
S = 7
G = NB // S
CHUNK = 128
NCH = BLK // CHUNK
TAIL = N - (NB - 1) * BLK
FIRST_MASKED_CHUNK = TAIL // CHUNK


def _reduce_body(*refs):
    x_refs = refs[:S]
    norm_ref, mode_ref, m_ref, s_ref, bv_ref, bi_ref = refs[S:]
    i = pl.program_id(0)

    @pl.when(i == 0)
    def _init():
        m_ref[...] = jnp.full((B, 1), -jnp.inf, jnp.float32)
        s_ref[...] = jnp.zeros((B, 1), jnp.float32)
        bv_ref[...] = jnp.full((B, 1), -jnp.inf, jnp.float32)
        bi_ref[...] = jnp.zeros((B, 1), jnp.int32)

    lane = jax.lax.broadcasted_iota(jnp.int32, (B, CHUNK), 1)

    def process(x_ref, col0, masked):
        def chunk(j):
            xs = x_ref[:, j * CHUNK:(j + 1) * CHUNK]
            if masked and j >= FIRST_MASKED_CHUNK:
                xs = jnp.where(col0 + j * CHUNK + lane < N, xs, -jnp.inf)
            return xs

        am = chunk(0)
        for j in range(1, NCH):
            am = jnp.maximum(am, chunk(j))
        bm = jnp.max(am, axis=1, keepdims=True)

        m_old = m_ref[...]
        m_new = jnp.maximum(m_old, bm)

        big = jnp.int32(2**30)
        sacc = None
        iacc = None
        for j in range(NCH):
            xs = chunk(j)
            e = jnp.exp(xs - m_new)
            sacc = e if sacc is None else sacc + e
            loc = jnp.where(xs == bm, j * CHUNK + lane, big)
            iacc = loc if iacc is None else jnp.minimum(iacc, loc)

        s_blk = jnp.sum(sacc, axis=1, keepdims=True)
        bi = jnp.min(iacc, axis=1, keepdims=True) + col0

        s_ref[...] = s_ref[...] * jnp.exp(m_old - m_new) + s_blk
        m_ref[...] = m_new
        bv = bv_ref[...]
        old_bi = bi_ref[...]
        better = (bm > bv) | ((bm == bv) & (bi < old_bi))
        bv_ref[...] = jnp.where(better, bm, bv)
        bi_ref[...] = jnp.where(better, bi, old_bi)

    for k in range(S):
        col0 = (k * G + i) * BLK
        if k < S - 1:
            process(x_refs[k], col0, masked=False)
        else:
            @pl.when(i < G - 1)
            def _body(x_ref=x_refs[k], c=col0):
                process(x_ref, c, masked=False)

            @pl.when(i == G - 1)
            def _tail(x_ref=x_refs[k], c=col0):
                process(x_ref, c, masked=True)

    @pl.when(i == G - 1)
    def _fini():
        norm_ref[...] = m_ref[...] + jnp.log(s_ref[...])
        mode_ref[...] = bi_ref[...]


def _make_index_map(k):
    return lambda i: (0, k * G + i)


def _tc_pass(logits):
    return pl.pallas_call(
        _reduce_body,
        grid=(G,),
        in_specs=[
            pl.BlockSpec((B, BLK), _make_index_map(k)) for k in range(S)
        ],
        out_specs=[
            pl.BlockSpec((B, 1), lambda i: (0, 0)),
            pl.BlockSpec((B, 1), lambda i: (0, 0)),
        ],
        out_shape=[
            jax.ShapeDtypeStruct((B, 1), jnp.float32),
            jax.ShapeDtypeStruct((B, 1), jnp.int32),
        ],
        scratch_shapes=[
            pltpu.VMEM((B, 1), jnp.float32),
            pltpu.VMEM((B, 1), jnp.float32),
            pltpu.VMEM((B, 1), jnp.float32),
            pltpu.VMEM((B, 1), jnp.int32),
        ],
    )(*([logits] * S))


def _sc_gather(logits, actions_flat):
    info = plsc.get_sparse_core_info()
    num_cores = info.num_cores
    per_worker = 16
    num_workers = B // per_worker
    mesh = plsc.VectorSubcoreMesh(core_axis_name="c", subcore_axis_name="s")

    @functools.partial(
        pl.kernel,
        mesh=mesh,
        compiler_params=pltpu.CompilerParams(needs_layout_passes=False),
        out_type=jax.ShapeDtypeStruct((B,), jnp.float32),
        scratch_types=[
            pltpu.VMEM((per_worker,), jnp.int32),
            pltpu.VMEM((per_worker, 8, 128), jnp.float32),
            pltpu.VMEM((per_worker,), jnp.float32),
            pltpu.SemaphoreType.DMA,
        ],
    )
    def gather_kernel(logits_hbm, act_hbm, out_hbm,
                      act_v, rows_v, picked_v, sem):
        wid = jax.lax.axis_index("s") * num_cores + jax.lax.axis_index("c")

        @pl.when(wid < num_workers)
        def _():
            base = wid * per_worker
            pltpu.sync_copy(act_hbm.at[pl.ds(base, per_worker)], act_v)
            av = act_v[...]
            copies = []
            for j in range(per_worker):
                start = pl.multiple_of(av[j] & -128, 128)
                copies.append(pltpu.async_copy(
                    logits_hbm.at[pl.ds(base + (j & -8), 8),
                                  pl.ds(start, 128)],
                    rows_v.at[j], sem))
            for c in copies:
                c.wait()
            lane = av & 127
            iota = jax.lax.iota(jnp.int32, per_worker)
            picked_v[...] = plsc.load_gather(
                rows_v, [iota, iota & 7, lane])
            pltpu.sync_copy(picked_v, out_hbm.at[pl.ds(base, per_worker)])

    return gather_kernel(logits, actions_flat)


@jax.jit
def _run(logits, actions):
    picked = _sc_gather(logits, actions.reshape(B))
    norm, mode = _tc_pass(logits)
    log_probs = picked[:, None] - norm
    return log_probs, mode


def kernel(logits, actions):
    return _run(logits, actions)

# --- scband reference (transcript-rebuilt; emitter-appended) ---
"""Pipeline reference for scband-fixed-categorical-71562745086413 (READ-ONLY COPY).

The authoritative reference and input builder live on the scoring server;
editing this copy changes nothing except your own understanding.
"""

import jax, jax.numpy as jnp
import numpy as np


def setup_inputs(seed: int = 0) -> dict:
    key = jax.random.key(seed)
    k1, k2 = jax.random.split(key)
    logits = jax.random.normal(k1, (128, 100000), dtype=jnp.float32)
    actions = jax.random.randint(k2, (128, 1), 0, 100000, dtype=jnp.int32)
    return {"logits": logits, "actions": actions}


def reference(logits, actions):
    # FixedCategorical.log_probs(actions):
    #   Categorical.log_prob(actions.squeeze(-1)) -> gather of log_softmax(logits)
    #   .view(B, -1).sum(-1).unsqueeze(-1)
    log_p = jax.nn.log_softmax(logits, axis=-1)
    act = actions.squeeze(-1)
    lp = jnp.take_along_axis(log_p, act[:, None], axis=-1).squeeze(-1)
    log_probs = lp.reshape(actions.shape[0], -1).sum(-1)[:, None]
    # FixedCategorical.mode(): probs.argmax(dim=-1, keepdim=True)
    probs = jax.nn.softmax(logits, axis=-1)
    mode = jnp.argmax(probs, axis=-1, keepdims=True)
    return (log_probs, mode)

if __name__ == "__main__":
    import jax
    _d = setup_inputs()
    print(jax.jit(kernel)(*tuple(_d.values())))

</pallas_src>

<mosaic_0001>
#map = affine_map<(d0, d1) -> (0, 0)>
#map1 = affine_map<(d0, d1) -> (0)>
module attributes {stable_mosaic.version = 14 : i64} {
  func.func @gather_kernel(%arg0: i32, %arg1: i32, %arg2: memref<128x100000xf32, #tpu.memory_space<hbm>>, %arg3: memref<128xi32, #tpu.memory_space<hbm>>, %arg4: memref<128xf32, #tpu.memory_space<hbm>>, %arg5: memref<16xi32, #tpu.memory_space<vmem>>, %arg6: memref<16x8x128xf32, #tpu.memory_space<vmem>>, %arg7: memref<16xf32, #tpu.memory_space<vmem>>, %arg8: memref<!tpu.dma_semaphore, #tpu.memory_space<semaphore_mem>>) attributes {dimension_semantics = [#tpu.dimension_semantics<core_parallel>, #tpu.dimension_semantics<subcore_parallel>], iteration_bounds = array<i64: 2, 16>, scalar_prefetch = 0 : i64, scratch_operands = 4 : i64, tpu.core_type = #tpu.core_type<sc_vector_subcore>, window_params = [{transform_indices = #map}, {transform_indices = #map1}, {transform_indices = #map1}]} {
    %mul3A = arith.constant 2 : i32
    %mul3A_0 = arith.muli %arg1, %mul3A : i32
    %add3A = arith.addi %mul3A_0, %arg0 : i32
    %lt3A = arith.constant 8 : i32
    %lt3A_1 = arith.cmpi slt, %add3A, %lt3A : i32
    %convert_element_type3A = arith.extui %lt3A_1 : i1 to i32
    %cond3A = arith.constant 0 : i32
    %cond3A_2 = arith.cmpi ne, %convert_element_type3A, %cond3A : i32
    scf.if %cond3A_2 {
      %mul3A_3 = arith.constant 16 : i32
      %mul3A_4 = arith.muli %add3A, %mul3A_3 : i32
      "tpu.region"() ({
        %run_scoped3A = tpu.sem_alloc : memref<!tpu.dma_semaphore, #tpu.memory_space<semaphore_mem>>
        %dma_start3A_471 = tpu.memref_slice %arg3[%mul3A_4] : memref<128xi32, #tpu.memory_space<hbm>> -> memref<16xi32, #tpu.memory_space<hbm>>
        %dma_start3A_472 = tpu.memref_slice %arg3[%mul3A_4] : memref<128xi32, #tpu.memory_space<hbm>> -> memref<16xi32, #tpu.memory_space<hbm>>
        tpu.enqueue_dma source(%dma_start3A_472 : memref<16xi32, #tpu.memory_space<hbm>>) target(%arg5 : memref<16xi32, #tpu.memory_space<vmem>>) target_semaphore(%run_scoped3A : memref<!tpu.dma_semaphore, #tpu.memory_space<semaphore_mem>>)
        %dma_wait3A_473 = tpu.memref_slice %arg3[%mul3A_4] : memref<128xi32, #tpu.memory_space<hbm>> -> memref<16xi32, #tpu.memory_space<hbm>>
        %dma_wait3A_474 = tpu.memref_slice %arg3[%mul3A_4] : memref<128xi32, #tpu.memory_space<hbm>> -> memref<16xi32, #tpu.memory_space<hbm>>
        tpu.wait_dma2 semaphore(%run_scoped3A : memref<!tpu.dma_semaphore, #tpu.memory_space<semaphore_mem>>) src(%dma_wait3A_474 : memref<16xi32, #tpu.memory_space<hbm>>) dst(%arg5 : memref<16xi32, #tpu.memory_space<vmem>>)
        tpu.yield
      }) : () -> ()
      %get3A = arith.constant 0 : index
      %get3A_5 = tpu.vector_load %arg5[%get3A] {strides = array<i32>} : memref<16xi32, #tpu.memory_space<vmem>>, vector<16xi32>,
      %slice3A = vector.extract_strided_slice %get3A_5 {offsets = [0], sizes = [1], strides = [1]} : vector<16xi32> to vector<1xi32>
      %squeeze3A = vector.extract %slice3A[0] : i32 from vector<1xi32>
      %and3A = arith.constant -128 : i32
      %and3A_6 = arith.andi %squeeze3A, %and3A : i32
      %multiple_of3A = tpu.assume_multiple %and3A_6, 128 : i32
      %add3A_7 = arith.constant 0 : i32
      %add3A_8 = arith.addi %mul3A_4, %add3A_7 : i32
      %dma_start3A = arith.constant 0 : i32
      %dma_start3A_9 = arith.constant 0 : i32
      %dma_start3A_10 = arith.constant 0 : i32
      %dma_start3A_11 = tpu.memref_slice %arg6[%dma_start3A, %dma_start3A_9, %dma_start3A_10] : memref<16x8x128xf32, #tpu.memory_space<vmem>> -> memref<1x8x128xf32, #tpu.memory_space<vmem>>
      %dma_start3A_12 = tpu.memref_squeeze %dma_start3A_11 : memref<1x8x128xf32, #tpu.memory_space<vmem>> -> memref<8x128xf32, #tpu.memory_space<vmem>>
      %dma_start3A_13 = tpu.memref_slice %arg2[%add3A_8, %multiple_of3A] : memref<128x100000xf32, #tpu.memory_space<hbm>> -> memref<8x128xf32, #tpu.memory_space<hbm>>
      %dma_start3A_14 = arith.constant 0 : i32
      %dma_start3A_15 = arith.constant 0 : i32
      %dma_start3A_16 = tpu.memref_slice %arg6[%dma_start3A, %dma_start3A_14, %dma_start3A_15] : memref<16x8x128xf32, #tpu.memory_space<vmem>> -> memref<1x8x128xf32, #tpu.memory_space<vmem>>
      %dma_start3A_17 = tpu.memref_squeeze %dma_start3A_16 : memref<1x8x128xf32, #tpu.memory_space<vmem>> -> memref<8x128xf32, #tpu.memory_space<vmem>>
      %dma_start3A_18 = tpu.memref_slice %arg2[%add3A_8, %multiple_of3A] : memref<128x100000xf32, #tpu.memory_space<hbm>> -> memref<8x128xf32, #tpu.memory_space<hbm>>
      tpu.enqueue_dma source(%dma_start3A_18 : memref<8x128xf32, #tpu.memory_space<hbm>>) target(%dma_start3A_17 : memref<8x128xf32, #tpu.memory_space<vmem>>) target_semaphore(%arg8 : memref<!tpu.dma_semaphore, #tpu.memory_space<semaphore_mem>>)
      %slice3A_19 = vector.extract_strided_slice %get3A_5 {offsets = [1], sizes = [1], strides = [1]} : vector<16xi32> to vector<1xi32>
      %squeeze3A_20 = vector.extract %slice3A_19[0] : i32 from vector<1xi32>
      %and3A_21 = arith.constant -128 : i32
      %and3A_22 = arith.andi %squeeze3A_20, %and3A_21 : i32
      %multiple_of3A_23 = tpu.assume_multiple %and3A_22, 128 : i32
      %add3A_24 = arith.constant 0 : i32
      %add3A_25 = arith.addi %mul3A_4, %add3A_24 : i32
      %dma_start3A_26 = arith.constant 1 : i32
      %dma_start3A_27 = arith.constant 0 : i32
      %dma_start3A_28 = arith.constant 0 : i32
      %dma_start3A_29 = tpu.memref_slice %arg6[%dma_start3A_26, %dma_start3A_27, %dma_start3A_28] : memref<16x8x128xf32, #tpu.memory_space<vmem>> -> memref<1x8x128xf32, #tpu.memory_space<vmem>>
      %dma_start3A_30 = tpu.memref_squeeze %dma_start3A_29 : memref<1x8x128xf32, #tpu.memory_space<vmem>> -> memref<8x128xf32, #tpu.memory_space<vmem>>
      %dma_start3A_31 = tpu.memref_slice %arg2[%add3A_25, %multiple_of3A_23] : memref<128x100000xf32, #tpu.memory_space<hbm>> -> memref<8x128xf32, #tpu.memory_space<hbm>>
      %dma_start3A_32 = arith.constant 0 : i32
      %dma_start3A_33 = arith.constant 0 : i32
      %dma_start3A_34 = tpu.memref_slice %arg6[%dma_start3A_26, %dma_start3A_32, %dma_start3A_33] : memref<16x8x128xf32, #tpu.memory_space<vmem>> -> memref<1x8x128xf32, #tpu.memory_space<vmem>>
      %dma_start3A_35 = tpu.memref_squeeze %dma_start3A_34 : memref<1x8x128xf32, #tpu.memory_space<vmem>> -> memref<8x128xf32, #tpu.memory_space<vmem>>
      %dma_start3A_36 = tpu.memref_slice %arg2[%add3A_25, %multiple_of3A_23] : memref<128x100000xf32, #tpu.memory_space<hbm>> -> memref<8x128xf32, #tpu.memory_space<hbm>>
      tpu.enqueue_dma source(%dma_start3A_36 : memref<8x128xf32, #tpu.memory_space<hbm>>) target(%dma_start3A_35 : memref<8x128xf32, #tpu.memory_space<vmem>>) target_semaphore(%arg8 : memref<!tpu.dma_semaphore, #tpu.memory_space<semaphore_mem>>)
      %slice3A_37 = vector.extract_strided_slice %get3A_5 {offsets = [2], sizes = [1], strides = [1]} : vector<16xi32> to vector<1xi32>
      %squeeze3A_38 = vector.extract %slice3A_37[0] : i32 from vector<1xi32>
      %and3A_39 = arith.constant -128 : i32
      %and3A_40 = arith.andi %squeeze3A_38, %and3A_39 : i32
      %multiple_of3A_41 = tpu.assume_multiple %and3A_40, 128 : i32
      %add3A_42 = arith.constant 0 : i32
      %add3A_43 = arith.addi %mul3A_4, %add3A_42 : i32
      %dma_start3A_44 = arith.constant 2 : i32
      %dma_start3A_45 = arith.constant 0 : i32
      %dma_start3A_46 = arith.constant 0 : i32
      %dma_start3A_47 = tpu.memref_slice %arg6[%dma_start3A_44, %dma_start3A_45, %dma_start3A_46] : memref<16x8x128xf32, #tpu.memory_space<vmem>> -> memref<1x8x128xf32, #tpu.memory_space<vmem>>
      %dma_start3A_48 = tpu.memref_squeeze %dma_start3A_47 : memref<1x8x128xf32, #tpu.memory_space<vmem>> -> memref<8x128xf32, #tpu.memory_space<vmem>>
      %dma_start3A_49 = tpu.memref_slice %arg2[%add3A_43, %multiple_of3A_41] : memref<128x100000xf32, #tpu.memory_space<hbm>> -> memref<8x128xf32, #tpu.memory_space<hbm>>
      %dma_start3A_50 = arith.constant 0 : i32
      %dma_start3A_51 = arith.constant 0 : i32
      %dma_start3A_52 = tpu.memref_slice %arg6[%dma_start3A_44, %dma_start3A_50, %dma_start3A_51] : memref<16x8x128xf32, #tpu.memory_space<vmem>> -> memref<1x8x128xf32, #tpu.memory_space<vmem>>
      %dma_start3A_53 = tpu.memref_squeeze %dma_start3A_52 : memref<1x8x128xf32, #tpu.memory_space<vmem>> -> memref<8x128xf32, #tpu.memory_space<vmem>>
      %dma_start3A_54 = tpu.memref_slice %arg2[%add3A_43, %multiple_of3A_41] : memref<128x100000xf32, #tpu.memory_space<hbm>> -> memref<8x128xf32, #tpu.memory_space<hbm>>
      tpu.enqueue_dma source(%dma_start3A_54 : memref<8x128xf32, #tpu.memory_space<hbm>>) target(%dma_start3A_53 : memref<8x128xf32, #tpu.memory_space<vmem>>) target_semaphore(%arg8 : memref<!tpu.dma_semaphore, #tpu.memory_space<semaphore_mem>>)
      %slice3A_55 = vector.extract_strided_slice %get3A_5 {offsets = [3], sizes = [1], strides = [1]} : vector<16xi32> to vector<1xi32>
      %squeeze3A_56 = vector.extract %slice3A_55[0] : i32 from vector<1xi32>
      %and3A_57 = arith.constant -128 : i32
      %and3A_58 = arith.andi %squeeze3A_56, %and3A_57 : i32
      %multiple_of3A_59 = tpu.assume_multiple %and3A_58, 128 : i32
      %add3A_60 = arith.constant 0 : i32
      %add3A_61 = arith.addi %mul3A_4, %add3A_60 : i32
      %dma_start3A_62 = arith.constant 3 : i32
      %dma_start3A_63 = arith.constant 0 : i32
      %dma_start3A_64 = arith.constant 0 : i32
      %dma_start3A_65 = tpu.memref_slice %arg6[%dma_start3A_62, %dma_start3A_63, %dma_start3A_64] : memref<16x8x128xf32, #tpu.memory_space<vmem>> -> memref<1x8x128xf32, #tpu.memory_space<vmem>>
      %dma_start3A_66 = tpu.memref_squeeze %dma_start3A_65 : memref<1x8x128xf32, #tpu.memory_space<vmem>> -> memref<8x128xf32, #tpu.memory_space<vmem>>
      %dma_start3A_67 = tpu.memref_slice %arg2[%add3A_61, %multiple_of3A_59] : memref<128x100000xf32, #tpu.memory_space<hbm>> -> memref<8x128xf32, #tpu.memory_space<hbm>>
      %dma_start3A_68 = arith.constant 0 : i32
      %dma_start3A_69 = arith.constant 0 : i32
      %dma_start3A_70 = tpu.memref_slice %arg6[%dma_start3A_62, %dma_start3A_68, %dma_start3A_69] : memref<16x8x128xf32, #tpu.memory_space<vmem>> -> memref<1x8x128xf32, #tpu.memory_space<vmem>>
      %dma_start3A_71 = tpu.memref_squeeze %dma_start3A_70 : memref<1x8x128xf32, #tpu.memory_space<vmem>> -> memref<8x128xf32, #tpu.memory_space<vmem>>
      %dma_start3A_72 = tpu.memref_slice %arg2[%add3A_61, %multiple_of3A_59] : memref<128x100000xf32, #tpu.memory_space<hbm>> -> memref<8x128xf32, #tpu.memory_space<hbm>>
      tpu.enqueue_dma source(%dma_start3A_72 : memref<8x128xf32, #tpu.memory_space<hbm>>) target(%dma_start3A_71 : memref<8x128xf32, #tpu.memory_space<vmem>>) target_semaphore(%arg8 : memref<!tpu.dma_semaphore, #tpu.memory_space<semaphore_mem>>)
      %slice3A_73 = vector.extract_strided_slice %get3A_5 {offsets = [4], sizes = [1], strides = [1]} : vector<16xi32> to vector<1xi32>
      %squeeze3A_74 = vector.extract %slice3A_73[0] : i32 from vector<1xi32>
      %and3A_75 = arith.constant -128 : i32
      %and3A_76 = arith.andi %squeeze3A_74, %and3A_75 : i32
      %multiple_of3A_77 = tpu.assume_multiple %and3A_76, 128 : i32
      %add3A_78 = arith.constant 0 : i32
      %add3A_79 = arith.addi %mul3A_4, %add3A_78 : i32
      %dma_start3A_80 = arith.constant 4 : i32
      %dma_start3A_81 = arith.constant 0 : i32
      %dma_start3A_82 = arith.constant 0 : i32
      %dma_start3A_83 = tpu.memref_slice %arg6[%dma_start3A_80, %dma_start3A_81, %dma_start3A_82] : memref<16x8x128xf32, #tpu.memory_space<vmem>> -> memref<1x8x128xf32, #tpu.memory_space<vmem>>
      %dma_start3A_84 = tpu.memref_squeeze %dma_start3A_83 : memref<1x8x128xf32, #tpu.memory_space<vmem>> -> memref<8x128xf32, #tpu.memory_space<vmem>>
      %dma_start3A_85 = tpu.memref_slice %arg2[%add3A_79, %multiple_of3A_77] : memref<128x100000xf32, #tpu.memory_space<hbm>> -> memref<8x128xf32, #tpu.memory_space<hbm>>
      %dma_start3A_86 = arith.constant 0 : i32
      %dma_start3A_87 = arith.constant 0 : i32
      %dma_start3A_88 = tpu.memref_slice %arg6[%dma_start3A_80, %dma_start3A_86, %dma_start3A_87] : memref<16x8x128xf32, #tpu.memory_space<vmem>> -> memref<1x8x128xf32, #tpu.memory_space<vmem>>
      %dma_start3A_89 = tpu.memref_squeeze %dma_start3A_88 : memref<1x8x128xf32, #tpu.memory_space<vmem>> -> memref<8x128xf32, #tpu.memory_space<vmem>>
      %dma_start3A_90 = tpu.memref_slice %arg2[%add3A_79, %multiple_of3A_77] : memref<128x100000xf32, #tpu.memory_space<hbm>> -> memref<8x128xf32, #tpu.memory_space<hbm>>
      tpu.enqueue_dma source(%dma_start3A_90 : memref<8x128xf32, #tpu.memory_space<hbm>>) target(%dma_start3A_89 : memref<8x128xf32, #tpu.memory_space<vmem>>) target_semaphore(%arg8 : memref<!tpu.dma_semaphore, #tpu.memory_space<semaphore_mem>>)
      %slice3A_91 = vector.extract_strided_slice %get3A_5 {offsets = [5], sizes = [1], strides = [1]} : vector<16xi32> to vector<1xi32>
      %squeeze3A_92 = vector.extract %slice3A_91[0] : i32 from vector<1xi32>
      %and3A_93 = arith.constant -128 : i32
      %and3A_94 = arith.andi %squeeze3A_92, %and3A_93 : i32
      %multiple_of3A_95 = tpu.assume_multiple %and3A_94, 128 : i32
      %add3A_96 = arith.constant 0 : i32
      %add3A_97 = arith.addi %mul3A_4, %add3A_96 : i32
      %dma_start3A_98 = arith.constant 5 : i32
      %dma_start3A_99 = arith.constant 0 : i32
      %dma_start3A_100 = arith.constant 0 : i32
      %dma_start3A_101 = tpu.memref_slice %arg6[%dma_start3A_98, %dma_start3A_99, %dma_start3A_100] : memref<16x8x128xf32, #tpu.memory_space<vmem>> -> memref<1x8x128xf32, #tpu.memory_space<vmem>>
      %dma_start3A_102 = tpu.memref_squeeze %dma_start3A_101 : memref<1x8x128xf32, #tpu.memory_space<vmem>> -> memref<8x128xf32, #tpu.memory_space<vmem>>
      %dma_start3A_103 = tpu.memref_slice %arg2[%add3A_97, %multiple_of3A_95] : memref<128x100000xf32, #tpu.memory_space<hbm>> -> memref<8x128xf32, #tpu.memory_space<hbm>>
      %dma_start3A_104 = arith.constant 0 : i32
      %dma_start3A_105 = arith.constant 0 : i32
      %dma_start3A_106 = tpu.memref_slice %arg6[%dma_start3A_98, %dma_start3A_104, %dma_start3A_105] : memref<16x8x128xf32, #tpu.memory_space<vmem>> -> memref<1x8x128xf32, #tpu.memory_space<vmem>>
      %dma_start3A_107 = tpu.memref_squeeze %dma_start3A_106 : memref<1x8x128xf32, #tpu.memory_space<vmem>> -> memref<8x128xf32, #tpu.memory_space<vmem>>
      %dma_start3A_108 = tpu.memref_slice %arg2[%add3A_97, %multiple_of3A_95] : memref<128x100000xf32, #tpu.memory_space<hbm>> -> memref<8x128xf32, #tpu.memory_space<hbm>>
      tpu.enqueue_dma source(%dma_start3A_108 : memref<8x128xf32, #tpu.memory_space<hbm>>) target(%dma_start3A_107 : memref<8x128xf32, #tpu.memory_space<vmem>>) target_semaphore(%arg8 : memref<!tpu.dma_semaphore, #tpu.memory_space<semaphore_mem>>)
      %slice3A_109 = vector.extract_strided_slice %get3A_5 {offsets = [6], sizes = [1], strides = [1]} : vector<16xi32> to vector<1xi32>
      %squeeze3A_110 = vector.extract %slice3A_109[0] : i32 from vector<1xi32>
      %and3A_111 = arith.constant -128 : i32
      %and3A_112 = arith.andi %squeeze3A_110, %and3A_111 : i32
      %multiple_of3A_113 = tpu.assume_multiple %and3A_112, 128 : i32
      %add3A_114 = arith.constant 0 : i32
      %add3A_115 = arith.addi %mul3A_4, %add3A_114 : i32
      %dma_start3A_116 = arith.constant 6 : i32
      %dma_start3A_117 = arith.constant 0 : i32
      %dma_start3A_118 = arith.constant 0 : i32
      %dma_start3A_119 = tpu.memref_slice %arg6[%dma_start3A_116, %dma_start3A_117, %dma_start3A_118] : memref<16x8x128xf32, #tpu.memory_space<vmem>> -> memref<1x8x128xf32, #tpu.memory_space<vmem>>
      %dma_start3A_120 = tpu.memref_squeeze %dma_start3A_119 : memref<1x8x128xf32, #tpu.memory_space<vmem>> -> memref<8x128xf32, #tpu.memory_space<vmem>>
      %dma_start3A_121 = tpu.memref_slice %arg2[%add3A_115, %multiple_of3A_113] : memref<128x100000xf32, #tpu.memory_space<hbm>> -> memref<8x128xf32, #tpu.memory_space<hbm>>
      %dma_start3A_122 = arith.constant 0 : i32
      %dma_start3A_123 = arith.constant 0 : i32
      %dma_start3A_124 = tpu.memref_slice %arg6[%dma_start3A_116, %dma_start3A_122, %dma_start3A_123] : memref<16x8x128xf32, #tpu.memory_space<vmem>> -> memref<1x8x128xf32, #tpu.memory_space<vmem>>
      %dma_start3A_125 = tpu.memref_squeeze %dma_start3A_124 : memref<1x8x128xf32, #tpu.memory_space<vmem>> -> memref<8x128xf32, #tpu.memory_space<vmem>>
      %dma_start3A_126 = tpu.memref_slice %arg2[%add3A_115, %multiple_of3A_113] : memref<128x100000xf32, #tpu.memory_space<hbm>> -> memref<8x128xf32, #tpu.memory_space<hbm>>
      tpu.enqueue_dma source(%dma_start3A_126 : memref<8x128xf32, #tpu.memory_space<hbm>>) target(%dma_start3A_125 : memref<8x128xf32, #tpu.memory_space<vmem>>) target_semaphore(%arg8 : memref<!tpu.dma_semaphore, #tpu.memory_space<semaphore_mem>>)
      %slice3A_127 = vector.extract_strided_slice %get3A_5 {offsets = [7], sizes = [1], strides = [1]} : vector<16xi32> to vector<1xi32>
      %squeeze3A_128 = vector.extract %slice3A_127[0] : i32 from vector<1xi32>
      %and3A_129 = arith.constant -128 : i32
      %and3A_130 = arith.andi %squeeze3A_128, %and3A_129 : i32
      %multiple_of3A_131 = tpu.assume_multiple %and3A_130, 128 : i32
      %add3A_132 = arith.constant 0 : i32
      %add3A_133 = arith.addi %mul3A_4, %add3A_132 : i32
      %dma_start3A_134 = arith.constant 7 : i32
      %dma_start3A_135 = arith.constant 0 : i32
      %dma_start3A_136 = arith.constant 0 : i32
      %dma_start3A_137 = tpu.memref_slice %arg6[%dma_start3A_134, %dma_start3A_135, %dma_start3A_136] : memref<16x8x128xf32, #tpu.memory_space<vmem>> -> memref<1x8x128xf32, #tpu.memory_space<vmem>>
      %dma_start3A_138 = tpu.memref_squeeze %dma_start3A_137 : memref<1x8x128xf32, #tpu.memory_space<vmem>> -> memref<8x128xf32, #tpu.memory_space<vmem>>
      %dma_start3A_139 = tpu.memref_slice %arg2[%add3A_133, %multiple_of3A_131] : memref<128x100000xf32, #tpu.memory_space<hbm>> -> memref<8x128xf32, #tpu.memory_space<hbm>>
      %dma_start3A_140 = arith.constant 0 : i32
      %dma_start3A_141 = arith.constant 0 : i32
      %dma_start3A_142 = tpu.memref_slice %arg6[%dma_start3A_134, %dma_start3A_140, %dma_start3A_141] : memref<16x8x128xf32, #tpu.memory_space<vmem>> -> memref<1x8x128xf32, #tpu.memory_space<vmem>>
      %dma_start3A_143 = tpu.memref_squeeze %dma_start3A_142 : memref<1x8x128xf32, #tpu.memory_space<vmem>> -> memref<8x128xf32, #tpu.memory_space<vmem>>
      %dma_start3A_144 = tpu.memref_slice %arg2[%add3A_133, %multiple_of3A_131] : memref<128x100000xf32, #tpu.memory_space<hbm>> -> memref<8x128xf32, #tpu.memory_space<hbm>>
      tpu.enqueue_dma source(%dma_start3A_144 : memref<8x128xf32, #tpu.memory_space<hbm>>) target(%dma_start3A_143 : memref<8x128xf32, #tpu.memory_space<vmem>>) target_semaphore(%arg8 : memref<!tpu.dma_semaphore, #tpu.memory_space<semaphore_mem>>)
      %slice3A_145 = vector.extract_strided_slice %get3A_5 {offsets = [8], sizes = [1], strides = [1]} : vector<16xi32> to vector<1xi32>
      %squeeze3A_146 = vector.extract %slice3A_145[0] : i32 from vector<1xi32>
      %and3A_147 = arith.constant -128 : i32
      %and3A_148 = arith.andi %squeeze3A_146, %and3A_147 : i32
      %multiple_of3A_149 = tpu.assume_multiple %and3A_148, 128 : i32
      %add3A_150 = arith.constant 8 : i32
      %add3A_151 = arith.addi %mul3A_4, %add3A_150 : i32
      %dma_start3A_152 = arith.constant 8 : i32
      %dma_start3A_153 = arith.constant 0 : i32
      %dma_start3A_154 = arith.constant 0 : i32
      %dma_start3A_155 = tpu.memref_slice %arg6[%dma_start3A_152, %dma_start3A_153, %dma_start3A_154] : memref<16x8x128xf32, #tpu.memory_space<vmem>> -> memref<1x8x128xf32, #tpu.memory_space<vmem>>
      %dma_start3A_156 = tpu.memref_squeeze %dma_start3A_155 : memref<1x8x128xf32, #tpu.memory_space<vmem>> -> memref<8x128xf32, #tpu.memory_space<vmem>>
      %dma_start3A_157 = tpu.memref_slice %arg2[%add3A_151, %multiple_of3A_149] : memref<128x100000xf32, #tpu.memory_space<hbm>> -> memref<8x128xf32, #tpu.memory_space<hbm>>
      %dma_start3A_158 = arith.constant 0 : i32
      %dma_start3A_159 = arith.constant 0 : i32
      %dma_start3A_160 = tpu.memref_slice %arg6[%dma_start3A_152, %dma_start3A_158, %dma_start3A_159] : memref<16x8x128xf32, #tpu.memory_space<vmem>> -> memref<1x8x128xf32, #tpu.memory_space<vmem>>
      %dma_start3A_161 = tpu.memref_squeeze %dma_start3A_160 : memref<1x8x128xf32, #tpu.memory_space<vmem>> -> memref<8x128xf32, #tpu.memory_space<vmem>>
      %dma_start3A_162 = tpu.memref_slice %arg2[%add3A_151, %multiple_of3A_149] : memref<128x100000xf32, #tpu.memory_space<hbm>> -> memref<8x128xf32, #tpu.memory_space<hbm>>
      tpu.enqueue_dma source(%dma_start3A_162 : memref<8x128xf32, #tpu.memory_space<hbm>>) target(%dma_start3A_161 : memref<8x128xf32, #tpu.memory_space<vmem>>) target_semaphore(%arg8 : memref<!tpu.dma_semaphore, #tpu.memory_space<semaphore_mem>>)
      %slice3A_163 = vector.extract_strided_slice %get3A_5 {offsets = [9], sizes = [1], strides = [1]} : vector<16xi32> to vector<1xi32>
      %squeeze3A_164 = vector.extract %slice3A_163[0] : i32 from vector<1xi32>
      %and3A_165 = arith.constant -128 : i32
      %and3A_166 = arith.andi %squeeze3A_164, %and3A_165 : i32
      %multiple_of3A_167 = tpu.assume_multiple %and3A_166, 128 : i32
      %add3A_168 = arith.constant 8 : i32
      %add3A_169 = arith.addi %mul3A_4, %add3A_168 : i32
      %dma_start3A_170 = arith.constant 9 : i32
      %dma_start3A_171 = arith.constant 0 : i32
      %dma_start3A_172 = arith.constant 0 : i32
      %dma_start3A_173 = tpu.memref_slice %arg6[%dma_start3A_170, %dma_start3A_171, %dma_start3A_172] : memref<16x8x128xf32, #tpu.memory_space<vmem>> -> memref<1x8x128xf32, #tpu.memory_space<vmem>>
      %dma_start3A_174 = tpu.memref_squeeze %dma_start3A_173 : memref<1x8x128xf32, #tpu.memory_space<vmem>> -> memref<8x128xf32, #tpu.memory_space<vmem>>
      %dma_start3A_175 = tpu.memref_slice %arg2[%add3A_169, %multiple_of3A_167] : memref<128x100000xf32, #tpu.memory_space<hbm>> -> memref<8x128xf32, #tpu.memory_space<hbm>>
      %dma_start3A_176 = arith.constant 0 : i32
      %dma_start3A_177 = arith.constant 0 : i32
      %dma_start3A_178 = tpu.memref_slice %arg6[%dma_start3A_170, %dma_start3A_176, %dma_start3A_177] : memref<16x8x128xf32, #tpu.memory_space<vmem>> -> memref<1x8x128xf32, #tpu.memory_space<vmem>>
      %dma_start3A_179 = tpu.memref_squeeze %dma_start3A_178 : memref<1x8x128xf32, #tpu.memory_space<vmem>> -> memref<8x128xf32, #tpu.memory_space<vmem>>
      %dma_start3A_180 = tpu.memref_slice %arg2[%add3A_169, %multiple_of3A_167] : memref<128x100000xf32, #tpu.memory_space<hbm>> -> memref<8x128xf32, #tpu.memory_space<hbm>>
      tpu.enqueue_dma source(%dma_start3A_180 : memref<8x128xf32, #tpu.memory_space<hbm>>) target(%dma_start3A_179 : memref<8x128xf32, #tpu.memory_space<vmem>>) target_semaphore(%arg8 : memref<!tpu.dma_semaphore, #tpu.memory_space<semaphore_mem>>)
      %slice3A_181 = vector.extract_strided_slice %get3A_5 {offsets = [10], sizes = [1], strides = [1]} : vector<16xi32> to vector<1xi32>
      %squeeze3A_182 = vector.extract %slice3A_181[0] : i32 from vector<1xi32>
      %and3A_183 = arith.constant -128 : i32
      %and3A_184 = arith.andi %squeeze3A_182, %and3A_183 : i32
      %multiple_of3A_185 = tpu.assume_multiple %and3A_184, 128 : i32
      %add3A_186 = arith.constant 8 : i32
      %add3A_187 = arith.addi %mul3A_4, %add3A_186 : i32
      %dma_start3A_188 = arith.constant 10 : i32
      %dma_start3A_189 = arith.constant 0 : i32
      %dma_start3A_190 = arith.constant 0 : i32
      %dma_start3A_191 = tpu.memref_slice %arg6[%dma_start3A_188, %dma_start3A_189, %dma_start3A_190] : memref<16x8x128xf32, #tpu.memory_space<vmem>> -> memref<1x8x128xf32, #tpu.memory_space<vmem>>
      %dma_start3A_192 = tpu.memref_squeeze %dma_start3A_191 : memref<1x8x128xf32, #tpu.memory_space<vmem>> -> memref<8x128xf32, #tpu.memory_space<vmem>>
      %dma_start3A_193 = tpu.memref_slice %arg2[%add3A_187, %multiple_of3A_185] : memref<128x100000xf32, #tpu.memory_space<hbm>> -> memref<8x128xf32, #tpu.memory_space<hbm>>
      %dma_start3A_194 = arith.constant 0 : i32
      %dma_start3A_195 = arith.constant 0 : i32
      %dma_start3A_196 = tpu.memref_slice %arg6[%dma_start3A_188, %dma_start3A_194, %dma_start3A_195] : memref<16x8x128xf32, #tpu.memory_space<vmem>> -> memref<1x8x128xf32, #tpu.memory_space<vmem>>
      %dma_start3A_197 = tpu.memref_squeeze %dma_start3A_196 : memref<1x8x128xf32, #tpu.memory_space<vmem>> -> memref<8x128xf32, #tpu.memory_space<vmem>>
      %dma_start3A_198 = tpu.memref_slice %arg2[%add3A_187, %multiple_of3A_185] : memref<128x100000xf32, #tpu.memory_space<hbm>> -> memref<8x128xf32, #tpu.memory_space<hbm>>
      tpu.enqueue_dma source(%dma_start3A_198 : memref<8x128xf32, #tpu.memory_space<hbm>>) target(%dma_start3A_197 : memref<8x128xf32, #tpu.memory_space<vmem>>) target_semaphore(%arg8 : memref<!tpu.dma_semaphore, #tpu.memory_space<semaphore_mem>>)
      %slice3A_199 = vector.extract_strided_slice %get3A_5 {offsets = [11], sizes = [1], strides = [1]} : vector<16xi32> to vector<1xi32>
      %squeeze3A_200 = vector.extract %slice3A_199[0] : i32 from vector<1xi32>
      %and3A_201 = arith.constant -128 : i32
      %and3A_202 = arith.andi %squeeze3A_200, %and3A_201 : i32
      %multiple_of3A_203 = tpu.assume_multiple %and3A_202, 128 : i32
      %add3A_204 = arith.constant 8 : i32
      %add3A_205 = arith.addi %mul3A_4, %add3A_204 : i32
      %dma_start3A_206 = arith.constant 11 : i32
      %dma_start3A_207 = arith.constant 0 : i32
      %dma_start3A_208 = arith.constant 0 : i32
      %dma_start3A_209 = tpu.memref_slice %arg6[%dma_start3A_206, %dma_start3A_207, %dma_start3A_208] : memref<16x8x128xf32, #tpu.memory_space<vmem>> -> memref<1x8x128xf32, #tpu.memory_space<vmem>>
      %dma_start3A_210 = tpu.memref_squeeze %dma_start3A_209 : memref<1x8x128xf32, #tpu.memory_space<vmem>> -> memref<8x128xf32, #tpu.memory_space<vmem>>
      %dma_start3A_211 = tpu.memref_slice %arg2[%add3A_205, %multiple_of3A_203] : memref<128x100000xf32, #tpu.memory_space<hbm>> -> memref<8x128xf32, #tpu.memory_space<hbm>>
      %dma_start3A_212 = arith.constant 0 : i32
      %dma_start3A_213 = arith.constant 0 : i32
      %dma_start3A_214 = tpu.memref_slice %arg6[%dma_start3A_206, %dma_start3A_212, %dma_start3A_213] : memref<16x8x128xf32, #tpu.memory_space<vmem>> -> memref<1x8x128xf32, #tpu.memory_space<vmem>>
      %dma_start3A_215 = tpu.memref_squeeze %dma_start3A_214 : memref<1x8x128xf32, #tpu.memory_space<vmem>> -> memref<8x128xf32, #tpu.memory_space<vmem>>
      %dma_start3A_216 = tpu.memref_slice %arg2[%add3A_205, %multiple_of3A_203] : memref<128x100000xf32, #tpu.memory_space<hbm>> -> memref<8x128xf32, #tpu.memory_space<hbm>>
      tpu.enqueue_dma source(%dma_start3A_216 : memref<8x128xf32, #tpu.memory_space<hbm>>) target(%dma_start3A_215 : memref<8x128xf32, #tpu.memory_space<vmem>>) target_semaphore(%arg8 : memref<!tpu.dma_semaphore, #tpu.memory_space<semaphore_mem>>)
      %slice3A_217 = vector.extract_strided_slice %get3A_5 {offsets = [12], sizes = [1], strides = [1]} : vector<16xi32> to vector<1xi32>
      %squeeze3A_218 = vector.extract %slice3A_217[0] : i32 from vector<1xi32>
      %and3A_219 = arith.constant -128 : i32
      %and3A_220 = arith.andi %squeeze3A_218, %and3A_219 : i32
      %multiple_of3A_221 = tpu.assume_multiple %and3A_220, 128 : i32
      %add3A_222 = arith.constant 8 : i32
      %add3A_223 = arith.addi %mul3A_4, %add3A_222 : i32
      %dma_start3A_224 = arith.constant 12 : i32
      %dma_start3A_225 = arith.constant 0 : i32
      %dma_start3A_226 = arith.constant 0 : i32
      %dma_start3A_227 = tpu.memref_slice %arg6[%dma_start3A_224, %dma_start3A_225, %dma_start3A_226] : memref<16x8x128xf32, #tpu.memory_space<vmem>> -> memref<1x8x128xf32, #tpu.memory_space<vmem>>
      %dma_start3A_228 = tpu.memref_squeeze %dma_start3A_227 : memref<1x8x128xf32, #tpu.memory_space<vmem>> -> memref<8x128xf32, #tpu.memory_space<vmem>>
      %dma_start3A_229 = tpu.memref_slice %arg2[%add3A_223, %multiple_of3A_221] : memref<128x100000xf32, #tpu.memory_space<hbm>> -> memref<8x128xf32, #tpu.memory_space<hbm>>
      %dma_start3A_230 = arith.constant 0 : i32
      %dma_start3A_231 = arith.constant 0 : i32
      %dma_start3A_232 = tpu.memref_slice %arg6[%dma_start3A_224, %dma_start3A_230, %dma_start3A_231] : memref<16x8x128xf32, #tpu.memory_space<vmem>> -> memref<1x8x128xf32, #tpu.memory_space<vmem>>
      %dma_start3A_233 = tpu.memref_squeeze %dma_start3A_232 : memref<1x8x128xf32, #tpu.memory_space<vmem>> -> memref<8x128xf32, #tpu.memory_space<vmem>>
      %dma_start3A_234 = tpu.memref_slice %arg2[%add3A_223, %multiple_of3A_221] : memref<128x100000xf32, #tpu.memory_space<hbm>> -> memref<8x128xf32, #tpu.memory_space<hbm>>
      tpu.enqueue_dma source(%dma_start3A_234 : memref<8x128xf32, #tpu.memory_space<hbm>>) target(%dma_start3A_233 : memref<8x128xf32, #tpu.memory_space<vmem>>) target_semaphore(%arg8 : memref<!tpu.dma_semaphore, #tpu.memory_space<semaphore_mem>>)
      %slice3A_235 = vector.extract_strided_slice %get3A_5 {offsets = [13], sizes = [1], strides = [1]} : vector<16xi32> to vector<1xi32>
      %squeeze3A_236 = vector.extract %slice3A_235[0] : i32 from vector<1xi32>
      %and3A_237 = arith.constant -128 : i32
      %and3A_238 = arith.andi %squeeze3A_236, %and3A_237 : i32
      %multiple_of3A_239 = tpu.assume_multiple %and3A_238, 128 : i32
      %add3A_240 = arith.constant 8 : i32
      %add3A_241 = arith.addi %mul3A_4, %add3A_240 : i32
      %dma_start3A_242 = arith.constant 13 : i32
      %dma_start3A_243 = arith.constant 0 : i32
      %dma_start3A_244 = arith.constant 0 : i32
      %dma_start3A_245 = tpu.memref_slice %arg6[%dma_start3A_242, %dma_start3A_243, %dma_start3A_244] : memref<16x8x128xf32, #tpu.memory_space<vmem>> -> memref<1x8x128xf32, #tpu.memory_space<vmem>>
      %dma_start3A_246 = tpu.memref_squeeze %dma_start3A_245 : memref<1x8x128xf32, #tpu.memory_space<vmem>> -> memref<8x128xf32, #tpu.memory_space<vmem>>
      %dma_start3A_247 = tpu.memref_slice %arg2[%add3A_241, %multiple_of3A_239] : memref<128x100000xf32, #tpu.memory_space<hbm>> -> memref<8x128xf32, #tpu.memory_space<hbm>>
      %dma_start3A_248 = arith.constant 0 : i32
      %dma_start3A_249 = arith.constant 0 : i32
      %dma_start3A_250 = tpu.memref_slice %arg6[%dma_start3A_242, %dma_start3A_248, %dma_start3A_249] : memref<16x8x128xf32, #tpu.memory_space<vmem>> -> memref<1x8x128xf32, #tpu.memory_space<vmem>>
      %dma_start3A_251 = tpu.memref_squeeze %dma_start3A_250 : memref<1x8x128xf32, #tpu.memory_space<vmem>> -> memref<8x128xf32, #tpu.memory_space<vmem>>
      %dma_start3A_252 = tpu.memref_slice %arg2[%add3A_241, %multiple_of3A_239] : memref<128x100000xf32, #tpu.memory_space<hbm>> -> memref<8x128xf32, #tpu.memory_space<hbm>>
      tpu.enqueue_dma source(%dma_start3A_252 : memref<8x128xf32, #tpu.memory_space<hbm>>) target(%dma_start3A_251 : memref<8x128xf32, #tpu.memory_space<vmem>>) target_semaphore(%arg8 : memref<!tpu.dma_semaphore, #tpu.memory_space<semaphore_mem>>)
      %slice3A_253 = vector.extract_strided_slice %get3A_5 {offsets = [14], sizes = [1], strides = [1]} : vector<16xi32> to vector<1xi32>
      %squeeze3A_254 = vector.extract %slice3A_253[0] : i32 from vector<1xi32>
      %and3A_255 = arith.constant -128 : i32
      %and3A_256 = arith.andi %squeeze3A_254, %and3A_255 : i32
      %multiple_of3A_257 = tpu.assume_multiple %and3A_256, 128 : i32
      %add3A_258 = arith.constant 8 : i32
      %add3A_259 = arith.addi %mul3A_4, %add3A_258 : i32
      %dma_start3A_260 = arith.constant 14 : i32
      %dma_start3A_261 = arith.constant 0 : i32
      %dma_start3A_262 = arith.constant 0 : i32
      %dma_start3A_263 = tpu.memref_slice %arg6[%dma_start3A_260, %dma_start3A_261, %dma_start3A_262] : memref<16x8x128xf32, #tpu.memory_space<vmem>> -> memref<1x8x128xf32, #tpu.memory_space<vmem>>
      %dma_start3A_264 = tpu.memref_squeeze %dma_start3A_263 : memref<1x8x128xf32, #tpu.memory_space<vmem>> -> memref<8x128xf32, #tpu.memory_space<vmem>>
      %dma_start3A_265 = tpu.memref_slice %arg2[%add3A_259, %multiple_of3A_257] : memref<128x100000xf32, #tpu.memory_space<hbm>> -> memref<8x128xf32, #tpu.memory_space<hbm>>
      %dma_start3A_266 = arith.constant 0 : i32
      %dma_start3A_267 = arith.constant 0 : i32
      %dma_start3A_268 = tpu.memref_slice %arg6[%dma_start3A_260, %dma_start3A_266, %dma_start3A_267] : memref<16x8x128xf32, #tpu.memory_space<vmem>> -> memref<1x8x128xf32, #tpu.memory_space<vmem>>
      %dma_start3A_269 = tpu.memref_squeeze %dma_start3A_268 : memref<1x8x128xf32, #tpu.memory_space<vmem>> -> memref<8x128xf32, #tpu.memory_space<vmem>>
      %dma_start3A_270 = tpu.memref_slice %arg2[%add3A_259, %multiple_of3A_257] : memref<128x100000xf32, #tpu.memory_space<hbm>> -> memref<8x128xf32, #tpu.memory_space<hbm>>
      tpu.enqueue_dma source(%dma_start3A_270 : memref<8x128xf32, #tpu.memory_space<hbm>>) target(%dma_start3A_269 : memref<8x128xf32, #tpu.memory_space<vmem>>) target_semaphore(%arg8 : memref<!tpu.dma_semaphore, #tpu.memory_space<semaphore_mem>>)
      %slice3A_271 = vector.extract_strided_slice %get3A_5 {offsets = [15], sizes = [1], strides = [1]} : vector<16xi32> to vector<1xi32>
      %squeeze3A_272 = vector.extract %slice3A_271[0] : i32 from vector<1xi32>
      %and3A_273 = arith.constant -128 : i32
      %and3A_274 = arith.andi %squeeze3A_272, %and3A_273 : i32
      %multiple_of3A_275 = tpu.assume_multiple %and3A_274, 128 : i32
      %add3A_276 = arith.constant 8 : i32
      %add3A_277 = arith.addi %mul3A_4, %add3A_276 : i32
      %dma_start3A_278 = arith.constant 15 : i32
      %dma_start3A_279 = arith.constant 0 : i32
      %dma_start3A_280 = arith.constant 0 : i32
      %dma_start3A_281 = tpu.memref_slice %arg6[%dma_start3A_278, %dma_start3A_279, %dma_start3A_280] : memref<16x8x128xf32, #tpu.memory_space<vmem>> -> memref<1x8x128xf32, #tpu.memory_space<vmem>>
      %dma_start3A_282 = tpu.memref_squeeze %dma_start3A_281 : memref<1x8x128xf32, #tpu.memory_space<vmem>> -> memref<8x128xf32, #tpu.memory_space<vmem>>
      %dma_start3A_283 = tpu.memref_slice %arg2[%add3A_277, %multiple_of3A_275] : memref<128x100000xf32, #tpu.memory_space<hbm>> -> memref<8x128xf32, #tpu.memory_space<hbm>>
      %dma_start3A_284 = arith.constant 0 : i32
      %dma_start3A_285 = arith.constant 0 : i32
      %dma_start3A_286 = tpu.memref_slice %arg6[%dma_start3A_278, %dma_start3A_284, %dma_start3A_285] : memref<16x8x128xf32, #tpu.memory_space<vmem>> -> memref<1x8x128xf32, #tpu.memory_space<vmem>>
      %dma_start3A_287 = tpu.memref_squeeze %dma_start3A_286 : memref<1x8x128xf32, #tpu.memory_space<vmem>> -> memref<8x128xf32, #tpu.memory_space<vmem>>
      %dma_start3A_288 = tpu.memref_slice %arg2[%add3A_277, %multiple_of3A_275] : memref<128x100000xf32, #tpu.memory_space<hbm>> -> memref<8x128xf32, #tpu.memory_space<hbm>>
      tpu.enqueue_dma source(%dma_start3A_288 : memref<8x128xf32, #tpu.memory_space<hbm>>) target(%dma_start3A_287 : memref<8x128xf32, #tpu.memory_space<vmem>>) target_semaphore(%arg8 : memref<!tpu.dma_semaphore, #tpu.memory_space<semaphore_mem>>)
      %dma_wait3A = arith.constant 0 : i32
      %dma_wait3A_289 = arith.constant 0 : i32
      %dma_wait3A_290 = arith.constant 0 : i32
      %dma_wait3A_291 = tpu.memref_slice %arg6[%dma_wait3A, %dma_wait3A_289, %dma_wait3A_290] : memref<16x8x128xf32, #tpu.memory_space<vmem>> -> memref<1x8x128xf32, #tpu.memory_space<vmem>>
      %dma_wait3A_292 = tpu.memref_squeeze %dma_wait3A_291 : memref<1x8x128xf32, #tpu.memory_space<vmem>> -> memref<8x128xf32, #tpu.memory_space<vmem>>
      %dma_wait3A_293 = tpu.memref_slice %arg2[%add3A_8, %multiple_of3A] : memref<128x100000xf32, #tpu.memory_space<hbm>> -> memref<8x128xf32, #tpu.memory_space<hbm>>
      %dma_wait3A_294 = arith.constant 0 : i32
      %dma_wait3A_295 = arith.constant 0 : i32
      %dma_wait3A_296 = tpu.memref_slice %arg6[%dma_wait3A, %dma_wait3A_294, %dma_wait3A_295] : memref<16x8x128xf32, #tpu.memory_space<vmem>> -> memref<1x8x128xf32, #tpu.memory_space<vmem>>
      %dma_wait3A_297 = tpu.memref_squeeze %dma_wait3A_296 : memref<1x8x128xf32, #tpu.memory_space<vmem>> -> memref<8x128xf32, #tpu.memory_space<vmem>>
      %dma_wait3A_298 = tpu.memref_slice %arg2[%add3A_8, %multiple_of3A] : memref<128x100000xf32, #tpu.memory_space<hbm>> -> memref<8x128xf32, #tpu.memory_space<hbm>>
      tpu.wait_dma2 semaphore(%arg8 : memref<!tpu.dma_semaphore, #tpu.memory_space<semaphore_mem>>) src(%dma_wait3A_298 : memref<8x128xf32, #tpu.memory_space<hbm>>) dst(%dma_wait3A_297 : memref<8x128xf32, #tpu.memory_space<vmem>>)
      %dma_wait3A_299 = arith.constant 1 : i32
      %dma_wait3A_300 = arith.constant 0 : i32
      %dma_wait3A_301 = arith.constant 0 : i32
      %dma_wait3A_302 = tpu.memref_slice %arg6[%dma_wait3A_299, %dma_wait3A_300, %dma_wait3A_301] : memref<16x8x128xf32, #tpu.memory_space<vmem>> -> memref<1x8x128xf32, #tpu.memory_space<vmem>>
      %dma_wait3A_303 = tpu.memref_squeeze %dma_wait3A_302 : memref<1x8x128xf32, #tpu.memory_space<vmem>> -> memref<8x128xf32, #tpu.memory_space<vmem>>
      %dma_wait3A_304 = tpu.memref_slice %arg2[%add3A_25, %multiple_of3A_23] : memref<128x100000xf32, #tpu.memory_space<hbm>> -> memref<8x128xf32, #tpu.memory_space<hbm>>
      %dma_wait3A_305 = arith.constant 0 : i32
      %dma_wait3A_306 = arith.constant 0 : i32
      %dma_wait3A_307 = tpu.memref_slice %arg6[%dma_wait3A_299, %dma_wait3A_305, %dma_wait3A_306] : memref<16x8x128xf32, #tpu.memory_space<vmem>> -> memref<1x8x128xf32, #tpu.memory_space<vmem>>
      %dma_wait3A_308 = tpu.memref_squeeze %dma_wait3A_307 : memref<1x8x128xf32, #tpu.memory_space<vmem>> -> memref<8x128xf32, #tpu.memory_space<vmem>>
      %dma_wait3A_309 = tpu.memref_slice %arg2[%add3A_25, %multiple_of3A_23] : memref<128x100000xf32, #tpu.memory_space<hbm>> -> memref<8x128xf32, #tpu.memory_space<hbm>>
      tpu.wait_dma2 semaphore(%arg8 : memref<!tpu.dma_semaphore, #tpu.memory_space<semaphore_mem>>) src(%dma_wait3A_309 : memref<8x128xf32, #tpu.memory_space<hbm>>) dst(%dma_wait3A_308 : memref<8x128xf32, #tpu.memory_space<vmem>>)
      %dma_wait3A_310 = arith.constant 2 : i32
      %dma_wait3A_311 = arith.constant 0 : i32
      %dma_wait3A_312 = arith.constant 0 : i32
      %dma_wait3A_313 = tpu.memref_slice %arg6[%dma_wait3A_310, %dma_wait3A_311, %dma_wait3A_312] : memref<16x8x128xf32, #tpu.memory_space<vmem>> -> memref<1x8x128xf32, #tpu.memory_space<vmem>>
      %dma_wait3A_314 = tpu.memref_squeeze %dma_wait3A_313 : memref<1x8x128xf32, #tpu.memory_space<vmem>> -> memref<8x128xf32, #tpu.memory_space<vmem>>
      %dma_wait3A_315 = tpu.memref_slice %arg2[%add3A_43, %multiple_of3A_41] : memref<128x100000xf32, #tpu.memory_space<hbm>> -> memref<8x128xf32, #tpu.memory_space<hbm>>
      %dma_wait3A_316 = arith.constant 0 : i32
      %dma_wait3A_317 = arith.constant 0 : i32
      %dma_wait3A_318 = tpu.memref_slice %arg6[%dma_wait3A_310, %dma_wait3A_316, %dma_wait3A_317] : memref<16x8x128xf32, #tpu.memory_space<vmem>> -> memref<1x8x128xf32, #tpu.memory_space<vmem>>
      %dma_wait3A_319 = tpu.memref_squeeze %dma_wait3A_318 : memref<1x8x128xf32, #tpu.memory_space<vmem>> -> memref<8x128xf32, #tpu.memory_space<vmem>>
      %dma_wait3A_320 = tpu.memref_slice %arg2[%add3A_43, %multiple_of3A_41] : memref<128x100000xf32, #tpu.memory_space<hbm>> -> memref<8x128xf32, #tpu.memory_space<hbm>>
      tpu.wait_dma2 semaphore(%arg8 : memref<!tpu.dma_semaphore, #tpu.memory_space<semaphore_mem>>) src(%dma_wait3A_320 : memref<8x128xf32, #tpu.memory_space<hbm>>) dst(%dma_wait3A_319 : memref<8x128xf32, #tpu.memory_space<vmem>>)
      %dma_wait3A_321 = arith.constant 3 : i32
      %dma_wait3A_322 = arith.constant 0 : i32
      %dma_wait3A_323 = arith.constant 0 : i32
      %dma_wait3A_324 = tpu.memref_slice %arg6[%dma_wait3A_321, %dma_wait3A_322, %dma_wait3A_323] : memref<16x8x128xf32, #tpu.memory_space<vmem>> -> memref<1x8x128xf32, #tpu.memory_space<vmem>>
      %dma_wait3A_325 = tpu.memref_squeeze %dma_wait3A_324 : memref<1x8x128xf32, #tpu.memory_space<vmem>> -> memref<8x128xf32, #tpu.memory_space<vmem>>
      %dma_wait3A_326 = tpu.memref_slice %arg2[%add3A_61, %multiple_of3A_59] : memref<128x100000xf32, #tpu.memory_space<hbm>> -> memref<8x128xf32, #tpu.memory_space<hbm>>
      %dma_wait3A_327 = arith.constant 0 : i32
      %dma_wait3A_328 = arith.constant 0 : i32
      %dma_wait3A_329 = tpu.memref_slice %arg6[%dma_wait3A_321, %dma_wait3A_327, %dma_wait3A_328] : memref<16x8x128xf32, #tpu.memory_space<vmem>> -> memref<1x8x128xf32, #tpu.memory_space<vmem>>
      %dma_wait3A_330 = tpu.memref_squeeze %dma_wait3A_329 : memref<1x8x128xf32, #tpu.memory_space<vmem>> -> memref<8x128xf32, #tpu.memory_space<vmem>>
      %dma_wait3A_331 = tpu.memref_slice %arg2[%add3A_61, %multiple_of3A_59] : memref<128x100000xf32, #tpu.memory_space<hbm>> -> memref<8x128xf32, #tpu.memory_space<hbm>>
      tpu.wait_dma2 semaphore(%arg8 : memref<!tpu.dma_semaphore, #tpu.memory_space<semaphore_mem>>) src(%dma_wait3A_331 : memref<8x128xf32, #tpu.memory_space<hbm>>) dst(%dma_wait3A_330 : memref<8x128xf32, #tpu.memory_space<vmem>>)
      %dma_wait3A_332 = arith.constant 4 : i32
      %dma_wait3A_333 = arith.constant 0 : i32
      %dma_wait3A_334 = arith.constant 0 : i32
      %dma_wait3A_335 = tpu.memref_slice %arg6[%dma_wait3A_332, %dma_wait3A_333, %dma_wait3A_334] : memref<16x8x128xf32, #tpu.memory_space<vmem>> -> memref<1x8x128xf32, #tpu.memory_space<vmem>>
      %dma_wait3A_336 = tpu.memref_squeeze %dma_wait3A_335 : memref<1x8x128xf32, #tpu.memory_space<vmem>> -> memref<8x128xf32, #tpu.memory_space<vmem>>
      %dma_wait3A_337 = tpu.memref_slice %arg2[%add3A_79, %multiple_of3A_77] : memref<128x100000xf32, #tpu.memory_space<hbm>> -> memref<8x128xf32, #tpu.memory_space<hbm>>
      %dma_wait3A_338 = arith.constant 0 : i32
      %dma_wait3A_339 = arith.constant 0 : i32
      %dma_wait3A_340 = tpu.memref_slice %arg6[%dma_wait3A_332, %dma_wait3A_338, %dma_wait3A_339] : memref<16x8x128xf32, #tpu.memory_space<vmem>> -> memref<1x8x128xf32, #tpu.memory_space<vmem>>
      %dma_wait3A_341 = tpu.memref_squeeze %dma_wait3A_340 : memref<1x8x128xf32, #tpu.memory_space<vmem>> -> memref<8x128xf32, #tpu.memory_space<vmem>>
      %dma_wait3A_342 = tpu.memref_slice %arg2[%add3A_79, %multiple_of3A_77] : memref<128x100000xf32, #tpu.memory_space<hbm>> -> memref<8x128xf32, #tpu.memory_space<hbm>>
      tpu.wait_dma2 semaphore(%arg8 : memref<!tpu.dma_semaphore, #tpu.memory_space<semaphore_mem>>) src(%dma_wait3A_342 : memref<8x128xf32, #tpu.memory_space<hbm>>) dst(%dma_wait3A_341 : memref<8x128xf32, #tpu.memory_space<vmem>>)
      %dma_wait3A_343 = arith.constant 5 : i32
      %dma_wait3A_344 = arith.constant 0 : i32
      %dma_wait3A_345 = arith.constant 0 : i32
      %dma_wait3A_346 = tpu.memref_slice %arg6[%dma_wait3A_343, %dma_wait3A_344, %dma_wait3A_345] : memref<16x8x128xf32, #tpu.memory_space<vmem>> -> memref<1x8x128xf32, #tpu.memory_space<vmem>>
      %dma_wait3A_347 = tpu.memref_squeeze %dma_wait3A_346 : memref<1x8x128xf32, #tpu.memory_space<vmem>> -> memref<8x128xf32, #tpu.memory_space<vmem>>
      %dma_wait3A_348 = tpu.memref_slice %arg2[%add3A_97, %multiple_of3A_95] : memref<128x100000xf32, #tpu.memory_space<hbm>> -> memref<8x128xf32, #tpu.memory_space<hbm>>
      %dma_wait3A_349 = arith.constant 0 : i32
      %dma_wait3A_350 = arith.constant 0 : i32
      %dma_wait3A_351 = tpu.memref_slice %arg6[%dma_wait3A_343, %dma_wait3A_349, %dma_wait3A_350] : memref<16x8x128xf32, #tpu.memory_space<vmem>> -> memref<1x8x128xf32, #tpu.memory_space<vmem>>
      %dma_wait3A_352 = tpu.memref_squeeze %dma_wait3A_351 : memref<1x8x128xf32, #tpu.memory_space<vmem>> -> memref<8x128xf32, #tpu.memory_space<vmem>>
      %dma_wait3A_353 = tpu.memref_slice %arg2[%add3A_97, %multiple_of3A_95] : memref<128x100000xf32, #tpu.memory_space<hbm>> -> memref<8x128xf32, #tpu.memory_space<hbm>>
      tpu.wait_dma2 semaphore(%arg8 : memref<!tpu.dma_semaphore, #tpu.memory_space<semaphore_mem>>) src(%dma_wait3A_353 : memref<8x128xf32, #tpu.memory_space<hbm>>) dst(%dma_wait3A_352 : memref<8x128xf32, #tpu.memory_space<vmem>>)
      %dma_wait3A_354 = arith.constant 6 : i32
      %dma_wait3A_355 = arith.constant 0 : i32
      %dma_wait3A_356 = arith.constant 0 : i32
      %dma_wait3A_357 = tpu.memref_slice %arg6[%dma_wait3A_354, %dma_wait3A_355, %dma_wait3A_356] : memref<16x8x128xf32, #tpu.memory_space<vmem>> -> memref<1x8x128xf32, #tpu.memory_space<vmem>>
      %dma_wait3A_358 = tpu.memref_squeeze %dma_wait3A_357 : memref<1x8x128xf32, #tpu.memory_space<vmem>> -> memref<8x128xf32, #tpu.memory_space<vmem>>
      %dma_wait3A_359 = tpu.memref_slice %arg2[%add3A_115, %multiple_of3A_113] : memref<128x100000xf32, #tpu.memory_space<hbm>> -> memref<8x128xf32, #tpu.memory_space<hbm>>
      %dma_wait3A_360 = arith.constant 0 : i32
      %dma_wait3A_361 = arith.constant 0 : i32
      %dma_wait3A_362 = tpu.memref_slice %arg6[%dma_wait3A_354, %dma_wait3A_360, %dma_wait3A_361] : memref<16x8x128xf32, #tpu.memory_space<vmem>> -> memref<1x8x128xf32, #tpu.memory_space<vmem>>
      %dma_wait3A_363 = tpu.memref_squeeze %dma_wait3A_362 : memref<1x8x128xf32, #tpu.memory_space<vmem>> -> memref<8x128xf32, #tpu.memory_space<vmem>>
      %dma_wait3A_364 = tpu.memref_slice %arg2[%add3A_115, %multiple_of3A_113] : memref<128x100000xf32, #tpu.memory_space<hbm>> -> memref<8x128xf32, #tpu.memory_space<hbm>>
      tpu.wait_dma2 semaphore(%arg8 : memref<!tpu.dma_semaphore, #tpu.memory_space<semaphore_mem>>) src(%dma_wait3A_364 : memref<8x128xf32, #tpu.memory_space<hbm>>) dst(%dma_wait3A_363 : memref<8x128xf32, #tpu.memory_space<vmem>>)
      %dma_wait3A_365 = arith.constant 7 : i32
      %dma_wait3A_366 = arith.constant 0 : i32
      %dma_wait3A_367 = arith.constant 0 : i32
      %dma_wait3A_368 = tpu.memref_slice %arg6[%dma_wait3A_365, %dma_wait3A_366, %dma_wait3A_367] : memref<16x8x128xf32, #tpu.memory_space<vmem>> -> memref<1x8x128xf32, #tpu.memory_space<vmem>>
      %dma_wait3A_369 = tpu.memref_squeeze %dma_wait3A_368 : memref<1x8x128xf32, #tpu.memory_space<vmem>> -> memref<8x128xf32, #tpu.memory_space<vmem>>
      %dma_wait3A_370 = tpu.memref_slice %arg2[%add3A_133, %multiple_of3A_131] : memref<128x100000xf32, #tpu.memory_space<hbm>> -> memref<8x128xf32, #tpu.memory_space<hbm>>
      %dma_wait3A_371 = arith.constant 0 : i32
      %dma_wait3A_372 = arith.constant 0 : i32
      %dma_wait3A_373 = tpu.memref_slice %arg6[%dma_wait3A_365, %dma_wait3A_371, %dma_wait3A_372] : memref<16x8x128xf32, #tpu.memory_space<vmem>> -> memref<1x8x128xf32, #tpu.memory_space<vmem>>
      %dma_wait3A_374 = tpu.memref_squeeze %dma_wait3A_373 : memref<1x8x128xf32, #tpu.memory_space<vmem>> -> memref<8x128xf32, #tpu.memory_space<vmem>>
      %dma_wait3A_375 = tpu.memref_slice %arg2[%add3A_133, %multiple_of3A_131] : memref<128x100000xf32, #tpu.memory_space<hbm>> -> memref<8x128xf32, #tpu.memory_space<hbm>>
      tpu.wait_dma2 semaphore(%arg8 : memref<!tpu.dma_semaphore, #tpu.memory_space<semaphore_mem>>) src(%dma_wait3A_375 : memref<8x128xf32, #tpu.memory_space<hbm>>) dst(%dma_wait3A_374 : memref<8x128xf32, #tpu.memory_space<vmem>>)
      %dma_wait3A_376 = arith.constant 8 : i32
      %dma_wait3A_377 = arith.constant 0 : i32
      %dma_wait3A_378 = arith.constant 0 : i32
      %dma_wait3A_379 = tpu.memref_slice %arg6[%dma_wait3A_376, %dma_wait3A_377, %dma_wait3A_378] : memref<16x8x128xf32, #tpu.memory_space<vmem>> -> memref<1x8x128xf32, #tpu.memory_space<vmem>>
      %dma_wait3A_380 = tpu.memref_squeeze %dma_wait3A_379 : memref<1x8x128xf32, #tpu.memory_space<vmem>> -> memref<8x128xf32, #tpu.memory_space<vmem>>
      %dma_wait3A_381 = tpu.memref_slice %arg2[%add3A_151, %multiple_of3A_149] : memref<128x100000xf32, #tpu.memory_space<hbm>> -> memref<8x128xf32, #tpu.memory_space<hbm>>
      %dma_wait3A_382 = arith.constant 0 : i32
      %dma_wait3A_383 = arith.constant 0 : i32
      %dma_wait3A_384 = tpu.memref_slice %arg6[%dma_wait3A_376, %dma_wait3A_382, %dma_wait3A_383] : memref<16x8x128xf32, #tpu.memory_space<vmem>> -> memref<1x8x128xf32, #tpu.memory_space<vmem>>
      %dma_wait3A_385 = tpu.memref_squeeze %dma_wait3A_384 : memref<1x8x128xf32, #tpu.memory_space<vmem>> -> memref<8x128xf32, #tpu.memory_space<vmem>>
      %dma_wait3A_386 = tpu.memref_slice %arg2[%add3A_151, %multiple_of3A_149] : memref<128x100000xf32, #tpu.memory_space<hbm>> -> memref<8x128xf32, #tpu.memory_space<hbm>>
      tpu.wait_dma2 semaphore(%arg8 : memref<!tpu.dma_semaphore, #tpu.memory_space<semaphore_mem>>) src(%dma_wait3A_386 : memref<8x128xf32, #tpu.memory_space<hbm>>) dst(%dma_wait3A_385 : memref<8x128xf32, #tpu.memory_space<vmem>>)
      %dma_wait3A_387 = arith.constant 9 : i32
      %dma_wait3A_388 = arith.constant 0 : i32
      %dma_wait3A_389 = arith.constant 0 : i32
      %dma_wait3A_390 = tpu.memref_slice %arg6[%dma_wait3A_387, %dma_wait3A_388, %dma_wait3A_389] : memref<16x8x128xf32, #tpu.memory_space<vmem>> -> memref<1x8x128xf32, #tpu.memory_space<vmem>>
      %dma_wait3A_391 = tpu.memref_squeeze %dma_wait3A_390 : memref<1x8x128xf32, #tpu.memory_space<vmem>> -> memref<8x128xf32, #tpu.memory_space<vmem>>
      %dma_wait3A_392 = tpu.memref_slice %arg2[%add3A_169, %multiple_of3A_167] : memref<128x100000xf32, #tpu.memory_space<hbm>> -> memref<8x128xf32, #tpu.memory_space<hbm>>
      %dma_wait3A_393 = arith.constant 0 : i32
      %dma_wait3A_394 = arith.constant 0 : i32
      %dma_wait3A_395 = tpu.memref_slice %arg6[%dma_wait3A_387, %dma_wait3A_393, %dma_wait3A_394] : memref<16x8x128xf32, #tpu.memory_space<vmem>> -> memref<1x8x128xf32, #tpu.memory_space<vmem>>
      %dma_wait3A_396 = tpu.memref_squeeze %dma_wait3A_395 : memref<1x8x128xf32, #tpu.memory_space<vmem>> -> memref<8x128xf32, #tpu.memory_space<vmem>>
      %dma_wait3A_397 = tpu.memref_slice %arg2[%add3A_169, %multiple_of3A_167] : memref<128x100000xf32, #tpu.memory_space<hbm>> -> memref<8x128xf32, #tpu.memory_space<hbm>>
      tpu.wait_dma2 semaphore(%arg8 : memref<!tpu.dma_semaphore, #tpu.memory_space<semaphore_mem>>) src(%dma_wait3A_397 : memref<8x128xf32, #tpu.memory_space<hbm>>) dst(%dma_wait3A_396 : memref<8x128xf32, #tpu.memory_space<vmem>>)
      %dma_wait3A_398 = arith.constant 10 : i32
      %dma_wait3A_399 = arith.constant 0 : i32
      %dma_wait3A_400 = arith.constant 0 : i32
      %dma_wait3A_401 = tpu.memref_slice %arg6[%dma_wait3A_398, %dma_wait3A_399, %dma_wait3A_400] : memref<16x8x128xf32, #tpu.memory_space<vmem>> -> memref<1x8x128xf32, #tpu.memory_space<vmem>>
      %dma_wait3A_402 = tpu.memref_squeeze %dma_wait3A_401 : memref<1x8x128xf32, #tpu.memory_space<vmem>> -> memref<8x128xf32, #tpu.memory_space<vmem>>
      %dma_wait3A_403 = tpu.memref_slice %arg2[%add3A_187, %multiple_of3A_185] : memref<128x100000xf32, #tpu.memory_space<hbm>> -> memref<8x128xf32, #tpu.memory_space<hbm>>
      %dma_wait3A_404 = arith.constant 0 : i32
      %dma_wait3A_405 = arith.constant 0 : i32
      %dma_wait3A_406 = tpu.memref_slice %arg6[%dma_wait3A_398, %dma_wait3A_404, %dma_wait3A_405] : memref<16x8x128xf32, #tpu.memory_space<vmem>> -> memref<1x8x128xf32, #tpu.memory_space<vmem>>
      %dma_wait3A_407 = tpu.memref_squeeze %dma_wait3A_406 : memref<1x8x128xf32, #tpu.memory_space<vmem>> -> memref<8x128xf32, #tpu.memory_space<vmem>>
      %dma_wait3A_408 = tpu.memref_slice %arg2[%add3A_187, %multiple_of3A_185] : memref<128x100000xf32, #tpu.memory_space<hbm>> -> memref<8x128xf32, #tpu.memory_space<hbm>>
      tpu.wait_dma2 semaphore(%arg8 : memref<!tpu.dma_semaphore, #tpu.memory_space<semaphore_mem>>) src(%dma_wait3A_408 : memref<8x128xf32, #tpu.memory_space<hbm>>) dst(%dma_wait3A_407 : memref<8x128xf32, #tpu.memory_space<vmem>>)
      %dma_wait3A_409 = arith.constant 11 : i32
      %dma_wait3A_410 = arith.constant 0 : i32
      %dma_wait3A_411 = arith.constant 0 : i32
      %dma_wait3A_412 = tpu.memref_slice %arg6[%dma_wait3A_409, %dma_wait3A_410, %dma_wait3A_411] : memref<16x8x128xf32, #tpu.memory_space<vmem>> -> memref<1x8x128xf32, #tpu.memory_space<vmem>>
      %dma_wait3A_413 = tpu.memref_squeeze %dma_wait3A_412 : memref<1x8x128xf32, #tpu.memory_space<vmem>> -> memref<8x128xf32, #tpu.memory_space<vmem>>
      %dma_wait3A_414 = tpu.memref_slice %arg2[%add3A_205, %multiple_of3A_203] : memref<128x100000xf32, #tpu.memory_space<hbm>> -> memref<8x128xf32, #tpu.memory_space<hbm>>
      %dma_wait3A_415 = arith.constant 0 : i32
      %dma_wait3A_416 = arith.constant 0 : i32
      %dma_wait3A_417 = tpu.memref_slice %arg6[%dma_wait3A_409, %dma_wait3A_415, %dma_wait3A_416] : memref<16x8x128xf32, #tpu.memory_space<vmem>> -> memref<1x8x128xf32, #tpu.memory_space<vmem>>
      %dma_wait3A_418 = tpu.memref_squeeze %dma_wait3A_417 : memref<1x8x128xf32, #tpu.memory_space<vmem>> -> memref<8x128xf32, #tpu.memory_space<vmem>>
      %dma_wait3A_419 = tpu.memref_slice %arg2[%add3A_205, %multiple_of3A_203] : memref<128x100000xf32, #tpu.memory_space<hbm>> -> memref<8x128xf32, #tpu.memory_space<hbm>>
      tpu.wait_dma2 semaphore(%arg8 : memref<!tpu.dma_semaphore, #tpu.memory_space<semaphore_mem>>) src(%dma_wait3A_419 : memref<8x128xf32, #tpu.memory_space<hbm>>) dst(%dma_wait3A_418 : memref<8x128xf32, #tpu.memory_space<vmem>>)
      %dma_wait3A_420 = arith.constant 12 : i32
      %dma_wait3A_421 = arith.constant 0 : i32
      %dma_wait3A_422 = arith.constant 0 : i32
      %dma_wait3A_423 = tpu.memref_slice %arg6[%dma_wait3A_420, %dma_wait3A_421, %dma_wait3A_422] : memref<16x8x128xf32, #tpu.memory_space<vmem>> -> memref<1x8x128xf32, #tpu.memory_space<vmem>>
      %dma_wait3A_424 = tpu.memref_squeeze %dma_wait3A_423 : memref<1x8x128xf32, #tpu.memory_space<vmem>> -> memref<8x128xf32, #tpu.memory_space<vmem>>
      %dma_wait3A_425 = tpu.memref_slice %arg2[%add3A_223, %multiple_of3A_221] : memref<128x100000xf32, #tpu.memory_space<hbm>> -> memref<8x128xf32, #tpu.memory_space<hbm>>
      %dma_wait3A_426 = arith.constant 0 : i32
      %dma_wait3A_427 = arith.constant 0 : i32
      %dma_wait3A_428 = tpu.memref_slice %arg6[%dma_wait3A_420, %dma_wait3A_426, %dma_wait3A_427] : memref<16x8x128xf32, #tpu.memory_space<vmem>> -> memref<1x8x128xf32, #tpu.memory_space<vmem>>
      %dma_wait3A_429 = tpu.memref_squeeze %dma_wait3A_428 : memref<1x8x128xf32, #tpu.memory_space<vmem>> -> memref<8x128xf32, #tpu.memory_space<vmem>>
      %dma_wait3A_430 = tpu.memref_slice %arg2[%add3A_223, %multiple_of3A_221] : memref<128x100000xf32, #tpu.memory_space<hbm>> -> memref<8x128xf32, #tpu.memory_space<hbm>>
      tpu.wait_dma2 semaphore(%arg8 : memref<!tpu.dma_semaphore, #tpu.memory_space<semaphore_mem>>) src(%dma_wait3A_430 : memref<8x128xf32, #tpu.memory_space<hbm>>) dst(%dma_wait3A_429 : memref<8x128xf32, #tpu.memory_space<vmem>>)
      %dma_wait3A_431 = arith.constant 13 : i32
      %dma_wait3A_432 = arith.constant 0 : i32
      %dma_wait3A_433 = arith.constant 0 : i32
      %dma_wait3A_434 = tpu.memref_slice %arg6[%dma_wait3A_431, %dma_wait3A_432, %dma_wait3A_433] : memref<16x8x128xf32, #tpu.memory_space<vmem>> -> memref<1x8x128xf32, #tpu.memory_space<vmem>>
      %dma_wait3A_435 = tpu.memref_squeeze %dma_wait3A_434 : memref<1x8x128xf32, #tpu.memory_space<vmem>> -> memref<8x128xf32, #tpu.memory_space<vmem>>
      %dma_wait3A_436 = tpu.memref_slice %arg2[%add3A_241, %multiple_of3A_239] : memref<128x100000xf32, #tpu.memory_space<hbm>> -> memref<8x128xf32, #tpu.memory_space<hbm>>
      %dma_wait3A_437 = arith.constant 0 : i32
      %dma_wait3A_438 = arith.constant 0 : i32
      %dma_wait3A_439 = tpu.memref_slice %arg6[%dma_wait3A_431, %dma_wait3A_437, %dma_wait3A_438] : memref<16x8x128xf32, #tpu.memory_space<vmem>> -> memref<1x8x128xf32, #tpu.memory_space<vmem>>
      %dma_wait3A_440 = tpu.memref_squeeze %dma_wait3A_439 : memref<1x8x128xf32, #tpu.memory_space<vmem>> -> memref<8x128xf32, #tpu.memory_space<vmem>>
      %dma_wait3A_441 = tpu.memref_slice %arg2[%add3A_241, %multiple_of3A_239] : memref<128x100000xf32, #tpu.memory_space<hbm>> -> memref<8x128xf32, #tpu.memory_space<hbm>>
      tpu.wait_dma2 semaphore(%arg8 : memref<!tpu.dma_semaphore, #tpu.memory_space<semaphore_mem>>) src(%dma_wait3A_441 : memref<8x128xf32, #tpu.memory_space<hbm>>) dst(%dma_wait3A_440 : memref<8x128xf32, #tpu.memory_space<vmem>>)
      %dma_wait3A_442 = arith.constant 14 : i32
      %dma_wait3A_443 = arith.constant 0 : i32
      %dma_wait3A_444 = arith.constant 0 : i32
      %dma_wait3A_445 = tpu.memref_slice %arg6[%dma_wait3A_442, %dma_wait3A_443, %dma_wait3A_444] : memref<16x8x128xf32, #tpu.memory_space<vmem>> -> memref<1x8x128xf32, #tpu.memory_space<vmem>>
      %dma_wait3A_446 = tpu.memref_squeeze %dma_wait3A_445 : memref<1x8x128xf32, #tpu.memory_space<vmem>> -> memref<8x128xf32, #tpu.memory_space<vmem>>
      %dma_wait3A_447 = tpu.memref_slice %arg2[%add3A_259, %multiple_of3A_257] : memref<128x100000xf32, #tpu.memory_space<hbm>> -> memref<8x128xf32, #tpu.memory_space<hbm>>
      %dma_wait3A_448 = arith.constant 0 : i32
      %dma_wait3A_449 = arith.constant 0 : i32
      %dma_wait3A_450 = tpu.memref_slice %arg6[%dma_wait3A_442, %dma_wait3A_448, %dma_wait3A_449] : memref<16x8x128xf32, #tpu.memory_space<vmem>> -> memref<1x8x128xf32, #tpu.memory_space<vmem>>
      %dma_wait3A_451 = tpu.memref_squeeze %dma_wait3A_450 : memref<1x8x128xf32, #tpu.memory_space<vmem>> -> memref<8x128xf32, #tpu.memory_space<vmem>>
      %dma_wait3A_452 = tpu.memref_slice %arg2[%add3A_259, %multiple_of3A_257] : memref<128x100000xf32, #tpu.memory_space<hbm>> -> memref<8x128xf32, #tpu.memory_space<hbm>>
      tpu.wait_dma2 semaphore(%arg8 : memref<!tpu.dma_semaphore, #tpu.memory_space<semaphore_mem>>) src(%dma_wait3A_452 : memref<8x128xf32, #tpu.memory_space<hbm>>) dst(%dma_wait3A_451 : memref<8x128xf32, #tpu.memory_space<vmem>>)
      %dma_wait3A_453 = arith.constant 15 : i32
      %dma_wait3A_454 = arith.constant 0 : i32
      %dma_wait3A_455 = arith.constant 0 : i32
      %dma_wait3A_456 = tpu.memref_slice %arg6[%dma_wait3A_453, %dma_wait3A_454, %dma_wait3A_455] : memref<16x8x128xf32, #tpu.memory_space<vmem>> -> memref<1x8x128xf32, #tpu.memory_space<vmem>>
      %dma_wait3A_457 = tpu.memref_squeeze %dma_wait3A_456 : memref<1x8x128xf32, #tpu.memory_space<vmem>> -> memref<8x128xf32, #tpu.memory_space<vmem>>
      %dma_wait3A_458 = tpu.memref_slice %arg2[%add3A_277, %multiple_of3A_275] : memref<128x100000xf32, #tpu.memory_space<hbm>> -> memref<8x128xf32, #tpu.memory_space<hbm>>
      %dma_wait3A_459 = arith.constant 0 : i32
      %dma_wait3A_460 = arith.constant 0 : i32
      %dma_wait3A_461 = tpu.memref_slice %arg6[%dma_wait3A_453, %dma_wait3A_459, %dma_wait3A_460] : memref<16x8x128xf32, #tpu.memory_space<vmem>> -> memref<1x8x128xf32, #tpu.memory_space<vmem>>
      %dma_wait3A_462 = tpu.memref_squeeze %dma_wait3A_461 : memref<1x8x128xf32, #tpu.memory_space<vmem>> -> memref<8x128xf32, #tpu.memory_space<vmem>>
      %dma_wait3A_463 = tpu.memref_slice %arg2[%add3A_277, %multiple_of3A_275] : memref<128x100000xf32, #tpu.memory_space<hbm>> -> memref<8x128xf32, #tpu.memory_space<hbm>>
      tpu.wait_dma2 semaphore(%arg8 : memref<!tpu.dma_semaphore, #tpu.memory_space<semaphore_mem>>) src(%dma_wait3A_463 : memref<8x128xf32, #tpu.memory_space<hbm>>) dst(%dma_wait3A_462 : memref<8x128xf32, #tpu.memory_space<vmem>>)
      %and3A_464 = arith.constant 127 : i32
      %and3A_465 = vector.broadcast %and3A_464 : i32 to vector<16xi32>
      %and3A_466 = arith.andi %get3A_5, %and3A_465 : vector<16xi32>
      %iota3A = tpu.iota {dimensions = array<i32: 0>} : vector<16xi32>
      %and3A_467 = arith.constant 7 : i32
      %and3A_468 = vector.broadcast %and3A_467 : i32 to vector<16xi32>
      %and3A_469 = arith.andi %iota3A, %and3A_468 : vector<16xi32>
      %gather3A = tpu.vector_load_idx %arg6[%iota3A, %and3A_469, %and3A_466] : memref<16x8x128xf32, #tpu.memory_space<vmem>>[vector<16xi32>, vector<16xi32>, vector<16xi32>], vector<16xf32>,
      %swap3A = arith.constant 0 : index
      %swap3A_470 = tpu.vector_load %arg7[%swap3A] {strides = array<i32>} : memref<16xf32, #tpu.memory_space<vmem>>, vector<16xf32>,
      tpu.vector_store %arg7[%swap3A], %gather3A {strides = array<i32>} : memref<16xf32, #tpu.memory_space<vmem>>, vector<16xf32>,
      "tpu.region"() ({
        %run_scoped3A = tpu.sem_alloc : memref<!tpu.dma_semaphore, #tpu.memory_space<semaphore_mem>>
        %dma_start3A_471 = tpu.memref_slice %arg4[%mul3A_4] : memref<128xf32, #tpu.memory_space<hbm>> -> memref<16xf32, #tpu.memory_space<hbm>>
        %dma_start3A_472 = tpu.memref_slice %arg4[%mul3A_4] : memref<128xf32, #tpu.memory_space<hbm>> -> memref<16xf32, #tpu.memory_space<hbm>>
        tpu.enqueue_dma source(%arg7 : memref<16xf32, #tpu.memory_space<vmem>>) target(%dma_start3A_472 : memref<16xf32, #tpu.memory_space<hbm>>) target_semaphore(%run_scoped3A : memref<!tpu.dma_semaphore, #tpu.memory_space<semaphore_mem>>)
        %dma_wait3A_473 = tpu.memref_slice %arg4[%mul3A_4] : memref<128xf32, #tpu.memory_space<hbm>> -> memref<16xf32, #tpu.memory_space<hbm>>
        %dma_wait3A_474 = tpu.memref_slice %arg4[%mul3A_4] : memref<128xf32, #tpu.memory_space<hbm>> -> memref<16xf32, #tpu.memory_space<hbm>>
        tpu.wait_dma2 semaphore(%run_scoped3A : memref<!tpu.dma_semaphore, #tpu.memory_space<semaphore_mem>>) src(%arg7 : memref<16xf32, #tpu.memory_space<vmem>>) dst(%dma_wait3A_474 : memref<16xf32, #tpu.memory_space<hbm>>)
        tpu.yield
      }) : () -> ()
    } else {
    }
    return
  }
}

module attributes {stable_mosaic.version = 14 : i64} {
  func.func @_reduce_body(%arg0: i32, %arg1: memref<128x2048xf32, #tpu.memory_space<vmem>>, %arg2: memref<128x2048xf32, #tpu.memory_space<vmem>>, %arg3: memref<128x2048xf32, #tpu.memory_space<vmem>>, %arg4: memref<128x2048xf32, #tpu.memory_space<vmem>>, %arg5: memref<128x2048xf32, #tpu.memory_space<vmem>>, %arg6: memref<128x2048xf32, #tpu.memory_space<vmem>>, %arg7: memref<128x2048xf32, #tpu.memory_space<vmem>>, %arg8: memref<128x1xf32, #tpu.memory_space<vmem>>, %arg9: memref<128x1xi32, #tpu.memory_space<vmem>>, %arg10: memref<128x1xf32, #tpu.memory_space<vmem>>, %arg11: memref<128x1xf32, #tpu.memory_space<vmem>>, %arg12: memref<128x1xf32, #tpu.memory_space<vmem>>, %arg13: memref<128x1xi32, #tpu.memory_space<vmem>>) attributes {dimension_semantics = [#tpu.dimension_semantics<arbitrary>], iteration_bounds = array<i64: 7>, scalar_prefetch = 0 : i64, scratch_operands = 4 : i64, tpu.core_type = #tpu.core_type<tc>, window_params = [{transform_indices = @transform_0, window_bounds = array<i64: 128, 2048>}, {transform_indices = @transform_1, window_bounds = array<i64: 128, 2048>}, {transform_indices = @transform_2, window_bounds = array<i64: 128, 2048>}, {transform_indices = @transform_3, window_bounds = array<i64: 128, 2048>}, {transform_indices = @transform_4, window_bounds = array<i64: 128, 2048>}, {transform_indices = @transform_5, window_bounds = array<i64: 128, 2048>}, {transform_indices = @transform_6, window_bounds = array<i64: 128, 2048>}, {pipeline_mode = #tpu.pipeline_mode<synchronous>, transform_indices = @transform_7, window_bounds = array<i64: 128, 1>}, {pipeline_mode = #tpu.pipeline_mode<synchronous>, transform_indices = @transform_8, window_bounds = array<i64: 128, 1>}]} {
    %eq3A = arith.constant 0 : i32
    %eq3A_0 = arith.cmpi eq, %arg0, %eq3A : i32
    %convert_element_type3A = arith.extui %eq3A_0 : i1 to i32
    %cond3A = arith.constant 0 : i32
    %cond3A_1 = arith.cmpi ne, %convert_element_type3A, %cond3A : i32
    scf.if %cond3A_1 {
      %broadcast_in_dim3A_2211 = arith.constant 0xFF800000 : f32
      %broadcast_in_dim3A_2212 = vector.broadcast %broadcast_in_dim3A_2211 : f32 to vector<128x1xf32>
      %swap3A_2213 = arith.constant 0 : index
      %swap3A_2214 = arith.constant 0 : index
      %swap3A_2215 = vector.load %arg10[%swap3A_2213, %swap3A_2214] : memref<128x1xf32, #tpu.memory_space<vmem>>, vector<128x1xf32>
      tpu.vector_store %arg10[%swap3A_2213, %swap3A_2214], %broadcast_in_dim3A_2212 {strides = array<i32>} : memref<128x1xf32, #tpu.memory_space<vmem>>, vector<128x1xf32>,
      %broadcast_in_dim3A_2216 = arith.constant 0.000000e+00 : f32
      %broadcast_in_dim3A_2217 = vector.broadcast %broadcast_in_dim3A_2216 : f32 to vector<128x1xf32>
      %swap3A_2218 = arith.constant 0 : index
      %swap3A_2219 = arith.constant 0 : index
      %swap3A_2220 = vector.load %arg11[%swap3A_2218, %swap3A_2219] : memref<128x1xf32, #tpu.memory_space<vmem>>, vector<128x1xf32>
      tpu.vector_store %arg11[%swap3A_2218, %swap3A_2219], %broadcast_in_dim3A_2217 {strides = array<i32>} : memref<128x1xf32, #tpu.memory_space<vmem>>, vector<128x1xf32>,
      %broadcast_in_dim3A_2221 = arith.constant 0xFF800000 : f32
      %broadcast_in_dim3A_2222 = vector.broadcast %broadcast_in_dim3A_2221 : f32 to vector<128x1xf32>
      %swap3A_2223 = arith.constant 0 : index
      %swap3A_2224 = arith.constant 0 : index
      %swap3A_2225 = vector.load %arg12[%swap3A_2223, %swap3A_2224] : memref<128x1xf32, #tpu.memory_space<vmem>>, vector<128x1xf32>
      tpu.vector_store %arg12[%swap3A_2223, %swap3A_2224], %broadcast_in_dim3A_2222 {strides = array<i32>} : memref<128x1xf32, #tpu.memory_space<vmem>>, vector<128x1xf32>,
      %broadcast_in_dim3A_2226 = arith.constant 0 : i32
      %broadcast_in_dim3A_2227 = vector.broadcast %broadcast_in_dim3A_2226 : i32 to vector<128x1xi32>
      %swap3A_2228 = arith.constant 0 : index
      %swap3A_2229 = arith.constant 0 : index
      %swap3A_2230 = vector.load %arg13[%swap3A_2228, %swap3A_2229] : memref<128x1xi32, #tpu.memory_space<vmem>>, vector<128x1xi32>
      tpu.vector_store %arg13[%swap3A_2228, %swap3A_2229], %broadcast_in_dim3A_2227 {strides = array<i32>} : memref<128x1xi32, #tpu.memory_space<vmem>>, vector<128x1xi32>,
    } else {
    }
    %iota3A = tpu.iota {dimensions = array<i32: 1>} : vector<128x128xi32>
    %add3A = arith.constant 0 : i32
    %add3A_2 = arith.addi %add3A, %arg0 : i32
    %mul3A = arith.constant 2048 : i32
    %mul3A_3 = arith.muli %add3A_2, %mul3A : i32
    %get3A = arith.constant 0 : index
    %get3A_4 = arith.constant 0 : index
    %get3A_5 = vector.load %arg1[%get3A, %get3A_4] : memref<128x2048xf32, #tpu.memory_space<vmem>>, vector<128x128xf32>
    %get3A_6 = arith.constant 0 : index
    %get3A_7 = arith.constant 128 : index
    %get3A_8 = vector.load %arg1[%get3A_6, %get3A_7] : memref<128x2048xf32, #tpu.memory_space<vmem>>, vector<128x128xf32>
    %max3A = arith.maximumf %get3A_5, %get3A_8 : vector<128x128xf32>
    %get3A_9 = arith.constant 0 : index
    %get3A_10 = arith.constant 256 : index
    %get3A_11 = vector.load %arg1[%get3A_9, %get3A_10] : memref<128x2048xf32, #tpu.memory_space<vmem>>, vector<128x128xf32>
    %max3A_12 = arith.maximumf %max3A, %get3A_11 : vector<128x128xf32>
    %get3A_13 = arith.constant 0 : index
    %get3A_14 = arith.constant 384 : index
    %get3A_15 = vector.load %arg1[%get3A_13, %get3A_14] : memref<128x2048xf32, #tpu.memory_space<vmem>>, vector<128x128xf32>
    %max3A_16 = arith.maximumf %max3A_12, %get3A_15 : vector<128x128xf32>
    %get3A_17 = arith.constant 0 : index
    %get3A_18 = arith.constant 512 : index
    %get3A_19 = vector.load %arg1[%get3A_17, %get3A_18] : memref<128x2048xf32, #tpu.memory_space<vmem>>, vector<128x128xf32>
    %max3A_20 = arith.maximumf %max3A_16, %get3A_19 : vector<128x128xf32>
    %get3A_21 = arith.constant 0 : index
    %get3A_22 = arith.constant 640 : index
    %get3A_23 = vector.load %arg1[%get3A_21, %get3A_22] : memref<128x2048xf32, #tpu.memory_space<vmem>>, vector<128x128xf32>
    %max3A_24 = arith.maximumf %max3A_20, %get3A_23 : vector<128x128xf32>
    %get3A_25 = arith.constant 0 : index
    %get3A_26 = arith.constant 768 : index
    %get3A_27 = vector.load %arg1[%get3A_25, %get3A_26] : memref<128x2048xf32, #tpu.memory_space<vmem>>, vector<128x128xf32>
    %max3A_28 = arith.maximumf %max3A_24, %get3A_27 : vector<128x128xf32>
    %get3A_29 = arith.constant 0 : index
    %get3A_30 = arith.constant 896 : index
    %get3A_31 = vector.load %arg1[%get3A_29, %get3A_30] : memref<128x2048xf32, #tpu.memory_space<vmem>>, vector<128x128xf32>
    %max3A_32 = arith.maximumf %max3A_28, %get3A_31 : vector<128x128xf32>
    %get3A_33 = arith.constant 0 : index
    %get3A_34 = arith.constant 1024 : index
    %get3A_35 = vector.load %arg1[%get3A_33, %get3A_34] : memref<128x2048xf32, #tpu.memory_space<vmem>>, vector<128x128xf32>
    %max3A_36 = arith.maximumf %max3A_32, %get3A_35 : vector<128x128xf32>
    %get3A_37 = arith.constant 0 : index
    %get3A_38 = arith.constant 1152 : index
    %get3A_39 = vector.load %arg1[%get3A_37, %get3A_38] : memref<128x2048xf32, #tpu.memory_space<vmem>>, vector<128x128xf32>
    %max3A_40 = arith.maximumf %max3A_36, %get3A_39 : vector<128x128xf32>
    %get3A_41 = arith.constant 0 : index
    %get3A_42 = arith.constant 1280 : index
    %get3A_43 = vector.load %arg1[%get3A_41, %get3A_42] : memref<128x2048xf32, #tpu.memory_space<vmem>>, vector<128x128xf32>
    %max3A_44 = arith.maximumf %max3A_40, %get3A_43 : vector<128x128xf32>
    %get3A_45 = arith.constant 0 : index
    %get3A_46 = arith.constant 1408 : index
    %get3A_47 = vector.load %arg1[%get3A_45, %get3A_46] : memref<128x2048xf32, #tpu.memory_space<vmem>>, vector<128x128xf32>
    %max3A_48 = arith.maximumf %max3A_44, %get3A_47 : vector<128x128xf32>
    %get3A_49 = arith.constant 0 : index
    %get3A_50 = arith.constant 1536 : index
    %get3A_51 = vector.load %arg1[%get3A_49, %get3A_50] : memref<128x2048xf32, #tpu.memory_space<vmem>>, vector<128x128xf32>
    %max3A_52 = arith.maximumf %max3A_48, %get3A_51 : vector<128x128xf32>
    %get3A_53 = arith.constant 0 : index
    %get3A_54 = arith.constant 1664 : index
    %get3A_55 = vector.load %arg1[%get3A_53, %get3A_54] : memref<128x2048xf32, #tpu.memory_space<vmem>>, vector<128x128xf32>
    %max3A_56 = arith.maximumf %max3A_52, %get3A_55 : vector<128x128xf32>
    %get3A_57 = arith.constant 0 : index
    %get3A_58 = arith.constant 1792 : index
    %get3A_59 = vector.load %arg1[%get3A_57, %get3A_58] : memref<128x2048xf32, #tpu.memory_space<vmem>>, vector<128x128xf32>
    %max3A_60 = arith.maximumf %max3A_56, %get3A_59 : vector<128x128xf32>
    %get3A_61 = arith.constant 0 : index
    %get3A_62 = arith.constant 1920 : index
    %get3A_63 = vector.load %arg1[%get3A_61, %get3A_62] : memref<128x2048xf32, #tpu.memory_space<vmem>>, vector<128x128xf32>
    %max3A_64 = arith.maximumf %max3A_60, %get3A_63 : vector<128x128xf32>
    %reduce_max3A = arith.constant dense<0xFF800000> : vector<128xf32>
    %reduce_max3A_65 = vector.multi_reduction <maximumf>, %max3A_64, %reduce_max3A [1] : vector<128x128xf32> to vector<128xf32>
    %broadcast_in_dim3A = vector.shape_cast %reduce_max3A_65 : vector<128xf32> to vector<128x1xf32>
    %get3A_66 = arith.constant 0 : index
    %get3A_67 = arith.constant 0 : index
    %get3A_68 = vector.load %arg10[%get3A_66, %get3A_67] : memref<128x1xf32, #tpu.memory_space<vmem>>, vector<128x1xf32>
    %max3A_69 = arith.maximumf %get3A_68, %broadcast_in_dim3A : vector<128x1xf32>
    %get3A_70 = arith.constant 0 : index
    %get3A_71 = arith.constant 0 : index
    %get3A_72 = vector.load %arg1[%get3A_70, %get3A_71] : memref<128x2048xf32, #tpu.memory_space<vmem>>, vector<128x128xf32>
    %sub3A = vector.broadcast %max3A_69 : vector<128x1xf32> to vector<128x128xf32>
    %sub3A_73 = arith.subf %get3A_72, %sub3A : vector<128x128xf32>
    %exp3A = math.exp %sub3A_73 : vector<128x128xf32>
    %eq3A_74 = vector.broadcast %broadcast_in_dim3A : vector<128x1xf32> to vector<128x128xf32>
    %eq3A_75 = arith.cmpf oeq, %get3A_72, %eq3A_74 : vector<128x128xf32>
    %add3A_76 = arith.constant 0 : i32
    %add3A_77 = vector.broadcast %add3A_76 : i32 to vector<128x128xi32>
    %add3A_78 = arith.addi %add3A_77, %iota3A : vector<128x128xi32>
    %jit3A = arith.constant 1073741824 : i32
    %broadcast_in_dim3A_79 = vector.broadcast %jit3A : i32 to vector<128x128xi32>
    %select_n3A = arith.select %eq3A_75, %add3A_78, %broadcast_in_dim3A_79 : vector<128x128xi1>, vector<128x128xi32>
    %get3A_80 = arith.constant 0 : index
    %get3A_81 = arith.constant 128 : index
    %get3A_82 = vector.load %arg1[%get3A_80, %get3A_81] : memref<128x2048xf32, #tpu.memory_space<vmem>>, vector<128x128xf32>
    %sub3A_83 = vector.broadcast %max3A_69 : vector<128x1xf32> to vector<128x128xf32>
    %sub3A_84 = arith.subf %get3A_82, %sub3A_83 : vector<128x128xf32>
    %exp3A_85 = math.exp %sub3A_84 : vector<128x128xf32>
    %add3A_86 = arith.addf %exp3A, %exp3A_85 : vector<128x128xf32>
    %eq3A_87 = vector.broadcast %broadcast_in_dim3A : vector<128x1xf32> to vector<128x128xf32>
    %eq3A_88 = arith.cmpf oeq, %get3A_82, %eq3A_87 : vector<128x128xf32>
    %add3A_89 = arith.constant 128 : i32
    %add3A_90 = vector.broadcast %add3A_89 : i32 to vector<128x128xi32>
    %add3A_91 = arith.addi %add3A_90, %iota3A : vector<128x128xi32>
    %jit3A_92 = arith.constant 1073741824 : i32
    %broadcast_in_dim3A_93 = vector.broadcast %jit3A_92 : i32 to vector<128x128xi32>
    %select_n3A_94 = arith.select %eq3A_88, %add3A_91, %broadcast_in_dim3A_93 : vector<128x128xi1>, vector<128x128xi32>
    %min3A = arith.minsi %select_n3A, %select_n3A_94 : vector<128x128xi32>
    %get3A_95 = arith.constant 0 : index
    %get3A_96 = arith.constant 256 : index
    %get3A_97 = vector.load %arg1[%get3A_95, %get3A_96] : memref<128x2048xf32, #tpu.memory_space<vmem>>, vector<128x128xf32>
    %sub3A_98 = vector.broadcast %max3A_69 : vector<128x1xf32> to vector<128x128xf32>
    %sub3A_99 = arith.subf %get3A_97, %sub3A_98 : vector<128x128xf32>
    %exp3A_100 = math.exp %sub3A_99 : vector<128x128xf32>
    %add3A_101 = arith.addf %add3A_86, %exp3A_100 : vector<128x128xf32>
    %eq3A_102 = vector.broadcast %broadcast_in_dim3A : vector<128x1xf32> to vector<128x128xf32>
    %eq3A_103 = arith.cmpf oeq, %get3A_97, %eq3A_102 : vector<128x128xf32>
    %add3A_104 = arith.constant 256 : i32
    %add3A_105 = vector.broadcast %add3A_104 : i32 to vector<128x128xi32>
    %add3A_106 = arith.addi %add3A_105, %iota3A : vector<128x128xi32>
    %jit3A_107 = arith.constant 1073741824 : i32
    %broadcast_in_dim3A_108 = vector.broadcast %jit3A_107 : i32 to vector<128x128xi32>
    %select_n3A_109 = arith.select %eq3A_103, %add3A_106, %broadcast_in_dim3A_108 : vector<128x128xi1>, vector<128x128xi32>
    %min3A_110 = arith.minsi %min3A, %select_n3A_109 : vector<128x128xi32>
    %get3A_111 = arith.constant 0 : index
    %get3A_112 = arith.constant 384 : index
    %get3A_113 = vector.load %arg1[%get3A_111, %get3A_112] : memref<128x2048xf32, #tpu.memory_space<vmem>>, vector<128x128xf32>
    %sub3A_114 = vector.broadcast %max3A_69 : vector<128x1xf32> to vector<128x128xf32>
    %sub3A_115 = arith.subf %get3A_113, %sub3A_114 : vector<128x128xf32>
    %exp3A_116 = math.exp %sub3A_115 : vector<128x128xf32>
    %add3A_117 = arith.addf %add3A_101, %exp3A_116 : vector<128x128xf32>
    %eq3A_118 = vector.broadcast %broadcast_in_dim3A : vector<128x1xf32> to vector<128x128xf32>
    %eq3A_119 = arith.cmpf oeq, %get3A_113, %eq3A_118 : vector<128x128xf32>
    %add3A_120 = arith.constant 384 : i32
    %add3A_121 = vector.broadcast %add3A_120 : i32 to vector<128x128xi32>
    %add3A_122 = arith.addi %add3A_121, %iota3A : vector<128x128xi32>
    %jit3A_123 = arith.constant 1073741824 : i32
    %broadcast_in_dim3A_124 = vector.broadcast %jit3A_123 : i32 to vector<128x128xi32>
    %select_n3A_125 = arith.select %eq3A_119, %add3A_122, %broadcast_in_dim3A_124 : vector<128x128xi1>, vector<128x128xi32>
    %min3A_126 = arith.minsi %min3A_110, %select_n3A_125 : vector<128x128xi32>
    %get3A_127 = arith.constant 0 : index
    %get3A_128 = arith.constant 512 : index
    %get3A_129 = vector.load %arg1[%get3A_127, %get3A_128] : memref<128x2048xf32, #tpu.memory_space<vmem>>, vector<128x128xf32>
    %sub3A_130 = vector.broadcast %max3A_69 : vector<128x1xf32> to vector<128x128xf32>
    %sub3A_131 = arith.subf %get3A_129, %sub3A_130 : vector<128x128xf32>
    %exp3A_132 = math.exp %sub3A_131 : vector<128x128xf32>
    %add3A_133 = arith.addf %add3A_117, %exp3A_132 : vector<128x128xf32>
    %eq3A_134 = vector.broadcast %broadcast_in_dim3A : vector<128x1xf32> to vector<128x128xf32>
    %eq3A_135 = arith.cmpf oeq, %get3A_129, %eq3A_134 : vector<128x128xf32>
    %add3A_136 = arith.constant 512 : i32
    %add3A_137 = vector.broadcast %add3A_136 : i32 to vector<128x128xi32>
    %add3A_138 = arith.addi %add3A_137, %iota3A : vector<128x128xi32>
    %jit3A_139 = arith.constant 1073741824 : i32
    %broadcast_in_dim3A_140 = vector.broadcast %jit3A_139 : i32 to vector<128x128xi32>
    %select_n3A_141 = arith.select %eq3A_135, %add3A_138, %broadcast_in_dim3A_140 : vector<128x128xi1>, vector<128x128xi32>
    %min3A_142 = arith.minsi %min3A_126, %select_n3A_141 : vector<128x128xi32>
    %get3A_143 = arith.constant 0 : index
    %get3A_144 = arith.constant 640 : index
    %get3A_145 = vector.load %arg1[%get3A_143, %get3A_144] : memref<128x2048xf32, #tpu.memory_space<vmem>>, vector<128x128xf32>
    %sub3A_146 = vector.broadcast %max3A_69 : vector<128x1xf32> to vector<128x128xf32>
    %sub3A_147 = arith.subf %get3A_145, %sub3A_146 : vector<128x128xf32>
    %exp3A_148 = math.exp %sub3A_147 : vector<128x128xf32>
    %add3A_149 = arith.addf %add3A_133, %exp3A_148 : vector<128x128xf32>
    %eq3A_150 = vector.broadcast %broadcast_in_dim3A : vector<128x1xf32> to vector<128x128xf32>
    %eq3A_151 = arith.cmpf oeq, %get3A_145, %eq3A_150 : vector<128x128xf32>
    %add3A_152 = arith.constant 640 : i32
    %add3A_153 = vector.broadcast %add3A_152 : i32 to vector<128x128xi32>
    %add3A_154 = arith.addi %add3A_153, %iota3A : vector<128x128xi32>
    %jit3A_155 = arith.constant 1073741824 : i32
    %broadcast_in_dim3A_156 = vector.broadcast %jit3A_155 : i32 to vector<128x128xi32>
    %select_n3A_157 = arith.select %eq3A_151, %add3A_154, %broadcast_in_dim3A_156 : vector<128x128xi1>, vector<128x128xi32>
    %min3A_158 = arith.minsi %min3A_142, %select_n3A_157 : vector<128x128xi32>
    %get3A_159 = arith.constant 0 : index
    %get3A_160 = arith.constant 768 : index
    %get3A_161 = vector.load %arg1[%get3A_159, %get3A_160] : memref<128x2048xf32, #tpu.memory_space<vmem>>, vector<128x128xf32>
    %sub3A_162 = vector.broadcast %max3A_69 : vector<128x1xf32> to vector<128x128xf32>
    %sub3A_163 = arith.subf %get3A_161, %sub3A_162 : vector<128x128xf32>
    %exp3A_164 = math.exp %sub3A_163 : vector<128x128xf32>
    %add3A_165 = arith.addf %add3A_149, %exp3A_164 : vector<128x128xf32>
    %eq3A_166 = vector.broadcast %broadcast_in_dim3A : vector<128x1xf32> to vector<128x128xf32>
    %eq3A_167 = arith.cmpf oeq, %get3A_161, %eq3A_166 : vector<128x128xf32>
    %add3A_168 = arith.constant 768 : i32
    %add3A_169 = vector.broadcast %add3A_168 : i32 to vector<128x128xi32>
    %add3A_170 = arith.addi %add3A_169, %iota3A : vector<128x128xi32>
    %jit3A_171 = arith.constant 1073741824 : i32
    %broadcast_in_dim3A_172 = vector.broadcast %jit3A_171 : i32 to vector<128x128xi32>
    %select_n3A_173 = arith.select %eq3A_167, %add3A_170, %broadcast_in_dim3A_172 : vector<128x128xi1>, vector<128x128xi32>
    %min3A_174 = arith.minsi %min3A_158, %select_n3A_173 : vector<128x128xi32>
    %get3A_175 = arith.constant 0 : index
    %get3A_176 = arith.constant 896 : index
    %get3A_177 = vector.load %arg1[%get3A_175, %get3A_176] : memref<128x2048xf32, #tpu.memory_space<vmem>>, vector<128x128xf32>
    %sub3A_178 = vector.broadcast %max3A_69 : vector<128x1xf32> to vector<128x128xf32>
    %sub3A_179 = arith.subf %get3A_177, %sub3A_178 : vector<128x128xf32>
    %exp3A_180 = math.exp %sub3A_179 : vector<128x128xf32>
    %add3A_181 = arith.addf %add3A_165, %exp3A_180 : vector<128x128xf32>
    %eq3A_182 = vector.broadcast %broadcast_in_dim3A : vector<128x1xf32> to vector<128x128xf32>
    %eq3A_183 = arith.cmpf oeq, %get3A_177, %eq3A_182 : vector<128x128xf32>
    %add3A_184 = arith.constant 896 : i32
    %add3A_185 = vector.broadcast %add3A_184 : i32 to vector<128x128xi32>
    %add3A_186 = arith.addi %add3A_185, %iota3A : vector<128x128xi32>
    %jit3A_187 = arith.constant 1073741824 : i32
    %broadcast_in_dim3A_188 = vector.broadcast %jit3A_187 : i32 to vector<128x128xi32>
    %select_n3A_189 = arith.select %eq3A_183, %add3A_186, %broadcast_in_dim3A_188 : vector<128x128xi1>, vector<128x128xi32>
    %min3A_190 = arith.minsi %min3A_174, %select_n3A_189 : vector<128x128xi32>
    %get3A_191 = arith.constant 0 : index
    %get3A_192 = arith.constant 1024 : index
    %get3A_193 = vector.load %arg1[%get3A_191, %get3A_192] : memref<128x2048xf32, #tpu.memory_space<vmem>>, vector<128x128xf32>
    %sub3A_194 = vector.broadcast %max3A_69 : vector<128x1xf32> to vector<128x128xf32>
    %sub3A_195 = arith.subf %get3A_193, %sub3A_194 : vector<128x128xf32>
    %exp3A_196 = math.exp %sub3A_195 : vector<128x128xf32>
    %add3A_197 = arith.addf %add3A_181, %exp3A_196 : vector<128x128xf32>
    %eq3A_198 = vector.broadcast %broadcast_in_dim3A : vector<128x1xf32> to vector<128x128xf32>
    %eq3A_199 = arith.cmpf oeq, %get3A_193, %eq3A_198 : vector<128x128xf32>
    %add3A_200 = arith.constant 1024 : i32
    %add3A_201 = vector.broadcast %add3A_200 : i32 to vector<128x128xi32>
    %add3A_202 = arith.addi %add3A_201, %iota3A : vector<128x128xi32>
    %jit3A_203 = arith.constant 1073741824 : i32
    %broadcast_in_dim3A_204 = vector.broadcast %jit3A_203 : i32 to vector<128x128xi32>
    %select_n3A_205 = arith.select %eq3A_199, %add3A_202, %broadcast_in_dim3A_204 : vector<128x128xi1>, vector<128x128xi32>
    %min3A_206 = arith.minsi %min3A_190, %select_n3A_205 : vector<128x128xi32>
    %get3A_207 = arith.constant 0 : index
    %get3A_208 = arith.constant 1152 : index
    %get3A_209 = vector.load %arg1[%get3A_207, %get3A_208] : memref<128x2048xf32, #tpu.memory_space<vmem>>, vector<128x128xf32>
    %sub3A_210 = vector.broadcast %max3A_69 : vector<128x1xf32> to vector<128x128xf32>
    %sub3A_211 = arith.subf %get3A_209, %sub3A_210 : vector<128x128xf32>
    %exp3A_212 = math.exp %sub3A_211 : vector<128x128xf32>
    %add3A_213 = arith.addf %add3A_197, %exp3A_212 : vector<128x128xf32>
    %eq3A_214 = vector.broadcast %broadcast_in_dim3A : vector<128x1xf32> to vector<128x128xf32>
    %eq3A_215 = arith.cmpf oeq, %get3A_209, %eq3A_214 : vector<128x128xf32>
    %add3A_216 = arith.constant 1152 : i32
    %add3A_217 = vector.broadcast %add3A_216 : i32 to vector<128x128xi32>
    %add3A_218 = arith.addi %add3A_217, %iota3A : vector<128x128xi32>
    %jit3A_219 = arith.constant 1073741824 : i32
    %broadcast_in_dim3A_220 = vector.broadcast %jit3A_219 : i32 to vector<128x128xi32>
    %select_n3A_221 = arith.select %eq3A_215, %add3A_218, %broadcast_in_dim3A_220 : vector<128x128xi1>, vector<128x128xi32>
    %min3A_222 = arith.minsi %min3A_206, %select_n3A_221 : vector<128x128xi32>
    %get3A_223 = arith.constant 0 : index
    %get3A_224 = arith.constant 1280 : index
    %get3A_225 = vector.load %arg1[%get3A_223, %get3A_224] : memref<128x2048xf32, #tpu.memory_space<vmem>>, vector<128x128xf32>
    %sub3A_226 = vector.broadcast %max3A_69 : vector<128x1xf32> to vector<128x128xf32>
    %sub3A_227 = arith.subf %get3A_225, %sub3A_226 : vector<128x128xf32>
    %exp3A_228 = math.exp %sub3A_227 : vector<128x128xf32>
    %add3A_229 = arith.addf %add3A_213, %exp3A_228 : vector<128x128xf32>
    %eq3A_230 = vector.broadcast %broadcast_in_dim3A : vector<128x1xf32> to vector<128x128xf32>
    %eq3A_231 = arith.cmpf oeq, %get3A_225, %eq3A_230 : vector<128x128xf32>
    %add3A_232 = arith.constant 1280 : i32
    %add3A_233 = vector.broadcast %add3A_232 : i32 to vector<128x128xi32>
    %add3A_234 = arith.addi %add3A_233, %iota3A : vector<128x128xi32>
    %jit3A_235 = arith.constant 1073741824 : i32
    %broadcast_in_dim3A_236 = vector.broadcast %jit3A_235 : i32 to vector<128x128xi32>
    %select_n3A_237 = arith.select %eq3A_231, %add3A_234, %broadcast_in_dim3A_236 : vector<128x128xi1>, vector<128x128xi32>
    %min3A_238 = arith.minsi %min3A_222, %select_n3A_237 : vector<128x128xi32>
    %get3A_239 = arith.constant 0 : index
    %get3A_240 = arith.constant 1408 : index
    %get3A_241 = vector.load %arg1[%get3A_239, %get3A_240] : memref<128x2048xf32, #tpu.memory_space<vmem>>, vector<128x128xf32>
    %sub3A_242 = vector.broadcast %max3A_69 : vector<128x1xf32> to vector<128x128xf32>
    %sub3A_243 = arith.subf %get3A_241, %sub3A_242 : vector<128x128xf32>
    %exp3A_244 = math.exp %sub3A_243 : vector<128x128xf32>
    %add3A_245 = arith.addf %add3A_229, %exp3A_244 : vector<128x128xf32>
    %eq3A_246 = vector.broadcast %broadcast_in_dim3A : vector<128x1xf32> to vector<128x128xf32>
    %eq3A_247 = arith.cmpf oeq, %get3A_241, %eq3A_246 : vector<128x128xf32>
    %add3A_248 = arith.constant 1408 : i32
    %add3A_249 = vector.broadcast %add3A_248 : i32 to vector<128x128xi32>
    %add3A_250 = arith.addi %add3A_249, %iota3A : vector<128x128xi32>
    %jit3A_251 = arith.constant 1073741824 : i32
    %broadcast_in_dim3A_252 = vector.broadcast %jit3A_251 : i32 to vector<128x128xi32>
    %select_n3A_253 = arith.select %eq3A_247, %add3A_250, %broadcast_in_dim3A_252 : vector<128x128xi1>, vector<128x128xi32>
    %min3A_254 = arith.minsi %min3A_238, %select_n3A_253 : vector<128x128xi32>
    %get3A_255 = arith.constant 0 : index
    %get3A_256 = arith.constant 1536 : index
    %get3A_257 = vector.load %arg1[%get3A_255, %get3A_256] : memref<128x2048xf32, #tpu.memory_space<vmem>>, vector<128x128xf32>
    %sub3A_258 = vector.broadcast %max3A_69 : vector<128x1xf32> to vector<128x128xf32>
    %sub3A_259 = arith.subf %get3A_257, %sub3A_258 : vector<128x128xf32>
    %exp3A_260 = math.exp %sub3A_259 : vector<128x128xf32>
    %add3A_261 = arith.addf %add3A_245, %exp3A_260 : vector<128x128xf32>
    %eq3A_262 = vector.broadcast %broadcast_in_dim3A : vector<128x1xf32> to vector<128x128xf32>
    %eq3A_263 = arith.cmpf oeq, %get3A_257, %eq3A_262 : vector<128x128xf32>
    %add3A_264 = arith.constant 1536 : i32
    %add3A_265 = vector.broadcast %add3A_264 : i32 to vector<128x128xi32>
    %add3A_266 = arith.addi %add3A_265, %iota3A : vector<128x128xi32>
    %jit3A_267 = arith.constant 1073741824 : i32
    %broadcast_in_dim3A_268 = vector.broadcast %jit3A_267 : i32 to vector<128x128xi32>
    %select_n3A_269 = arith.select %eq3A_263, %add3A_266, %broadcast_in_dim3A_268 : vector<128x128xi1>, vector<128x128xi32>
    %min3A_270 = arith.minsi %min3A_254, %select_n3A_269 : vector<128x128xi32>
    %get3A_271 = arith.constant 0 : index
    %get3A_272 = arith.constant 1664 : index
    %get3A_273 = vector.load %arg1[%get3A_271, %get3A_272] : memref<128x2048xf32, #tpu.memory_space<vmem>>, vector<128x128xf32>
    %sub3A_274 = vector.broadcast %max3A_69 : vector<128x1xf32> to vector<128x128xf32>
    %sub3A_275 = arith.subf %get3A_273, %sub3A_274 : vector<128x128xf32>
    %exp3A_276 = math.exp %sub3A_275 : vector<128x128xf32>
    %add3A_277 = arith.addf %add3A_261, %exp3A_276 : vector<128x128xf32>
    %eq3A_278 = vector.broadcast %broadcast_in_dim3A : vector<128x1xf32> to vector<128x128xf32>
    %eq3A_279 = arith.cmpf oeq, %get3A_273, %eq3A_278 : vector<128x128xf32>
    %add3A_280 = arith.constant 1664 : i32
    %add3A_281 = vector.broadcast %add3A_280 : i32 to vector<128x128xi32>
    %add3A_282 = arith.addi %add3A_281, %iota3A : vector<128x128xi32>
    %jit3A_283 = arith.constant 1073741824 : i32
    %broadcast_in_dim3A_284 = vector.broadcast %jit3A_283 : i32 to vector<128x128xi32>
    %select_n3A_285 = arith.select %eq3A_279, %add3A_282, %broadcast_in_dim3A_284 : vector<128x128xi1>, vector<128x128xi32>
    %min3A_286 = arith.minsi %min3A_270, %select_n3A_285 : vector<128x128xi32>
    %get3A_287 = arith.constant 0 : index
    %get3A_288 = arith.constant 1792 : index
    %get3A_289 = vector.load %arg1[%get3A_287, %get3A_288] : memref<128x2048xf32, #tpu.memory_space<vmem>>, vector<128x128xf32>
    %sub3A_290 = vector.broadcast %max3A_69 : vector<128x1xf32> to vector<128x128xf32>
    %sub3A_291 = arith.subf %get3A_289, %sub3A_290 : vector<128x128xf32>
    %exp3A_292 = math.exp %sub3A_291 : vector<128x128xf32>
    %add3A_293 = arith.addf %add3A_277, %exp3A_292 : vector<128x128xf32>
    %eq3A_294 = vector.broadcast %broadcast_in_dim3A : vector<128x1xf32> to vector<128x128xf32>
    %eq3A_295 = arith.cmpf oeq, %get3A_289, %eq3A_294 : vector<128x128xf32>
    %add3A_296 = arith.constant 1792 : i32
    %add3A_297 = vector.broadcast %add3A_296 : i32 to vector<128x128xi32>
    %add3A_298 = arith.addi %add3A_297, %iota3A : vector<128x128xi32>
    %jit3A_299 = arith.constant 1073741824 : i32
    %broadcast_in_dim3A_300 = vector.broadcast %jit3A_299 : i32 to vector<128x128xi32>
    %select_n3A_301 = arith.select %eq3A_295, %add3A_298, %broadcast_in_dim3A_300 : vector<128x128xi1>, vector<128x128xi32>
    %min3A_302 = arith.minsi %min3A_286, %select_n3A_301 : vector<128x128xi32>
    %get3A_303 = arith.constant 0 : index
    %get3A_304 = arith.constant 1920 : index
    %get3A_305 = vector.load %arg1[%get3A_303, %get3A_304] : memref<128x2048xf32, #tpu.memory_space<vmem>>, vector<128x128xf32>
    %sub3A_306 = vector.broadcast %max3A_69 : vector<128x1xf32> to vector<128x128xf32>
    %sub3A_307 = arith.subf %get3A_305, %sub3A_306 : vector<128x128xf32>
    %exp3A_308 = math.exp %sub3A_307 : vector<128x128xf32>
    %add3A_309 = arith.addf %add3A_293, %exp3A_308 : vector<128x128xf32>
    %eq3A_310 = vector.broadcast %broadcast_in_dim3A : vector<128x1xf32> to vector<128x128xf32>
    %eq3A_311 = arith.cmpf oeq, %get3A_305, %eq3A_310 : vector<128x128xf32>
    %add3A_312 = arith.constant 1920 : i32
    %add3A_313 = vector.broadcast %add3A_312 : i32 to vector<128x128xi32>
    %add3A_314 = arith.addi %add3A_313, %iota3A : vector<128x128xi32>
    %jit3A_315 = arith.constant 1073741824 : i32
    %broadcast_in_dim3A_316 = vector.broadcast %jit3A_315 : i32 to vector<128x128xi32>
    %select_n3A_317 = arith.select %eq3A_311, %add3A_314, %broadcast_in_dim3A_316 : vector<128x128xi1>, vector<128x128xi32>
    %min3A_318 = arith.minsi %min3A_302, %select_n3A_317 : vector<128x128xi32>
    %reduce_sum3A = arith.constant dense<0.000000e+00> : vector<128xf32>
    %reduce_sum3A_319 = vector.multi_reduction <add>, %add3A_309, %reduce_sum3A [1] : vector<128x128xf32> to vector<128xf32>
    %broadcast_in_dim3A_320 = vector.shape_cast %reduce_sum3A_319 : vector<128xf32> to vector<128x1xf32>
    %reduce_min3A = arith.constant dense<2147483647> : vector<128xi32>
    %reduce_min3A_321 = vector.multi_reduction <minsi>, %min3A_318, %reduce_min3A [1] : vector<128x128xi32> to vector<128xi32>
    %broadcast_in_dim3A_322 = vector.shape_cast %reduce_min3A_321 : vector<128xi32> to vector<128x1xi32>
    %add3A_323 = vector.broadcast %mul3A_3 : i32 to vector<128x1xi32>
    %add3A_324 = arith.addi %broadcast_in_dim3A_322, %add3A_323 : vector<128x1xi32>
    %get3A_325 = arith.constant 0 : index
    %get3A_326 = arith.constant 0 : index
    %get3A_327 = vector.load %arg11[%get3A_325, %get3A_326] : memref<128x1xf32, #tpu.memory_space<vmem>>, vector<128x1xf32>
    %sub3A_328 = arith.subf %get3A_68, %max3A_69 : vector<128x1xf32>
    %exp3A_329 = math.exp %sub3A_328 : vector<128x1xf32>
    %mul3A_330 = arith.mulf %get3A_327, %exp3A_329 : vector<128x1xf32>
    %add3A_331 = arith.addf %mul3A_330, %broadcast_in_dim3A_320 : vector<128x1xf32>
    %swap3A = arith.constant 0 : index
    %swap3A_332 = arith.constant 0 : index
    %swap3A_333 = vector.load %arg11[%swap3A, %swap3A_332] : memref<128x1xf32, #tpu.memory_space<vmem>>, vector<128x1xf32>
    tpu.vector_store %arg11[%swap3A, %swap3A_332], %add3A_331 {strides = array<i32>} : memref<128x1xf32, #tpu.memory_space<vmem>>, vector<128x1xf32>,
    %swap3A_334 = arith.constant 0 : index
    %swap3A_335 = arith.constant 0 : index
    %swap3A_336 = vector.load %arg10[%swap3A_334, %swap3A_335] : memref<128x1xf32, #tpu.memory_space<vmem>>, vector<128x1xf32>
    tpu.vector_store %arg10[%swap3A_334, %swap3A_335], %max3A_69 {strides = array<i32>} : memref<128x1xf32, #tpu.memory_space<vmem>>, vector<128x1xf32>,
    %get3A_337 = arith.constant 0 : index
    %get3A_338 = arith.constant 0 : index
    %get3A_339 = vector.load %arg12[%get3A_337, %get3A_338] : memref<128x1xf32, #tpu.memory_space<vmem>>, vector<128x1xf32>
    %get3A_340 = arith.constant 0 : index
    %get3A_341 = arith.constant 0 : index
    %get3A_342 = vector.load %arg13[%get3A_340, %get3A_341] : memref<128x1xi32, #tpu.memory_space<vmem>>, vector<128x1xi32>
    %gt3A = arith.cmpf ogt, %broadcast_in_dim3A, %get3A_339 : vector<128x1xf32>
    %eq3A_343 = arith.cmpf oeq, %broadcast_in_dim3A, %get3A_339 : vector<128x1xf32>
    %lt3A = arith.cmpi slt, %add3A_324, %get3A_342 : vector<128x1xi32>
    %and3A = arith.andi %eq3A_343, %lt3A : vector<128x1xi1>
    %or3A = arith.ori %gt3A, %and3A : vector<128x1xi1>
    %select_n3A_344 = arith.select %or3A, %broadcast_in_dim3A, %get3A_339 : vector<128x1xi1>, vector<128x1xf32>
    %swap3A_345 = arith.constant 0 : index
    %swap3A_346 = arith.constant 0 : index
    %swap3A_347 = vector.load %arg12[%swap3A_345, %swap3A_346] : memref<128x1xf32, #tpu.memory_space<vmem>>, vector<128x1xf32>
    tpu.vector_store %arg12[%swap3A_345, %swap3A_346], %select_n3A_344 {strides = array<i32>} : memref<128x1xf32, #tpu.memory_space<vmem>>, vector<128x1xf32>,
    %select_n3A_348 = arith.select %or3A, %add3A_324, %get3A_342 : vector<128x1xi1>, vector<128x1xi32>
    %swap3A_349 = arith.constant 0 : index
    %swap3A_350 = arith.constant 0 : index
    %swap3A_351 = vector.load %arg13[%swap3A_349, %swap3A_350] : memref<128x1xi32, #tpu.memory_space<vmem>>, vector<128x1xi32>
    tpu.vector_store %arg13[%swap3A_349, %swap3A_350], %select_n3A_348 {strides = array<i32>} : memref<128x1xi32, #tpu.memory_space<vmem>>, vector<128x1xi32>,
    %add3A_352 = arith.constant 7 : i32
    %add3A_353 = arith.addi %add3A_352, %arg0 : i32
    %mul3A_354 = arith.constant 2048 : i32
    %mul3A_355 = arith.muli %add3A_353, %mul3A_354 : i32
    %get3A_356 = arith.constant 0 : index
    %get3A_357 = arith.constant 0 : index
    %get3A_358 = vector.load %arg2[%get3A_356, %get3A_357] : memref<128x2048xf32, #tpu.memory_space<vmem>>, vector<128x128xf32>
    %get3A_359 = arith.constant 0 : index
    %get3A_360 = arith.constant 128 : index
    %get3A_361 = vector.load %arg2[%get3A_359, %get3A_360] : memref<128x2048xf32, #tpu.memory_space<vmem>>, vector<128x128xf32>
    %max3A_362 = arith.maximumf %get3A_358, %get3A_361 : vector<128x128xf32>
    %get3A_363 = arith.constant 0 : index
    %get3A_364 = arith.constant 256 : index
    %get3A_365 = vector.load %arg2[%get3A_363, %get3A_364] : memref<128x2048xf32, #tpu.memory_space<vmem>>, vector<128x128xf32>
    %max3A_366 = arith.maximumf %max3A_362, %get3A_365 : vector<128x128xf32>
    %get3A_367 = arith.constant 0 : index
    %get3A_368 = arith.constant 384 : index
    %get3A_369 = vector.load %arg2[%get3A_367, %get3A_368] : memref<128x2048xf32, #tpu.memory_space<vmem>>, vector<128x128xf32>
    %max3A_370 = arith.maximumf %max3A_366, %get3A_369 : vector<128x128xf32>
    %get3A_371 = arith.constant 0 : index
    %get3A_372 = arith.constant 512 : index
    %get3A_373 = vector.load %arg2[%get3A_371, %get3A_372] : memref<128x2048xf32, #tpu.memory_space<vmem>>, vector<128x128xf32>
    %max3A_374 = arith.maximumf %max3A_370, %get3A_373 : vector<128x128xf32>
    %get3A_375 = arith.constant 0 : index
    %get3A_376 = arith.constant 640 : index
    %get3A_377 = vector.load %arg2[%get3A_375, %get3A_376] : memref<128x2048xf32, #tpu.memory_space<vmem>>, vector<128x128xf32>
    %max3A_378 = arith.maximumf %max3A_374, %get3A_377 : vector<128x128xf32>
    %get3A_379 = arith.constant 0 : index
    %get3A_380 = arith.constant 768 : index
    %get3A_381 = vector.load %arg2[%get3A_379, %get3A_380] : memref<128x2048xf32, #tpu.memory_space<vmem>>, vector<128x128xf32>
    %max3A_382 = arith.maximumf %max3A_378, %get3A_381 : vector<128x128xf32>
    %get3A_383 = arith.constant 0 : index
    %get3A_384 = arith.constant 896 : index
    %get3A_385 = vector.load %arg2[%get3A_383, %get3A_384] : memref<128x2048xf32, #tpu.memory_space<vmem>>, vector<128x128xf32>
    %max3A_386 = arith.maximumf %max3A_382, %get3A_385 : vector<128x128xf32>
    %get3A_387 = arith.constant 0 : index
    %get3A_388 = arith.constant 1024 : index
    %get3A_389 = vector.load %arg2[%get3A_387, %get3A_388] : memref<128x2048xf32, #tpu.memory_space<vmem>>, vector<128x128xf32>
    %max3A_390 = arith.maximumf %max3A_386, %get3A_389 : vector<128x128xf32>
    %get3A_391 = arith.constant 0 : index
    %get3A_392 = arith.constant 1152 : index
    %get3A_393 = vector.load %arg2[%get3A_391, %get3A_392] : memref<128x2048xf32, #tpu.memory_space<vmem>>, vector<128x128xf32>
    %max3A_394 = arith.maximumf %max3A_390, %get3A_393 : vector<128x128xf32>
    %get3A_395 = arith.constant 0 : index
    %get3A_396 = arith.constant 1280 : index
    %get3A_397 = vector.load %arg2[%get3A_395, %get3A_396] : memref<128x2048xf32, #tpu.memory_space<vmem>>, vector<128x128xf32>
    %max3A_398 = arith.maximumf %max3A_394, %get3A_397 : vector<128x128xf32>
    %get3A_399 = arith.constant 0 : index
    %get3A_400 = arith.constant 1408 : index
    %get3A_401 = vector.load %arg2[%get3A_399, %get3A_400] : memref<128x2048xf32, #tpu.memory_space<vmem>>, vector<128x128xf32>
    %max3A_402 = arith.maximumf %max3A_398, %get3A_401 : vector<128x128xf32>
    %get3A_403 = arith.constant 0 : index
    %get3A_404 = arith.constant 1536 : index
    %get3A_405 = vector.load %arg2[%get3A_403, %get3A_404] : memref<128x2048xf32, #tpu.memory_space<vmem>>, vector<128x128xf32>
    %max3A_406 = arith.maximumf %max3A_402, %get3A_405 : vector<128x128xf32>
    %get3A_407 = arith.constant 0 : index
    %get3A_408 = arith.constant 1664 : index
    %get3A_409 = vector.load %arg2[%get3A_407, %get3A_408] : memref<128x2048xf32, #tpu.memory_space<vmem>>, vector<128x128xf32>
    %max3A_410 = arith.maximumf %max3A_406, %get3A_409 : vector<128x128xf32>
    %get3A_411 = arith.constant 0 : index
    %get3A_412 = arith.constant 1792 : index
    %get3A_413 = vector.load %arg2[%get3A_411, %get3A_412] : memref<128x2048xf32, #tpu.memory_space<vmem>>, vector<128x128xf32>
    %max3A_414 = arith.maximumf %max3A_410, %get3A_413 : vector<128x128xf32>
    %get3A_415 = arith.constant 0 : index
    %get3A_416 = arith.constant 1920 : index
    %get3A_417 = vector.load %arg2[%get3A_415, %get3A_416] : memref<128x2048xf32, #tpu.memory_space<vmem>>, vector<128x128xf32>
    %max3A_418 = arith.maximumf %max3A_414, %get3A_417 : vector<128x128xf32>
    %reduce_max3A_419 = arith.constant dense<0xFF800000> : vector<128xf32>
    %reduce_max3A_420 = vector.multi_reduction <maximumf>, %max3A_418, %reduce_max3A_419 [1] : vector<128x128xf32> to vector<128xf32>
    %broadcast_in_dim3A_421 = vector.shape_cast %reduce_max3A_420 : vector<128xf32> to vector<128x1xf32>
    %get3A_422 = arith.constant 0 : index
    %get3A_423 = arith.constant 0 : index
    %get3A_424 = vector.load %arg10[%get3A_422, %get3A_423] : memref<128x1xf32, #tpu.memory_space<vmem>>, vector<128x1xf32>
    %max3A_425 = arith.maximumf %get3A_424, %broadcast_in_dim3A_421 : vector<128x1xf32>
    %get3A_426 = arith.constant 0 : index
    %get3A_427 = arith.constant 0 : index
    %get3A_428 = vector.load %arg2[%get3A_426, %get3A_427] : memref<128x2048xf32, #tpu.memory_space<vmem>>, vector<128x128xf32>
    %sub3A_429 = vector.broadcast %max3A_425 : vector<128x1xf32> to vector<128x128xf32>
    %sub3A_430 = arith.subf %get3A_428, %sub3A_429 : vector<128x128xf32>
    %exp3A_431 = math.exp %sub3A_430 : vector<128x128xf32>
    %eq3A_432 = vector.broadcast %broadcast_in_dim3A_421 : vector<128x1xf32> to vector<128x128xf32>
    %eq3A_433 = arith.cmpf oeq, %get3A_428, %eq3A_432 : vector<128x128xf32>
    %add3A_434 = arith.constant 0 : i32
    %add3A_435 = vector.broadcast %add3A_434 : i32 to vector<128x128xi32>
    %add3A_436 = arith.addi %add3A_435, %iota3A : vector<128x128xi32>
    %jit3A_437 = arith.constant 1073741824 : i32
    %broadcast_in_dim3A_438 = vector.broadcast %jit3A_437 : i32 to vector<128x128xi32>
    %select_n3A_439 = arith.select %eq3A_433, %add3A_436, %broadcast_in_dim3A_438 : vector<128x128xi1>, vector<128x128xi32>
    %get3A_440 = arith.constant 0 : index
    %get3A_441 = arith.constant 128 : index
    %get3A_442 = vector.load %arg2[%get3A_440, %get3A_441] : memref<128x2048xf32, #tpu.memory_space<vmem>>, vector<128x128xf32>
    %sub3A_443 = vector.broadcast %max3A_425 : vector<128x1xf32> to vector<128x128xf32>
    %sub3A_444 = arith.subf %get3A_442, %sub3A_443 : vector<128x128xf32>
    %exp3A_445 = math.exp %sub3A_444 : vector<128x128xf32>
    %add3A_446 = arith.addf %exp3A_431, %exp3A_445 : vector<128x128xf32>
    %eq3A_447 = vector.broadcast %broadcast_in_dim3A_421 : vector<128x1xf32> to vector<128x128xf32>
    %eq3A_448 = arith.cmpf oeq, %get3A_442, %eq3A_447 : vector<128x128xf32>
    %add3A_449 = arith.constant 128 : i32
    %add3A_450 = vector.broadcast %add3A_449 : i32 to vector<128x128xi32>
    %add3A_451 = arith.addi %add3A_450, %iota3A : vector<128x128xi32>
    %jit3A_452 = arith.constant 1073741824 : i32
    %broadcast_in_dim3A_453 = vector.broadcast %jit3A_452 : i32 to vector<128x128xi32>
    %select_n3A_454 = arith.select %eq3A_448, %add3A_451, %broadcast_in_dim3A_453 : vector<128x128xi1>, vector<128x128xi32>
    %min3A_455 = arith.minsi %select_n3A_439, %select_n3A_454 : vector<128x128xi32>
    %get3A_456 = arith.constant 0 : index
    %get3A_457 = arith.constant 256 : index
    %get3A_458 = vector.load %arg2[%get3A_456, %get3A_457] : memref<128x2048xf32, #tpu.memory_space<vmem>>, vector<128x128xf32>
    %sub3A_459 = vector.broadcast %max3A_425 : vector<128x1xf32> to vector<128x128xf32>
    %sub3A_460 = arith.subf %get3A_458, %sub3A_459 : vector<128x128xf32>
    %exp3A_461 = math.exp %sub3A_460 : vector<128x128xf32>
    %add3A_462 = arith.addf %add3A_446, %exp3A_461 : vector<128x128xf32>
    %eq3A_463 = vector.broadcast %broadcast_in_dim3A_421 : vector<128x1xf32> to vector<128x128xf32>
    %eq3A_464 = arith.cmpf oeq, %get3A_458, %eq3A_463 : vector<128x128xf32>
    %add3A_465 = arith.constant 256 : i32
    %add3A_466 = vector.broadcast %add3A_465 : i32 to vector<128x128xi32>
    %add3A_467 = arith.addi %add3A_466, %iota3A : vector<128x128xi32>
    %jit3A_468 = arith.constant 1073741824 : i32
    %broadcast_in_dim3A_469 = vector.broadcast %jit3A_468 : i32 to vector<128x128xi32>
    %select_n3A_470 = arith.select %eq3A_464, %add3A_467, %broadcast_in_dim3A_469 : vector<128x128xi1>, vector<128x128xi32>
    %min3A_471 = arith.minsi %min3A_455, %select_n3A_470 : vector<128x128xi32>
    %get3A_472 = arith.constant 0 : index
    %get3A_473 = arith.constant 384 : index
    %get3A_474 = vector.load %arg2[%get3A_472, %get3A_473] : memref<128x2048xf32, #tpu.memory_space<vmem>>, vector<128x128xf32>
    %sub3A_475 = vector.broadcast %max3A_425 : vector<128x1xf32> to vector<128x128xf32>
    %sub3A_476 = arith.subf %get3A_474, %sub3A_475 : vector<128x128xf32>
    %exp3A_477 = math.exp %sub3A_476 : vector<128x128xf32>
    %add3A_478 = arith.addf %add3A_462, %exp3A_477 : vector<128x128xf32>
    %eq3A_479 = vector.broadcast %broadcast_in_dim3A_421 : vector<128x1xf32> to vector<128x128xf32>
    %eq3A_480 = arith.cmpf oeq, %get3A_474, %eq3A_479 : vector<128x128xf32>
    %add3A_481 = arith.constant 384 : i32
    %add3A_482 = vector.broadcast %add3A_481 : i32 to vector<128x128xi32>
    %add3A_483 = arith.addi %add3A_482, %iota3A : vector<128x128xi32>
    %jit3A_484 = arith.constant 1073741824 : i32
    %broadcast_in_dim3A_485 = vector.broadcast %jit3A_484 : i32 to vector<128x128xi32>
    %select_n3A_486 = arith.select %eq3A_480, %add3A_483, %broadcast_in_dim3A_485 : vector<128x128xi1>, vector<128x128xi32>
    %min3A_487 = arith.minsi %min3A_471, %select_n3A_486 : vector<128x128xi32>
    %get3A_488 = arith.constant 0 : index
    %get3A_489 = arith.constant 512 : index
    %get3A_490 = vector.load %arg2[%get3A_488, %get3A_489] : memref<128x2048xf32, #tpu.memory_space<vmem>>, vector<128x128xf32>
    %sub3A_491 = vector.broadcast %max3A_425 : vector<128x1xf32> to vector<128x128xf32>
    %sub3A_492 = arith.subf %get3A_490, %sub3A_491 : vector<128x128xf32>
    %exp3A_493 = math.exp %sub3A_492 : vector<128x128xf32>
    %add3A_494 = arith.addf %add3A_478, %exp3A_493 : vector<128x128xf32>
    %eq3A_495 = vector.broadcast %broadcast_in_dim3A_421 : vector<128x1xf32> to vector<128x128xf32>
    %eq3A_496 = arith.cmpf oeq, %get3A_490, %eq3A_495 : vector<128x128xf32>
    %add3A_497 = arith.constant 512 : i32
    %add3A_498 = vector.broadcast %add3A_497 : i32 to vector<128x128xi32>
    %add3A_499 = arith.addi %add3A_498, %iota3A : vector<128x128xi32>
    %jit3A_500 = arith.constant 1073741824 : i32
    %broadcast_in_dim3A_501 = vector.broadcast %jit3A_500 : i32 to vector<128x128xi32>
    %select_n3A_502 = arith.select %eq3A_496, %add3A_499, %broadcast_in_dim3A_501 : vector<128x128xi1>, vector<128x128xi32>
    %min3A_503 = arith.minsi %min3A_487, %select_n3A_502 : vector<128x128xi32>
    %get3A_504 = arith.constant 0 : index
    %get3A_505 = arith.constant 640 : index
    %get3A_506 = vector.load %arg2[%get3A_504, %get3A_505] : memref<128x2048xf32, #tpu.memory_space<vmem>>, vector<128x128xf32>
    %sub3A_507 = vector.broadcast %max3A_425 : vector<128x1xf32> to vector<128x128xf32>
    %sub3A_508 = arith.subf %get3A_506, %sub3A_507 : vector<128x128xf32>
    %exp3A_509 = math.exp %sub3A_508 : vector<128x128xf32>
    %add3A_510 = arith.addf %add3A_494, %exp3A_509 : vector<128x128xf32>
    %eq3A_511 = vector.broadcast %broadcast_in_dim3A_421 : vector<128x1xf32> to vector<128x128xf32>
    %eq3A_512 = arith.cmpf oeq, %get3A_506, %eq3A_511 : vector<128x128xf32>
    %add3A_513 = arith.constant 640 : i32
    %add3A_514 = vector.broadcast %add3A_513 : i32 to vector<128x128xi32>
    %add3A_515 = arith.addi %add3A_514, %iota3A : vector<128x128xi32>
    %jit3A_516 = arith.constant 1073741824 : i32
    %broadcast_in_dim3A_517 = vector.broadcast %jit3A_516 : i32 to vector<128x128xi32>
    %select_n3A_518 = arith.select %eq3A_512, %add3A_515, %broadcast_in_dim3A_517 : vector<128x128xi1>, vector<128x128xi32>
    %min3A_519 = arith.minsi %min3A_503, %select_n3A_518 : vector<128x128xi32>
    %get3A_520 = arith.constant 0 : index
    %get3A_521 = arith.constant 768 : index
    %get3A_522 = vector.load %arg2[%get3A_520, %get3A_521] : memref<128x2048xf32, #tpu.memory_space<vmem>>, vector<128x128xf32>
    %sub3A_523 = vector.broadcast %max3A_425 : vector<128x1xf32> to vector<128x128xf32>
    %sub3A_524 = arith.subf %get3A_522, %sub3A_523 : vector<128x128xf32>
    %exp3A_525 = math.exp %sub3A_524 : vector<128x128xf32>
    %add3A_526 = arith.addf %add3A_510, %exp3A_525 : vector<128x128xf32>
    %eq3A_527 = vector.broadcast %broadcast_in_dim3A_421 : vector<128x1xf32> to vector<128x128xf32>
    %eq3A_528 = arith.cmpf oeq, %get3A_522, %eq3A_527 : vector<128x128xf32>
    %add3A_529 = arith.constant 768 : i32
    %add3A_530 = vector.broadcast %add3A_529 : i32 to vector<128x128xi32>
    %add3A_531 = arith.addi %add3A_530, %iota3A : vector<128x128xi32>
    %jit3A_532 = arith.constant 1073741824 : i32
    %broadcast_in_dim3A_533 = vector.broadcast %jit3A_532 : i32 to vector<128x128xi32>
    %select_n3A_534 = arith.select %eq3A_528, %add3A_531, %broadcast_in_dim3A_533 : vector<128x128xi1>, vector<128x128xi32>
    %min3A_535 = arith.minsi %min3A_519, %select_n3A_534 : vector<128x128xi32>
    %get3A_536 = arith.constant 0 : index
    %get3A_537 = arith.constant 896 : index
    %get3A_538 = vector.load %arg2[%get3A_536, %get3A_537] : memref<128x2048xf32, #tpu.memory_space<vmem>>, vector<128x128xf32>
    %sub3A_539 = vector.broadcast %max3A_425 : vector<128x1xf32> to vector<128x128xf32>
    %sub3A_540 = arith.subf %get3A_538, %sub3A_539 : vector<128x128xf32>
    %exp3A_541 = math.exp %sub3A_540 : vector<128x128xf32>
    %add3A_542 = arith.addf %add3A_526, %exp3A_541 : vector<128x128xf32>
    %eq3A_543 = vector.broadcast %broadcast_in_dim3A_421 : vector<128x1xf32> to vector<128x128xf32>
    %eq3A_544 = arith.cmpf oeq, %get3A_538, %eq3A_543 : vector<128x128xf32>
    %add3A_545 = arith.constant 896 : i32
    %add3A_546 = vector.broadcast %add3A_545 : i32 to vector<128x128xi32>
    %add3A_547 = arith.addi %add3A_546, %iota3A : vector<128x128xi32>
    %jit3A_548 = arith.constant 1073741824 : i32
    %broadcast_in_dim3A_549 = vector.broadcast %jit3A_548 : i32 to vector<128x128xi32>
    %select_n3A_550 = arith.select %eq3A_544, %add3A_547, %broadcast_in_dim3A_549 : vector<128x128xi1>, vector<128x128xi32>
    %min3A_551 = arith.minsi %min3A_535, %select_n3A_550 : vector<128x128xi32>
    %get3A_552 = arith.constant 0 : index
    %get3A_553 = arith.constant 1024 : index
    %get3A_554 = vector.load %arg2[%get3A_552, %get3A_553] : memref<128x2048xf32, #tpu.memory_space<vmem>>, vector<128x128xf32>
    %sub3A_555 = vector.broadcast %max3A_425 : vector<128x1xf32> to vector<128x128xf32>
    %sub3A_556 = arith.subf %get3A_554, %sub3A_555 : vector<128x128xf32>
    %exp3A_557 = math.exp %sub3A_556 : vector<128x128xf32>
    %add3A_558 = arith.addf %add3A_542, %exp3A_557 : vector<128x128xf32>
    %eq3A_559 = vector.broadcast %broadcast_in_dim3A_421 : vector<128x1xf32> to vector<128x128xf32>
    %eq3A_560 = arith.cmpf oeq, %get3A_554, %eq3A_559 : vector<128x128xf32>
    %add3A_561 = arith.constant 1024 : i32
    %add3A_562 = vector.broadcast %add3A_561 : i32 to vector<128x128xi32>
    %add3A_563 = arith.addi %add3A_562, %iota3A : vector<128x128xi32>
    %jit3A_564 = arith.constant 1073741824 : i32
    %broadcast_in_dim3A_565 = vector.broadcast %jit3A_564 : i32 to vector<128x128xi32>
    %select_n3A_566 = arith.select %eq3A_560, %add3A_563, %broadcast_in_dim3A_565 : vector<128x128xi1>, vector<128x128xi32>
    %min3A_567 = arith.minsi %min3A_551, %select_n3A_566 : vector<128x128xi32>
    %get3A_568 = arith.constant 0 : index
    %get3A_569 = arith.constant 1152 : index
    %get3A_570 = vector.load %arg2[%get3A_568, %get3A_569] : memref<128x2048xf32, #tpu.memory_space<vmem>>, vector<128x128xf32>
    %sub3A_571 = vector.broadcast %max3A_425 : vector<128x1xf32> to vector<128x128xf32>
    %sub3A_572 = arith.subf %get3A_570, %sub3A_571 : vector<128x128xf32>
    %exp3A_573 = math.exp %sub3A_572 : vector<128x128xf32>
    %add3A_574 = arith.addf %add3A_558, %exp3A_573 : vector<128x128xf32>
    %eq3A_575 = vector.broadcast %broadcast_in_dim3A_421 : vector<128x1xf32> to vector<128x128xf32>
    %eq3A_576 = arith.cmpf oeq, %get3A_570, %eq3A_575 : vector<128x128xf32>
    %add3A_577 = arith.constant 1152 : i32
    %add3A_578 = vector.broadcast %add3A_577 : i32 to vector<128x128xi32>
    %add3A_579 = arith.addi %add3A_578, %iota3A : vector<128x128xi32>
    %jit3A_580 = arith.constant 1073741824 : i32
    %broadcast_in_dim3A_581 = vector.broadcast %jit3A_580 : i32 to vector<128x128xi32>
    %select_n3A_582 = arith.select %eq3A_576, %add3A_579, %broadcast_in_dim3A_581 : vector<128x128xi1>, vector<128x128xi32>
    %min3A_583 = arith.minsi %min3A_567, %select_n3A_582 : vector<128x128xi32>
    %get3A_584 = arith.constant 0 : index
    %get3A_585 = arith.constant 1280 : index
    %get3A_586 = vector.load %arg2[%get3A_584, %get3A_585] : memref<128x2048xf32, #tpu.memory_space<vmem>>, vector<128x128xf32>
    %sub3A_587 = vector.broadcast %max3A_425 : vector<128x1xf32> to vector<128x128xf32>
    %sub3A_588 = arith.subf %get3A_586, %sub3A_587 : vector<128x128xf32>
    %exp3A_589 = math.exp %sub3A_588 : vector<128x128xf32>
    %add3A_590 = arith.addf %add3A_574, %exp3A_589 : vector<128x128xf32>
    %eq3A_591 = vector.broadcast %broadcast_in_dim3A_421 : vector<128x1xf32> to vector<128x128xf32>
    %eq3A_592 = arith.cmpf oeq, %get3A_586, %eq3A_591 : vector<128x128xf32>
    %add3A_593 = arith.constant 1280 : i32
    %add3A_594 = vector.broadcast %add3A_593 : i32 to vector<128x128xi32>
    %add3A_595 = arith.addi %add3A_594, %iota3A : vector<128x128xi32>
    %jit3A_596 = arith.constant 1073741824 : i32
    %broadcast_in_dim3A_597 = vector.broadcast %jit3A_596 : i32 to vector<128x128xi32>
    %select_n3A_598 = arith.select %eq3A_592, %add3A_595, %broadcast_in_dim3A_597 : vector<128x128xi1>, vector<128x128xi32>
    %min3A_599 = arith.minsi %min3A_583, %select_n3A_598 : vector<128x128xi32>
    %get3A_600 = arith.constant 0 : index
    %get3A_601 = arith.constant 1408 : index
    %get3A_602 = vector.load %arg2[%get3A_600, %get3A_601] : memref<128x2048xf32, #tpu.memory_space<vmem>>, vector<128x128xf32>
    %sub3A_603 = vector.broadcast %max3A_425 : vector<128x1xf32> to vector<128x128xf32>
    %sub3A_604 = arith.subf %get3A_602, %sub3A_603 : vector<128x128xf32>
    %exp3A_605 = math.exp %sub3A_604 : vector<128x128xf32>
    %add3A_606 = arith.addf %add3A_590, %exp3A_605 : vector<128x128xf32>
    %eq3A_607 = vector.broadcast %broadcast_in_dim3A_421 : vector<128x1xf32> to vector<128x128xf32>
    %eq3A_608 = arith.cmpf oeq, %get3A_602, %eq3A_607 : vector<128x128xf32>
    %add3A_609 = arith.constant 1408 : i32
    %add3A_610 = vector.broadcast %add3A_609 : i32 to vector<128x128xi32>
    %add3A_611 = arith.addi %add3A_610, %iota3A : vector<128x128xi32>
    %jit3A_612 = arith.constant 1073741824 : i32
    %broadcast_in_dim3A_613 = vector.broadcast %jit3A_612 : i32 to vector<128x128xi32>
    %select_n3A_614 = arith.select %eq3A_608, %add3A_611, %broadcast_in_dim3A_613 : vector<128x128xi1>, vector<128x128xi32>
    %min3A_615 = arith.minsi %min3A_599, %select_n3A_614 : vector<128x128xi32>
    %get3A_616 = arith.constant 0 : index
    %get3A_617 = arith.constant 1536 : index
    %get3A_618 = vector.load %arg2[%get3A_616, %get3A_617] : memref<128x2048xf32, #tpu.memory_space<vmem>>, vector<128x128xf32>
    %sub3A_619 = vector.broadcast %max3A_425 : vector<128x1xf32> to vector<128x128xf32>
    %sub3A_620 = arith.subf %get3A_618, %sub3A_619 : vector<128x128xf32>
    %exp3A_621 = math.exp %sub3A_620 : vector<128x128xf32>
    %add3A_622 = arith.addf %add3A_606, %exp3A_621 : vector<128x128xf32>
    %eq3A_623 = vector.broadcast %broadcast_in_dim3A_421 : vector<128x1xf32> to vector<128x128xf32>
    %eq3A_624 = arith.cmpf oeq, %get3A_618, %eq3A_623 : vector<128x128xf32>
    %add3A_625 = arith.constant 1536 : i32
    %add3A_626 = vector.broadcast %add3A_625 : i32 to vector<128x128xi32>
    %add3A_627 = arith.addi %add3A_626, %iota3A : vector<128x128xi32>
    %jit3A_628 = arith.constant 1073741824 : i32
    %broadcast_in_dim3A_629 = vector.broadcast %jit3A_628 : i32 to vector<128x128xi32>
    %select_n3A_630 = arith.select %eq3A_624, %add3A_627, %broadcast_in_dim3A_629 : vector<128x128xi1>, vector<128x128xi32>
    %min3A_631 = arith.minsi %min3A_615, %select_n3A_630 : vector<128x128xi32>
    %get3A_632 = arith.constant 0 : index
    %get3A_633 = arith.constant 1664 : index
    %get3A_634 = vector.load %arg2[%get3A_632, %get3A_633] : memref<128x2048xf32, #tpu.memory_space<vmem>>, vector<128x128xf32>
    %sub3A_635 = vector.broadcast %max3A_425 : vector<128x1xf32> to vector<128x128xf32>
    %sub3A_636 = arith.subf %get3A_634, %sub3A_635 : vector<128x128xf32>
    %exp3A_637 = math.exp %sub3A_636 : vector<128x128xf32>
    %add3A_638 = arith.addf %add3A_622, %exp3A_637 : vector<128x128xf32>
    %eq3A_639 = vector.broadcast %broadcast_in_dim3A_421 : vector<128x1xf32> to vector<128x128xf32>
    %eq3A_640 = arith.cmpf oeq, %get3A_634, %eq3A_639 : vector<128x128xf32>
    %add3A_641 = arith.constant 1664 : i32
    %add3A_642 = vector.broadcast %add3A_641 : i32 to vector<128x128xi32>
    %add3A_643 = arith.addi %add3A_642, %iota3A : vector<128x128xi32>
    %jit3A_644 = arith.constant 1073741824 : i32
    %broadcast_in_dim3A_645 = vector.broadcast %jit3A_644 : i32 to vector<128x128xi32>
    %select_n3A_646 = arith.select %eq3A_640, %add3A_643, %broadcast_in_dim3A_645 : vector<128x128xi1>, vector<128x128xi32>
    %min3A_647 = arith.minsi %min3A_631, %select_n3A_646 : vector<128x128xi32>
    %get3A_648 = arith.constant 0 : index
    %get3A_649 = arith.constant 1792 : index
    %get3A_650 = vector.load %arg2[%get3A_648, %get3A_649] : memref<128x2048xf32, #tpu.memory_space<vmem>>, vector<128x128xf32>
    %sub3A_651 = vector.broadcast %max3A_425 : vector<128x1xf32> to vector<128x128xf32>
    %sub3A_652 = arith.subf %get3A_650, %sub3A_651 : vector<128x128xf32>
    %exp3A_653 = math.exp %sub3A_652 : vector<128x128xf32>
    %add3A_654 = arith.addf %add3A_638, %exp3A_653 : vector<128x128xf32>
    %eq3A_655 = vector.broadcast %broadcast_in_dim3A_421 : vector<128x1xf32> to vector<128x128xf32>
    %eq3A_656 = arith.cmpf oeq, %get3A_650, %eq3A_655 : vector<128x128xf32>
    %add3A_657 = arith.constant 1792 : i32
    %add3A_658 = vector.broadcast %add3A_657 : i32 to vector<128x128xi32>
    %add3A_659 = arith.addi %add3A_658, %iota3A : vector<128x128xi32>
    %jit3A_660 = arith.constant 1073741824 : i32
    %broadcast_in_dim3A_661 = vector.broadcast %jit3A_660 : i32 to vector<128x128xi32>
    %select_n3A_662 = arith.select %eq3A_656, %add3A_659, %broadcast_in_dim3A_661 : vector<128x128xi1>, vector<128x128xi32>
    %min3A_663 = arith.minsi %min3A_647, %select_n3A_662 : vector<128x128xi32>
    %get3A_664 = arith.constant 0 : index
    %get3A_665 = arith.constant 1920 : index
    %get3A_666 = vector.load %arg2[%get3A_664, %get3A_665] : memref<128x2048xf32, #tpu.memory_space<vmem>>, vector<128x128xf32>
    %sub3A_667 = vector.broadcast %max3A_425 : vector<128x1xf32> to vector<128x128xf32>
    %sub3A_668 = arith.subf %get3A_666, %sub3A_667 : vector<128x128xf32>
    %exp3A_669 = math.exp %sub3A_668 : vector<128x128xf32>
    %add3A_670 = arith.addf %add3A_654, %exp3A_669 : vector<128x128xf32>
    %eq3A_671 = vector.broadcast %broadcast_in_dim3A_421 : vector<128x1xf32> to vector<128x128xf32>
    %eq3A_672 = arith.cmpf oeq, %get3A_666, %eq3A_671 : vector<128x128xf32>
    %add3A_673 = arith.constant 1920 : i32
    %add3A_674 = vector.broadcast %add3A_673 : i32 to vector<128x128xi32>
    %add3A_675 = arith.addi %add3A_674, %iota3A : vector<128x128xi32>
    %jit3A_676 = arith.constant 1073741824 : i32
    %broadcast_in_dim3A_677 = vector.broadcast %jit3A_676 : i32 to vector<128x128xi32>
    %select_n3A_678 = arith.select %eq3A_672, %add3A_675, %broadcast_in_dim3A_677 : vector<128x128xi1>, vector<128x128xi32>
    %min3A_679 = arith.minsi %min3A_663, %select_n3A_678 : vector<128x128xi32>
    %reduce_sum3A_680 = arith.constant dense<0.000000e+00> : vector<128xf32>
    %reduce_sum3A_681 = vector.multi_reduction <add>, %add3A_670, %reduce_sum3A_680 [1] : vector<128x128xf32> to vector<128xf32>
    %broadcast_in_dim3A_682 = vector.shape_cast %reduce_sum3A_681 : vector<128xf32> to vector<128x1xf32>
    %reduce_min3A_683 = arith.constant dense<2147483647> : vector<128xi32>
    %reduce_min3A_684 = vector.multi_reduction <minsi>, %min3A_679, %reduce_min3A_683 [1] : vector<128x128xi32> to vector<128xi32>
    %broadcast_in_dim3A_685 = vector.shape_cast %reduce_min3A_684 : vector<128xi32> to vector<128x1xi32>
    %add3A_686 = vector.broadcast %mul3A_355 : i32 to vector<128x1xi32>
    %add3A_687 = arith.addi %broadcast_in_dim3A_685, %add3A_686 : vector<128x1xi32>
    %get3A_688 = arith.constant 0 : index
    %get3A_689 = arith.constant 0 : index
    %get3A_690 = vector.load %arg11[%get3A_688, %get3A_689] : memref<128x1xf32, #tpu.memory_space<vmem>>, vector<128x1xf32>
    %sub3A_691 = arith.subf %get3A_424, %max3A_425 : vector<128x1xf32>
    %exp3A_692 = math.exp %sub3A_691 : vector<128x1xf32>
    %mul3A_693 = arith.mulf %get3A_690, %exp3A_692 : vector<128x1xf32>
    %add3A_694 = arith.addf %mul3A_693, %broadcast_in_dim3A_682 : vector<128x1xf32>
    %swap3A_695 = arith.constant 0 : index
    %swap3A_696 = arith.constant 0 : index
    %swap3A_697 = vector.load %arg11[%swap3A_695, %swap3A_696] : memref<128x1xf32, #tpu.memory_space<vmem>>, vector<128x1xf32>
    tpu.vector_store %arg11[%swap3A_695, %swap3A_696], %add3A_694 {strides = array<i32>} : memref<128x1xf32, #tpu.memory_space<vmem>>, vector<128x1xf32>,
    %swap3A_698 = arith.constant 0 : index
    %swap3A_699 = arith.constant 0 : index
    %swap3A_700 = vector.load %arg10[%swap3A_698, %swap3A_699] : memref<128x1xf32, #tpu.memory_space<vmem>>, vector<128x1xf32>
    tpu.vector_store %arg10[%swap3A_698, %swap3A_699], %max3A_425 {strides = array<i32>} : memref<128x1xf32, #tpu.memory_space<vmem>>, vector<128x1xf32>,
    %get3A_701 = arith.constant 0 : index
    %get3A_702 = arith.constant 0 : index
    %get3A_703 = vector.load %arg12[%get3A_701, %get3A_702] : memref<128x1xf32, #tpu.memory_space<vmem>>, vector<128x1xf32>
    %get3A_704 = arith.constant 0 : index
    %get3A_705 = arith.constant 0 : index
    %get3A_706 = vector.load %arg13[%get3A_704, %get3A_705] : memref<128x1xi32, #tpu.memory_space<vmem>>, vector<128x1xi32>
    %gt3A_707 = arith.cmpf ogt, %broadcast_in_dim3A_421, %get3A_703 : vector<128x1xf32>
    %eq3A_708 = arith.cmpf oeq, %broadcast_in_dim3A_421, %get3A_703 : vector<128x1xf32>
    %lt3A_709 = arith.cmpi slt, %add3A_687, %get3A_706 : vector<128x1xi32>
    %and3A_710 = arith.andi %eq3A_708, %lt3A_709 : vector<128x1xi1>
    %or3A_711 = arith.ori %gt3A_707, %and3A_710 : vector<128x1xi1>
    %select_n3A_712 = arith.select %or3A_711, %broadcast_in_dim3A_421, %get3A_703 : vector<128x1xi1>, vector<128x1xf32>
    %swap3A_713 = arith.constant 0 : index
    %swap3A_714 = arith.constant 0 : index
    %swap3A_715 = vector.load %arg12[%swap3A_713, %swap3A_714] : memref<128x1xf32, #tpu.memory_space<vmem>>, vector<128x1xf32>
    tpu.vector_store %arg12[%swap3A_713, %swap3A_714], %select_n3A_712 {strides = array<i32>} : memref<128x1xf32, #tpu.memory_space<vmem>>, vector<128x1xf32>,
    %select_n3A_716 = arith.select %or3A_711, %add3A_687, %get3A_706 : vector<128x1xi1>, vector<128x1xi32>
    %swap3A_717 = arith.constant 0 : index
    %swap3A_718 = arith.constant 0 : index
    %swap3A_719 = vector.load %arg13[%swap3A_717, %swap3A_718] : memref<128x1xi32, #tpu.memory_space<vmem>>, vector<128x1xi32>
    tpu.vector_store %arg13[%swap3A_717, %swap3A_718], %select_n3A_716 {strides = array<i32>} : memref<128x1xi32, #tpu.memory_space<vmem>>, vector<128x1xi32>,
    %add3A_720 = arith.constant 14 : i32
    %add3A_721 = arith.addi %add3A_720, %arg0 : i32
    %mul3A_722 = arith.constant 2048 : i32
    %mul3A_723 = arith.muli %add3A_721, %mul3A_722 : i32
    %get3A_724 = arith.constant 0 : index
    %get3A_725 = arith.constant 0 : index
    %get3A_726 = vector.load %arg3[%get3A_724, %get3A_725] : memref<128x2048xf32, #tpu.memory_space<vmem>>, vector<128x128xf32>
    %get3A_727 = arith.constant 0 : index
    %get3A_728 = arith.constant 128 : index
    %get3A_729 = vector.load %arg3[%get3A_727, %get3A_728] : memref<128x2048xf32, #tpu.memory_space<vmem>>, vector<128x128xf32>
    %max3A_730 = arith.maximumf %get3A_726, %get3A_729 : vector<128x128xf32>
    %get3A_731 = arith.constant 0 : index
    %get3A_732 = arith.constant 256 : index
    %get3A_733 = vector.load %arg3[%get3A_731, %get3A_732] : memref<128x2048xf32, #tpu.memory_space<vmem>>, vector<128x128xf32>
    %max3A_734 = arith.maximumf %max3A_730, %get3A_733 : vector<128x128xf32>
    %get3A_735 = arith.constant 0 : index
    %get3A_736 = arith.constant 384 : index
    %get3A_737 = vector.load %arg3[%get3A_735, %get3A_736] : memref<128x2048xf32, #tpu.memory_space<vmem>>, vector<128x128xf32>
    %max3A_738 = arith.maximumf %max3A_734, %get3A_737 : vector<128x128xf32>
    %get3A_739 = arith.constant 0 : index
    %get3A_740 = arith.constant 512 : index
    %get3A_741 = vector.load %arg3[%get3A_739, %get3A_740] : memref<128x2048xf32, #tpu.memory_space<vmem>>, vector<128x128xf32>
    %max3A_742 = arith.maximumf %max3A_738, %get3A_741 : vector<128x128xf32>
    %get3A_743 = arith.constant 0 : index
    %get3A_744 = arith.constant 640 : index
    %get3A_745 = vector.load %arg3[%get3A_743, %get3A_744] : memref<128x2048xf32, #tpu.memory_space<vmem>>, vector<128x128xf32>
    %max3A_746 = arith.maximumf %max3A_742, %get3A_745 : vector<128x128xf32>
    %get3A_747 = arith.constant 0 : index
    %get3A_748 = arith.constant 768 : index
    %get3A_749 = vector.load %arg3[%get3A_747, %get3A_748] : memref<128x2048xf32, #tpu.memory_space<vmem>>, vector<128x128xf32>
    %max3A_750 = arith.maximumf %max3A_746, %get3A_749 : vector<128x128xf32>
    %get3A_751 = arith.constant 0 : index
    %get3A_752 = arith.constant 896 : index
    %get3A_753 = vector.load %arg3[%get3A_751, %get3A_752] : memref<128x2048xf32, #tpu.memory_space<vmem>>, vector<128x128xf32>
    %max3A_754 = arith.maximumf %max3A_750, %get3A_753 : vector<128x128xf32>
    %get3A_755 = arith.constant 0 : index
    %get3A_756 = arith.constant 1024 : index
    %get3A_757 = vector.load %arg3[%get3A_755, %get3A_756] : memref<128x2048xf32, #tpu.memory_space<vmem>>, vector<128x128xf32>
    %max3A_758 = arith.maximumf %max3A_754, %get3A_757 : vector<128x128xf32>
    %get3A_759 = arith.constant 0 : index
    %get3A_760 = arith.constant 1152 : index
    %get3A_761 = vector.load %arg3[%get3A_759, %get3A_760] : memref<128x2048xf32, #tpu.memory_space<vmem>>, vector<128x128xf32>
    %max3A_762 = arith.maximumf %max3A_758, %get3A_761 : vector<128x128xf32>
    %get3A_763 = arith.constant 0 : index
    %get3A_764 = arith.constant 1280 : index
    %get3A_765 = vector.load %arg3[%get3A_763, %get3A_764] : memref<128x2048xf32, #tpu.memory_space<vmem>>, vector<128x128xf32>
    %max3A_766 = arith.maximumf %max3A_762, %get3A_765 : vector<128x128xf32>
    %get3A_767 = arith.constant 0 : index
    %get3A_768 = arith.constant 1408 : index
    %get3A_769 = vector.load %arg3[%get3A_767, %get3A_768] : memref<128x2048xf32, #tpu.memory_space<vmem>>, vector<128x128xf32>
    %max3A_770 = arith.maximumf %max3A_766, %get3A_769 : vector<128x128xf32>
    %get3A_771 = arith.constant 0 : index
    %get3A_772 = arith.constant 1536 : index
    %get3A_773 = vector.load %arg3[%get3A_771, %get3A_772] : memref<128x2048xf32, #tpu.memory_space<vmem>>, vector<128x128xf32>
    %max3A_774 = arith.maximumf %max3A_770, %get3A_773 : vector<128x128xf32>
    %get3A_775 = arith.constant 0 : index
    %get3A_776 = arith.constant 1664 : index
    %get3A_777 = vector.load %arg3[%get3A_775, %get3A_776] : memref<128x2048xf32, #tpu.memory_space<vmem>>, vector<128x128xf32>
    %max3A_778 = arith.maximumf %max3A_774, %get3A_777 : vector<128x128xf32>
    %get3A_779 = arith.constant 0 : index
    %get3A_780 = arith.constant 1792 : index
    %get3A_781 = vector.load %arg3[%get3A_779, %get3A_780] : memref<128x2048xf32, #tpu.memory_space<vmem>>, vector<128x128xf32>
    %max3A_782 = arith.maximumf %max3A_778, %get3A_781 : vector<128x128xf32>
    %get3A_783 = arith.constant 0 : index
    %get3A_784 = arith.constant 1920 : index
    %get3A_785 = vector.load %arg3[%get3A_783, %get3A_784] : memref<128x2048xf32, #tpu.memory_space<vmem>>, vector<128x128xf32>
    %max3A_786 = arith.maximumf %max3A_782, %get3A_785 : vector<128x128xf32>
    %reduce_max3A_787 = arith.constant dense<0xFF800000> : vector<128xf32>
    %reduce_max3A_788 = vector.multi_reduction <maximumf>, %max3A_786, %reduce_max3A_787 [1] : vector<128x128xf32> to vector<128xf32>
    %broadcast_in_dim3A_789 = vector.shape_cast %reduce_max3A_788 : vector<128xf32> to vector<128x1xf32>
    %get3A_790 = arith.constant 0 : index
    %get3A_791 = arith.constant 0 : index
    %get3A_792 = vector.load %arg10[%get3A_790, %get3A_791] : memref<128x1xf32, #tpu.memory_space<vmem>>, vector<128x1xf32>
    %max3A_793 = arith.maximumf %get3A_792, %broadcast_in_dim3A_789 : vector<128x1xf32>
    %get3A_794 = arith.constant 0 : index
    %get3A_795 = arith.constant 0 : index
    %get3A_796 = vector.load %arg3[%get3A_794, %get3A_795] : memref<128x2048xf32, #tpu.memory_space<vmem>>, vector<128x128xf32>
    %sub3A_797 = vector.broadcast %max3A_793 : vector<128x1xf32> to vector<128x128xf32>
    %sub3A_798 = arith.subf %get3A_796, %sub3A_797 : vector<128x128xf32>
    %exp3A_799 = math.exp %sub3A_798 : vector<128x128xf32>
    %eq3A_800 = vector.broadcast %broadcast_in_dim3A_789 : vector<128x1xf32> to vector<128x128xf32>
    %eq3A_801 = arith.cmpf oeq, %get3A_796, %eq3A_800 : vector<128x128xf32>
    %add3A_802 = arith.constant 0 : i32
    %add3A_803 = vector.broadcast %add3A_802 : i32 to vector<128x128xi32>
    %add3A_804 = arith.addi %add3A_803, %iota3A : vector<128x128xi32>
    %jit3A_805 = arith.constant 1073741824 : i32
    %broadcast_in_dim3A_806 = vector.broadcast %jit3A_805 : i32 to vector<128x128xi32>
    %select_n3A_807 = arith.select %eq3A_801, %add3A_804, %broadcast_in_dim3A_806 : vector<128x128xi1>, vector<128x128xi32>
    %get3A_808 = arith.constant 0 : index
    %get3A_809 = arith.constant 128 : index
    %get3A_810 = vector.load %arg3[%get3A_808, %get3A_809] : memref<128x2048xf32, #tpu.memory_space<vmem>>, vector<128x128xf32>
    %sub3A_811 = vector.broadcast %max3A_793 : vector<128x1xf32> to vector<128x128xf32>
    %sub3A_812 = arith.subf %get3A_810, %sub3A_811 : vector<128x128xf32>
    %exp3A_813 = math.exp %sub3A_812 : vector<128x128xf32>
    %add3A_814 = arith.addf %exp3A_799, %exp3A_813 : vector<128x128xf32>
    %eq3A_815 = vector.broadcast %broadcast_in_dim3A_789 : vector<128x1xf32> to vector<128x128xf32>
    %eq3A_816 = arith.cmpf oeq, %get3A_810, %eq3A_815 : vector<128x128xf32>
    %add3A_817 = arith.constant 128 : i32
    %add3A_818 = vector.broadcast %add3A_817 : i32 to vector<128x128xi32>
    %add3A_819 = arith.addi %add3A_818, %iota3A : vector<128x128xi32>
    %jit3A_820 = arith.constant 1073741824 : i32
    %broadcast_in_dim3A_821 = vector.broadcast %jit3A_820 : i32 to vector<128x128xi32>
    %select_n3A_822 = arith.select %eq3A_816, %add3A_819, %broadcast_in_dim3A_821 : vector<128x128xi1>, vector<128x128xi32>
    %min3A_823 = arith.minsi %select_n3A_807, %select_n3A_822 : vector<128x128xi32>
    %get3A_824 = arith.constant 0 : index
    %get3A_825 = arith.constant 256 : index
    %get3A_826 = vector.load %arg3[%get3A_824, %get3A_825] : memref<128x2048xf32, #tpu.memory_space<vmem>>, vector<128x128xf32>
    %sub3A_827 = vector.broadcast %max3A_793 : vector<128x1xf32> to vector<128x128xf32>
    %sub3A_828 = arith.subf %get3A_826, %sub3A_827 : vector<128x128xf32>
    %exp3A_829 = math.exp %sub3A_828 : vector<128x128xf32>
    %add3A_830 = arith.addf %add3A_814, %exp3A_829 : vector<128x128xf32>
    %eq3A_831 = vector.broadcast %broadcast_in_dim3A_789 : vector<128x1xf32> to vector<128x128xf32>
    %eq3A_832 = arith.cmpf oeq, %get3A_826, %eq3A_831 : vector<128x128xf32>
    %add3A_833 = arith.constant 256 : i32
    %add3A_834 = vector.broadcast %add3A_833 : i32 to vector<128x128xi32>
    %add3A_835 = arith.addi %add3A_834, %iota3A : vector<128x128xi32>
    %jit3A_836 = arith.constant 1073741824 : i32
    %broadcast_in_dim3A_837 = vector.broadcast %jit3A_836 : i32 to vector<128x128xi32>
    %select_n3A_838 = arith.select %eq3A_832, %add3A_835, %broadcast_in_dim3A_837 : vector<128x128xi1>, vector<128x128xi32>
    %min3A_839 = arith.minsi %min3A_823, %select_n3A_838 : vector<128x128xi32>
    %get3A_840 = arith.constant 0 : index
    %get3A_841 = arith.constant 384 : index
    %get3A_842 = vector.load %arg3[%get3A_840, %get3A_841] : memref<128x2048xf32, #tpu.memory_space<vmem>>, vector<128x128xf32>
    %sub3A_843 = vector.broadcast %max3A_793 : vector<128x1xf32> to vector<128x128xf32>
    %sub3A_844 = arith.subf %get3A_842, %sub3A_843 : vector<128x128xf32>
    %exp3A_845 = math.exp %sub3A_844 : vector<128x128xf32>
    %add3A_846 = arith.addf %add3A_830, %exp3A_845 : vector<128x128xf32>
    %eq3A_847 = vector.broadcast %broadcast_in_dim3A_789 : vector<128x1xf32> to vector<128x128xf32>
    %eq3A_848 = arith.cmpf oeq, %get3A_842, %eq3A_847 : vector<128x128xf32>
    %add3A_849 = arith.constant 384 : i32
    %add3A_850 = vector.broadcast %add3A_849 : i32 to vector<128x128xi32>
    %add3A_851 = arith.addi %add3A_850, %iota3A : vector<128x128xi32>
    %jit3A_852 = arith.constant 1073741824 : i32
    %broadcast_in_dim3A_853 = vector.broadcast %jit3A_852 : i32 to vector<128x128xi32>
    %select_n3A_854 = arith.select %eq3A_848, %add3A_851, %broadcast_in_dim3A_853 : vector<128x128xi1>, vector<128x128xi32>
    %min3A_855 = arith.minsi %min3A_839, %select_n3A_854 : vector<128x128xi32>
    %get3A_856 = arith.constant 0 : index
    %get3A_857 = arith.constant 512 : index
    %get3A_858 = vector.load %arg3[%get3A_856, %get3A_857] : memref<128x2048xf32, #tpu.memory_space<vmem>>, vector<128x128xf32>
    %sub3A_859 = vector.broadcast %max3A_793 : vector<128x1xf32> to vector<128x128xf32>
    %sub3A_860 = arith.subf %get3A_858, %sub3A_859 : vector<128x128xf32>
    %exp3A_861 = math.exp %sub3A_860 : vector<128x128xf32>
    %add3A_862 = arith.addf %add3A_846, %exp3A_861 : vector<128x128xf32>
    %eq3A_863 = vector.broadcast %broadcast_in_dim3A_789 : vector<128x1xf32> to vector<128x128xf32>
    %eq3A_864 = arith.cmpf oeq, %get3A_858, %eq3A_863 : vector<128x128xf32>
    %add3A_865 = arith.constant 512 : i32
    %add3A_866 = vector.broadcast %add3A_865 : i32 to vector<128x128xi32>
    %add3A_867 = arith.addi %add3A_866, %iota3A : vector<128x128xi32>
    %jit3A_868 = arith.constant 1073741824 : i32
    %broadcast_in_dim3A_869 = vector.broadcast %jit3A_868 : i32 to vector<128x128xi32>
    %select_n3A_870 = arith.select %eq3A_864, %add3A_867, %broadcast_in_dim3A_869 : vector<128x128xi1>, vector<128x128xi32>
    %min3A_871 = arith.minsi %min3A_855, %select_n3A_870 : vector<128x128xi32>
    %get3A_872 = arith.constant 0 : index
    %get3A_873 = arith.constant 640 : index
    %get3A_874 = vector.load %arg3[%get3A_872, %get3A_873] : memref<128x2048xf32, #tpu.memory_space<vmem>>, vector<128x128xf32>
    %sub3A_875 = vector.broadcast %max3A_793 : vector<128x1xf32> to vector<128x128xf32>
    %sub3A_876 = arith.subf %get3A_874, %sub3A_875 : vector<128x128xf32>
    %exp3A_877 = math.exp %sub3A_876 : vector<128x128xf32>
    %add3A_878 = arith.addf %add3A_862, %exp3A_877 : vector<128x128xf32>
    %eq3A_879 = vector.broadcast %broadcast_in_dim3A_789 : vector<128x1xf32> to vector<128x128xf32>
    %eq3A_880 = arith.cmpf oeq, %get3A_874, %eq3A_879 : vector<128x128xf32>
    %add3A_881 = arith.constant 640 : i32
    %add3A_882 = vector.broadcast %add3A_881 : i32 to vector<128x128xi32>
    %add3A_883 = arith.addi %add3A_882, %iota3A : vector<128x128xi32>
    %jit3A_884 = arith.constant 1073741824 : i32
    %broadcast_in_dim3A_885 = vector.broadcast %jit3A_884 : i32 to vector<128x128xi32>
    %select_n3A_886 = arith.select %eq3A_880, %add3A_883, %broadcast_in_dim3A_885 : vector<128x128xi1>, vector<128x128xi32>
    %min3A_887 = arith.minsi %min3A_871, %select_n3A_886 : vector<128x128xi32>
    %get3A_888 = arith.constant 0 : index
    %get3A_889 = arith.constant 768 : index
    %get3A_890 = vector.load %arg3[%get3A_888, %get3A_889] : memref<128x2048xf32, #tpu.memory_space<vmem>>, vector<128x128xf32>
    %sub3A_891 = vector.broadcast %max3A_793 : vector<128x1xf32> to vector<128x128xf32>
    %sub3A_892 = arith.subf %get3A_890, %sub3A_891 : vector<128x128xf32>
    %exp3A_893 = math.exp %sub3A_892 : vector<128x128xf32>
    %add3A_894 = arith.addf %add3A_878, %exp3A_893 : vector<128x128xf32>
    %eq3A_895 = vector.broadcast %broadcast_in_dim3A_789 : vector<128x1xf32> to vector<128x128xf32>
    %eq3A_896 = arith.cmpf oeq, %get3A_890, %eq3A_895 : vector<128x128xf32>
    %add3A_897 = arith.constant 768 : i32
    %add3A_898 = vector.broadcast %add3A_897 : i32 to vector<128x128xi32>
    %add3A_899 = arith.addi %add3A_898, %iota3A : vector<128x128xi32>
    %jit3A_900 = arith.constant 1073741824 : i32
    %broadcast_in_dim3A_901 = vector.broadcast %jit3A_900 : i32 to vector<128x128xi32>
    %select_n3A_902 = arith.select %eq3A_896, %add3A_899, %broadcast_in_dim3A_901 : vector<128x128xi1>, vector<128x128xi32>
    %min3A_903 = arith.minsi %min3A_887, %select_n3A_902 : vector<128x128xi32>
    %get3A_904 = arith.constant 0 : index
    %get3A_905 = arith.constant 896 : index
    %get3A_906 = vector.load %arg3[%get3A_904, %get3A_905] : memref<128x2048xf32, #tpu.memory_space<vmem>>, vector<128x128xf32>
    %sub3A_907 = vector.broadcast %max3A_793 : vector<128x1xf32> to vector<128x128xf32>
    %sub3A_908 = arith.subf %get3A_906, %sub3A_907 : vector<128x128xf32>
    %exp3A_909 = math.exp %sub3A_908 : vector<128x128xf32>
    %add3A_910 = arith.addf %add3A_894, %exp3A_909 : vector<128x128xf32>
    %eq3A_911 = vector.broadcast %broadcast_in_dim3A_789 : vector<128x1xf32> to vector<128x128xf32>
    %eq3A_912 = arith.cmpf oeq, %get3A_906, %eq3A_911 : vector<128x128xf32>
    %add3A_913 = arith.constant 896 : i32
    %add3A_914 = vector.broadcast %add3A_913 : i32 to vector<128x128xi32>
    %add3A_915 = arith.addi %add3A_914, %iota3A : vector<128x128xi32>
    %jit3A_916 = arith.constant 1073741824 : i32
    %broadcast_in_dim3A_917 = vector.broadcast %jit3A_916 : i32 to vector<128x128xi32>
    %select_n3A_918 = arith.select %eq3A_912, %add3A_915, %broadcast_in_dim3A_917 : vector<128x128xi1>, vector<128x128xi32>
    %min3A_919 = arith.minsi %min3A_903, %select_n3A_918 : vector<128x128xi32>
    %get3A_920 = arith.constant 0 : index
    %get3A_921 = arith.constant 1024 : index
    %get3A_922 = vector.load %arg3[%get3A_920, %get3A_921] : memref<128x2048xf32, #tpu.memory_space<vmem>>, vector<128x128xf32>
    %sub3A_923 = vector.broadcast %max3A_793 : vector<128x1xf32> to vector<128x128xf32>
    %sub3A_924 = arith.subf %get3A_922, %sub3A_923 : vector<128x128xf32>
    %exp3A_925 = math.exp %sub3A_924 : vector<128x128xf32>
    %add3A_926 = arith.addf %add3A_910, %exp3A_925 : vector<128x128xf32>
    %eq3A_927 = vector.broadcast %broadcast_in_dim3A_789 : vector<128x1xf32> to vector<128x128xf32>
    %eq3A_928 = arith.cmpf oeq, %get3A_922, %eq3A_927 : vector<128x128xf32>
    %add3A_929 = arith.constant 1024 : i32
    %add3A_930 = vector.broadcast %add3A_929 : i32 to vector<128x128xi32>
    %add3A_931 = arith.addi %add3A_930, %iota3A : vector<128x128xi32>
    %jit3A_932 = arith.constant 1073741824 : i32
    %broadcast_in_dim3A_933 = vector.broadcast %jit3A_932 : i32 to vector<128x128xi32>
    %select_n3A_934 = arith.select %eq3A_928, %add3A_931, %broadcast_in_dim3A_933 : vector<128x128xi1>, vector<128x128xi32>
    %min3A_935 = arith.minsi %min3A_919, %select_n3A_934 : vector<128x128xi32>
    %get3A_936 = arith.constant 0 : index
    %get3A_937 = arith.constant 1152 : index
    %get3A_938 = vector.load %arg3[%get3A_936, %get3A_937] : memref<128x2048xf32, #tpu.memory_space<vmem>>, vector<128x128xf32>
    %sub3A_939 = vector.broadcast %max3A_793 : vector<128x1xf32> to vector<128x128xf32>
    %sub3A_940 = arith.subf %get3A_938, %sub3A_939 : vector<128x128xf32>
    %exp3A_941 = math.exp %sub3A_940 : vector<128x128xf32>
    %add3A_942 = arith.addf %add3A_926, %exp3A_941 : vector<128x128xf32>
    %eq3A_943 = vector.broadcast %broadcast_in_dim3A_789 : vector<128x1xf32> to vector<128x128xf32>
    %eq3A_944 = arith.cmpf oeq, %get3A_938, %eq3A_943 : vector<128x128xf32>
    %add3A_945 = arith.constant 1152 : i32
    %add3A_946 = vector.broadcast %add3A_945 : i32 to vector<128x128xi32>
    %add3A_947 = arith.addi %add3A_946, %iota3A : vector<128x128xi32>
    %jit3A_948 = arith.constant 1073741824 : i32
    %broadcast_in_dim3A_949 = vector.broadcast %jit3A_948 : i32 to vector<128x128xi32>
    %select_n3A_950 = arith.select %eq3A_944, %add3A_947, %broadcast_in_dim3A_949 : vector<128x128xi1>, vector<128x128xi32>
    %min3A_951 = arith.minsi %min3A_935, %select_n3A_950 : vector<128x128xi32>
    %get3A_952 = arith.constant 0 : index
    %get3A_953 = arith.constant 1280 : index
    %get3A_954 = vector.load %arg3[%get3A_952, %get3A_953] : memref<128x2048xf32, #tpu.memory_space<vmem>>, vector<128x128xf32>
    %sub3A_955 = vector.broadcast %max3A_793 : vector<128x1xf32> to vector<128x128xf32>
    %sub3A_956 = arith.subf %get3A_954, %sub3A_955 : vector<128x128xf32>
    %exp3A_957 = math.exp %sub3A_956 : vector<128x128xf32>
    %add3A_958 = arith.addf %add3A_942, %exp3A_957 : vector<128x128xf32>
    %eq3A_959 = vector.broadcast %broadcast_in_dim3A_789 : vector<128x1xf32> to vector<128x128xf32>
    %eq3A_960 = arith.cmpf oeq, %get3A_954, %eq3A_959 : vector<128x128xf32>
    %add3A_961 = arith.constant 1280 : i32
    %add3A_962 = vector.broadcast %add3A_961 : i32 to vector<128x128xi32>
    %add3A_963 = arith.addi %add3A_962, %iota3A : vector<128x128xi32>
    %jit3A_964 = arith.constant 1073741824 : i32
    %broadcast_in_dim3A_965 = vector.broadcast %jit3A_964 : i32 to vector<128x128xi32>
    %select_n3A_966 = arith.select %eq3A_960, %add3A_963, %broadcast_in_dim3A_965 : vector<128x128xi1>, vector<128x128xi32>
    %min3A_967 = arith.minsi %min3A_951, %select_n3A_966 : vector<128x128xi32>
    %get3A_968 = arith.constant 0 : index
    %get3A_969 = arith.constant 1408 : index
    %get3A_970 = vector.load %arg3[%get3A_968, %get3A_969] : memref<128x2048xf32, #tpu.memory_space<vmem>>, vector<128x128xf32>
    %sub3A_971 = vector.broadcast %max3A_793 : vector<128x1xf32> to vector<128x128xf32>
    %sub3A_972 = arith.subf %get3A_970, %sub3A_971 : vector<128x128xf32>
    %exp3A_973 = math.exp %sub3A_972 : vector<128x128xf32>
    %add3A_974 = arith.addf %add3A_958, %exp3A_973 : vector<128x128xf32>
    %eq3A_975 = vector.broadcast %broadcast_in_dim3A_789 : vector<128x1xf32> to vector<128x128xf32>
    %eq3A_976 = arith.cmpf oeq, %get3A_970, %eq3A_975 : vector<128x128xf32>
    %add3A_977 = arith.constant 1408 : i32
    %add3A_978 = vector.broadcast %add3A_977 : i32 to vector<128x128xi32>
    %add3A_979 = arith.addi %add3A_978, %iota3A : vector<128x128xi32>
    %jit3A_980 = arith.constant 1073741824 : i32
    %broadcast_in_dim3A_981 = vector.broadcast %jit3A_980 : i32 to vector<128x128xi32>
    %select_n3A_982 = arith.select %eq3A_976, %add3A_979, %broadcast_in_dim3A_981 : vector<128x128xi1>, vector<128x128xi32>
    %min3A_983 = arith.minsi %min3A_967, %select_n3A_982 : vector<128x128xi32>
    %get3A_984 = arith.constant 0 : index
    %get3A_985 = arith.constant 1536 : index
    %get3A_986 = vector.load %arg3[%get3A_984, %get3A_985] : memref<128x2048xf32, #tpu.memory_space<vmem>>, vector<128x128xf32>
    %sub3A_987 = vector.broadcast %max3A_793 : vector<128x1xf32> to vector<128x128xf32>
    %sub3A_988 = arith.subf %get3A_986, %sub3A_987 : vector<128x128xf32>
    %exp3A_989 = math.exp %sub3A_988 : vector<128x128xf32>
    %add3A_990 = arith.addf %add3A_974, %exp3A_989 : vector<128x128xf32>
    %eq3A_991 = vector.broadcast %broadcast_in_dim3A_789 : vector<128x1xf32> to vector<128x128xf32>
    %eq3A_992 = arith.cmpf oeq, %get3A_986, %eq3A_991 : vector<128x128xf32>
    %add3A_993 = arith.constant 1536 : i32
    %add3A_994 = vector.broadcast %add3A_993 : i32 to vector<128x128xi32>
    %add3A_995 = arith.addi %add3A_994, %iota3A : vector<128x128xi32>
    %jit3A_996 = arith.constant 1073741824 : i32
    %broadcast_in_dim3A_997 = vector.broadcast %jit3A_996 : i32 to vector<128x128xi32>
    %select_n3A_998 = arith.select %eq3A_992, %add3A_995, %broadcast_in_dim3A_997 : vector<128x128xi1>, vector<128x128xi32>
    %min3A_999 = arith.minsi %min3A_983, %select_n3A_998 : vector<128x128xi32>
    %get3A_1000 = arith.constant 0 : index
    %get3A_1001 = arith.constant 1664 : index
    %get3A_1002 = vector.load %arg3[%get3A_1000, %get3A_1001] : memref<128x2048xf32, #tpu.memory_space<vmem>>, vector<128x128xf32>
    %sub3A_1003 = vector.broadcast %max3A_793 : vector<128x1xf32> to vector<128x128xf32>
    %sub3A_1004 = arith.subf %get3A_1002, %sub3A_1003 : vector<128x128xf32>
    %exp3A_1005 = math.exp %sub3A_1004 : vector<128x128xf32>
    %add3A_1006 = arith.addf %add3A_990, %exp3A_1005 : vector<128x128xf32>
    %eq3A_1007 = vector.broadcast %broadcast_in_dim3A_789 : vector<128x1xf32> to vector<128x128xf32>
    %eq3A_1008 = arith.cmpf oeq, %get3A_1002, %eq3A_1007 : vector<128x128xf32>
    %add3A_1009 = arith.constant 1664 : i32
    %add3A_1010 = vector.broadcast %add3A_1009 : i32 to vector<128x128xi32>
    %add3A_1011 = arith.addi %add3A_1010, %iota3A : vector<128x128xi32>
    %jit3A_1012 = arith.constant 1073741824 : i32
    %broadcast_in_dim3A_1013 = vector.broadcast %jit3A_1012 : i32 to vector<128x128xi32>
    %select_n3A_1014 = arith.select %eq3A_1008, %add3A_1011, %broadcast_in_dim3A_1013 : vector<128x128xi1>, vector<128x128xi32>
    %min3A_1015 = arith.minsi %min3A_999, %select_n3A_1014 : vector<128x128xi32>
    %get3A_1016 = arith.constant 0 : index
    %get3A_1017 = arith.constant 1792 : index
    %get3A_1018 = vector.load %arg3[%get3A_1016, %get3A_1017] : memref<128x2048xf32, #tpu.memory_space<vmem>>, vector<128x128xf32>
    %sub3A_1019 = vector.broadcast %max3A_793 : vector<128x1xf32> to vector<128x128xf32>
    %sub3A_1020 = arith.subf %get3A_1018, %sub3A_1019 : vector<128x128xf32>
    %exp3A_1021 = math.exp %sub3A_1020 : vector<128x128xf32>
    %add3A_1022 = arith.addf %add3A_1006, %exp3A_1021 : vector<128x128xf32>
    %eq3A_1023 = vector.broadcast %broadcast_in_dim3A_789 : vector<128x1xf32> to vector<128x128xf32>
    %eq3A_1024 = arith.cmpf oeq, %get3A_1018, %eq3A_1023 : vector<128x128xf32>
    %add3A_1025 = arith.constant 1792 : i32
    %add3A_1026 = vector.broadcast %add3A_1025 : i32 to vector<128x128xi32>
    %add3A_1027 = arith.addi %add3A_1026, %iota3A : vector<128x128xi32>
    %jit3A_1028 = arith.constant 1073741824 : i32
    %broadcast_in_dim3A_1029 = vector.broadcast %jit3A_1028 : i32 to vector<128x128xi32>
    %select_n3A_1030 = arith.select %eq3A_1024, %add3A_1027, %broadcast_in_dim3A_1029 : vector<128x128xi1>, vector<128x128xi32>
    %min3A_1031 = arith.minsi %min3A_1015, %select_n3A_1030 : vector<128x128xi32>
    %get3A_1032 = arith.constant 0 : index
    %get3A_1033 = arith.constant 1920 : index
    %get3A_1034 = vector.load %arg3[%get3A_1032, %get3A_1033] : memref<128x2048xf32, #tpu.memory_space<vmem>>, vector<128x128xf32>
    %sub3A_1035 = vector.broadcast %max3A_793 : vector<128x1xf32> to vector<128x128xf32>
    %sub3A_1036 = arith.subf %get3A_1034, %sub3A_1035 : vector<128x128xf32>
    %exp3A_1037 = math.exp %sub3A_1036 : vector<128x128xf32>
    %add3A_1038 = arith.addf %add3A_1022, %exp3A_1037 : vector<128x128xf32>
    %eq3A_1039 = vector.broadcast %broadcast_in_dim3A_789 : vector<128x1xf32> to vector<128x128xf32>
    %eq3A_1040 = arith.cmpf oeq, %get3A_1034, %eq3A_1039 : vector<128x128xf32>
    %add3A_1041 = arith.constant 1920 : i32
    %add3A_1042 = vector.broadcast %add3A_1041 : i32 to vector<128x128xi32>
    %add3A_1043 = arith.addi %add3A_1042, %iota3A : vector<128x128xi32>
    %jit3A_1044 = arith.constant 1073741824 : i32
    %broadcast_in_dim3A_1045 = vector.broadcast %jit3A_1044 : i32 to vector<128x128xi32>
    %select_n3A_1046 = arith.select %eq3A_1040, %add3A_1043, %broadcast_in_dim3A_1045 : vector<128x128xi1>, vector<128x128xi32>
    %min3A_1047 = arith.minsi %min3A_1031, %select_n3A_1046 : vector<128x128xi32>
    %reduce_sum3A_1048 = arith.constant dense<0.000000e+00> : vector<128xf32>
    %reduce_sum3A_1049 = vector.multi_reduction <add>, %add3A_1038, %reduce_sum3A_1048 [1] : vector<128x128xf32> to vector<128xf32>
    %broadcast_in_dim3A_1050 = vector.shape_cast %reduce_sum3A_1049 : vector<128xf32> to vector<128x1xf32>
    %reduce_min3A_1051 = arith.constant dense<2147483647> : vector<128xi32>
    %reduce_min3A_1052 = vector.multi_reduction <minsi>, %min3A_1047, %reduce_min3A_1051 [1] : vector<128x128xi32> to vector<128xi32>
    %broadcast_in_dim3A_1053 = vector.shape_cast %reduce_min3A_1052 : vector<128xi32> to vector<128x1xi32>
    %add3A_1054 = vector.broadcast %mul3A_723 : i32 to vector<128x1xi32>
    %add3A_1055 = arith.addi %broadcast_in_dim3A_1053, %add3A_1054 : vector<128x1xi32>
    %get3A_1056 = arith.constant 0 : index
    %get3A_1057 = arith.constant 0 : index
    %get3A_1058 = vector.load %arg11[%get3A_1056, %get3A_1057] : memref<128x1xf32, #tpu.memory_space<vmem>>, vector<128x1xf32>
    %sub3A_1059 = arith.subf %get3A_792, %max3A_793 : vector<128x1xf32>
    %exp3A_1060 = math.exp %sub3A_1059 : vector<128x1xf32>
    %mul3A_1061 = arith.mulf %get3A_1058, %exp3A_1060 : vector<128x1xf32>
    %add3A_1062 = arith.addf %mul3A_1061, %broadcast_in_dim3A_1050 : vector<128x1xf32>
    %swap3A_1063 = arith.constant 0 : index
    %swap3A_1064 = arith.constant 0 : index
    %swap3A_1065 = vector.load %arg11[%swap3A_1063, %swap3A_1064] : memref<128x1xf32, #tpu.memory_space<vmem>>, vector<128x1xf32>
    tpu.vector_store %arg11[%swap3A_1063, %swap3A_1064], %add3A_1062 {strides = array<i32>} : memref<128x1xf32, #tpu.memory_space<vmem>>, vector<128x1xf32>,
    %swap3A_1066 = arith.constant 0 : index
    %swap3A_1067 = arith.constant 0 : index
    %swap3A_1068 = vector.load %arg10[%swap3A_1066, %swap3A_1067] : memref<128x1xf32, #tpu.memory_space<vmem>>, vector<128x1xf32>
    tpu.vector_store %arg10[%swap3A_1066, %swap3A_1067], %max3A_793 {strides = array<i32>} : memref<128x1xf32, #tpu.memory_space<vmem>>, vector<128x1xf32>,
    %get3A_1069 = arith.constant 0 : index
    %get3A_1070 = arith.constant 0 : index
    %get3A_1071 = vector.load %arg12[%get3A_1069, %get3A_1070] : memref<128x1xf32, #tpu.memory_space<vmem>>, vector<128x1xf32>
    %get3A_1072 = arith.constant 0 : index
    %get3A_1073 = arith.constant 0 : index
    %get3A_1074 = vector.load %arg13[%get3A_1072, %get3A_1073] : memref<128x1xi32, #tpu.memory_space<vmem>>, vector<128x1xi32>
    %gt3A_1075 = arith.cmpf ogt, %broadcast_in_dim3A_789, %get3A_1071 : vector<128x1xf32>
    %eq3A_1076 = arith.cmpf oeq, %broadcast_in_dim3A_789, %get3A_1071 : vector<128x1xf32>
    %lt3A_1077 = arith.cmpi slt, %add3A_1055, %get3A_1074 : vector<128x1xi32>
    %and3A_1078 = arith.andi %eq3A_1076, %lt3A_1077 : vector<128x1xi1>
    %or3A_1079 = arith.ori %gt3A_1075, %and3A_1078 : vector<128x1xi1>
    %select_n3A_1080 = arith.select %or3A_1079, %broadcast_in_dim3A_789, %get3A_1071 : vector<128x1xi1>, vector<128x1xf32>
    %swap3A_1081 = arith.constant 0 : index
    %swap3A_1082 = arith.constant 0 : index
    %swap3A_1083 = vector.load %arg12[%swap3A_1081, %swap3A_1082] : memref<128x1xf32, #tpu.memory_space<vmem>>, vector<128x1xf32>
    tpu.vector_store %arg12[%swap3A_1081, %swap3A_1082], %select_n3A_1080 {strides = array<i32>} : memref<128x1xf32, #tpu.memory_space<vmem>>, vector<128x1xf32>,
    %select_n3A_1084 = arith.select %or3A_1079, %add3A_1055, %get3A_1074 : vector<128x1xi1>, vector<128x1xi32>
    %swap3A_1085 = arith.constant 0 : index
    %swap3A_1086 = arith.constant 0 : index
    %swap3A_1087 = vector.load %arg13[%swap3A_1085, %swap3A_1086] : memref<128x1xi32, #tpu.memory_space<vmem>>, vector<128x1xi32>
    tpu.vector_store %arg13[%swap3A_1085, %swap3A_1086], %select_n3A_1084 {strides = array<i32>} : memref<128x1xi32, #tpu.memory_space<vmem>>, vector<128x1xi32>,
    %add3A_1088 = arith.constant 21 : i32
    %add3A_1089 = arith.addi %add3A_1088, %arg0 : i32
    %mul3A_1090 = arith.constant 2048 : i32
    %mul3A_1091 = arith.muli %add3A_1089, %mul3A_1090 : i32
    %get3A_1092 = arith.constant 0 : index
    %get3A_1093 = arith.constant 0 : index
    %get3A_1094 = vector.load %arg4[%get3A_1092, %get3A_1093] : memref<128x2048xf32, #tpu.memory_space<vmem>>, vector<128x128xf32>
    %get3A_1095 = arith.constant 0 : index
    %get3A_1096 = arith.constant 128 : index
    %get3A_1097 = vector.load %arg4[%get3A_1095, %get3A_1096] : memref<128x2048xf32, #tpu.memory_space<vmem>>, vector<128x128xf32>
    %max3A_1098 = arith.maximumf %get3A_1094, %get3A_1097 : vector<128x128xf32>
    %get3A_1099 = arith.constant 0 : index
    %get3A_1100 = arith.constant 256 : index
    %get3A_1101 = vector.load %arg4[%get3A_1099, %get3A_1100] : memref<128x2048xf32, #tpu.memory_space<vmem>>, vector<128x128xf32>
    %max3A_1102 = arith.maximumf %max3A_1098, %get3A_1101 : vector<128x128xf32>
    %get3A_1103 = arith.constant 0 : index
    %get3A_1104 = arith.constant 384 : index
    %get3A_1105 = vector.load %arg4[%get3A_1103, %get3A_1104] : memref<128x2048xf32, #tpu.memory_space<vmem>>, vector<128x128xf32>
    %max3A_1106 = arith.maximumf %max3A_1102, %get3A_1105 : vector<128x128xf32>
    %get3A_1107 = arith.constant 0 : index
    %get3A_1108 = arith.constant 512 : index
    %get3A_1109 = vector.load %arg4[%get3A_1107, %get3A_1108] : memref<128x2048xf32, #tpu.memory_space<vmem>>, vector<128x128xf32>
    %max3A_1110 = arith.maximumf %max3A_1106, %get3A_1109 : vector<128x128xf32>
    %get3A_1111 = arith.constant 0 : index
    %get3A_1112 = arith.constant 640 : index
    %get3A_1113 = vector.load %arg4[%get3A_1111, %get3A_1112] : memref<128x2048xf32, #tpu.memory_space<vmem>>, vector<128x128xf32>
    %max3A_1114 = arith.maximumf %max3A_1110, %get3A_1113 : vector<128x128xf32>
    %get3A_1115 = arith.constant 0 : index
    %get3A_1116 = arith.constant 768 : index
    %get3A_1117 = vector.load %arg4[%get3A_1115, %get3A_1116] : memref<128x2048xf32, #tpu.memory_space<vmem>>, vector<128x128xf32>
    %max3A_1118 = arith.maximumf %max3A_1114, %get3A_1117 : vector<128x128xf32>
    %get3A_1119 = arith.constant 0 : index
    %get3A_1120 = arith.constant 896 : index
    %get3A_1121 = vector.load %arg4[%get3A_1119, %get3A_1120] : memref<128x2048xf32, #tpu.memory_space<vmem>>, vector<128x128xf32>
    %max3A_1122 = arith.maximumf %max3A_1118, %get3A_1121 : vector<128x128xf32>
    %get3A_1123 = arith.constant 0 : index
    %get3A_1124 = arith.constant 1024 : index
    %get3A_1125 = vector.load %arg4[%get3A_1123, %get3A_1124] : memref<128x2048xf32, #tpu.memory_space<vmem>>, vector<128x128xf32>
    %max3A_1126 = arith.maximumf %max3A_1122, %get3A_1125 : vector<128x128xf32>
    %get3A_1127 = arith.constant 0 : index
    %get3A_1128 = arith.constant 1152 : index
    %get3A_1129 = vector.load %arg4[%get3A_1127, %get3A_1128] : memref<128x2048xf32, #tpu.memory_space<vmem>>, vector<128x128xf32>
    %max3A_1130 = arith.maximumf %max3A_1126, %get3A_1129 : vector<128x128xf32>
    %get3A_1131 = arith.constant 0 : index
    %get3A_1132 = arith.constant 1280 : index
    %get3A_1133 = vector.load %arg4[%get3A_1131, %get3A_1132] : memref<128x2048xf32, #tpu.memory_space<vmem>>, vector<128x128xf32>
    %max3A_1134 = arith.maximumf %max3A_1130, %get3A_1133 : vector<128x128xf32>
    %get3A_1135 = arith.constant 0 : index
    %get3A_1136 = arith.constant 1408 : index
    %get3A_1137 = vector.load %arg4[%get3A_1135, %get3A_1136] : memref<128x2048xf32, #tpu.memory_space<vmem>>, vector<128x128xf32>
    %max3A_1138 = arith.maximumf %max3A_1134, %get3A_1137 : vector<128x128xf32>
    %get3A_1139 = arith.constant 0 : index
    %get3A_1140 = arith.constant 1536 : index
    %get3A_1141 = vector.load %arg4[%get3A_1139, %get3A_1140] : memref<128x2048xf32, #tpu.memory_space<vmem>>, vector<128x128xf32>
    %max3A_1142 = arith.maximumf %max3A_1138, %get3A_1141 : vector<128x128xf32>
    %get3A_1143 = arith.constant 0 : index
    %get3A_1144 = arith.constant 1664 : index
    %get3A_1145 = vector.load %arg4[%get3A_1143, %get3A_1144] : memref<128x2048xf32, #tpu.memory_space<vmem>>, vector<128x128xf32>
    %max3A_1146 = arith.maximumf %max3A_1142, %get3A_1145 : vector<128x128xf32>
    %get3A_1147 = arith.constant 0 : index
    %get3A_1148 = arith.constant 1792 : index
    %get3A_1149 = vector.load %arg4[%get3A_1147, %get3A_1148] : memref<128x2048xf32, #tpu.memory_space<vmem>>, vector<128x128xf32>
    %max3A_1150 = arith.maximumf %max3A_1146, %get3A_1149 : vector<128x128xf32>
    %get3A_1151 = arith.constant 0 : index
    %get3A_1152 = arith.constant 1920 : index
    %get3A_1153 = vector.load %arg4[%get3A_1151, %get3A_1152] : memref<128x2048xf32, #tpu.memory_space<vmem>>, vector<128x128xf32>
    %max3A_1154 = arith.maximumf %max3A_1150, %get3A_1153 : vector<128x128xf32>
    %reduce_max3A_1155 = arith.constant dense<0xFF800000> : vector<128xf32>
    %reduce_max3A_1156 = vector.multi_reduction <maximumf>, %max3A_1154, %reduce_max3A_1155 [1] : vector<128x128xf32> to vector<128xf32>
    %broadcast_in_dim3A_1157 = vector.shape_cast %reduce_max3A_1156 : vector<128xf32> to vector<128x1xf32>
    %get3A_1158 = arith.constant 0 : index
    %get3A_1159 = arith.constant 0 : index
    %get3A_1160 = vector.load %arg10[%get3A_1158, %get3A_1159] : memref<128x1xf32, #tpu.memory_space<vmem>>, vector<128x1xf32>
    %max3A_1161 = arith.maximumf %get3A_1160, %broadcast_in_dim3A_1157 : vector<128x1xf32>
    %get3A_1162 = arith.constant 0 : index
    %get3A_1163 = arith.constant 0 : index
    %get3A_1164 = vector.load %arg4[%get3A_1162, %get3A_1163] : memref<128x2048xf32, #tpu.memory_space<vmem>>, vector<128x128xf32>
    %sub3A_1165 = vector.broadcast %max3A_1161 : vector<128x1xf32> to vector<128x128xf32>
    %sub3A_1166 = arith.subf %get3A_1164, %sub3A_1165 : vector<128x128xf32>
    %exp3A_1167 = math.exp %sub3A_1166 : vector<128x128xf32>
    %eq3A_1168 = vector.broadcast %broadcast_in_dim3A_1157 : vector<128x1xf32> to vector<128x128xf32>
    %eq3A_1169 = arith.cmpf oeq, %get3A_1164, %eq3A_1168 : vector<128x128xf32>
    %add3A_1170 = arith.constant 0 : i32
    %add3A_1171 = vector.broadcast %add3A_1170 : i32 to vector<128x128xi32>
    %add3A_1172 = arith.addi %add3A_1171, %iota3A : vector<128x128xi32>
    %jit3A_1173 = arith.constant 1073741824 : i32
    %broadcast_in_dim3A_1174 = vector.broadcast %jit3A_1173 : i32 to vector<128x128xi32>
    %select_n3A_1175 = arith.select %eq3A_1169, %add3A_1172, %broadcast_in_dim3A_1174 : vector<128x128xi1>, vector<128x128xi32>
    %get3A_1176 = arith.constant 0 : index
    %get3A_1177 = arith.constant 128 : index
    %get3A_1178 = vector.load %arg4[%get3A_1176, %get3A_1177] : memref<128x2048xf32, #tpu.memory_space<vmem>>, vector<128x128xf32>
    %sub3A_1179 = vector.broadcast %max3A_1161 : vector<128x1xf32> to vector<128x128xf32>
    %sub3A_1180 = arith.subf %get3A_1178, %sub3A_1179 : vector<128x128xf32>
    %exp3A_1181 = math.exp %sub3A_1180 : vector<128x128xf32>
    %add3A_1182 = arith.addf %exp3A_1167, %exp3A_1181 : vector<128x128xf32>
    %eq3A_1183 = vector.broadcast %broadcast_in_dim3A_1157 : vector<128x1xf32> to vector<128x128xf32>
    %eq3A_1184 = arith.cmpf oeq, %get3A_1178, %eq3A_1183 : vector<128x128xf32>
    %add3A_1185 = arith.constant 128 : i32
    %add3A_1186 = vector.broadcast %add3A_1185 : i32 to vector<128x128xi32>
    %add3A_1187 = arith.addi %add3A_1186, %iota3A : vector<128x128xi32>
    %jit3A_1188 = arith.constant 1073741824 : i32
    %broadcast_in_dim3A_1189 = vector.broadcast %jit3A_1188 : i32 to vector<128x128xi32>
    %select_n3A_1190 = arith.select %eq3A_1184, %add3A_1187, %broadcast_in_dim3A_1189 : vector<128x128xi1>, vector<128x128xi32>
    %min3A_1191 = arith.minsi %select_n3A_1175, %select_n3A_1190 : vector<128x128xi32>
    %get3A_1192 = arith.constant 0 : index
    %get3A_1193 = arith.constant 256 : index
    %get3A_1194 = vector.load %arg4[%get3A_1192, %get3A_1193] : memref<128x2048xf32, #tpu.memory_space<vmem>>, vector<128x128xf32>
    %sub3A_1195 = vector.broadcast %max3A_1161 : vector<128x1xf32> to vector<128x128xf32>
    %sub3A_1196 = arith.subf %get3A_1194, %sub3A_1195 : vector<128x128xf32>
    %exp3A_1197 = math.exp %sub3A_1196 : vector<128x128xf32>
    %add3A_1198 = arith.addf %add3A_1182, %exp3A_1197 : vector<128x128xf32>
    %eq3A_1199 = vector.broadcast %broadcast_in_dim3A_1157 : vector<128x1xf32> to vector<128x128xf32>
    %eq3A_1200 = arith.cmpf oeq, %get3A_1194, %eq3A_1199 : vector<128x128xf32>
    %add3A_1201 = arith.constant 256 : i32
    %add3A_1202 = vector.broadcast %add3A_1201 : i32 to vector<128x128xi32>
    %add3A_1203 = arith.addi %add3A_1202, %iota3A : vector<128x128xi32>
    %jit3A_1204 = arith.constant 1073741824 : i32
    %broadcast_in_dim3A_1205 = vector.broadcast %jit3A_1204 : i32 to vector<128x128xi32>
    %select_n3A_1206 = arith.select %eq3A_1200, %add3A_1203, %broadcast_in_dim3A_1205 : vector<128x128xi1>, vector<128x128xi32>
    %min3A_1207 = arith.minsi %min3A_1191, %select_n3A_1206 : vector<128x128xi32>
    %get3A_1208 = arith.constant 0 : index
    %get3A_1209 = arith.constant 384 : index
    %get3A_1210 = vector.load %arg4[%get3A_1208, %get3A_1209] : memref<128x2048xf32, #tpu.memory_space<vmem>>, vector<128x128xf32>
    %sub3A_1211 = vector.broadcast %max3A_1161 : vector<128x1xf32> to vector<128x128xf32>
    %sub3A_1212 = arith.subf %get3A_1210, %sub3A_1211 : vector<128x128xf32>
    %exp3A_1213 = math.exp %sub3A_1212 : vector<128x128xf32>
    %add3A_1214 = arith.addf %add3A_1198, %exp3A_1213 : vector<128x128xf32>
    %eq3A_1215 = vector.broadcast %broadcast_in_dim3A_1157 : vector<128x1xf32> to vector<128x128xf32>
    %eq3A_1216 = arith.cmpf oeq, %get3A_1210, %eq3A_1215 : vector<128x128xf32>
    %add3A_1217 = arith.constant 384 : i32
    %add3A_1218 = vector.broadcast %add3A_1217 : i32 to vector<128x128xi32>
    %add3A_1219 = arith.addi %add3A_1218, %iota3A : vector<128x128xi32>
    %jit3A_1220 = arith.constant 1073741824 : i32
    %broadcast_in_dim3A_1221 = vector.broadcast %jit3A_1220 : i32 to vector<128x128xi32>
    %select_n3A_1222 = arith.select %eq3A_1216, %add3A_1219, %broadcast_in_dim3A_1221 : vector<128x128xi1>, vector<128x128xi32>
    %min3A_1223 = arith.minsi %min3A_1207, %select_n3A_1222 : vector<128x128xi32>
    %get3A_1224 = arith.constant 0 : index
    %get3A_1225 = arith.constant 512 : index
    %get3A_1226 = vector.load %arg4[%get3A_1224, %get3A_1225] : memref<128x2048xf32, #tpu.memory_space<vmem>>, vector<128x128xf32>
    %sub3A_1227 = vector.broadcast %max3A_1161 : vector<128x1xf32> to vector<128x128xf32>
    %sub3A_1228 = arith.subf %get3A_1226, %sub3A_1227 : vector<128x128xf32>
    %exp3A_1229 = math.exp %sub3A_1228 : vector<128x128xf32>
    %add3A_1230 = arith.addf %add3A_1214, %exp3A_1229 : vector<128x128xf32>
    %eq3A_1231 = vector.broadcast %broadcast_in_dim3A_1157 : vector<128x1xf32> to vector<128x128xf32>
    %eq3A_1232 = arith.cmpf oeq, %get3A_1226, %eq3A_1231 : vector<128x128xf32>
    %add3A_1233 = arith.constant 512 : i32
    %add3A_1234 = vector.broadcast %add3A_1233 : i32 to vector<128x128xi32>
    %add3A_1235 = arith.addi %add3A_1234, %iota3A : vector<128x128xi32>
    %jit3A_1236 = arith.constant 1073741824 : i32
    %broadcast_in_dim3A_1237 = vector.broadcast %jit3A_1236 : i32 to vector<128x128xi32>
    %select_n3A_1238 = arith.select %eq3A_1232, %add3A_1235, %broadcast_in_dim3A_1237 : vector<128x128xi1>, vector<128x128xi32>
    %min3A_1239 = arith.minsi %min3A_1223, %select_n3A_1238 : vector<128x128xi32>
    %get3A_1240 = arith.constant 0 : index
    %get3A_1241 = arith.constant 640 : index
    %get3A_1242 = vector.load %arg4[%get3A_1240, %get3A_1241] : memref<128x2048xf32, #tpu.memory_space<vmem>>, vector<128x128xf32>
    %sub3A_1243 = vector.broadcast %max3A_1161 : vector<128x1xf32> to vector<128x128xf32>
    %sub3A_1244 = arith.subf %get3A_1242, %sub3A_1243 : vector<128x128xf32>
    %exp3A_1245 = math.exp %sub3A_1244 : vector<128x128xf32>
    %add3A_1246 = arith.addf %add3A_1230, %exp3A_1245 : vector<128x128xf32>
    %eq3A_1247 = vector.broadcast %broadcast_in_dim3A_1157 : vector<128x1xf32> to vector<128x128xf32>
    %eq3A_1248 = arith.cmpf oeq, %get3A_1242, %eq3A_1247 : vector<128x128xf32>
    %add3A_1249 = arith.constant 640 : i32
    %add3A_1250 = vector.broadcast %add3A_1249 : i32 to vector<128x128xi32>
    %add3A_1251 = arith.addi %add3A_1250, %iota3A : vector<128x128xi32>
    %jit3A_1252 = arith.constant 1073741824 : i32
    %broadcast_in_dim3A_1253 = vector.broadcast %jit3A_1252 : i32 to vector<128x128xi32>
    %select_n3A_1254 = arith.select %eq3A_1248, %add3A_1251, %broadcast_in_dim3A_1253 : vector<128x128xi1>, vector<128x128xi32>
    %min3A_1255 = arith.minsi %min3A_1239, %select_n3A_1254 : vector<128x128xi32>
    %get3A_1256 = arith.constant 0 : index
    %get3A_1257 = arith.constant 768 : index
    %get3A_1258 = vector.load %arg4[%get3A_1256, %get3A_1257] : memref<128x2048xf32, #tpu.memory_space<vmem>>, vector<128x128xf32>
    %sub3A_1259 = vector.broadcast %max3A_1161 : vector<128x1xf32> to vector<128x128xf32>
    %sub3A_1260 = arith.subf %get3A_1258, %sub3A_1259 : vector<128x128xf32>
    %exp3A_1261 = math.exp %sub3A_1260 : vector<128x128xf32>
    %add3A_1262 = arith.addf %add3A_1246, %exp3A_1261 : vector<128x128xf32>
    %eq3A_1263 = vector.broadcast %broadcast_in_dim3A_1157 : vector<128x1xf32> to vector<128x128xf32>
    %eq3A_1264 = arith.cmpf oeq, %get3A_1258, %eq3A_1263 : vector<128x128xf32>
    %add3A_1265 = arith.constant 768 : i32
    %add3A_1266 = vector.broadcast %add3A_1265 : i32 to vector<128x128xi32>
    %add3A_1267 = arith.addi %add3A_1266, %iota3A : vector<128x128xi32>
    %jit3A_1268 = arith.constant 1073741824 : i32
    %broadcast_in_dim3A_1269 = vector.broadcast %jit3A_1268 : i32 to vector<128x128xi32>
    %select_n3A_1270 = arith.select %eq3A_1264, %add3A_1267, %broadcast_in_dim3A_1269 : vector<128x128xi1>, vector<128x128xi32>
    %min3A_1271 = arith.minsi %min3A_1255, %select_n3A_1270 : vector<128x128xi32>
    %get3A_1272 = arith.constant 0 : index
    %get3A_1273 = arith.constant 896 : index
    %get3A_1274 = vector.load %arg4[%get3A_1272, %get3A_1273] : memref<128x2048xf32, #tpu.memory_space<vmem>>, vector<128x128xf32>
    %sub3A_1275 = vector.broadcast %max3A_1161 : vector<128x1xf32> to vector<128x128xf32>
    %sub3A_1276 = arith.subf %get3A_1274, %sub3A_1275 : vector<128x128xf32>
    %exp3A_1277 = math.exp %sub3A_1276 : vector<128x128xf32>
    %add3A_1278 = arith.addf %add3A_1262, %exp3A_1277 : vector<128x128xf32>
    %eq3A_1279 = vector.broadcast %broadcast_in_dim3A_1157 : vector<128x1xf32> to vector<128x128xf32>
    %eq3A_1280 = arith.cmpf oeq, %get3A_1274, %eq3A_1279 : vector<128x128xf32>
    %add3A_1281 = arith.constant 896 : i32
    %add3A_1282 = vector.broadcast %add3A_1281 : i32 to vector<128x128xi32>
    %add3A_1283 = arith.addi %add3A_1282, %iota3A : vector<128x128xi32>
    %jit3A_1284 = arith.constant 1073741824 : i32
    %broadcast_in_dim3A_1285 = vector.broadcast %jit3A_1284 : i32 to vector<128x128xi32>
    %select_n3A_1286 = arith.select %eq3A_1280, %add3A_1283, %broadcast_in_dim3A_1285 : vector<128x128xi1>, vector<128x128xi32>
    %min3A_1287 = arith.minsi %min3A_1271, %select_n3A_1286 : vector<128x128xi32>
    %get3A_1288 = arith.constant 0 : index
    %get3A_1289 = arith.constant 1024 : index
    %get3A_1290 = vector.load %arg4[%get3A_1288, %get3A_1289] : memref<128x2048xf32, #tpu.memory_space<vmem>>, vector<128x128xf32>
    %sub3A_1291 = vector.broadcast %max3A_1161 : vector<128x1xf32> to vector<128x128xf32>
    %sub3A_1292 = arith.subf %get3A_1290, %sub3A_1291 : vector<128x128xf32>
    %exp3A_1293 = math.exp %sub3A_1292 : vector<128x128xf32>
    %add3A_1294 = arith.addf %add3A_1278, %exp3A_1293 : vector<128x128xf32>
    %eq3A_1295 = vector.broadcast %broadcast_in_dim3A_1157 : vector<128x1xf32> to vector<128x128xf32>
    %eq3A_1296 = arith.cmpf oeq, %get3A_1290, %eq3A_1295 : vector<128x128xf32>
    %add3A_1297 = arith.constant 1024 : i32
    %add3A_1298 = vector.broadcast %add3A_1297 : i32 to vector<128x128xi32>
    %add3A_1299 = arith.addi %add3A_1298, %iota3A : vector<128x128xi32>
    %jit3A_1300 = arith.constant 1073741824 : i32
    %broadcast_in_dim3A_1301 = vector.broadcast %jit3A_1300 : i32 to vector<128x128xi32>
    %select_n3A_1302 = arith.select %eq3A_1296, %add3A_1299, %broadcast_in_dim3A_1301 : vector<128x128xi1>, vector<128x128xi32>
    %min3A_1303 = arith.minsi %min3A_1287, %select_n3A_1302 : vector<128x128xi32>
    %get3A_1304 = arith.constant 0 : index
    %get3A_1305 = arith.constant 1152 : index
    %get3A_1306 = vector.load %arg4[%get3A_1304, %get3A_1305] : memref<128x2048xf32, #tpu.memory_space<vmem>>, vector<128x128xf32>
    %sub3A_1307 = vector.broadcast %max3A_1161 : vector<128x1xf32> to vector<128x128xf32>
    %sub3A_1308 = arith.subf %get3A_1306, %sub3A_1307 : vector<128x128xf32>
    %exp3A_1309 = math.exp %sub3A_1308 : vector<128x128xf32>
    %add3A_1310 = arith.addf %add3A_1294, %exp3A_1309 : vector<128x128xf32>
    %eq3A_1311 = vector.broadcast %broadcast_in_dim3A_1157 : vector<128x1xf32> to vector<128x128xf32>
    %eq3A_1312 = arith.cmpf oeq, %get3A_1306, %eq3A_1311 : vector<128x128xf32>
    %add3A_1313 = arith.constant 1152 : i32
    %add3A_1314 = vector.broadcast %add3A_1313 : i32 to vector<128x128xi32>
    %add3A_1315 = arith.addi %add3A_1314, %iota3A : vector<128x128xi32>
    %jit3A_1316 = arith.constant 1073741824 : i32
    %broadcast_in_dim3A_1317 = vector.broadcast %jit3A_1316 : i32 to vector<128x128xi32>
    %select_n3A_1318 = arith.select %eq3A_1312, %add3A_1315, %broadcast_in_dim3A_1317 : vector<128x128xi1>, vector<128x128xi32>
    %min3A_1319 = arith.minsi %min3A_1303, %select_n3A_1318 : vector<128x128xi32>
    %get3A_1320 = arith.constant 0 : index
    %get3A_1321 = arith.constant 1280 : index
    %get3A_1322 = vector.load %arg4[%get3A_1320, %get3A_1321] : memref<128x2048xf32, #tpu.memory_space<vmem>>, vector<128x128xf32>
    %sub3A_1323 = vector.broadcast %max3A_1161 : vector<128x1xf32> to vector<128x128xf32>
    %sub3A_1324 = arith.subf %get3A_1322, %sub3A_1323 : vector<128x128xf32>
    %exp3A_1325 = math.exp %sub3A_1324 : vector<128x128xf32>
    %add3A_1326 = arith.addf %add3A_1310, %exp3A_1325 : vector<128x128xf32>
    %eq3A_1327 = vector.broadcast %broadcast_in_dim3A_1157 : vector<128x1xf32> to vector<128x128xf32>
    %eq3A_1328 = arith.cmpf oeq, %get3A_1322, %eq3A_1327 : vector<128x128xf32>
    %add3A_1329 = arith.constant 1280 : i32
    %add3A_1330 = vector.broadcast %add3A_1329 : i32 to vector<128x128xi32>
    %add3A_1331 = arith.addi %add3A_1330, %iota3A : vector<128x128xi32>
    %jit3A_1332 = arith.constant 1073741824 : i32
    %broadcast_in_dim3A_1333 = vector.broadcast %jit3A_1332 : i32 to vector<128x128xi32>
    %select_n3A_1334 = arith.select %eq3A_1328, %add3A_1331, %broadcast_in_dim3A_1333 : vector<128x128xi1>, vector<128x128xi32>
    %min3A_1335 = arith.minsi %min3A_1319, %select_n3A_1334 : vector<128x128xi32>
    %get3A_1336 = arith.constant 0 : index
    %get3A_1337 = arith.constant 1408 : index
    %get3A_1338 = vector.load %arg4[%get3A_1336, %get3A_1337] : memref<128x2048xf32, #tpu.memory_space<vmem>>, vector<128x128xf32>
    %sub3A_1339 = vector.broadcast %max3A_1161 : vector<128x1xf32> to vector<128x128xf32>
    %sub3A_1340 = arith.subf %get3A_1338, %sub3A_1339 : vector<128x128xf32>
    %exp3A_1341 = math.exp %sub3A_1340 : vector<128x128xf32>
    %add3A_1342 = arith.addf %add3A_1326, %exp3A_1341 : vector<128x128xf32>
    %eq3A_1343 = vector.broadcast %broadcast_in_dim3A_1157 : vector<128x1xf32> to vector<128x128xf32>
    %eq3A_1344 = arith.cmpf oeq, %get3A_1338, %eq3A_1343 : vector<128x128xf32>
    %add3A_1345 = arith.constant 1408 : i32
    %add3A_1346 = vector.broadcast %add3A_1345 : i32 to vector<128x128xi32>
    %add3A_1347 = arith.addi %add3A_1346, %iota3A : vector<128x128xi32>
    %jit3A_1348 = arith.constant 1073741824 : i32
    %broadcast_in_dim3A_1349 = vector.broadcast %jit3A_1348 : i32 to vector<128x128xi32>
    %select_n3A_1350 = arith.select %eq3A_1344, %add3A_1347, %broadcast_in_dim3A_1349 : vector<128x128xi1>, vector<128x128xi32>
    %min3A_1351 = arith.minsi %min3A_1335, %select_n3A_1350 : vector<128x128xi32>
    %get3A_1352 = arith.constant 0 : index
    %get3A_1353 = arith.constant 1536 : index
    %get3A_1354 = vector.load %arg4[%get3A_1352, %get3A_1353] : memref<128x2048xf32, #tpu.memory_space<vmem>>, vector<128x128xf32>
    %sub3A_1355 = vector.broadcast %max3A_1161 : vector<128x1xf32> to vector<128x128xf32>
    %sub3A_1356 = arith.subf %get3A_1354, %sub3A_1355 : vector<128x128xf32>
    %exp3A_1357 = math.exp %sub3A_1356 : vector<128x128xf32>
    %add3A_1358 = arith.addf %add3A_1342, %exp3A_1357 : vector<128x128xf32>
    %eq3A_1359 = vector.broadcast %broadcast_in_dim3A_1157 : vector<128x1xf32> to vector<128x128xf32>
    %eq3A_1360 = arith.cmpf oeq, %get3A_1354, %eq3A_1359 : vector<128x128xf32>
    %add3A_1361 = arith.constant 1536 : i32
    %add3A_1362 = vector.broadcast %add3A_1361 : i32 to vector<128x128xi32>
    %add3A_1363 = arith.addi %add3A_1362, %iota3A : vector<128x128xi32>
    %jit3A_1364 = arith.constant 1073741824 : i32
    %broadcast_in_dim3A_1365 = vector.broadcast %jit3A_1364 : i32 to vector<128x128xi32>
    %select_n3A_1366 = arith.select %eq3A_1360, %add3A_1363, %broadcast_in_dim3A_1365 : vector<128x128xi1>, vector<128x128xi32>
    %min3A_1367 = arith.minsi %min3A_1351, %select_n3A_1366 : vector<128x128xi32>
    %get3A_1368 = arith.constant 0 : index
    %get3A_1369 = arith.constant 1664 : index
    %get3A_1370 = vector.load %arg4[%get3A_1368, %get3A_1369] : memref<128x2048xf32, #tpu.memory_space<vmem>>, vector<128x128xf32>
    %sub3A_1371 = vector.broadcast %max3A_1161 : vector<128x1xf32> to vector<128x128xf32>
    %sub3A_1372 = arith.subf %get3A_1370, %sub3A_1371 : vector<128x128xf32>
    %exp3A_1373 = math.exp %sub3A_1372 : vector<128x128xf32>
    %add3A_1374 = arith.addf %add3A_1358, %exp3A_1373 : vector<128x128xf32>
    %eq3A_1375 = vector.broadcast %broadcast_in_dim3A_1157 : vector<128x1xf32> to vector<128x128xf32>
    %eq3A_1376 = arith.cmpf oeq, %get3A_1370, %eq3A_1375 : vector<128x128xf32>
    %add3A_1377 = arith.constant 1664 : i32
    %add3A_1378 = vector.broadcast %add3A_1377 : i32 to vector<128x128xi32>
    %add3A_1379 = arith.addi %add3A_1378, %iota3A : vector<128x128xi32>
    %jit3A_1380 = arith.constant 1073741824 : i32
    %broadcast_in_dim3A_1381 = vector.broadcast %jit3A_1380 : i32 to vector<128x128xi32>
    %select_n3A_1382 = arith.select %eq3A_1376, %add3A_1379, %broadcast_in_dim3A_1381 : vector<128x128xi1>, vector<128x128xi32>
    %min3A_1383 = arith.minsi %min3A_1367, %select_n3A_1382 : vector<128x128xi32>
    %get3A_1384 = arith.constant 0 : index
    %get3A_1385 = arith.constant 1792 : index
    %get3A_1386 = vector.load %arg4[%get3A_1384, %get3A_1385] : memref<128x2048xf32, #tpu.memory_space<vmem>>, vector<128x128xf32>
    %sub3A_1387 = vector.broadcast %max3A_1161 : vector<128x1xf32> to vector<128x128xf32>
    %sub3A_1388 = arith.subf %get3A_1386, %sub3A_1387 : vector<128x128xf32>
    %exp3A_1389 = math.exp %sub3A_1388 : vector<128x128xf32>
    %add3A_1390 = arith.addf %add3A_1374, %exp3A_1389 : vector<128x128xf32>
    %eq3A_1391 = vector.broadcast %broadcast_in_dim3A_1157 : vector<128x1xf32> to vector<128x128xf32>
    %eq3A_1392 = arith.cmpf oeq, %get3A_1386, %eq3A_1391 : vector<128x128xf32>
    %add3A_1393 = arith.constant 1792 : i32
    %add3A_1394 = vector.broadcast %add3A_1393 : i32 to vector<128x128xi32>
    %add3A_1395 = arith.addi %add3A_1394, %iota3A : vector<128x128xi32>
    %jit3A_1396 = arith.constant 1073741824 : i32
    %broadcast_in_dim3A_1397 = vector.broadcast %jit3A_1396 : i32 to vector<128x128xi32>
    %select_n3A_1398 = arith.select %eq3A_1392, %add3A_1395, %broadcast_in_dim3A_1397 : vector<128x128xi1>, vector<128x128xi32>
    %min3A_1399 = arith.minsi %min3A_1383, %select_n3A_1398 : vector<128x128xi32>
    %get3A_1400 = arith.constant 0 : index
    %get3A_1401 = arith.constant 1920 : index
    %get3A_1402 = vector.load %arg4[%get3A_1400, %get3A_1401] : memref<128x2048xf32, #tpu.memory_space<vmem>>, vector<128x128xf32>
    %sub3A_1403 = vector.broadcast %max3A_1161 : vector<128x1xf32> to vector<128x128xf32>
    %sub3A_1404 = arith.subf %get3A_1402, %sub3A_1403 : vector<128x128xf32>
    %exp3A_1405 = math.exp %sub3A_1404 : vector<128x128xf32>
    %add3A_1406 = arith.addf %add3A_1390, %exp3A_1405 : vector<128x128xf32>
    %eq3A_1407 = vector.broadcast %broadcast_in_dim3A_1157 : vector<128x1xf32> to vector<128x128xf32>
    %eq3A_1408 = arith.cmpf oeq, %get3A_1402, %eq3A_1407 : vector<128x128xf32>
    %add3A_1409 = arith.constant 1920 : i32
    %add3A_1410 = vector.broadcast %add3A_1409 : i32 to vector<128x128xi32>
    %add3A_1411 = arith.addi %add3A_1410, %iota3A : vector<128x128xi32>
    %jit3A_1412 = arith.constant 1073741824 : i32
    %broadcast_in_dim3A_1413 = vector.broadcast %jit3A_1412 : i32 to vector<128x128xi32>
    %select_n3A_1414 = arith.select %eq3A_1408, %add3A_1411, %broadcast_in_dim3A_1413 : vector<128x128xi1>, vector<128x128xi32>
    %min3A_1415 = arith.minsi %min3A_1399, %select_n3A_1414 : vector<128x128xi32>
    %reduce_sum3A_1416 = arith.constant dense<0.000000e+00> : vector<128xf32>
    %reduce_sum3A_1417 = vector.multi_reduction <add>, %add3A_1406, %reduce_sum3A_1416 [1] : vector<128x128xf32> to vector<128xf32>
    %broadcast_in_dim3A_1418 = vector.shape_cast %reduce_sum3A_1417 : vector<128xf32> to vector<128x1xf32>
    %reduce_min3A_1419 = arith.constant dense<2147483647> : vector<128xi32>
    %reduce_min3A_1420 = vector.multi_reduction <minsi>, %min3A_1415, %reduce_min3A_1419 [1] : vector<128x128xi32> to vector<128xi32>
    %broadcast_in_dim3A_1421 = vector.shape_cast %reduce_min3A_1420 : vector<128xi32> to vector<128x1xi32>
    %add3A_1422 = vector.broadcast %mul3A_1091 : i32 to vector<128x1xi32>
    %add3A_1423 = arith.addi %broadcast_in_dim3A_1421, %add3A_1422 : vector<128x1xi32>
    %get3A_1424 = arith.constant 0 : index
    %get3A_1425 = arith.constant 0 : index
    %get3A_1426 = vector.load %arg11[%get3A_1424, %get3A_1425] : memref<128x1xf32, #tpu.memory_space<vmem>>, vector<128x1xf32>
    %sub3A_1427 = arith.subf %get3A_1160, %max3A_1161 : vector<128x1xf32>
    %exp3A_1428 = math.exp %sub3A_1427 : vector<128x1xf32>
    %mul3A_1429 = arith.mulf %get3A_1426, %exp3A_1428 : vector<128x1xf32>
    %add3A_1430 = arith.addf %mul3A_1429, %broadcast_in_dim3A_1418 : vector<128x1xf32>
    %swap3A_1431 = arith.constant 0 : index
    %swap3A_1432 = arith.constant 0 : index
    %swap3A_1433 = vector.load %arg11[%swap3A_1431, %swap3A_1432] : memref<128x1xf32, #tpu.memory_space<vmem>>, vector<128x1xf32>
    tpu.vector_store %arg11[%swap3A_1431, %swap3A_1432], %add3A_1430 {strides = array<i32>} : memref<128x1xf32, #tpu.memory_space<vmem>>, vector<128x1xf32>,
    %swap3A_1434 = arith.constant 0 : index
    %swap3A_1435 = arith.constant 0 : index
    %swap3A_1436 = vector.load %arg10[%swap3A_1434, %swap3A_1435] : memref<128x1xf32, #tpu.memory_space<vmem>>, vector<128x1xf32>
    tpu.vector_store %arg10[%swap3A_1434, %swap3A_1435], %max3A_1161 {strides = array<i32>} : memref<128x1xf32, #tpu.memory_space<vmem>>, vector<128x1xf32>,
    %get3A_1437 = arith.constant 0 : index
    %get3A_1438 = arith.constant 0 : index
    %get3A_1439 = vector.load %arg12[%get3A_1437, %get3A_1438] : memref<128x1xf32, #tpu.memory_space<vmem>>, vector<128x1xf32>
    %get3A_1440 = arith.constant 0 : index
    %get3A_1441 = arith.constant 0 : index
    %get3A_1442 = vector.load %arg13[%get3A_1440, %get3A_1441] : memref<128x1xi32, #tpu.memory_space<vmem>>, vector<128x1xi32>
    %gt3A_1443 = arith.cmpf ogt, %broadcast_in_dim3A_1157, %get3A_1439 : vector<128x1xf32>
    %eq3A_1444 = arith.cmpf oeq, %broadcast_in_dim3A_1157, %get3A_1439 : vector<128x1xf32>
    %lt3A_1445 = arith.cmpi slt, %add3A_1423, %get3A_1442 : vector<128x1xi32>
    %and3A_1446 = arith.andi %eq3A_1444, %lt3A_1445 : vector<128x1xi1>
    %or3A_1447 = arith.ori %gt3A_1443, %and3A_1446 : vector<128x1xi1>
    %select_n3A_1448 = arith.select %or3A_1447, %broadcast_in_dim3A_1157, %get3A_1439 : vector<128x1xi1>, vector<128x1xf32>
    %swap3A_1449 = arith.constant 0 : index
    %swap3A_1450 = arith.constant 0 : index
    %swap3A_1451 = vector.load %arg12[%swap3A_1449, %swap3A_1450] : memref<128x1xf32, #tpu.memory_space<vmem>>, vector<128x1xf32>
    tpu.vector_store %arg12[%swap3A_1449, %swap3A_1450], %select_n3A_1448 {strides = array<i32>} : memref<128x1xf32, #tpu.memory_space<vmem>>, vector<128x1xf32>,
    %select_n3A_1452 = arith.select %or3A_1447, %add3A_1423, %get3A_1442 : vector<128x1xi1>, vector<128x1xi32>
    %swap3A_1453 = arith.constant 0 : index
    %swap3A_1454 = arith.constant 0 : index
    %swap3A_1455 = vector.load %arg13[%swap3A_1453, %swap3A_1454] : memref<128x1xi32, #tpu.memory_space<vmem>>, vector<128x1xi32>
    tpu.vector_store %arg13[%swap3A_1453, %swap3A_1454], %select_n3A_1452 {strides = array<i32>} : memref<128x1xi32, #tpu.memory_space<vmem>>, vector<128x1xi32>,
    %add3A_1456 = arith.constant 28 : i32
    %add3A_1457 = arith.addi %add3A_1456, %arg0 : i32
    %mul3A_1458 = arith.constant 2048 : i32
    %mul3A_1459 = arith.muli %add3A_1457, %mul3A_1458 : i32
    %get3A_1460 = arith.constant 0 : index
    %get3A_1461 = arith.constant 0 : index
    %get3A_1462 = vector.load %arg5[%get3A_1460, %get3A_1461] : memref<128x2048xf32, #tpu.memory_space<vmem>>, vector<128x128xf32>
    %get3A_1463 = arith.constant 0 : index
    %get3A_1464 = arith.constant 128 : index
    %get3A_1465 = vector.load %arg5[%get3A_1463, %get3A_1464] : memref<128x2048xf32, #tpu.memory_space<vmem>>, vector<128x128xf32>
    %max3A_1466 = arith.maximumf %get3A_1462, %get3A_1465 : vector<128x128xf32>
    %get3A_1467 = arith.constant 0 : index
    %get3A_1468 = arith.constant 256 : index
    %get3A_1469 = vector.load %arg5[%get3A_1467, %get3A_1468] : memref<128x2048xf32, #tpu.memory_space<vmem>>, vector<128x128xf32>
    %max3A_1470 = arith.maximumf %max3A_1466, %get3A_1469 : vector<128x128xf32>
    %get3A_1471 = arith.constant 0 : index
    %get3A_1472 = arith.constant 384 : index
    %get3A_1473 = vector.load %arg5[%get3A_1471, %get3A_1472] : memref<128x2048xf32, #tpu.memory_space<vmem>>, vector<128x128xf32>
    %max3A_1474 = arith.maximumf %max3A_1470, %get3A_1473 : vector<128x128xf32>
    %get3A_1475 = arith.constant 0 : index
    %get3A_1476 = arith.constant 512 : index
    %get3A_1477 = vector.load %arg5[%get3A_1475, %get3A_1476] : memref<128x2048xf32, #tpu.memory_space<vmem>>, vector<128x128xf32>
    %max3A_1478 = arith.maximumf %max3A_1474, %get3A_1477 : vector<128x128xf32>
    %get3A_1479 = arith.constant 0 : index
    %get3A_1480 = arith.constant 640 : index
    %get3A_1481 = vector.load %arg5[%get3A_1479, %get3A_1480] : memref<128x2048xf32, #tpu.memory_space<vmem>>, vector<128x128xf32>
    %max3A_1482 = arith.maximumf %max3A_1478, %get3A_1481 : vector<128x128xf32>
    %get3A_1483 = arith.constant 0 : index
    %get3A_1484 = arith.constant 768 : index
    %get3A_1485 = vector.load %arg5[%get3A_1483, %get3A_1484] : memref<128x2048xf32, #tpu.memory_space<vmem>>, vector<128x128xf32>
    %max3A_1486 = arith.maximumf %max3A_1482, %get3A_1485 : vector<128x128xf32>
    %get3A_1487 = arith.constant 0 : index
    %get3A_1488 = arith.constant 896 : index
    %get3A_1489 = vector.load %arg5[%get3A_1487, %get3A_1488] : memref<128x2048xf32, #tpu.memory_space<vmem>>, vector<128x128xf32>
    %max3A_1490 = arith.maximumf %max3A_1486, %get3A_1489 : vector<128x128xf32>
    %get3A_1491 = arith.constant 0 : index
    %get3A_1492 = arith.constant 1024 : index
    %get3A_1493 = vector.load %arg5[%get3A_1491, %get3A_1492] : memref<128x2048xf32, #tpu.memory_space<vmem>>, vector<128x128xf32>
    %max3A_1494 = arith.maximumf %max3A_1490, %get3A_1493 : vector<128x128xf32>
    %get3A_1495 = arith.constant 0 : index
    %get3A_1496 = arith.constant 1152 : index
    %get3A_1497 = vector.load %arg5[%get3A_1495, %get3A_1496] : memref<128x2048xf32, #tpu.memory_space<vmem>>, vector<128x128xf32>
    %max3A_1498 = arith.maximumf %max3A_1494, %get3A_1497 : vector<128x128xf32>
    %get3A_1499 = arith.constant 0 : index
    %get3A_1500 = arith.constant 1280 : index
    %get3A_1501 = vector.load %arg5[%get3A_1499, %get3A_1500] : memref<128x2048xf32, #tpu.memory_space<vmem>>, vector<128x128xf32>
    %max3A_1502 = arith.maximumf %max3A_1498, %get3A_1501 : vector<128x128xf32>
    %get3A_1503 = arith.constant 0 : index
    %get3A_1504 = arith.constant 1408 : index
    %get3A_1505 = vector.load %arg5[%get3A_1503, %get3A_1504] : memref<128x2048xf32, #tpu.memory_space<vmem>>, vector<128x128xf32>
    %max3A_1506 = arith.maximumf %max3A_1502, %get3A_1505 : vector<128x128xf32>
    %get3A_1507 = arith.constant 0 : index
    %get3A_1508 = arith.constant 1536 : index
    %get3A_1509 = vector.load %arg5[%get3A_1507, %get3A_1508] : memref<128x2048xf32, #tpu.memory_space<vmem>>, vector<128x128xf32>
    %max3A_1510 = arith.maximumf %max3A_1506, %get3A_1509 : vector<128x128xf32>
    %get3A_1511 = arith.constant 0 : index
    %get3A_1512 = arith.constant 1664 : index
    %get3A_1513 = vector.load %arg5[%get3A_1511, %get3A_1512] : memref<128x2048xf32, #tpu.memory_space<vmem>>, vector<128x128xf32>
    %max3A_1514 = arith.maximumf %max3A_1510, %get3A_1513 : vector<128x128xf32>
    %get3A_1515 = arith.constant 0 : index
    %get3A_1516 = arith.constant 1792 : index
    %get3A_1517 = vector.load %arg5[%get3A_1515, %get3A_1516] : memref<128x2048xf32, #tpu.memory_space<vmem>>, vector<128x128xf32>
    %max3A_1518 = arith.maximumf %max3A_1514, %get3A_1517 : vector<128x128xf32>
    %get3A_1519 = arith.constant 0 : index
    %get3A_1520 = arith.constant 1920 : index
    %get3A_1521 = vector.load %arg5[%get3A_1519, %get3A_1520] : memref<128x2048xf32, #tpu.memory_space<vmem>>, vector<128x128xf32>
    %max3A_1522 = arith.maximumf %max3A_1518, %get3A_1521 : vector<128x128xf32>
    %reduce_max3A_1523 = arith.constant dense<0xFF800000> : vector<128xf32>
    %reduce_max3A_1524 = vector.multi_reduction <maximumf>, %max3A_1522, %reduce_max3A_1523 [1] : vector<128x128xf32> to vector<128xf32>
    %broadcast_in_dim3A_1525 = vector.shape_cast %reduce_max3A_1524 : vector<128xf32> to vector<128x1xf32>
    %get3A_1526 = arith.constant 0 : index
    %get3A_1527 = arith.constant 0 : index
    %get3A_1528 = vector.load %arg10[%get3A_1526, %get3A_1527] : memref<128x1xf32, #tpu.memory_space<vmem>>, vector<128x1xf32>
    %max3A_1529 = arith.maximumf %get3A_1528, %broadcast_in_dim3A_1525 : vector<128x1xf32>
    %get3A_1530 = arith.constant 0 : index
    %get3A_1531 = arith.constant 0 : index
    %get3A_1532 = vector.load %arg5[%get3A_1530, %get3A_1531] : memref<128x2048xf32, #tpu.memory_space<vmem>>, vector<128x128xf32>
    %sub3A_1533 = vector.broadcast %max3A_1529 : vector<128x1xf32> to vector<128x128xf32>
    %sub3A_1534 = arith.subf %get3A_1532, %sub3A_1533 : vector<128x128xf32>
    %exp3A_1535 = math.exp %sub3A_1534 : vector<128x128xf32>
    %eq3A_1536 = vector.broadcast %broadcast_in_dim3A_1525 : vector<128x1xf32> to vector<128x128xf32>
    %eq3A_1537 = arith.cmpf oeq, %get3A_1532, %eq3A_1536 : vector<128x128xf32>
    %add3A_1538 = arith.constant 0 : i32
    %add3A_1539 = vector.broadcast %add3A_1538 : i32 to vector<128x128xi32>
    %add3A_1540 = arith.addi %add3A_1539, %iota3A : vector<128x128xi32>
    %jit3A_1541 = arith.constant 1073741824 : i32
    %broadcast_in_dim3A_1542 = vector.broadcast %jit3A_1541 : i32 to vector<128x128xi32>
    %select_n3A_1543 = arith.select %eq3A_1537, %add3A_1540, %broadcast_in_dim3A_1542 : vector<128x128xi1>, vector<128x128xi32>
    %get3A_1544 = arith.constant 0 : index
    %get3A_1545 = arith.constant 128 : index
    %get3A_1546 = vector.load %arg5[%get3A_1544, %get3A_1545] : memref<128x2048xf32, #tpu.memory_space<vmem>>, vector<128x128xf32>
    %sub3A_1547 = vector.broadcast %max3A_1529 : vector<128x1xf32> to vector<128x128xf32>
    %sub3A_1548 = arith.subf %get3A_1546, %sub3A_1547 : vector<128x128xf32>
    %exp3A_1549 = math.exp %sub3A_1548 : vector<128x128xf32>
    %add3A_1550 = arith.addf %exp3A_1535, %exp3A_1549 : vector<128x128xf32>
    %eq3A_1551 = vector.broadcast %broadcast_in_dim3A_1525 : vector<128x1xf32> to vector<128x128xf32>
    %eq3A_1552 = arith.cmpf oeq, %get3A_1546, %eq3A_1551 : vector<128x128xf32>
    %add3A_1553 = arith.constant 128 : i32
    %add3A_1554 = vector.broadcast %add3A_1553 : i32 to vector<128x128xi32>
    %add3A_1555 = arith.addi %add3A_1554, %iota3A : vector<128x128xi32>
    %jit3A_1556 = arith.constant 1073741824 : i32
    %broadcast_in_dim3A_1557 = vector.broadcast %jit3A_1556 : i32 to vector<128x128xi32>
    %select_n3A_1558 = arith.select %eq3A_1552, %add3A_1555, %broadcast_in_dim3A_1557 : vector<128x128xi1>, vector<128x128xi32>
    %min3A_1559 = arith.minsi %select_n3A_1543, %select_n3A_1558 : vector<128x128xi32>
    %get3A_1560 = arith.constant 0 : index
    %get3A_1561 = arith.constant 256 : index
    %get3A_1562 = vector.load %arg5[%get3A_1560, %get3A_1561] : memref<128x2048xf32, #tpu.memory_space<vmem>>, vector<128x128xf32>
    %sub3A_1563 = vector.broadcast %max3A_1529 : vector<128x1xf32> to vector<128x128xf32>
    %sub3A_1564 = arith.subf %get3A_1562, %sub3A_1563 : vector<128x128xf32>
    %exp3A_1565 = math.exp %sub3A_1564 : vector<128x128xf32>
    %add3A_1566 = arith.addf %add3A_1550, %exp3A_1565 : vector<128x128xf32>
    %eq3A_1567 = vector.broadcast %broadcast_in_dim3A_1525 : vector<128x1xf32> to vector<128x128xf32>
    %eq3A_1568 = arith.cmpf oeq, %get3A_1562, %eq3A_1567 : vector<128x128xf32>
    %add3A_1569 = arith.constant 256 : i32
    %add3A_1570 = vector.broadcast %add3A_1569 : i32 to vector<128x128xi32>
    %add3A_1571 = arith.addi %add3A_1570, %iota3A : vector<128x128xi32>
    %jit3A_1572 = arith.constant 1073741824 : i32
    %broadcast_in_dim3A_1573 = vector.broadcast %jit3A_1572 : i32 to vector<128x128xi32>
    %select_n3A_1574 = arith.select %eq3A_1568, %add3A_1571, %broadcast_in_dim3A_1573 : vector<128x128xi1>, vector<128x128xi32>
    %min3A_1575 = arith.minsi %min3A_1559, %select_n3A_1574 : vector<128x128xi32>
    %get3A_1576 = arith.constant 0 : index
    %get3A_1577 = arith.constant 384 : index
    %get3A_1578 = vector.load %arg5[%get3A_1576, %get3A_1577] : memref<128x2048xf32, #tpu.memory_space<vmem>>, vector<128x128xf32>
    %sub3A_1579 = vector.broadcast %max3A_1529 : vector<128x1xf32> to vector<128x128xf32>
    %sub3A_1580 = arith.subf %get3A_1578, %sub3A_1579 : vector<128x128xf32>
    %exp3A_1581 = math.exp %sub3A_1580 : vector<128x128xf32>
    %add3A_1582 = arith.addf %add3A_1566, %exp3A_1581 : vector<128x128xf32>
    %eq3A_1583 = vector.broadcast %broadcast_in_dim3A_1525 : vector<128x1xf32> to vector<128x128xf32>
    %eq3A_1584 = arith.cmpf oeq, %get3A_1578, %eq3A_1583 : vector<128x128xf32>
    %add3A_1585 = arith.constant 384 : i32
    %add3A_1586 = vector.broadcast %add3A_1585 : i32 to vector<128x128xi32>
    %add3A_1587 = arith.addi %add3A_1586, %iota3A : vector<128x128xi32>
    %jit3A_1588 = arith.constant 1073741824 : i32
    %broadcast_in_dim3A_1589 = vector.broadcast %jit3A_1588 : i32 to vector<128x128xi32>
    %select_n3A_1590 = arith.select %eq3A_1584, %add3A_1587, %broadcast_in_dim3A_1589 : vector<128x128xi1>, vector<128x128xi32>
    %min3A_1591 = arith.minsi %min3A_1575, %select_n3A_1590 : vector<128x128xi32>
    %get3A_1592 = arith.constant 0 : index
    %get3A_1593 = arith.constant 512 : index
    %get3A_1594 = vector.load %arg5[%get3A_1592, %get3A_1593] : memref<128x2048xf32, #tpu.memory_space<vmem>>, vector<128x128xf32>
    %sub3A_1595 = vector.broadcast %max3A_1529 : vector<128x1xf32> to vector<128x128xf32>
    %sub3A_1596 = arith.subf %get3A_1594, %sub3A_1595 : vector<128x128xf32>
    %exp3A_1597 = math.exp %sub3A_1596 : vector<128x128xf32>
    %add3A_1598 = arith.addf %add3A_1582, %exp3A_1597 : vector<128x128xf32>
    %eq3A_1599 = vector.broadcast %broadcast_in_dim3A_1525 : vector<128x1xf32> to vector<128x128xf32>
    %eq3A_1600 = arith.cmpf oeq, %get3A_1594, %eq3A_1599 : vector<128x128xf32>
    %add3A_1601 = arith.constant 512 : i32
    %add3A_1602 = vector.broadcast %add3A_1601 : i32 to vector<128x128xi32>
    %add3A_1603 = arith.addi %add3A_1602, %iota3A : vector<128x128xi32>
    %jit3A_1604 = arith.constant 1073741824 : i32
    %broadcast_in_dim3A_1605 = vector.broadcast %jit3A_1604 : i32 to vector<128x128xi32>
    %select_n3A_1606 = arith.select %eq3A_1600, %add3A_1603, %broadcast_in_dim3A_1605 : vector<128x128xi1>, vector<128x128xi32>
    %min3A_1607 = arith.minsi %min3A_1591, %select_n3A_1606 : vector<128x128xi32>
    %get3A_1608 = arith.constant 0 : index
    %get3A_1609 = arith.constant 640 : index
    %get3A_1610 = vector.load %arg5[%get3A_1608, %get3A_1609] : memref<128x2048xf32, #tpu.memory_space<vmem>>, vector<128x128xf32>
    %sub3A_1611 = vector.broadcast %max3A_1529 : vector<128x1xf32> to vector<128x128xf32>
    %sub3A_1612 = arith.subf %get3A_1610, %sub3A_1611 : vector<128x128xf32>
    %exp3A_1613 = math.exp %sub3A_1612 : vector<128x128xf32>
    %add3A_1614 = arith.addf %add3A_1598, %exp3A_1613 : vector<128x128xf32>
    %eq3A_1615 = vector.broadcast %broadcast_in_dim3A_1525 : vector<128x1xf32> to vector<128x128xf32>
    %eq3A_1616 = arith.cmpf oeq, %get3A_1610, %eq3A_1615 : vector<128x128xf32>
    %add3A_1617 = arith.constant 640 : i32
    %add3A_1618 = vector.broadcast %add3A_1617 : i32 to vector<128x128xi32>
    %add3A_1619 = arith.addi %add3A_1618, %iota3A : vector<128x128xi32>
    %jit3A_1620 = arith.constant 1073741824 : i32
    %broadcast_in_dim3A_1621 = vector.broadcast %jit3A_1620 : i32 to vector<128x128xi32>
    %select_n3A_1622 = arith.select %eq3A_1616, %add3A_1619, %broadcast_in_dim3A_1621 : vector<128x128xi1>, vector<128x128xi32>
    %min3A_1623 = arith.minsi %min3A_1607, %select_n3A_1622 : vector<128x128xi32>
    %get3A_1624 = arith.constant 0 : index
    %get3A_1625 = arith.constant 768 : index
    %get3A_1626 = vector.load %arg5[%get3A_1624, %get3A_1625] : memref<128x2048xf32, #tpu.memory_space<vmem>>, vector<128x128xf32>
    %sub3A_1627 = vector.broadcast %max3A_1529 : vector<128x1xf32> to vector<128x128xf32>
    %sub3A_1628 = arith.subf %get3A_1626, %sub3A_1627 : vector<128x128xf32>
    %exp3A_1629 = math.exp %sub3A_1628 : vector<128x128xf32>
    %add3A_1630 = arith.addf %add3A_1614, %exp3A_1629 : vector<128x128xf32>
    %eq3A_1631 = vector.broadcast %broadcast_in_dim3A_1525 : vector<128x1xf32> to vector<128x128xf32>
    %eq3A_1632 = arith.cmpf oeq, %get3A_1626, %eq3A_1631 : vector<128x128xf32>
    %add3A_1633 = arith.constant 768 : i32
    %add3A_1634 = vector.broadcast %add3A_1633 : i32 to vector<128x128xi32>
    %add3A_1635 = arith.addi %add3A_1634, %iota3A : vector<128x128xi32>
    %jit3A_1636 = arith.constant 1073741824 : i32
    %broadcast_in_dim3A_1637 = vector.broadcast %jit3A_1636 : i32 to vector<128x128xi32>
    %select_n3A_1638 = arith.select %eq3A_1632, %add3A_1635, %broadcast_in_dim3A_1637 : vector<128x128xi1>, vector<128x128xi32>
    %min3A_1639 = arith.minsi %min3A_1623, %select_n3A_1638 : vector<128x128xi32>
    %get3A_1640 = arith.constant 0 : index
    %get3A_1641 = arith.constant 896 : index
    %get3A_1642 = vector.load %arg5[%get3A_1640, %get3A_1641] : memref<128x2048xf32, #tpu.memory_space<vmem>>, vector<128x128xf32>
    %sub3A_1643 = vector.broadcast %max3A_1529 : vector<128x1xf32> to vector<128x128xf32>
    %sub3A_1644 = arith.subf %get3A_1642, %sub3A_1643 : vector<128x128xf32>
    %exp3A_1645 = math.exp %sub3A_1644 : vector<128x128xf32>
    %add3A_1646 = arith.addf %add3A_1630, %exp3A_1645 : vector<128x128xf32>
    %eq3A_1647 = vector.broadcast %broadcast_in_dim3A_1525 : vector<128x1xf32> to vector<128x128xf32>
    %eq3A_1648 = arith.cmpf oeq, %get3A_1642, %eq3A_1647 : vector<128x128xf32>
    %add3A_1649 = arith.constant 896 : i32
    %add3A_1650 = vector.broadcast %add3A_1649 : i32 to vector<128x128xi32>
    %add3A_1651 = arith.addi %add3A_1650, %iota3A : vector<128x128xi32>
    %jit3A_1652 = arith.constant 1073741824 : i32
    %broadcast_in_dim3A_1653 = vector.broadcast %jit3A_1652 : i32 to vector<128x128xi32>
    %select_n3A_1654 = arith.select %eq3A_1648, %add3A_1651, %broadcast_in_dim3A_1653 : vector<128x128xi1>, vector<128x128xi32>
    %min3A_1655 = arith.minsi %min3A_1639, %select_n3A_1654 : vector<128x128xi32>
    %get3A_1656 = arith.constant 0 : index
    %get3A_1657 = arith.constant 1024 : index
    %get3A_1658 = vector.load %arg5[%get3A_1656, %get3A_1657] : memref<128x2048xf32, #tpu.memory_space<vmem>>, vector<128x128xf32>
    %sub3A_1659 = vector.broadcast %max3A_1529 : vector<128x1xf32> to vector<128x128xf32>
    %sub3A_1660 = arith.subf %get3A_1658, %sub3A_1659 : vector<128x128xf32>
    %exp3A_1661 = math.exp %sub3A_1660 : vector<128x128xf32>
    %add3A_1662 = arith.addf %add3A_1646, %exp3A_1661 : vector<128x128xf32>
    %eq3A_1663 = vector.broadcast %broadcast_in_dim3A_1525 : vector<128x1xf32> to vector<128x128xf32>
    %eq3A_1664 = arith.cmpf oeq, %get3A_1658, %eq3A_1663 : vector<128x128xf32>
    %add3A_1665 = arith.constant 1024 : i32
    %add3A_1666 = vector.broadcast %add3A_1665 : i32 to vector<128x128xi32>
    %add3A_1667 = arith.addi %add3A_1666, %iota3A : vector<128x128xi32>
    %jit3A_1668 = arith.constant 1073741824 : i32
    %broadcast_in_dim3A_1669 = vector.broadcast %jit3A_1668 : i32 to vector<128x128xi32>
    %select_n3A_1670 = arith.select %eq3A_1664, %add3A_1667, %broadcast_in_dim3A_1669 : vector<128x128xi1>, vector<128x128xi32>
    %min3A_1671 = arith.minsi %min3A_1655, %select_n3A_1670 : vector<128x128xi32>
    %get3A_1672 = arith.constant 0 : index
    %get3A_1673 = arith.constant 1152 : index
    %get3A_1674 = vector.load %arg5[%get3A_1672, %get3A_1673] : memref<128x2048xf32, #tpu.memory_space<vmem>>, vector<128x128xf32>
    %sub3A_1675 = vector.broadcast %max3A_1529 : vector<128x1xf32> to vector<128x128xf32>
    %sub3A_1676 = arith.subf %get3A_1674, %sub3A_1675 : vector<128x128xf32>
    %exp3A_1677 = math.exp %sub3A_1676 : vector<128x128xf32>
    %add3A_1678 = arith.addf %add3A_1662, %exp3A_1677 : vector<128x128xf32>
    %eq3A_1679 = vector.broadcast %broadcast_in_dim3A_1525 : vector<128x1xf32> to vector<128x128xf32>
    %eq3A_1680 = arith.cmpf oeq, %get3A_1674, %eq3A_1679 : vector<128x128xf32>
    %add3A_1681 = arith.constant 1152 : i32
    %add3A_1682 = vector.broadcast %add3A_1681 : i32 to vector<128x128xi32>
    %add3A_1683 = arith.addi %add3A_1682, %iota3A : vector<128x128xi32>
    %jit3A_1684 = arith.constant 1073741824 : i32
    %broadcast_in_dim3A_1685 = vector.broadcast %jit3A_1684 : i32 to vector<128x128xi32>
    %select_n3A_1686 = arith.select %eq3A_1680, %add3A_1683, %broadcast_in_dim3A_1685 : vector<128x128xi1>, vector<128x128xi32>
    %min3A_1687 = arith.minsi %min3A_1671, %select_n3A_1686 : vector<128x128xi32>
    %get3A_1688 = arith.constant 0 : index
    %get3A_1689 = arith.constant 1280 : index
    %get3A_1690 = vector.load %arg5[%get3A_1688, %get3A_1689] : memref<128x2048xf32, #tpu.memory_space<vmem>>, vector<128x128xf32>
    %sub3A_1691 = vector.broadcast %max3A_1529 : vector<128x1xf32> to vector<128x128xf32>
    %sub3A_1692 = arith.subf %get3A_1690, %sub3A_1691 : vector<128x128xf32>
    %exp3A_1693 = math.exp %sub3A_1692 : vector<128x128xf32>
    %add3A_1694 = arith.addf %add3A_1678, %exp3A_1693 : vector<128x128xf32>
    %eq3A_1695 = vector.broadcast %broadcast_in_dim3A_1525 : vector<128x1xf32> to vector<128x128xf32>
    %eq3A_1696 = arith.cmpf oeq, %get3A_1690, %eq3A_1695 : vector<128x128xf32>
    %add3A_1697 = arith.constant 1280 : i32
    %add3A_1698 = vector.broadcast %add3A_1697 : i32 to vector<128x128xi32>
    %add3A_1699 = arith.addi %add3A_1698, %iota3A : vector<128x128xi32>
    %jit3A_1700 = arith.constant 1073741824 : i32
    %broadcast_in_dim3A_1701 = vector.broadcast %jit3A_1700 : i32 to vector<128x128xi32>
    %select_n3A_1702 = arith.select %eq3A_1696, %add3A_1699, %broadcast_in_dim3A_1701 : vector<128x128xi1>, vector<128x128xi32>
    %min3A_1703 = arith.minsi %min3A_1687, %select_n3A_1702 : vector<128x128xi32>
    %get3A_1704 = arith.constant 0 : index
    %get3A_1705 = arith.constant 1408 : index
    %get3A_1706 = vector.load %arg5[%get3A_1704, %get3A_1705] : memref<128x2048xf32, #tpu.memory_space<vmem>>, vector<128x128xf32>
    %sub3A_1707 = vector.broadcast %max3A_1529 : vector<128x1xf32> to vector<128x128xf32>
    %sub3A_1708 = arith.subf %get3A_1706, %sub3A_1707 : vector<128x128xf32>
    %exp3A_1709 = math.exp %sub3A_1708 : vector<128x128xf32>
    %add3A_1710 = arith.addf %add3A_1694, %exp3A_1709 : vector<128x128xf32>
    %eq3A_1711 = vector.broadcast %broadcast_in_dim3A_1525 : vector<128x1xf32> to vector<128x128xf32>
    %eq3A_1712 = arith.cmpf oeq, %get3A_1706, %eq3A_1711 : vector<128x128xf32>
    %add3A_1713 = arith.constant 1408 : i32
    %add3A_1714 = vector.broadcast %add3A_1713 : i32 to vector<128x128xi32>
    %add3A_1715 = arith.addi %add3A_1714, %iota3A : vector<128x128xi32>
    %jit3A_1716 = arith.constant 1073741824 : i32
    %broadcast_in_dim3A_1717 = vector.broadcast %jit3A_1716 : i32 to vector<128x128xi32>
    %select_n3A_1718 = arith.select %eq3A_1712, %add3A_1715, %broadcast_in_dim3A_1717 : vector<128x128xi1>, vector<128x128xi32>
    %min3A_1719 = arith.minsi %min3A_1703, %select_n3A_1718 : vector<128x128xi32>
    %get3A_1720 = arith.constant 0 : index
    %get3A_1721 = arith.constant 1536 : index
    %get3A_1722 = vector.load %arg5[%get3A_1720, %get3A_1721] : memref<128x2048xf32, #tpu.memory_space<vmem>>, vector<128x128xf32>
    %sub3A_1723 = vector.broadcast %max3A_1529 : vector<128x1xf32> to vector<128x128xf32>
    %sub3A_1724 = arith.subf %get3A_1722, %sub3A_1723 : vector<128x128xf32>
    %exp3A_1725 = math.exp %sub3A_1724 : vector<128x128xf32>
    %add3A_1726 = arith.addf %add3A_1710, %exp3A_1725 : vector<128x128xf32>
    %eq3A_1727 = vector.broadcast %broadcast_in_dim3A_1525 : vector<128x1xf32> to vector<128x128xf32>
    %eq3A_1728 = arith.cmpf oeq, %get3A_1722, %eq3A_1727 : vector<128x128xf32>
    %add3A_1729 = arith.constant 1536 : i32
    %add3A_1730 = vector.broadcast %add3A_1729 : i32 to vector<128x128xi32>
    %add3A_1731 = arith.addi %add3A_1730, %iota3A : vector<128x128xi32>
    %jit3A_1732 = arith.constant 1073741824 : i32
    %broadcast_in_dim3A_1733 = vector.broadcast %jit3A_1732 : i32 to vector<128x128xi32>
    %select_n3A_1734 = arith.select %eq3A_1728, %add3A_1731, %broadcast_in_dim3A_1733 : vector<128x128xi1>, vector<128x128xi32>
    %min3A_1735 = arith.minsi %min3A_1719, %select_n3A_1734 : vector<128x128xi32>
    %get3A_1736 = arith.constant 0 : index
    %get3A_1737 = arith.constant 1664 : index
    %get3A_1738 = vector.load %arg5[%get3A_1736, %get3A_1737] : memref<128x2048xf32, #tpu.memory_space<vmem>>, vector<128x128xf32>
    %sub3A_1739 = vector.broadcast %max3A_1529 : vector<128x1xf32> to vector<128x128xf32>
    %sub3A_1740 = arith.subf %get3A_1738, %sub3A_1739 : vector<128x128xf32>
    %exp3A_1741 = math.exp %sub3A_1740 : vector<128x128xf32>
    %add3A_1742 = arith.addf %add3A_1726, %exp3A_1741 : vector<128x128xf32>
    %eq3A_1743 = vector.broadcast %broadcast_in_dim3A_1525 : vector<128x1xf32> to vector<128x128xf32>
    %eq3A_1744 = arith.cmpf oeq, %get3A_1738, %eq3A_1743 : vector<128x128xf32>
    %add3A_1745 = arith.constant 1664 : i32
    %add3A_1746 = vector.broadcast %add3A_1745 : i32 to vector<128x128xi32>
    %add3A_1747 = arith.addi %add3A_1746, %iota3A : vector<128x128xi32>
    %jit3A_1748 = arith.constant 1073741824 : i32
    %broadcast_in_dim3A_1749 = vector.broadcast %jit3A_1748 : i32 to vector<128x128xi32>
    %select_n3A_1750 = arith.select %eq3A_1744, %add3A_1747, %broadcast_in_dim3A_1749 : vector<128x128xi1>, vector<128x128xi32>
    %min3A_1751 = arith.minsi %min3A_1735, %select_n3A_1750 : vector<128x128xi32>
    %get3A_1752 = arith.constant 0 : index
    %get3A_1753 = arith.constant 1792 : index
    %get3A_1754 = vector.load %arg5[%get3A_1752, %get3A_1753] : memref<128x2048xf32, #tpu.memory_space<vmem>>, vector<128x128xf32>
    %sub3A_1755 = vector.broadcast %max3A_1529 : vector<128x1xf32> to vector<128x128xf32>
    %sub3A_1756 = arith.subf %get3A_1754, %sub3A_1755 : vector<128x128xf32>
    %exp3A_1757 = math.exp %sub3A_1756 : vector<128x128xf32>
    %add3A_1758 = arith.addf %add3A_1742, %exp3A_1757 : vector<128x128xf32>
    %eq3A_1759 = vector.broadcast %broadcast_in_dim3A_1525 : vector<128x1xf32> to vector<128x128xf32>
    %eq3A_1760 = arith.cmpf oeq, %get3A_1754, %eq3A_1759 : vector<128x128xf32>
    %add3A_1761 = arith.constant 1792 : i32
    %add3A_1762 = vector.broadcast %add3A_1761 : i32 to vector<128x128xi32>
    %add3A_1763 = arith.addi %add3A_1762, %iota3A : vector<128x128xi32>
    %jit3A_1764 = arith.constant 1073741824 : i32
    %broadcast_in_dim3A_1765 = vector.broadcast %jit3A_1764 : i32 to vector<128x128xi32>
    %select_n3A_1766 = arith.select %eq3A_1760, %add3A_1763, %broadcast_in_dim3A_1765 : vector<128x128xi1>, vector<128x128xi32>
    %min3A_1767 = arith.minsi %min3A_1751, %select_n3A_1766 : vector<128x128xi32>
    %get3A_1768 = arith.constant 0 : index
    %get3A_1769 = arith.constant 1920 : index
    %get3A_1770 = vector.load %arg5[%get3A_1768, %get3A_1769] : memref<128x2048xf32, #tpu.memory_space<vmem>>, vector<128x128xf32>
    %sub3A_1771 = vector.broadcast %max3A_1529 : vector<128x1xf32> to vector<128x128xf32>
    %sub3A_1772 = arith.subf %get3A_1770, %sub3A_1771 : vector<128x128xf32>
    %exp3A_1773 = math.exp %sub3A_1772 : vector<128x128xf32>
    %add3A_1774 = arith.addf %add3A_1758, %exp3A_1773 : vector<128x128xf32>
    %eq3A_1775 = vector.broadcast %broadcast_in_dim3A_1525 : vector<128x1xf32> to vector<128x128xf32>
    %eq3A_1776 = arith.cmpf oeq, %get3A_1770, %eq3A_1775 : vector<128x128xf32>
    %add3A_1777 = arith.constant 1920 : i32
    %add3A_1778 = vector.broadcast %add3A_1777 : i32 to vector<128x128xi32>
    %add3A_1779 = arith.addi %add3A_1778, %iota3A : vector<128x128xi32>
    %jit3A_1780 = arith.constant 1073741824 : i32
    %broadcast_in_dim3A_1781 = vector.broadcast %jit3A_1780 : i32 to vector<128x128xi32>
    %select_n3A_1782 = arith.select %eq3A_1776, %add3A_1779, %broadcast_in_dim3A_1781 : vector<128x128xi1>, vector<128x128xi32>
    %min3A_1783 = arith.minsi %min3A_1767, %select_n3A_1782 : vector<128x128xi32>
    %reduce_sum3A_1784 = arith.constant dense<0.000000e+00> : vector<128xf32>
    %reduce_sum3A_1785 = vector.multi_reduction <add>, %add3A_1774, %reduce_sum3A_1784 [1] : vector<128x128xf32> to vector<128xf32>
    %broadcast_in_dim3A_1786 = vector.shape_cast %reduce_sum3A_1785 : vector<128xf32> to vector<128x1xf32>
    %reduce_min3A_1787 = arith.constant dense<2147483647> : vector<128xi32>
    %reduce_min3A_1788 = vector.multi_reduction <minsi>, %min3A_1783, %reduce_min3A_1787 [1] : vector<128x128xi32> to vector<128xi32>
    %broadcast_in_dim3A_1789 = vector.shape_cast %reduce_min3A_1788 : vector<128xi32> to vector<128x1xi32>
    %add3A_1790 = vector.broadcast %mul3A_1459 : i32 to vector<128x1xi32>
    %add3A_1791 = arith.addi %broadcast_in_dim3A_1789, %add3A_1790 : vector<128x1xi32>
    %get3A_1792 = arith.constant 0 : index
    %get3A_1793 = arith.constant 0 : index
    %get3A_1794 = vector.load %arg11[%get3A_1792, %get3A_1793] : memref<128x1xf32, #tpu.memory_space<vmem>>, vector<128x1xf32>
    %sub3A_1795 = arith.subf %get3A_1528, %max3A_1529 : vector<128x1xf32>
    %exp3A_1796 = math.exp %sub3A_1795 : vector<128x1xf32>
    %mul3A_1797 = arith.mulf %get3A_1794, %exp3A_1796 : vector<128x1xf32>
    %add3A_1798 = arith.addf %mul3A_1797, %broadcast_in_dim3A_1786 : vector<128x1xf32>
    %swap3A_1799 = arith.constant 0 : index
    %swap3A_1800 = arith.constant 0 : index
    %swap3A_1801 = vector.load %arg11[%swap3A_1799, %swap3A_1800] : memref<128x1xf32, #tpu.memory_space<vmem>>, vector<128x1xf32>
    tpu.vector_store %arg11[%swap3A_1799, %swap3A_1800], %add3A_1798 {strides = array<i32>} : memref<128x1xf32, #tpu.memory_space<vmem>>, vector<128x1xf32>,
    %swap3A_1802 = arith.constant 0 : index
    %swap3A_1803 = arith.constant 0 : index
    %swap3A_1804 = vector.load %arg10[%swap3A_1802, %swap3A_1803] : memref<128x1xf32, #tpu.memory_space<vmem>>, vector<128x1xf32>
    tpu.vector_store %arg10[%swap3A_1802, %swap3A_1803], %max3A_1529 {strides = array<i32>} : memref<128x1xf32, #tpu.memory_space<vmem>>, vector<128x1xf32>,
    %get3A_1805 = arith.constant 0 : index
    %get3A_1806 = arith.constant 0 : index
    %get3A_1807 = vector.load %arg12[%get3A_1805, %get3A_1806] : memref<128x1xf32, #tpu.memory_space<vmem>>, vector<128x1xf32>
    %get3A_1808 = arith.constant 0 : index
    %get3A_1809 = arith.constant 0 : index
    %get3A_1810 = vector.load %arg13[%get3A_1808, %get3A_1809] : memref<128x1xi32, #tpu.memory_space<vmem>>, vector<128x1xi32>
    %gt3A_1811 = arith.cmpf ogt, %broadcast_in_dim3A_1525, %get3A_1807 : vector<128x1xf32>
    %eq3A_1812 = arith.cmpf oeq, %broadcast_in_dim3A_1525, %get3A_1807 : vector<128x1xf32>
    %lt3A_1813 = arith.cmpi slt, %add3A_1791, %get3A_1810 : vector<128x1xi32>
    %and3A_1814 = arith.andi %eq3A_1812, %lt3A_1813 : vector<128x1xi1>
    %or3A_1815 = arith.ori %gt3A_1811, %and3A_1814 : vector<128x1xi1>
    %select_n3A_1816 = arith.select %or3A_1815, %broadcast_in_dim3A_1525, %get3A_1807 : vector<128x1xi1>, vector<128x1xf32>
    %swap3A_1817 = arith.constant 0 : index
    %swap3A_1818 = arith.constant 0 : index
    %swap3A_1819 = vector.load %arg12[%swap3A_1817, %swap3A_1818] : memref<128x1xf32, #tpu.memory_space<vmem>>, vector<128x1xf32>
    tpu.vector_store %arg12[%swap3A_1817, %swap3A_1818], %select_n3A_1816 {strides = array<i32>} : memref<128x1xf32, #tpu.memory_space<vmem>>, vector<128x1xf32>,
    %select_n3A_1820 = arith.select %or3A_1815, %add3A_1791, %get3A_1810 : vector<128x1xi1>, vector<128x1xi32>
    %swap3A_1821 = arith.constant 0 : index
    %swap3A_1822 = arith.constant 0 : index
    %swap3A_1823 = vector.load %arg13[%swap3A_1821, %swap3A_1822] : memref<128x1xi32, #tpu.memory_space<vmem>>, vector<128x1xi32>
    tpu.vector_store %arg13[%swap3A_1821, %swap3A_1822], %select_n3A_1820 {strides = array<i32>} : memref<128x1xi32, #tpu.memory_space<vmem>>, vector<128x1xi32>,
    %add3A_1824 = arith.constant 35 : i32
    %add3A_1825 = arith.addi %add3A_1824, %arg0 : i32
    %mul3A_1826 = arith.constant 2048 : i32
    %mul3A_1827 = arith.muli %add3A_1825, %mul3A_1826 : i32
    %get3A_1828 = arith.constant 0 : index
    %get3A_1829 = arith.constant 0 : index
    %get3A_1830 = vector.load %arg6[%get3A_1828, %get3A_1829] : memref<128x2048xf32, #tpu.memory_space<vmem>>, vector<128x128xf32>
    %get3A_1831 = arith.constant 0 : index
    %get3A_1832 = arith.constant 128 : index
    %get3A_1833 = vector.load %arg6[%get3A_1831, %get3A_1832] : memref<128x2048xf32, #tpu.memory_space<vmem>>, vector<128x128xf32>
    %max3A_1834 = arith.maximumf %get3A_1830, %get3A_1833 : vector<128x128xf32>
    %get3A_1835 = arith.constant 0 : index
    %get3A_1836 = arith.constant 256 : index
    %get3A_1837 = vector.load %arg6[%get3A_1835, %get3A_1836] : memref<128x2048xf32, #tpu.memory_space<vmem>>, vector<128x128xf32>
    %max3A_1838 = arith.maximumf %max3A_1834, %get3A_1837 : vector<128x128xf32>
    %get3A_1839 = arith.constant 0 : index
    %get3A_1840 = arith.constant 384 : index
    %get3A_1841 = vector.load %arg6[%get3A_1839, %get3A_1840] : memref<128x2048xf32, #tpu.memory_space<vmem>>, vector<128x128xf32>
    %max3A_1842 = arith.maximumf %max3A_1838, %get3A_1841 : vector<128x128xf32>
    %get3A_1843 = arith.constant 0 : index
    %get3A_1844 = arith.constant 512 : index
    %get3A_1845 = vector.load %arg6[%get3A_1843, %get3A_1844] : memref<128x2048xf32, #tpu.memory_space<vmem>>, vector<128x128xf32>
    %max3A_1846 = arith.maximumf %max3A_1842, %get3A_1845 : vector<128x128xf32>
    %get3A_1847 = arith.constant 0 : index
    %get3A_1848 = arith.constant 640 : index
    %get3A_1849 = vector.load %arg6[%get3A_1847, %get3A_1848] : memref<128x2048xf32, #tpu.memory_space<vmem>>, vector<128x128xf32>
    %max3A_1850 = arith.maximumf %max3A_1846, %get3A_1849 : vector<128x128xf32>
    %get3A_1851 = arith.constant 0 : index
    %get3A_1852 = arith.constant 768 : index
    %get3A_1853 = vector.load %arg6[%get3A_1851, %get3A_1852] : memref<128x2048xf32, #tpu.memory_space<vmem>>, vector<128x128xf32>
    %max3A_1854 = arith.maximumf %max3A_1850, %get3A_1853 : vector<128x128xf32>
    %get3A_1855 = arith.constant 0 : index
    %get3A_1856 = arith.constant 896 : index
    %get3A_1857 = vector.load %arg6[%get3A_1855, %get3A_1856] : memref<128x2048xf32, #tpu.memory_space<vmem>>, vector<128x128xf32>
    %max3A_1858 = arith.maximumf %max3A_1854, %get3A_1857 : vector<128x128xf32>
    %get3A_1859 = arith.constant 0 : index
    %get3A_1860 = arith.constant 1024 : index
    %get3A_1861 = vector.load %arg6[%get3A_1859, %get3A_1860] : memref<128x2048xf32, #tpu.memory_space<vmem>>, vector<128x128xf32>
    %max3A_1862 = arith.maximumf %max3A_1858, %get3A_1861 : vector<128x128xf32>
    %get3A_1863 = arith.constant 0 : index
    %get3A_1864 = arith.constant 1152 : index
    %get3A_1865 = vector.load %arg6[%get3A_1863, %get3A_1864] : memref<128x2048xf32, #tpu.memory_space<vmem>>, vector<128x128xf32>
    %max3A_1866 = arith.maximumf %max3A_1862, %get3A_1865 : vector<128x128xf32>
    %get3A_1867 = arith.constant 0 : index
    %get3A_1868 = arith.constant 1280 : index
    %get3A_1869 = vector.load %arg6[%get3A_1867, %get3A_1868] : memref<128x2048xf32, #tpu.memory_space<vmem>>, vector<128x128xf32>
    %max3A_1870 = arith.maximumf %max3A_1866, %get3A_1869 : vector<128x128xf32>
    %get3A_1871 = arith.constant 0 : index
    %get3A_1872 = arith.constant 1408 : index
    %get3A_1873 = vector.load %arg6[%get3A_1871, %get3A_1872] : memref<128x2048xf32, #tpu.memory_space<vmem>>, vector<128x128xf32>
    %max3A_1874 = arith.maximumf %max3A_1870, %get3A_1873 : vector<128x128xf32>
    %get3A_1875 = arith.constant 0 : index
    %get3A_1876 = arith.constant 1536 : index
    %get3A_1877 = vector.load %arg6[%get3A_1875, %get3A_1876] : memref<128x2048xf32, #tpu.memory_space<vmem>>, vector<128x128xf32>
    %max3A_1878 = arith.maximumf %max3A_1874, %get3A_1877 : vector<128x128xf32>
    %get3A_1879 = arith.constant 0 : index
    %get3A_1880 = arith.constant 1664 : index
    %get3A_1881 = vector.load %arg6[%get3A_1879, %get3A_1880] : memref<128x2048xf32, #tpu.memory_space<vmem>>, vector<128x128xf32>
    %max3A_1882 = arith.maximumf %max3A_1878, %get3A_1881 : vector<128x128xf32>
    %get3A_1883 = arith.constant 0 : index
    %get3A_1884 = arith.constant 1792 : index
    %get3A_1885 = vector.load %arg6[%get3A_1883, %get3A_1884] : memref<128x2048xf32, #tpu.memory_space<vmem>>, vector<128x128xf32>
    %max3A_1886 = arith.maximumf %max3A_1882, %get3A_1885 : vector<128x128xf32>
    %get3A_1887 = arith.constant 0 : index
    %get3A_1888 = arith.constant 1920 : index
    %get3A_1889 = vector.load %arg6[%get3A_1887, %get3A_1888] : memref<128x2048xf32, #tpu.memory_space<vmem>>, vector<128x128xf32>
    %max3A_1890 = arith.maximumf %max3A_1886, %get3A_1889 : vector<128x128xf32>
    %reduce_max3A_1891 = arith.constant dense<0xFF800000> : vector<128xf32>
    %reduce_max3A_1892 = vector.multi_reduction <maximumf>, %max3A_1890, %reduce_max3A_1891 [1] : vector<128x128xf32> to vector<128xf32>
    %broadcast_in_dim3A_1893 = vector.shape_cast %reduce_max3A_1892 : vector<128xf32> to vector<128x1xf32>
    %get3A_1894 = arith.constant 0 : index
    %get3A_1895 = arith.constant 0 : index
    %get3A_1896 = vector.load %arg10[%get3A_1894, %get3A_1895] : memref<128x1xf32, #tpu.memory_space<vmem>>, vector<128x1xf32>
    %max3A_1897 = arith.maximumf %get3A_1896, %broadcast_in_dim3A_1893 : vector<128x1xf32>
    %get3A_1898 = arith.constant 0 : index
    %get3A_1899 = arith.constant 0 : index
    %get3A_1900 = vector.load %arg6[%get3A_1898, %get3A_1899] : memref<128x2048xf32, #tpu.memory_space<vmem>>, vector<128x128xf32>
    %sub3A_1901 = vector.broadcast %max3A_1897 : vector<128x1xf32> to vector<128x128xf32>
    %sub3A_1902 = arith.subf %get3A_1900, %sub3A_1901 : vector<128x128xf32>
    %exp3A_1903 = math.exp %sub3A_1902 : vector<128x128xf32>
    %eq3A_1904 = vector.broadcast %broadcast_in_dim3A_1893 : vector<128x1xf32> to vector<128x128xf32>
    %eq3A_1905 = arith.cmpf oeq, %get3A_1900, %eq3A_1904 : vector<128x128xf32>
    %add3A_1906 = arith.constant 0 : i32
    %add3A_1907 = vector.broadcast %add3A_1906 : i32 to vector<128x128xi32>
    %add3A_1908 = arith.addi %add3A_1907, %iota3A : vector<128x128xi32>
    %jit3A_1909 = arith.constant 1073741824 : i32
    %broadcast_in_dim3A_1910 = vector.broadcast %jit3A_1909 : i32 to vector<128x128xi32>
    %select_n3A_1911 = arith.select %eq3A_1905, %add3A_1908, %broadcast_in_dim3A_1910 : vector<128x128xi1>, vector<128x128xi32>
    %get3A_1912 = arith.constant 0 : index
    %get3A_1913 = arith.constant 128 : index
    %get3A_1914 = vector.load %arg6[%get3A_1912, %get3A_1913] : memref<128x2048xf32, #tpu.memory_space<vmem>>, vector<128x128xf32>
    %sub3A_1915 = vector.broadcast %max3A_1897 : vector<128x1xf32> to vector<128x128xf32>
    %sub3A_1916 = arith.subf %get3A_1914, %sub3A_1915 : vector<128x128xf32>
    %exp3A_1917 = math.exp %sub3A_1916 : vector<128x128xf32>
    %add3A_1918 = arith.addf %exp3A_1903, %exp3A_1917 : vector<128x128xf32>
    %eq3A_1919 = vector.broadcast %broadcast_in_dim3A_1893 : vector<128x1xf32> to vector<128x128xf32>
    %eq3A_1920 = arith.cmpf oeq, %get3A_1914, %eq3A_1919 : vector<128x128xf32>
    %add3A_1921 = arith.constant 128 : i32
    %add3A_1922 = vector.broadcast %add3A_1921 : i32 to vector<128x128xi32>
    %add3A_1923 = arith.addi %add3A_1922, %iota3A : vector<128x128xi32>
    %jit3A_1924 = arith.constant 1073741824 : i32
    %broadcast_in_dim3A_1925 = vector.broadcast %jit3A_1924 : i32 to vector<128x128xi32>
    %select_n3A_1926 = arith.select %eq3A_1920, %add3A_1923, %broadcast_in_dim3A_1925 : vector<128x128xi1>, vector<128x128xi32>
    %min3A_1927 = arith.minsi %select_n3A_1911, %select_n3A_1926 : vector<128x128xi32>
    %get3A_1928 = arith.constant 0 : index
    %get3A_1929 = arith.constant 256 : index
    %get3A_1930 = vector.load %arg6[%get3A_1928, %get3A_1929] : memref<128x2048xf32, #tpu.memory_space<vmem>>, vector<128x128xf32>
    %sub3A_1931 = vector.broadcast %max3A_1897 : vector<128x1xf32> to vector<128x128xf32>
    %sub3A_1932 = arith.subf %get3A_1930, %sub3A_1931 : vector<128x128xf32>
    %exp3A_1933 = math.exp %sub3A_1932 : vector<128x128xf32>
    %add3A_1934 = arith.addf %add3A_1918, %exp3A_1933 : vector<128x128xf32>
    %eq3A_1935 = vector.broadcast %broadcast_in_dim3A_1893 : vector<128x1xf32> to vector<128x128xf32>
    %eq3A_1936 = arith.cmpf oeq, %get3A_1930, %eq3A_1935 : vector<128x128xf32>
    %add3A_1937 = arith.constant 256 : i32
    %add3A_1938 = vector.broadcast %add3A_1937 : i32 to vector<128x128xi32>
    %add3A_1939 = arith.addi %add3A_1938, %iota3A : vector<128x128xi32>
    %jit3A_1940 = arith.constant 1073741824 : i32
    %broadcast_in_dim3A_1941 = vector.broadcast %jit3A_1940 : i32 to vector<128x128xi32>
    %select_n3A_1942 = arith.select %eq3A_1936, %add3A_1939, %broadcast_in_dim3A_1941 : vector<128x128xi1>, vector<128x128xi32>
    %min3A_1943 = arith.minsi %min3A_1927, %select_n3A_1942 : vector<128x128xi32>
    %get3A_1944 = arith.constant 0 : index
    %get3A_1945 = arith.constant 384 : index
    %get3A_1946 = vector.load %arg6[%get3A_1944, %get3A_1945] : memref<128x2048xf32, #tpu.memory_space<vmem>>, vector<128x128xf32>
    %sub3A_1947 = vector.broadcast %max3A_1897 : vector<128x1xf32> to vector<128x128xf32>
    %sub3A_1948 = arith.subf %get3A_1946, %sub3A_1947 : vector<128x128xf32>
    %exp3A_1949 = math.exp %sub3A_1948 : vector<128x128xf32>
    %add3A_1950 = arith.addf %add3A_1934, %exp3A_1949 : vector<128x128xf32>
    %eq3A_1951 = vector.broadcast %broadcast_in_dim3A_1893 : vector<128x1xf32> to vector<128x128xf32>
    %eq3A_1952 = arith.cmpf oeq, %get3A_1946, %eq3A_1951 : vector<128x128xf32>
    %add3A_1953 = arith.constant 384 : i32
    %add3A_1954 = vector.broadcast %add3A_1953 : i32 to vector<128x128xi32>
    %add3A_1955 = arith.addi %add3A_1954, %iota3A : vector<128x128xi32>
    %jit3A_1956 = arith.constant 1073741824 : i32
    %broadcast_in_dim3A_1957 = vector.broadcast %jit3A_1956 : i32 to vector<128x128xi32>
    %select_n3A_1958 = arith.select %eq3A_1952, %add3A_1955, %broadcast_in_dim3A_1957 : vector<128x128xi1>, vector<128x128xi32>
    %min3A_1959 = arith.minsi %min3A_1943, %select_n3A_1958 : vector<128x128xi32>
    %get3A_1960 = arith.constant 0 : index
    %get3A_1961 = arith.constant 512 : index
    %get3A_1962 = vector.load %arg6[%get3A_1960, %get3A_1961] : memref<128x2048xf32, #tpu.memory_space<vmem>>, vector<128x128xf32>
    %sub3A_1963 = vector.broadcast %max3A_1897 : vector<128x1xf32> to vector<128x128xf32>
    %sub3A_1964 = arith.subf %get3A_1962, %sub3A_1963 : vector<128x128xf32>
    %exp3A_1965 = math.exp %sub3A_1964 : vector<128x128xf32>
    %add3A_1966 = arith.addf %add3A_1950, %exp3A_1965 : vector<128x128xf32>
    %eq3A_1967 = vector.broadcast %broadcast_in_dim3A_1893 : vector<128x1xf32> to vector<128x128xf32>
    %eq3A_1968 = arith.cmpf oeq, %get3A_1962, %eq3A_1967 : vector<128x128xf32>
    %add3A_1969 = arith.constant 512 : i32
    %add3A_1970 = vector.broadcast %add3A_1969 : i32 to vector<128x128xi32>
    %add3A_1971 = arith.addi %add3A_1970, %iota3A : vector<128x128xi32>
    %jit3A_1972 = arith.constant 1073741824 : i32
    %broadcast_in_dim3A_1973 = vector.broadcast %jit3A_1972 : i32 to vector<128x128xi32>
    %select_n3A_1974 = arith.select %eq3A_1968, %add3A_1971, %broadcast_in_dim3A_1973 : vector<128x128xi1>, vector<128x128xi32>
    %min3A_1975 = arith.minsi %min3A_1959, %select_n3A_1974 : vector<128x128xi32>
    %get3A_1976 = arith.constant 0 : index
    %get3A_1977 = arith.constant 640 : index
    %get3A_1978 = vector.load %arg6[%get3A_1976, %get3A_1977] : memref<128x2048xf32, #tpu.memory_space<vmem>>, vector<128x128xf32>
    %sub3A_1979 = vector.broadcast %max3A_1897 : vector<128x1xf32> to vector<128x128xf32>
    %sub3A_1980 = arith.subf %get3A_1978, %sub3A_1979 : vector<128x128xf32>
    %exp3A_1981 = math.exp %sub3A_1980 : vector<128x128xf32>
    %add3A_1982 = arith.addf %add3A_1966, %exp3A_1981 : vector<128x128xf32>
    %eq3A_1983 = vector.broadcast %broadcast_in_dim3A_1893 : vector<128x1xf32> to vector<128x128xf32>
    %eq3A_1984 = arith.cmpf oeq, %get3A_1978, %eq3A_1983 : vector<128x128xf32>
    %add3A_1985 = arith.constant 640 : i32
    %add3A_1986 = vector.broadcast %add3A_1985 : i32 to vector<128x128xi32>
    %add3A_1987 = arith.addi %add3A_1986, %iota3A : vector<128x128xi32>
    %jit3A_1988 = arith.constant 1073741824 : i32
    %broadcast_in_dim3A_1989 = vector.broadcast %jit3A_1988 : i32 to vector<128x128xi32>
    %select_n3A_1990 = arith.select %eq3A_1984, %add3A_1987, %broadcast_in_dim3A_1989 : vector<128x128xi1>, vector<128x128xi32>
    %min3A_1991 = arith.minsi %min3A_1975, %select_n3A_1990 : vector<128x128xi32>
    %get3A_1992 = arith.constant 0 : index
    %get3A_1993 = arith.constant 768 : index
    %get3A_1994 = vector.load %arg6[%get3A_1992, %get3A_1993] : memref<128x2048xf32, #tpu.memory_space<vmem>>, vector<128x128xf32>
    %sub3A_1995 = vector.broadcast %max3A_1897 : vector<128x1xf32> to vector<128x128xf32>
    %sub3A_1996 = arith.subf %get3A_1994, %sub3A_1995 : vector<128x128xf32>
    %exp3A_1997 = math.exp %sub3A_1996 : vector<128x128xf32>
    %add3A_1998 = arith.addf %add3A_1982, %exp3A_1997 : vector<128x128xf32>
    %eq3A_1999 = vector.broadcast %broadcast_in_dim3A_1893 : vector<128x1xf32> to vector<128x128xf32>
    %eq3A_2000 = arith.cmpf oeq, %get3A_1994, %eq3A_1999 : vector<128x128xf32>
    %add3A_2001 = arith.constant 768 : i32
    %add3A_2002 = vector.broadcast %add3A_2001 : i32 to vector<128x128xi32>
    %add3A_2003 = arith.addi %add3A_2002, %iota3A : vector<128x128xi32>
    %jit3A_2004 = arith.constant 1073741824 : i32
    %broadcast_in_dim3A_2005 = vector.broadcast %jit3A_2004 : i32 to vector<128x128xi32>
    %select_n3A_2006 = arith.select %eq3A_2000, %add3A_2003, %broadcast_in_dim3A_2005 : vector<128x128xi1>, vector<128x128xi32>
    %min3A_2007 = arith.minsi %min3A_1991, %select_n3A_2006 : vector<128x128xi32>
    %get3A_2008 = arith.constant 0 : index
    %get3A_2009 = arith.constant 896 : index
    %get3A_2010 = vector.load %arg6[%get3A_2008, %get3A_2009] : memref<128x2048xf32, #tpu.memory_space<vmem>>, vector<128x128xf32>
    %sub3A_2011 = vector.broadcast %max3A_1897 : vector<128x1xf32> to vector<128x128xf32>
    %sub3A_2012 = arith.subf %get3A_2010, %sub3A_2011 : vector<128x128xf32>
    %exp3A_2013 = math.exp %sub3A_2012 : vector<128x128xf32>
    %add3A_2014 = arith.addf %add3A_1998, %exp3A_2013 : vector<128x128xf32>
    %eq3A_2015 = vector.broadcast %broadcast_in_dim3A_1893 : vector<128x1xf32> to vector<128x128xf32>
    %eq3A_2016 = arith.cmpf oeq, %get3A_2010, %eq3A_2015 : vector<128x128xf32>
    %add3A_2017 = arith.constant 896 : i32
    %add3A_2018 = vector.broadcast %add3A_2017 : i32 to vector<128x128xi32>
    %add3A_2019 = arith.addi %add3A_2018, %iota3A : vector<128x128xi32>
    %jit3A_2020 = arith.constant 1073741824 : i32
    %broadcast_in_dim3A_2021 = vector.broadcast %jit3A_2020 : i32 to vector<128x128xi32>
    %select_n3A_2022 = arith.select %eq3A_2016, %add3A_2019, %broadcast_in_dim3A_2021 : vector<128x128xi1>, vector<128x128xi32>
    %min3A_2023 = arith.minsi %min3A_2007, %select_n3A_2022 : vector<128x128xi32>
    %get3A_2024 = arith.constant 0 : index
    %get3A_2025 = arith.constant 1024 : index
    %get3A_2026 = vector.load %arg6[%get3A_2024, %get3A_2025] : memref<128x2048xf32, #tpu.memory_space<vmem>>, vector<128x128xf32>
    %sub3A_2027 = vector.broadcast %max3A_1897 : vector<128x1xf32> to vector<128x128xf32>
    %sub3A_2028 = arith.subf %get3A_2026, %sub3A_2027 : vector<128x128xf32>
    %exp3A_2029 = math.exp %sub3A_2028 : vector<128x128xf32>
    %add3A_2030 = arith.addf %add3A_2014, %exp3A_2029 : vector<128x128xf32>
    %eq3A_2031 = vector.broadcast %broadcast_in_dim3A_1893 : vector<128x1xf32> to vector<128x128xf32>
    %eq3A_2032 = arith.cmpf oeq, %get3A_2026, %eq3A_2031 : vector<128x128xf32>
    %add3A_2033 = arith.constant 1024 : i32
    %add3A_2034 = vector.broadcast %add3A_2033 : i32 to vector<128x128xi32>
    %add3A_2035 = arith.addi %add3A_2034, %iota3A : vector<128x128xi32>
    %jit3A_2036 = arith.constant 1073741824 : i32
    %broadcast_in_dim3A_2037 = vector.broadcast %jit3A_2036 : i32 to vector<128x128xi32>
    %select_n3A_2038 = arith.select %eq3A_2032, %add3A_2035, %broadcast_in_dim3A_2037 : vector<128x128xi1>, vector<128x128xi32>
    %min3A_2039 = arith.minsi %min3A_2023, %select_n3A_2038 : vector<128x128xi32>
    %get3A_2040 = arith.constant 0 : index
    %get3A_2041 = arith.constant 1152 : index
    %get3A_2042 = vector.load %arg6[%get3A_2040, %get3A_2041] : memref<128x2048xf32, #tpu.memory_space<vmem>>, vector<128x128xf32>
    %sub3A_2043 = vector.broadcast %max3A_1897 : vector<128x1xf32> to vector<128x128xf32>
    %sub3A_2044 = arith.subf %get3A_2042, %sub3A_2043 : vector<128x128xf32>
    %exp3A_2045 = math.exp %sub3A_2044 : vector<128x128xf32>
    %add3A_2046 = arith.addf %add3A_2030, %exp3A_2045 : vector<128x128xf32>
    %eq3A_2047 = vector.broadcast %broadcast_in_dim3A_1893 : vector<128x1xf32> to vector<128x128xf32>
    %eq3A_2048 = arith.cmpf oeq, %get3A_2042, %eq3A_2047 : vector<128x128xf32>
    %add3A_2049 = arith.constant 1152 : i32
    %add3A_2050 = vector.broadcast %add3A_2049 : i32 to vector<128x128xi32>
    %add3A_2051 = arith.addi %add3A_2050, %iota3A : vector<128x128xi32>
    %jit3A_2052 = arith.constant 1073741824 : i32
    %broadcast_in_dim3A_2053 = vector.broadcast %jit3A_2052 : i32 to vector<128x128xi32>
    %select_n3A_2054 = arith.select %eq3A_2048, %add3A_2051, %broadcast_in_dim3A_2053 : vector<128x128xi1>, vector<128x128xi32>
    %min3A_2055 = arith.minsi %min3A_2039, %select_n3A_2054 : vector<128x128xi32>
    %get3A_2056 = arith.constant 0 : index
    %get3A_2057 = arith.constant 1280 : index
    %get3A_2058 = vector.load %arg6[%get3A_2056, %get3A_2057] : memref<128x2048xf32, #tpu.memory_space<vmem>>, vector<128x128xf32>
    %sub3A_2059 = vector.broadcast %max3A_1897 : vector<128x1xf32> to vector<128x128xf32>
    %sub3A_2060 = arith.subf %get3A_2058, %sub3A_2059 : vector<128x128xf32>
    %exp3A_2061 = math.exp %sub3A_2060 : vector<128x128xf32>
    %add3A_2062 = arith.addf %add3A_2046, %exp3A_2061 : vector<128x128xf32>
    %eq3A_2063 = vector.broadcast %broadcast_in_dim3A_1893 : vector<128x1xf32> to vector<128x128xf32>
    %eq3A_2064 = arith.cmpf oeq, %get3A_2058, %eq3A_2063 : vector<128x128xf32>
    %add3A_2065 = arith.constant 1280 : i32
    %add3A_2066 = vector.broadcast %add3A_2065 : i32 to vector<128x128xi32>
    %add3A_2067 = arith.addi %add3A_2066, %iota3A : vector<128x128xi32>
    %jit3A_2068 = arith.constant 1073741824 : i32
    %broadcast_in_dim3A_2069 = vector.broadcast %jit3A_2068 : i32 to vector<128x128xi32>
    %select_n3A_2070 = arith.select %eq3A_2064, %add3A_2067, %broadcast_in_dim3A_2069 : vector<128x128xi1>, vector<128x128xi32>
    %min3A_2071 = arith.minsi %min3A_2055, %select_n3A_2070 : vector<128x128xi32>
    %get3A_2072 = arith.constant 0 : index
    %get3A_2073 = arith.constant 1408 : index
    %get3A_2074 = vector.load %arg6[%get3A_2072, %get3A_2073] : memref<128x2048xf32, #tpu.memory_space<vmem>>, vector<128x128xf32>
    %sub3A_2075 = vector.broadcast %max3A_1897 : vector<128x1xf32> to vector<128x128xf32>
    %sub3A_2076 = arith.subf %get3A_2074, %sub3A_2075 : vector<128x128xf32>
    %exp3A_2077 = math.exp %sub3A_2076 : vector<128x128xf32>
    %add3A_2078 = arith.addf %add3A_2062, %exp3A_2077 : vector<128x128xf32>
    %eq3A_2079 = vector.broadcast %broadcast_in_dim3A_1893 : vector<128x1xf32> to vector<128x128xf32>
    %eq3A_2080 = arith.cmpf oeq, %get3A_2074, %eq3A_2079 : vector<128x128xf32>
    %add3A_2081 = arith.constant 1408 : i32
    %add3A_2082 = vector.broadcast %add3A_2081 : i32 to vector<128x128xi32>
    %add3A_2083 = arith.addi %add3A_2082, %iota3A : vector<128x128xi32>
    %jit3A_2084 = arith.constant 1073741824 : i32
    %broadcast_in_dim3A_2085 = vector.broadcast %jit3A_2084 : i32 to vector<128x128xi32>
    %select_n3A_2086 = arith.select %eq3A_2080, %add3A_2083, %broadcast_in_dim3A_2085 : vector<128x128xi1>, vector<128x128xi32>
    %min3A_2087 = arith.minsi %min3A_2071, %select_n3A_2086 : vector<128x128xi32>
    %get3A_2088 = arith.constant 0 : index
    %get3A_2089 = arith.constant 1536 : index
    %get3A_2090 = vector.load %arg6[%get3A_2088, %get3A_2089] : memref<128x2048xf32, #tpu.memory_space<vmem>>, vector<128x128xf32>
    %sub3A_2091 = vector.broadcast %max3A_1897 : vector<128x1xf32> to vector<128x128xf32>
    %sub3A_2092 = arith.subf %get3A_2090, %sub3A_2091 : vector<128x128xf32>
    %exp3A_2093 = math.exp %sub3A_2092 : vector<128x128xf32>
    %add3A_2094 = arith.addf %add3A_2078, %exp3A_2093 : vector<128x128xf32>
    %eq3A_2095 = vector.broadcast %broadcast_in_dim3A_1893 : vector<128x1xf32> to vector<128x128xf32>
    %eq3A_2096 = arith.cmpf oeq, %get3A_2090, %eq3A_2095 : vector<128x128xf32>
    %add3A_2097 = arith.constant 1536 : i32
    %add3A_2098 = vector.broadcast %add3A_2097 : i32 to vector<128x128xi32>
    %add3A_2099 = arith.addi %add3A_2098, %iota3A : vector<128x128xi32>
    %jit3A_2100 = arith.constant 1073741824 : i32
    %broadcast_in_dim3A_2101 = vector.broadcast %jit3A_2100 : i32 to vector<128x128xi32>
    %select_n3A_2102 = arith.select %eq3A_2096, %add3A_2099, %broadcast_in_dim3A_2101 : vector<128x128xi1>, vector<128x128xi32>
    %min3A_2103 = arith.minsi %min3A_2087, %select_n3A_2102 : vector<128x128xi32>
    %get3A_2104 = arith.constant 0 : index
    %get3A_2105 = arith.constant 1664 : index
    %get3A_2106 = vector.load %arg6[%get3A_2104, %get3A_2105] : memref<128x2048xf32, #tpu.memory_space<vmem>>, vector<128x128xf32>
    %sub3A_2107 = vector.broadcast %max3A_1897 : vector<128x1xf32> to vector<128x128xf32>
    %sub3A_2108 = arith.subf %get3A_2106, %sub3A_2107 : vector<128x128xf32>
    %exp3A_2109 = math.exp %sub3A_2108 : vector<128x128xf32>
    %add3A_2110 = arith.addf %add3A_2094, %exp3A_2109 : vector<128x128xf32>
    %eq3A_2111 = vector.broadcast %broadcast_in_dim3A_1893 : vector<128x1xf32> to vector<128x128xf32>
    %eq3A_2112 = arith.cmpf oeq, %get3A_2106, %eq3A_2111 : vector<128x128xf32>
    %add3A_2113 = arith.constant 1664 : i32
    %add3A_2114 = vector.broadcast %add3A_2113 : i32 to vector<128x128xi32>
    %add3A_2115 = arith.addi %add3A_2114, %iota3A : vector<128x128xi32>
    %jit3A_2116 = arith.constant 1073741824 : i32
    %broadcast_in_dim3A_2117 = vector.broadcast %jit3A_2116 : i32 to vector<128x128xi32>
    %select_n3A_2118 = arith.select %eq3A_2112, %add3A_2115, %broadcast_in_dim3A_2117 : vector<128x128xi1>, vector<128x128xi32>
    %min3A_2119 = arith.minsi %min3A_2103, %select_n3A_2118 : vector<128x128xi32>
    %get3A_2120 = arith.constant 0 : index
    %get3A_2121 = arith.constant 1792 : index
    %get3A_2122 = vector.load %arg6[%get3A_2120, %get3A_2121] : memref<128x2048xf32, #tpu.memory_space<vmem>>, vector<128x128xf32>
    %sub3A_2123 = vector.broadcast %max3A_1897 : vector<128x1xf32> to vector<128x128xf32>
    %sub3A_2124 = arith.subf %get3A_2122, %sub3A_2123 : vector<128x128xf32>
    %exp3A_2125 = math.exp %sub3A_2124 : vector<128x128xf32>
    %add3A_2126 = arith.addf %add3A_2110, %exp3A_2125 : vector<128x128xf32>
    %eq3A_2127 = vector.broadcast %broadcast_in_dim3A_1893 : vector<128x1xf32> to vector<128x128xf32>
    %eq3A_2128 = arith.cmpf oeq, %get3A_2122, %eq3A_2127 : vector<128x128xf32>
    %add3A_2129 = arith.constant 1792 : i32
    %add3A_2130 = vector.broadcast %add3A_2129 : i32 to vector<128x128xi32>
    %add3A_2131 = arith.addi %add3A_2130, %iota3A : vector<128x128xi32>
    %jit3A_2132 = arith.constant 1073741824 : i32
    %broadcast_in_dim3A_2133 = vector.broadcast %jit3A_2132 : i32 to vector<128x128xi32>
    %select_n3A_2134 = arith.select %eq3A_2128, %add3A_2131, %broadcast_in_dim3A_2133 : vector<128x128xi1>, vector<128x128xi32>
    %min3A_2135 = arith.minsi %min3A_2119, %select_n3A_2134 : vector<128x128xi32>
    %get3A_2136 = arith.constant 0 : index
    %get3A_2137 = arith.constant 1920 : index
    %get3A_2138 = vector.load %arg6[%get3A_2136, %get3A_2137] : memref<128x2048xf32, #tpu.memory_space<vmem>>, vector<128x128xf32>
    %sub3A_2139 = vector.broadcast %max3A_1897 : vector<128x1xf32> to vector<128x128xf32>
    %sub3A_2140 = arith.subf %get3A_2138, %sub3A_2139 : vector<128x128xf32>
    %exp3A_2141 = math.exp %sub3A_2140 : vector<128x128xf32>
    %add3A_2142 = arith.addf %add3A_2126, %exp3A_2141 : vector<128x128xf32>
    %eq3A_2143 = vector.broadcast %broadcast_in_dim3A_1893 : vector<128x1xf32> to vector<128x128xf32>
    %eq3A_2144 = arith.cmpf oeq, %get3A_2138, %eq3A_2143 : vector<128x128xf32>
    %add3A_2145 = arith.constant 1920 : i32
    %add3A_2146 = vector.broadcast %add3A_2145 : i32 to vector<128x128xi32>
    %add3A_2147 = arith.addi %add3A_2146, %iota3A : vector<128x128xi32>
    %jit3A_2148 = arith.constant 1073741824 : i32
    %broadcast_in_dim3A_2149 = vector.broadcast %jit3A_2148 : i32 to vector<128x128xi32>
    %select_n3A_2150 = arith.select %eq3A_2144, %add3A_2147, %broadcast_in_dim3A_2149 : vector<128x128xi1>, vector<128x128xi32>
    %min3A_2151 = arith.minsi %min3A_2135, %select_n3A_2150 : vector<128x128xi32>
    %reduce_sum3A_2152 = arith.constant dense<0.000000e+00> : vector<128xf32>
    %reduce_sum3A_2153 = vector.multi_reduction <add>, %add3A_2142, %reduce_sum3A_2152 [1] : vector<128x128xf32> to vector<128xf32>
    %broadcast_in_dim3A_2154 = vector.shape_cast %reduce_sum3A_2153 : vector<128xf32> to vector<128x1xf32>
    %reduce_min3A_2155 = arith.constant dense<2147483647> : vector<128xi32>
    %reduce_min3A_2156 = vector.multi_reduction <minsi>, %min3A_2151, %reduce_min3A_2155 [1] : vector<128x128xi32> to vector<128xi32>
    %broadcast_in_dim3A_2157 = vector.shape_cast %reduce_min3A_2156 : vector<128xi32> to vector<128x1xi32>
    %add3A_2158 = vector.broadcast %mul3A_1827 : i32 to vector<128x1xi32>
    %add3A_2159 = arith.addi %broadcast_in_dim3A_2157, %add3A_2158 : vector<128x1xi32>
    %get3A_2160 = arith.constant 0 : index
    %get3A_2161 = arith.constant 0 : index
    %get3A_2162 = vector.load %arg11[%get3A_2160, %get3A_2161] : memref<128x1xf32, #tpu.memory_space<vmem>>, vector<128x1xf32>
    %sub3A_2163 = arith.subf %get3A_1896, %max3A_1897 : vector<128x1xf32>
    %exp3A_2164 = math.exp %sub3A_2163 : vector<128x1xf32>
    %mul3A_2165 = arith.mulf %get3A_2162, %exp3A_2164 : vector<128x1xf32>
    %add3A_2166 = arith.addf %mul3A_2165, %broadcast_in_dim3A_2154 : vector<128x1xf32>
    %swap3A_2167 = arith.constant 0 : index
    %swap3A_2168 = arith.constant 0 : index
    %swap3A_2169 = vector.load %arg11[%swap3A_2167, %swap3A_2168] : memref<128x1xf32, #tpu.memory_space<vmem>>, vector<128x1xf32>
    tpu.vector_store %arg11[%swap3A_2167, %swap3A_2168], %add3A_2166 {strides = array<i32>} : memref<128x1xf32, #tpu.memory_space<vmem>>, vector<128x1xf32>,
    %swap3A_2170 = arith.constant 0 : index
    %swap3A_2171 = arith.constant 0 : index
    %swap3A_2172 = vector.load %arg10[%swap3A_2170, %swap3A_2171] : memref<128x1xf32, #tpu.memory_space<vmem>>, vector<128x1xf32>
    tpu.vector_store %arg10[%swap3A_2170, %swap3A_2171], %max3A_1897 {strides = array<i32>} : memref<128x1xf32, #tpu.memory_space<vmem>>, vector<128x1xf32>,
    %get3A_2173 = arith.constant 0 : index
    %get3A_2174 = arith.constant 0 : index
    %get3A_2175 = vector.load %arg12[%get3A_2173, %get3A_2174] : memref<128x1xf32, #tpu.memory_space<vmem>>, vector<128x1xf32>
    %get3A_2176 = arith.constant 0 : index
    %get3A_2177 = arith.constant 0 : index
    %get3A_2178 = vector.load %arg13[%get3A_2176, %get3A_2177] : memref<128x1xi32, #tpu.memory_space<vmem>>, vector<128x1xi32>
    %gt3A_2179 = arith.cmpf ogt, %broadcast_in_dim3A_1893, %get3A_2175 : vector<128x1xf32>
    %eq3A_2180 = arith.cmpf oeq, %broadcast_in_dim3A_1893, %get3A_2175 : vector<128x1xf32>
    %lt3A_2181 = arith.cmpi slt, %add3A_2159, %get3A_2178 : vector<128x1xi32>
    %and3A_2182 = arith.andi %eq3A_2180, %lt3A_2181 : vector<128x1xi1>
    %or3A_2183 = arith.ori %gt3A_2179, %and3A_2182 : vector<128x1xi1>
    %select_n3A_2184 = arith.select %or3A_2183, %broadcast_in_dim3A_1893, %get3A_2175 : vector<128x1xi1>, vector<128x1xf32>
    %swap3A_2185 = arith.constant 0 : index
    %swap3A_2186 = arith.constant 0 : index
    %swap3A_2187 = vector.load %arg12[%swap3A_2185, %swap3A_2186] : memref<128x1xf32, #tpu.memory_space<vmem>>, vector<128x1xf32>
    tpu.vector_store %arg12[%swap3A_2185, %swap3A_2186], %select_n3A_2184 {strides = array<i32>} : memref<128x1xf32, #tpu.memory_space<vmem>>, vector<128x1xf32>,
    %select_n3A_2188 = arith.select %or3A_2183, %add3A_2159, %get3A_2178 : vector<128x1xi1>, vector<128x1xi32>
    %swap3A_2189 = arith.constant 0 : index
    %swap3A_2190 = arith.constant 0 : index
    %swap3A_2191 = vector.load %arg13[%swap3A_2189, %swap3A_2190] : memref<128x1xi32, #tpu.memory_space<vmem>>, vector<128x1xi32>
    tpu.vector_store %arg13[%swap3A_2189, %swap3A_2190], %select_n3A_2188 {strides = array<i32>} : memref<128x1xi32, #tpu.memory_space<vmem>>, vector<128x1xi32>,
    %add3A_2192 = arith.constant 42 : i32
    %add3A_2193 = arith.addi %add3A_2192, %arg0 : i32
    %mul3A_2194 = arith.constant 2048 : i32
    %mul3A_2195 = arith.muli %add3A_2193, %mul3A_2194 : i32
    %lt3A_2196 = arith.constant 6 : i32
    %lt3A_2197 = arith.cmpi slt, %arg0, %lt3A_2196 : i32
    %convert_element_type3A_2198 = arith.extui %lt3A_2197 : i1 to i32
    %cond3A_2199 = arith.constant 0 : i32
    %cond3A_2200 = arith.cmpi ne, %convert_element_type3A_2198, %cond3A_2199 : i32
    scf.if %cond3A_2200 {
      %get3A_2211 = arith.constant 0 : index
      %get3A_2212 = arith.constant 0 : index
      %get3A_2213 = vector.load %arg7[%get3A_2211, %get3A_2212] : memref<128x2048xf32, #tpu.memory_space<vmem>>, vector<128x128xf32>
      %get3A_2214 = arith.constant 0 : index
      %get3A_2215 = arith.constant 128 : index
      %get3A_2216 = vector.load %arg7[%get3A_2214, %get3A_2215] : memref<128x2048xf32, #tpu.memory_space<vmem>>, vector<128x128xf32>
      %max3A_2217 = arith.maximumf %get3A_2213, %get3A_2216 : vector<128x128xf32>
      %get3A_2218 = arith.constant 0 : index
      %get3A_2219 = arith.constant 256 : index
      %get3A_2220 = vector.load %arg7[%get3A_2218, %get3A_2219] : memref<128x2048xf32, #tpu.memory_space<vmem>>, vector<128x128xf32>
      %max3A_2221 = arith.maximumf %max3A_2217, %get3A_2220 : vector<128x128xf32>
      %get3A_2222 = arith.constant 0 : index
      %get3A_2223 = arith.constant 384 : index
      %get3A_2224 = vector.load %arg7[%get3A_2222, %get3A_2223] : memref<128x2048xf32, #tpu.memory_space<vmem>>, vector<128x128xf32>
      %max3A_2225 = arith.maximumf %max3A_2221, %get3A_2224 : vector<128x128xf32>
      %get3A_2226 = arith.constant 0 : index
      %get3A_2227 = arith.constant 512 : index
      %get3A_2228 = vector.load %arg7[%get3A_2226, %get3A_2227] : memref<128x2048xf32, #tpu.memory_space<vmem>>, vector<128x128xf32>
      %max3A_2229 = arith.maximumf %max3A_2225, %get3A_2228 : vector<128x128xf32>
      %get3A_2230 = arith.constant 0 : index
      %get3A_2231 = arith.constant 640 : index
      %get3A_2232 = vector.load %arg7[%get3A_2230, %get3A_2231] : memref<128x2048xf32, #tpu.memory_space<vmem>>, vector<128x128xf32>
      %max3A_2233 = arith.maximumf %max3A_2229, %get3A_2232 : vector<128x128xf32>
      %get3A_2234 = arith.constant 0 : index
      %get3A_2235 = arith.constant 768 : index
      %get3A_2236 = vector.load %arg7[%get3A_2234, %get3A_2235] : memref<128x2048xf32, #tpu.memory_space<vmem>>, vector<128x128xf32>
      %max3A_2237 = arith.maximumf %max3A_2233, %get3A_2236 : vector<128x128xf32>
      %get3A_2238 = arith.constant 0 : index
      %get3A_2239 = arith.constant 896 : index
      %get3A_2240 = vector.load %arg7[%get3A_2238, %get3A_2239] : memref<128x2048xf32, #tpu.memory_space<vmem>>, vector<128x128xf32>
      %max3A_2241 = arith.maximumf %max3A_2237, %get3A_2240 : vector<128x128xf32>
      %get3A_2242 = arith.constant 0 : index
      %get3A_2243 = arith.constant 1024 : index
      %get3A_2244 = vector.load %arg7[%get3A_2242, %get3A_2243] : memref<128x2048xf32, #tpu.memory_space<vmem>>, vector<128x128xf32>
      %max3A_2245 = arith.maximumf %max3A_2241, %get3A_2244 : vector<128x128xf32>
      %get3A_2246 = arith.constant 0 : index
      %get3A_2247 = arith.constant 1152 : index
      %get3A_2248 = vector.load %arg7[%get3A_2246, %get3A_2247] : memref<128x2048xf32, #tpu.memory_space<vmem>>, vector<128x128xf32>
      %max3A_2249 = arith.maximumf %max3A_2245, %get3A_2248 : vector<128x128xf32>
      %get3A_2250 = arith.constant 0 : index
      %get3A_2251 = arith.constant 1280 : index
      %get3A_2252 = vector.load %arg7[%get3A_2250, %get3A_2251] : memref<128x2048xf32, #tpu.memory_space<vmem>>, vector<128x128xf32>
      %max3A_2253 = arith.maximumf %max3A_2249, %get3A_2252 : vector<128x128xf32>
      %get3A_2254 = arith.constant 0 : index
      %get3A_2255 = arith.constant 1408 : index
      %get3A_2256 = vector.load %arg7[%get3A_2254, %get3A_2255] : memref<128x2048xf32, #tpu.memory_space<vmem>>, vector<128x128xf32>
      %max3A_2257 = arith.maximumf %max3A_2253, %get3A_2256 : vector<128x128xf32>
      %get3A_2258 = arith.constant 0 : index
      %get3A_2259 = arith.constant 1536 : index
      %get3A_2260 = vector.load %arg7[%get3A_2258, %get3A_2259] : memref<128x2048xf32, #tpu.memory_space<vmem>>, vector<128x128xf32>
      %max3A_2261 = arith.maximumf %max3A_2257, %get3A_2260 : vector<128x128xf32>
      %get3A_2262 = arith.constant 0 : index
      %get3A_2263 = arith.constant 1664 : index
      %get3A_2264 = vector.load %arg7[%get3A_2262, %get3A_2263] : memref<128x2048xf32, #tpu.memory_space<vmem>>, vector<128x128xf32>
      %max3A_2265 = arith.maximumf %max3A_2261, %get3A_2264 : vector<128x128xf32>
      %get3A_2266 = arith.constant 0 : index
      %get3A_2267 = arith.constant 1792 : index
      %get3A_2268 = vector.load %arg7[%get3A_2266, %get3A_2267] : memref<128x2048xf32, #tpu.memory_space<vmem>>, vector<128x128xf32>
      %max3A_2269 = arith.maximumf %max3A_2265, %get3A_2268 : vector<128x128xf32>
      %get3A_2270 = arith.constant 0 : index
      %get3A_2271 = arith.constant 1920 : index
      %get3A_2272 = vector.load %arg7[%get3A_2270, %get3A_2271] : memref<128x2048xf32, #tpu.memory_space<vmem>>, vector<128x128xf32>
      %max3A_2273 = arith.maximumf %max3A_2269, %get3A_2272 : vector<128x128xf32>
      %reduce_max3A_2274 = arith.constant dense<0xFF800000> : vector<128xf32>
      %reduce_max3A_2275 = vector.multi_reduction <maximumf>, %max3A_2273, %reduce_max3A_2274 [1] : vector<128x128xf32> to vector<128xf32>
      %broadcast_in_dim3A_2276 = vector.shape_cast %reduce_max3A_2275 : vector<128xf32> to vector<128x1xf32>
      %get3A_2277 = arith.constant 0 : index
      %get3A_2278 = arith.constant 0 : index
      %get3A_2279 = vector.load %arg10[%get3A_2277, %get3A_2278] : memref<128x1xf32, #tpu.memory_space<vmem>>, vector<128x1xf32>
      %max3A_2280 = arith.maximumf %get3A_2279, %broadcast_in_dim3A_2276 : vector<128x1xf32>
      %get3A_2281 = arith.constant 0 : index
      %get3A_2282 = arith.constant 0 : index
      %get3A_2283 = vector.load %arg7[%get3A_2281, %get3A_2282] : memref<128x2048xf32, #tpu.memory_space<vmem>>, vector<128x128xf32>
      %sub3A_2284 = vector.broadcast %max3A_2280 : vector<128x1xf32> to vector<128x128xf32>
      %sub3A_2285 = arith.subf %get3A_2283, %sub3A_2284 : vector<128x128xf32>
      %exp3A_2286 = math.exp %sub3A_2285 : vector<128x128xf32>
      %eq3A_2287 = vector.broadcast %broadcast_in_dim3A_2276 : vector<128x1xf32> to vector<128x128xf32>
      %eq3A_2288 = arith.cmpf oeq, %get3A_2283, %eq3A_2287 : vector<128x128xf32>
      %add3A_2289 = arith.constant 0 : i32
      %add3A_2290 = vector.broadcast %add3A_2289 : i32 to vector<128x128xi32>
      %add3A_2291 = arith.addi %add3A_2290, %iota3A : vector<128x128xi32>
      %jit3A_2292 = arith.constant 1073741824 : i32
      %broadcast_in_dim3A_2293 = vector.broadcast %jit3A_2292 : i32 to vector<128x128xi32>
      %select_n3A_2294 = arith.select %eq3A_2288, %add3A_2291, %broadcast_in_dim3A_2293 : vector<128x128xi1>, vector<128x128xi32>
      %get3A_2295 = arith.constant 0 : index
      %get3A_2296 = arith.constant 128 : index
      %get3A_2297 = vector.load %arg7[%get3A_2295, %get3A_2296] : memref<128x2048xf32, #tpu.memory_space<vmem>>, vector<128x128xf32>
      %sub3A_2298 = vector.broadcast %max3A_2280 : vector<128x1xf32> to vector<128x128xf32>
      %sub3A_2299 = arith.subf %get3A_2297, %sub3A_2298 : vector<128x128xf32>
      %exp3A_2300 = math.exp %sub3A_2299 : vector<128x128xf32>
      %add3A_2301 = arith.addf %exp3A_2286, %exp3A_2300 : vector<128x128xf32>
      %eq3A_2302 = vector.broadcast %broadcast_in_dim3A_2276 : vector<128x1xf32> to vector<128x128xf32>
      %eq3A_2303 = arith.cmpf oeq, %get3A_2297, %eq3A_2302 : vector<128x128xf32>
      %add3A_2304 = arith.constant 128 : i32
      %add3A_2305 = vector.broadcast %add3A_2304 : i32 to vector<128x128xi32>
      %add3A_2306 = arith.addi %add3A_2305, %iota3A : vector<128x128xi32>
      %jit3A_2307 = arith.constant 1073741824 : i32
      %broadcast_in_dim3A_2308 = vector.broadcast %jit3A_2307 : i32 to vector<128x128xi32>
      %select_n3A_2309 = arith.select %eq3A_2303, %add3A_2306, %broadcast_in_dim3A_2308 : vector<128x128xi1>, vector<128x128xi32>
      %min3A_2310 = arith.minsi %select_n3A_2294, %select_n3A_2309 : vector<128x128xi32>
      %get3A_2311 = arith.constant 0 : index
      %get3A_2312 = arith.constant 256 : index
      %get3A_2313 = vector.load %arg7[%get3A_2311, %get3A_2312] : memref<128x2048xf32, #tpu.memory_space<vmem>>, vector<128x128xf32>
      %sub3A_2314 = vector.broadcast %max3A_2280 : vector<128x1xf32> to vector<128x128xf32>
      %sub3A_2315 = arith.subf %get3A_2313, %sub3A_2314 : vector<128x128xf32>
      %exp3A_2316 = math.exp %sub3A_2315 : vector<128x128xf32>
      %add3A_2317 = arith.addf %add3A_2301, %exp3A_2316 : vector<128x128xf32>
      %eq3A_2318 = vector.broadcast %broadcast_in_dim3A_2276 : vector<128x1xf32> to vector<128x128xf32>
      %eq3A_2319 = arith.cmpf oeq, %get3A_2313, %eq3A_2318 : vector<128x128xf32>
      %add3A_2320 = arith.constant 256 : i32
      %add3A_2321 = vector.broadcast %add3A_2320 : i32 to vector<128x128xi32>
      %add3A_2322 = arith.addi %add3A_2321, %iota3A : vector<128x128xi32>
      %jit3A_2323 = arith.constant 1073741824 : i32
      %broadcast_in_dim3A_2324 = vector.broadcast %jit3A_2323 : i32 to vector<128x128xi32>
      %select_n3A_2325 = arith.select %eq3A_2319, %add3A_2322, %broadcast_in_dim3A_2324 : vector<128x128xi1>, vector<128x128xi32>
      %min3A_2326 = arith.minsi %min3A_2310, %select_n3A_2325 : vector<128x128xi32>
      %get3A_2327 = arith.constant 0 : index
      %get3A_2328 = arith.constant 384 : index
      %get3A_2329 = vector.load %arg7[%get3A_2327, %get3A_2328] : memref<128x2048xf32, #tpu.memory_space<vmem>>, vector<128x128xf32>
      %sub3A_2330 = vector.broadcast %max3A_2280 : vector<128x1xf32> to vector<128x128xf32>
      %sub3A_2331 = arith.subf %get3A_2329, %sub3A_2330 : vector<128x128xf32>
      %exp3A_2332 = math.exp %sub3A_2331 : vector<128x128xf32>
      %add3A_2333 = arith.addf %add3A_2317, %exp3A_2332 : vector<128x128xf32>
      %eq3A_2334 = vector.broadcast %broadcast_in_dim3A_2276 : vector<128x1xf32> to vector<128x128xf32>
      %eq3A_2335 = arith.cmpf oeq, %get3A_2329, %eq3A_2334 : vector<128x128xf32>
      %add3A_2336 = arith.constant 384 : i32
      %add3A_2337 = vector.broadcast %add3A_2336 : i32 to vector<128x128xi32>
      %add3A_2338 = arith.addi %add3A_2337, %iota3A : vector<128x128xi32>
      %jit3A_2339 = arith.constant 1073741824 : i32
      %broadcast_in_dim3A_2340 = vector.broadcast %jit3A_2339 : i32 to vector<128x128xi32>
      %select_n3A_2341 = arith.select %eq3A_2335, %add3A_2338, %broadcast_in_dim3A_2340 : vector<128x128xi1>, vector<128x128xi32>
      %min3A_2342 = arith.minsi %min3A_2326, %select_n3A_2341 : vector<128x128xi32>
      %get3A_2343 = arith.constant 0 : index
      %get3A_2344 = arith.constant 512 : index
      %get3A_2345 = vector.load %arg7[%get3A_2343, %get3A_2344] : memref<128x2048xf32, #tpu.memory_space<vmem>>, vector<128x128xf32>
      %sub3A_2346 = vector.broadcast %max3A_2280 : vector<128x1xf32> to vector<128x128xf32>
      %sub3A_2347 = arith.subf %get3A_2345, %sub3A_2346 : vector<128x128xf32>
      %exp3A_2348 = math.exp %sub3A_2347 : vector<128x128xf32>
      %add3A_2349 = arith.addf %add3A_2333, %exp3A_2348 : vector<128x128xf32>
      %eq3A_2350 = vector.broadcast %broadcast_in_dim3A_2276 : vector<128x1xf32> to vector<128x128xf32>
      %eq3A_2351 = arith.cmpf oeq, %get3A_2345, %eq3A_2350 : vector<128x128xf32>
      %add3A_2352 = arith.constant 512 : i32
      %add3A_2353 = vector.broadcast %add3A_2352 : i32 to vector<128x128xi32>
      %add3A_2354 = arith.addi %add3A_2353, %iota3A : vector<128x128xi32>
      %jit3A_2355 = arith.constant 1073741824 : i32
      %broadcast_in_dim3A_2356 = vector.broadcast %jit3A_2355 : i32 to vector<128x128xi32>
      %select_n3A_2357 = arith.select %eq3A_2351, %add3A_2354, %broadcast_in_dim3A_2356 : vector<128x128xi1>, vector<128x128xi32>
      %min3A_2358 = arith.minsi %min3A_2342, %select_n3A_2357 : vector<128x128xi32>
      %get3A_2359 = arith.constant 0 : index
      %get3A_2360 = arith.constant 640 : index
      %get3A_2361 = vector.load %arg7[%get3A_2359, %get3A_2360] : memref<128x2048xf32, #tpu.memory_space<vmem>>, vector<128x128xf32>
      %sub3A_2362 = vector.broadcast %max3A_2280 : vector<128x1xf32> to vector<128x128xf32>
      %sub3A_2363 = arith.subf %get3A_2361, %sub3A_2362 : vector<128x128xf32>
      %exp3A_2364 = math.exp %sub3A_2363 : vector<128x128xf32>
      %add3A_2365 = arith.addf %add3A_2349, %exp3A_2364 : vector<128x128xf32>
      %eq3A_2366 = vector.broadcast %broadcast_in_dim3A_2276 : vector<128x1xf32> to vector<128x128xf32>
      %eq3A_2367 = arith.cmpf oeq, %get3A_2361, %eq3A_2366 : vector<128x128xf32>
      %add3A_2368 = arith.constant 640 : i32
      %add3A_2369 = vector.broadcast %add3A_2368 : i32 to vector<128x128xi32>
      %add3A_2370 = arith.addi %add3A_2369, %iota3A : vector<128x128xi32>
      %jit3A_2371 = arith.constant 1073741824 : i32
      %broadcast_in_dim3A_2372 = vector.broadcast %jit3A_2371 : i32 to vector<128x128xi32>
      %select_n3A_2373 = arith.select %eq3A_2367, %add3A_2370, %broadcast_in_dim3A_2372 : vector<128x128xi1>, vector<128x128xi32>
      %min3A_2374 = arith.minsi %min3A_2358, %select_n3A_2373 : vector<128x128xi32>
      %get3A_2375 = arith.constant 0 : index
      %get3A_2376 = arith.constant 768 : index
      %get3A_2377 = vector.load %arg7[%get3A_2375, %get3A_2376] : memref<128x2048xf32, #tpu.memory_space<vmem>>, vector<128x128xf32>
      %sub3A_2378 = vector.broadcast %max3A_2280 : vector<128x1xf32> to vector<128x128xf32>
      %sub3A_2379 = arith.subf %get3A_2377, %sub3A_2378 : vector<128x128xf32>
      %exp3A_2380 = math.exp %sub3A_2379 : vector<128x128xf32>
      %add3A_2381 = arith.addf %add3A_2365, %exp3A_2380 : vector<128x128xf32>
      %eq3A_2382 = vector.broadcast %broadcast_in_dim3A_2276 : vector<128x1xf32> to vector<128x128xf32>
      %eq3A_2383 = arith.cmpf oeq, %get3A_2377, %eq3A_2382 : vector<128x128xf32>
      %add3A_2384 = arith.constant 768 : i32
      %add3A_2385 = vector.broadcast %add3A_2384 : i32 to vector<128x128xi32>
      %add3A_2386 = arith.addi %add3A_2385, %iota3A : vector<128x128xi32>
      %jit3A_2387 = arith.constant 1073741824 : i32
      %broadcast_in_dim3A_2388 = vector.broadcast %jit3A_2387 : i32 to vector<128x128xi32>
      %select_n3A_2389 = arith.select %eq3A_2383, %add3A_2386, %broadcast_in_dim3A_2388 : vector<128x128xi1>, vector<128x128xi32>
      %min3A_2390 = arith.minsi %min3A_2374, %select_n3A_2389 : vector<128x128xi32>
      %get3A_2391 = arith.constant 0 : index
      %get3A_2392 = arith.constant 896 : index
      %get3A_2393 = vector.load %arg7[%get3A_2391, %get3A_2392] : memref<128x2048xf32, #tpu.memory_space<vmem>>, vector<128x128xf32>
      %sub3A_2394 = vector.broadcast %max3A_2280 : vector<128x1xf32> to vector<128x128xf32>
      %sub3A_2395 = arith.subf %get3A_2393, %sub3A_2394 : vector<128x128xf32>
      %exp3A_2396 = math.exp %sub3A_2395 : vector<128x128xf32>
      %add3A_2397 = arith.addf %add3A_2381, %exp3A_2396 : vector<128x128xf32>
      %eq3A_2398 = vector.broadcast %broadcast_in_dim3A_2276 : vector<128x1xf32> to vector<128x128xf32>
      %eq3A_2399 = arith.cmpf oeq, %get3A_2393, %eq3A_2398 : vector<128x128xf32>
      %add3A_2400 = arith.constant 896 : i32
      %add3A_2401 = vector.broadcast %add3A_2400 : i32 to vector<128x128xi32>
      %add3A_2402 = arith.addi %add3A_2401, %iota3A : vector<128x128xi32>
      %jit3A_2403 = arith.constant 1073741824 : i32
      %broadcast_in_dim3A_2404 = vector.broadcast %jit3A_2403 : i32 to vector<128x128xi32>
      %select_n3A_2405 = arith.select %eq3A_2399, %add3A_2402, %broadcast_in_dim3A_2404 : vector<128x128xi1>, vector<128x128xi32>
      %min3A_2406 = arith.minsi %min3A_2390, %select_n3A_2405 : vector<128x128xi32>
      %get3A_2407 = arith.constant 0 : index
      %get3A_2408 = arith.constant 1024 : index
      %get3A_2409 = vector.load %arg7[%get3A_2407, %get3A_2408] : memref<128x2048xf32, #tpu.memory_space<vmem>>, vector<128x128xf32>
      %sub3A_2410 = vector.broadcast %max3A_2280 : vector<128x1xf32> to vector<128x128xf32>
      %sub3A_2411 = arith.subf %get3A_2409, %sub3A_2410 : vector<128x128xf32>
      %exp3A_2412 = math.exp %sub3A_2411 : vector<128x128xf32>
      %add3A_2413 = arith.addf %add3A_2397, %exp3A_2412 : vector<128x128xf32>
      %eq3A_2414 = vector.broadcast %broadcast_in_dim3A_2276 : vector<128x1xf32> to vector<128x128xf32>
      %eq3A_2415 = arith.cmpf oeq, %get3A_2409, %eq3A_2414 : vector<128x128xf32>
      %add3A_2416 = arith.constant 1024 : i32
      %add3A_2417 = vector.broadcast %add3A_2416 : i32 to vector<128x128xi32>
      %add3A_2418 = arith.addi %add3A_2417, %iota3A : vector<128x128xi32>
      %jit3A_2419 = arith.constant 1073741824 : i32
      %broadcast_in_dim3A_2420 = vector.broadcast %jit3A_2419 : i32 to vector<128x128xi32>
      %select_n3A_2421 = arith.select %eq3A_2415, %add3A_2418, %broadcast_in_dim3A_2420 : vector<128x128xi1>, vector<128x128xi32>
      %min3A_2422 = arith.minsi %min3A_2406, %select_n3A_2421 : vector<128x128xi32>
      %get3A_2423 = arith.constant 0 : index
      %get3A_2424 = arith.constant 1152 : index
      %get3A_2425 = vector.load %arg7[%get3A_2423, %get3A_2424] : memref<128x2048xf32, #tpu.memory_space<vmem>>, vector<128x128xf32>
      %sub3A_2426 = vector.broadcast %max3A_2280 : vector<128x1xf32> to vector<128x128xf32>
      %sub3A_2427 = arith.subf %get3A_2425, %sub3A_2426 : vector<128x128xf32>
      %exp3A_2428 = math.exp %sub3A_2427 : vector<128x128xf32>
      %add3A_2429 = arith.addf %add3A_2413, %exp3A_2428 : vector<128x128xf32>
      %eq3A_2430 = vector.broadcast %broadcast_in_dim3A_2276 : vector<128x1xf32> to vector<128x128xf32>
      %eq3A_2431 = arith.cmpf oeq, %get3A_2425, %eq3A_2430 : vector<128x128xf32>
      %add3A_2432 = arith.constant 1152 : i32
      %add3A_2433 = vector.broadcast %add3A_2432 : i32 to vector<128x128xi32>
      %add3A_2434 = arith.addi %add3A_2433, %iota3A : vector<128x128xi32>
      %jit3A_2435 = arith.constant 1073741824 : i32
      %broadcast_in_dim3A_2436 = vector.broadcast %jit3A_2435 : i32 to vector<128x128xi32>
      %select_n3A_2437 = arith.select %eq3A_2431, %add3A_2434, %broadcast_in_dim3A_2436 : vector<128x128xi1>, vector<128x128xi32>
      %min3A_2438 = arith.minsi %min3A_2422, %select_n3A_2437 : vector<128x128xi32>
      %get3A_2439 = arith.constant 0 : index
      %get3A_2440 = arith.constant 1280 : index
      %get3A_2441 = vector.load %arg7[%get3A_2439, %get3A_2440] : memref<128x2048xf32, #tpu.memory_space<vmem>>, vector<128x128xf32>
      %sub3A_2442 = vector.broadcast %max3A_2280 : vector<128x1xf32> to vector<128x128xf32>
      %sub3A_2443 = arith.subf %get3A_2441, %sub3A_2442 : vector<128x128xf32>
      %exp3A_2444 = math.exp %sub3A_2443 : vector<128x128xf32>
      %add3A_2445 = arith.addf %add3A_2429, %exp3A_2444 : vector<128x128xf32>
      %eq3A_2446 = vector.broadcast %broadcast_in_dim3A_2276 : vector<128x1xf32> to vector<128x128xf32>
      %eq3A_2447 = arith.cmpf oeq, %get3A_2441, %eq3A_2446 : vector<128x128xf32>
      %add3A_2448 = arith.constant 1280 : i32
      %add3A_2449 = vector.broadcast %add3A_2448 : i32 to vector<128x128xi32>
      %add3A_2450 = arith.addi %add3A_2449, %iota3A : vector<128x128xi32>
      %jit3A_2451 = arith.constant 1073741824 : i32
      %broadcast_in_dim3A_2452 = vector.broadcast %jit3A_2451 : i32 to vector<128x128xi32>
      %select_n3A_2453 = arith.select %eq3A_2447, %add3A_2450, %broadcast_in_dim3A_2452 : vector<128x128xi1>, vector<128x128xi32>
      %min3A_2454 = arith.minsi %min3A_2438, %select_n3A_2453 : vector<128x128xi32>
      %get3A_2455 = arith.constant 0 : index
      %get3A_2456 = arith.constant 1408 : index
      %get3A_2457 = vector.load %arg7[%get3A_2455, %get3A_2456] : memref<128x2048xf32, #tpu.memory_space<vmem>>, vector<128x128xf32>
      %sub3A_2458 = vector.broadcast %max3A_2280 : vector<128x1xf32> to vector<128x128xf32>
      %sub3A_2459 = arith.subf %get3A_2457, %sub3A_2458 : vector<128x128xf32>
      %exp3A_2460 = math.exp %sub3A_2459 : vector<128x128xf32>
      %add3A_2461 = arith.addf %add3A_2445, %exp3A_2460 : vector<128x128xf32>
      %eq3A_2462 = vector.broadcast %broadcast_in_dim3A_2276 : vector<128x1xf32> to vector<128x128xf32>
      %eq3A_2463 = arith.cmpf oeq, %get3A_2457, %eq3A_2462 : vector<128x128xf32>
      %add3A_2464 = arith.constant 1408 : i32
      %add3A_2465 = vector.broadcast %add3A_2464 : i32 to vector<128x128xi32>
      %add3A_2466 = arith.addi %add3A_2465, %iota3A : vector<128x128xi32>
      %jit3A_2467 = arith.constant 1073741824 : i32
      %broadcast_in_dim3A_2468 = vector.broadcast %jit3A_2467 : i32 to vector<128x128xi32>
      %select_n3A_2469 = arith.select %eq3A_2463, %add3A_2466, %broadcast_in_dim3A_2468 : vector<128x128xi1>, vector<128x128xi32>
      %min3A_2470 = arith.minsi %min3A_2454, %select_n3A_2469 : vector<128x128xi32>
      %get3A_2471 = arith.constant 0 : index
      %get3A_2472 = arith.constant 1536 : index
      %get3A_2473 = vector.load %arg7[%get3A_2471, %get3A_2472] : memref<128x2048xf32, #tpu.memory_space<vmem>>, vector<128x128xf32>
      %sub3A_2474 = vector.broadcast %max3A_2280 : vector<128x1xf32> to vector<128x128xf32>
      %sub3A_2475 = arith.subf %get3A_2473, %sub3A_2474 : vector<128x128xf32>
      %exp3A_2476 = math.exp %sub3A_2475 : vector<128x128xf32>
      %add3A_2477 = arith.addf %add3A_2461, %exp3A_2476 : vector<128x128xf32>
      %eq3A_2478 = vector.broadcast %broadcast_in_dim3A_2276 : vector<128x1xf32> to vector<128x128xf32>
      %eq3A_2479 = arith.cmpf oeq, %get3A_2473, %eq3A_2478 : vector<128x128xf32>
      %add3A_2480 = arith.constant 1536 : i32
      %add3A_2481 = vector.broadcast %add3A_2480 : i32 to vector<128x128xi32>
      %add3A_2482 = arith.addi %add3A_2481, %iota3A : vector<128x128xi32>
      %jit3A_2483 = arith.constant 1073741824 : i32
      %broadcast_in_dim3A_2484 = vector.broadcast %jit3A_2483 : i32 to vector<128x128xi32>
      %select_n3A_2485 = arith.select %eq3A_2479, %add3A_2482, %broadcast_in_dim3A_2484 : vector<128x128xi1>, vector<128x128xi32>
      %min3A_2486 = arith.minsi %min3A_2470, %select_n3A_2485 : vector<128x128xi32>
      %get3A_2487 = arith.constant 0 : index
      %get3A_2488 = arith.constant 1664 : index
      %get3A_2489 = vector.load %arg7[%get3A_2487, %get3A_2488] : memref<128x2048xf32, #tpu.memory_space<vmem>>, vector<128x128xf32>
      %sub3A_2490 = vector.broadcast %max3A_2280 : vector<128x1xf32> to vector<128x128xf32>
      %sub3A_2491 = arith.subf %get3A_2489, %sub3A_2490 : vector<128x128xf32>
      %exp3A_2492 = math.exp %sub3A_2491 : vector<128x128xf32>
      %add3A_2493 = arith.addf %add3A_2477, %exp3A_2492 : vector<128x128xf32>
      %eq3A_2494 = vector.broadcast %broadcast_in_dim3A_2276 : vector<128x1xf32> to vector<128x128xf32>
      %eq3A_2495 = arith.cmpf oeq, %get3A_2489, %eq3A_2494 : vector<128x128xf32>
      %add3A_2496 = arith.constant 1664 : i32
      %add3A_2497 = vector.broadcast %add3A_2496 : i32 to vector<128x128xi32>
      %add3A_2498 = arith.addi %add3A_2497, %iota3A : vector<128x128xi32>
      %jit3A_2499 = arith.constant 1073741824 : i32
      %broadcast_in_dim3A_2500 = vector.broadcast %jit3A_2499 : i32 to vector<128x128xi32>
      %select_n3A_2501 = arith.select %eq3A_2495, %add3A_2498, %broadcast_in_dim3A_2500 : vector<128x128xi1>, vector<128x128xi32>
      %min3A_2502 = arith.minsi %min3A_2486, %select_n3A_2501 : vector<128x128xi32>
      %get3A_2503 = arith.constant 0 : index
      %get3A_2504 = arith.constant 1792 : index
      %get3A_2505 = vector.load %arg7[%get3A_2503, %get3A_2504] : memref<128x2048xf32, #tpu.memory_space<vmem>>, vector<128x128xf32>
      %sub3A_2506 = vector.broadcast %max3A_2280 : vector<128x1xf32> to vector<128x128xf32>
      %sub3A_2507 = arith.subf %get3A_2505, %sub3A_2506 : vector<128x128xf32>
      %exp3A_2508 = math.exp %sub3A_2507 : vector<128x128xf32>
      %add3A_2509 = arith.addf %add3A_2493, %exp3A_2508 : vector<128x128xf32>
      %eq3A_2510 = vector.broadcast %broadcast_in_dim3A_2276 : vector<128x1xf32> to vector<128x128xf32>
      %eq3A_2511 = arith.cmpf oeq, %get3A_2505, %eq3A_2510 : vector<128x128xf32>
      %add3A_2512 = arith.constant 1792 : i32
      %add3A_2513 = vector.broadcast %add3A_2512 : i32 to vector<128x128xi32>
      %add3A_2514 = arith.addi %add3A_2513, %iota3A : vector<128x128xi32>
      %jit3A_2515 = arith.constant 1073741824 : i32
      %broadcast_in_dim3A_2516 = vector.broadcast %jit3A_2515 : i32 to vector<128x128xi32>
      %select_n3A_2517 = arith.select %eq3A_2511, %add3A_2514, %broadcast_in_dim3A_2516 : vector<128x128xi1>, vector<128x128xi32>
      %min3A_2518 = arith.minsi %min3A_2502, %select_n3A_2517 : vector<128x128xi32>
      %get3A_2519 = arith.constant 0 : index
      %get3A_2520 = arith.constant 1920 : index
      %get3A_2521 = vector.load %arg7[%get3A_2519, %get3A_2520] : memref<128x2048xf32, #tpu.memory_space<vmem>>, vector<128x128xf32>
      %sub3A_2522 = vector.broadcast %max3A_2280 : vector<128x1xf32> to vector<128x128xf32>
      %sub3A_2523 = arith.subf %get3A_2521, %sub3A_2522 : vector<128x128xf32>
      %exp3A_2524 = math.exp %sub3A_2523 : vector<128x128xf32>
      %add3A_2525 = arith.addf %add3A_2509, %exp3A_2524 : vector<128x128xf32>
      %eq3A_2526 = vector.broadcast %broadcast_in_dim3A_2276 : vector<128x1xf32> to vector<128x128xf32>
      %eq3A_2527 = arith.cmpf oeq, %get3A_2521, %eq3A_2526 : vector<128x128xf32>
      %add3A_2528 = arith.constant 1920 : i32
      %add3A_2529 = vector.broadcast %add3A_2528 : i32 to vector<128x128xi32>
      %add3A_2530 = arith.addi %add3A_2529, %iota3A : vector<128x128xi32>
      %jit3A_2531 = arith.constant 1073741824 : i32
      %broadcast_in_dim3A_2532 = vector.broadcast %jit3A_2531 : i32 to vector<128x128xi32>
      %select_n3A_2533 = arith.select %eq3A_2527, %add3A_2530, %broadcast_in_dim3A_2532 : vector<128x128xi1>, vector<128x128xi32>
      %min3A_2534 = arith.minsi %min3A_2518, %select_n3A_2533 : vector<128x128xi32>
      %reduce_sum3A_2535 = arith.constant dense<0.000000e+00> : vector<128xf32>
      %reduce_sum3A_2536 = vector.multi_reduction <add>, %add3A_2525, %reduce_sum3A_2535 [1] : vector<128x128xf32> to vector<128xf32>
      %broadcast_in_dim3A_2537 = vector.shape_cast %reduce_sum3A_2536 : vector<128xf32> to vector<128x1xf32>
      %reduce_min3A_2538 = arith.constant dense<2147483647> : vector<128xi32>
      %reduce_min3A_2539 = vector.multi_reduction <minsi>, %min3A_2534, %reduce_min3A_2538 [1] : vector<128x128xi32> to vector<128xi32>
      %broadcast_in_dim3A_2540 = vector.shape_cast %reduce_min3A_2539 : vector<128xi32> to vector<128x1xi32>
      %add3A_2541 = vector.broadcast %mul3A_2195 : i32 to vector<128x1xi32>
      %add3A_2542 = arith.addi %broadcast_in_dim3A_2540, %add3A_2541 : vector<128x1xi32>
      %get3A_2543 = arith.constant 0 : index
      %get3A_2544 = arith.constant 0 : index
      %get3A_2545 = vector.load %arg11[%get3A_2543, %get3A_2544] : memref<128x1xf32, #tpu.memory_space<vmem>>, vector<128x1xf32>
      %sub3A_2546 = arith.subf %get3A_2279, %max3A_2280 : vector<128x1xf32>
      %exp3A_2547 = math.exp %sub3A_2546 : vector<128x1xf32>
      %mul3A_2548 = arith.mulf %get3A_2545, %exp3A_2547 : vector<128x1xf32>
      %add3A_2549 = arith.addf %mul3A_2548, %broadcast_in_dim3A_2537 : vector<128x1xf32>
      %swap3A_2550 = arith.constant 0 : index
      %swap3A_2551 = arith.constant 0 : index
      %swap3A_2552 = vector.load %arg11[%swap3A_2550, %swap3A_2551] : memref<128x1xf32, #tpu.memory_space<vmem>>, vector<128x1xf32>
      tpu.vector_store %arg11[%swap3A_2550, %swap3A_2551], %add3A_2549 {strides = array<i32>} : memref<128x1xf32, #tpu.memory_space<vmem>>, vector<128x1xf32>,
      %swap3A_2553 = arith.constant 0 : index
      %swap3A_2554 = arith.constant 0 : index
      %swap3A_2555 = vector.load %arg10[%swap3A_2553, %swap3A_2554] : memref<128x1xf32, #tpu.memory_space<vmem>>, vector<128x1xf32>
      tpu.vector_store %arg10[%swap3A_2553, %swap3A_2554], %max3A_2280 {strides = array<i32>} : memref<128x1xf32, #tpu.memory_space<vmem>>, vector<128x1xf32>,
      %get3A_2556 = arith.constant 0 : index
      %get3A_2557 = arith.constant 0 : index
      %get3A_2558 = vector.load %arg12[%get3A_2556, %get3A_2557] : memref<128x1xf32, #tpu.memory_space<vmem>>, vector<128x1xf32>
      %get3A_2559 = arith.constant 0 : index
      %get3A_2560 = arith.constant 0 : index
      %get3A_2561 = vector.load %arg13[%get3A_2559, %get3A_2560] : memref<128x1xi32, #tpu.memory_space<vmem>>, vector<128x1xi32>
      %gt3A_2562 = arith.cmpf ogt, %broadcast_in_dim3A_2276, %get3A_2558 : vector<128x1xf32>
      %eq3A_2563 = arith.cmpf oeq, %broadcast_in_dim3A_2276, %get3A_2558 : vector<128x1xf32>
      %lt3A_2564 = arith.cmpi slt, %add3A_2542, %get3A_2561 : vector<128x1xi32>
      %and3A_2565 = arith.andi %eq3A_2563, %lt3A_2564 : vector<128x1xi1>
      %or3A_2566 = arith.ori %gt3A_2562, %and3A_2565 : vector<128x1xi1>
      %select_n3A_2567 = arith.select %or3A_2566, %broadcast_in_dim3A_2276, %get3A_2558 : vector<128x1xi1>, vector<128x1xf32>
      %swap3A_2568 = arith.constant 0 : index
      %swap3A_2569 = arith.constant 0 : index
      %swap3A_2570 = vector.load %arg12[%swap3A_2568, %swap3A_2569] : memref<128x1xf32, #tpu.memory_space<vmem>>, vector<128x1xf32>
      tpu.vector_store %arg12[%swap3A_2568, %swap3A_2569], %select_n3A_2567 {strides = array<i32>} : memref<128x1xf32, #tpu.memory_space<vmem>>, vector<128x1xf32>,
      %select_n3A_2571 = arith.select %or3A_2566, %add3A_2542, %get3A_2561 : vector<128x1xi1>, vector<128x1xi32>
      %swap3A_2572 = arith.constant 0 : index
      %swap3A_2573 = arith.constant 0 : index
      %swap3A_2574 = vector.load %arg13[%swap3A_2572, %swap3A_2573] : memref<128x1xi32, #tpu.memory_space<vmem>>, vector<128x1xi32>
      tpu.vector_store %arg13[%swap3A_2572, %swap3A_2573], %select_n3A_2571 {strides = array<i32>} : memref<128x1xi32, #tpu.memory_space<vmem>>, vector<128x1xi32>,
    } else {
    }
    %eq3A_2201 = arith.constant 6 : i32
    %eq3A_2202 = arith.cmpi eq, %arg0, %eq3A_2201 : i32
    %convert_element_type3A_2203 = arith.extui %eq3A_2202 : i1 to i32
    %cond3A_2204 = arith.constant 0 : i32
    %cond3A_2205 = arith.cmpi ne, %convert_element_type3A_2203, %cond3A_2204 : i32
    scf.if %cond3A_2205 {
      %get3A_2211 = arith.constant 0 : index
      %get3A_2212 = arith.constant 0 : index
      %get3A_2213 = vector.load %arg7[%get3A_2211, %get3A_2212] : memref<128x2048xf32, #tpu.memory_space<vmem>>, vector<128x128xf32>
      %get3A_2214 = arith.constant 0 : index
      %get3A_2215 = arith.constant 128 : index
      %get3A_2216 = vector.load %arg7[%get3A_2214, %get3A_2215] : memref<128x2048xf32, #tpu.memory_space<vmem>>, vector<128x128xf32>
      %max3A_2217 = arith.maximumf %get3A_2213, %get3A_2216 : vector<128x128xf32>
      %get3A_2218 = arith.constant 0 : index
      %get3A_2219 = arith.constant 256 : index
      %get3A_2220 = vector.load %arg7[%get3A_2218, %get3A_2219] : memref<128x2048xf32, #tpu.memory_space<vmem>>, vector<128x128xf32>
      %max3A_2221 = arith.maximumf %max3A_2217, %get3A_2220 : vector<128x128xf32>
      %get3A_2222 = arith.constant 0 : index
      %get3A_2223 = arith.constant 384 : index
      %get3A_2224 = vector.load %arg7[%get3A_2222, %get3A_2223] : memref<128x2048xf32, #tpu.memory_space<vmem>>, vector<128x128xf32>
      %max3A_2225 = arith.maximumf %max3A_2221, %get3A_2224 : vector<128x128xf32>
      %get3A_2226 = arith.constant 0 : index
      %get3A_2227 = arith.constant 512 : index
      %get3A_2228 = vector.load %arg7[%get3A_2226, %get3A_2227] : memref<128x2048xf32, #tpu.memory_space<vmem>>, vector<128x128xf32>
      %max3A_2229 = arith.maximumf %max3A_2225, %get3A_2228 : vector<128x128xf32>
      %get3A_2230 = arith.constant 0 : index
      %get3A_2231 = arith.constant 640 : index
      %get3A_2232 = vector.load %arg7[%get3A_2230, %get3A_2231] : memref<128x2048xf32, #tpu.memory_space<vmem>>, vector<128x128xf32>
      %max3A_2233 = arith.maximumf %max3A_2229, %get3A_2232 : vector<128x128xf32>
      %get3A_2234 = arith.constant 0 : index
      %get3A_2235 = arith.constant 768 : index
      %get3A_2236 = vector.load %arg7[%get3A_2234, %get3A_2235] : memref<128x2048xf32, #tpu.memory_space<vmem>>, vector<128x128xf32>
      %max3A_2237 = arith.maximumf %max3A_2233, %get3A_2236 : vector<128x128xf32>
      %get3A_2238 = arith.constant 0 : index
      %get3A_2239 = arith.constant 896 : index
      %get3A_2240 = vector.load %arg7[%get3A_2238, %get3A_2239] : memref<128x2048xf32, #tpu.memory_space<vmem>>, vector<128x128xf32>
      %max3A_2241 = arith.maximumf %max3A_2237, %get3A_2240 : vector<128x128xf32>
      %get3A_2242 = arith.constant 0 : index
      %get3A_2243 = arith.constant 1024 : index
      %get3A_2244 = vector.load %arg7[%get3A_2242, %get3A_2243] : memref<128x2048xf32, #tpu.memory_space<vmem>>, vector<128x128xf32>
      %max3A_2245 = arith.maximumf %max3A_2241, %get3A_2244 : vector<128x128xf32>
      %get3A_2246 = arith.constant 0 : index
      %get3A_2247 = arith.constant 1152 : index
      %get3A_2248 = vector.load %arg7[%get3A_2246, %get3A_2247] : memref<128x2048xf32, #tpu.memory_space<vmem>>, vector<128x128xf32>
      %max3A_2249 = arith.maximumf %max3A_2245, %get3A_2248 : vector<128x128xf32>
      %get3A_2250 = arith.constant 0 : index
      %get3A_2251 = arith.constant 1280 : index
      %get3A_2252 = vector.load %arg7[%get3A_2250, %get3A_2251] : memref<128x2048xf32, #tpu.memory_space<vmem>>, vector<128x128xf32>
      %max3A_2253 = arith.maximumf %max3A_2249, %get3A_2252 : vector<128x128xf32>
      %get3A_2254 = arith.constant 0 : index
      %get3A_2255 = arith.constant 1408 : index
      %get3A_2256 = vector.load %arg7[%get3A_2254, %get3A_2255] : memref<128x2048xf32, #tpu.memory_space<vmem>>, vector<128x128xf32>
      %max3A_2257 = arith.maximumf %max3A_2253, %get3A_2256 : vector<128x128xf32>
      %get3A_2258 = arith.constant 0 : index
      %get3A_2259 = arith.constant 1536 : index
      %get3A_2260 = vector.load %arg7[%get3A_2258, %get3A_2259] : memref<128x2048xf32, #tpu.memory_space<vmem>>, vector<128x128xf32>
      %max3A_2261 = arith.maximumf %max3A_2257, %get3A_2260 : vector<128x128xf32>
      %get3A_2262 = arith.constant 0 : index
      %get3A_2263 = arith.constant 1664 : index
      %get3A_2264 = vector.load %arg7[%get3A_2262, %get3A_2263] : memref<128x2048xf32, #tpu.memory_space<vmem>>, vector<128x128xf32>
      %add3A_2265 = arith.constant 1664 : i32
      %add3A_2266 = arith.addi %mul3A_2195, %add3A_2265 : i32
      %add3A_2267 = vector.broadcast %add3A_2266 : i32 to vector<128x128xi32>
      %add3A_2268 = arith.addi %add3A_2267, %iota3A : vector<128x128xi32>
      %lt3A_2269 = arith.constant 100000 : i32
      %lt3A_2270 = vector.broadcast %lt3A_2269 : i32 to vector<128x128xi32>
      %lt3A_2271 = arith.cmpi slt, %add3A_2268, %lt3A_2270 : vector<128x128xi32>
      %jit3A_2272 = arith.constant 0xFF800000 : f32
      %broadcast_in_dim3A_2273 = vector.broadcast %jit3A_2272 : f32 to vector<128x128xf32>
      %select_n3A_2274 = arith.select %lt3A_2271, %get3A_2264, %broadcast_in_dim3A_2273 : vector<128x128xi1>, vector<128x128xf32>
      %max3A_2275 = arith.maximumf %max3A_2261, %select_n3A_2274 : vector<128x128xf32>
      %get3A_2276 = arith.constant 0 : index
      %get3A_2277 = arith.constant 1792 : index
      %get3A_2278 = vector.load %arg7[%get3A_2276, %get3A_2277] : memref<128x2048xf32, #tpu.memory_space<vmem>>, vector<128x128xf32>
      %add3A_2279 = arith.constant 1792 : i32
      %add3A_2280 = arith.addi %mul3A_2195, %add3A_2279 : i32
      %add3A_2281 = vector.broadcast %add3A_2280 : i32 to vector<128x128xi32>
      %add3A_2282 = arith.addi %add3A_2281, %iota3A : vector<128x128xi32>
      %lt3A_2283 = arith.constant 100000 : i32
      %lt3A_2284 = vector.broadcast %lt3A_2283 : i32 to vector<128x128xi32>
      %lt3A_2285 = arith.cmpi slt, %add3A_2282, %lt3A_2284 : vector<128x128xi32>
      %jit3A_2286 = arith.constant 0xFF800000 : f32
      %broadcast_in_dim3A_2287 = vector.broadcast %jit3A_2286 : f32 to vector<128x128xf32>
      %select_n3A_2288 = arith.select %lt3A_2285, %get3A_2278, %broadcast_in_dim3A_2287 : vector<128x128xi1>, vector<128x128xf32>
      %max3A_2289 = arith.maximumf %max3A_2275, %select_n3A_2288 : vector<128x128xf32>
      %get3A_2290 = arith.constant 0 : index
      %get3A_2291 = arith.constant 1920 : index
      %get3A_2292 = vector.load %arg7[%get3A_2290, %get3A_2291] : memref<128x2048xf32, #tpu.memory_space<vmem>>, vector<128x128xf32>
      %add3A_2293 = arith.constant 1920 : i32
      %add3A_2294 = arith.addi %mul3A_2195, %add3A_2293 : i32
      %add3A_2295 = vector.broadcast %add3A_2294 : i32 to vector<128x128xi32>
      %add3A_2296 = arith.addi %add3A_2295, %iota3A : vector<128x128xi32>
      %lt3A_2297 = arith.constant 100000 : i32
      %lt3A_2298 = vector.broadcast %lt3A_2297 : i32 to vector<128x128xi32>
      %lt3A_2299 = arith.cmpi slt, %add3A_2296, %lt3A_2298 : vector<128x128xi32>
      %jit3A_2300 = arith.constant 0xFF800000 : f32
      %broadcast_in_dim3A_2301 = vector.broadcast %jit3A_2300 : f32 to vector<128x128xf32>
      %select_n3A_2302 = arith.select %lt3A_2299, %get3A_2292, %broadcast_in_dim3A_2301 : vector<128x128xi1>, vector<128x128xf32>
      %max3A_2303 = arith.maximumf %max3A_2289, %select_n3A_2302 : vector<128x128xf32>
      %reduce_max3A_2304 = arith.constant dense<0xFF800000> : vector<128xf32>
      %reduce_max3A_2305 = vector.multi_reduction <maximumf>, %max3A_2303, %reduce_max3A_2304 [1] : vector<128x128xf32> to vector<128xf32>
      %broadcast_in_dim3A_2306 = vector.shape_cast %reduce_max3A_2305 : vector<128xf32> to vector<128x1xf32>
      %get3A_2307 = arith.constant 0 : index
      %get3A_2308 = arith.constant 0 : index
      %get3A_2309 = vector.load %arg10[%get3A_2307, %get3A_2308] : memref<128x1xf32, #tpu.memory_space<vmem>>, vector<128x1xf32>
      %max3A_2310 = arith.maximumf %get3A_2309, %broadcast_in_dim3A_2306 : vector<128x1xf32>
      %get3A_2311 = arith.constant 0 : index
      %get3A_2312 = arith.constant 0 : index
      %get3A_2313 = vector.load %arg7[%get3A_2311, %get3A_2312] : memref<128x2048xf32, #tpu.memory_space<vmem>>, vector<128x128xf32>
      %sub3A_2314 = vector.broadcast %max3A_2310 : vector<128x1xf32> to vector<128x128xf32>
      %sub3A_2315 = arith.subf %get3A_2313, %sub3A_2314 : vector<128x128xf32>
      %exp3A_2316 = math.exp %sub3A_2315 : vector<128x128xf32>
      %eq3A_2317 = vector.broadcast %broadcast_in_dim3A_2306 : vector<128x1xf32> to vector<128x128xf32>
      %eq3A_2318 = arith.cmpf oeq, %get3A_2313, %eq3A_2317 : vector<128x128xf32>
      %add3A_2319 = arith.constant 0 : i32
      %add3A_2320 = vector.broadcast %add3A_2319 : i32 to vector<128x128xi32>
      %add3A_2321 = arith.addi %add3A_2320, %iota3A : vector<128x128xi32>
      %jit3A_2322 = arith.constant 1073741824 : i32
      %broadcast_in_dim3A_2323 = vector.broadcast %jit3A_2322 : i32 to vector<128x128xi32>
      %select_n3A_2324 = arith.select %eq3A_2318, %add3A_2321, %broadcast_in_dim3A_2323 : vector<128x128xi1>, vector<128x128xi32>
      %get3A_2325 = arith.constant 0 : index
      %get3A_2326 = arith.constant 128 : index
      %get3A_2327 = vector.load %arg7[%get3A_2325, %get3A_2326] : memref<128x2048xf32, #tpu.memory_space<vmem>>, vector<128x128xf32>
      %sub3A_2328 = vector.broadcast %max3A_2310 : vector<128x1xf32> to vector<128x128xf32>
      %sub3A_2329 = arith.subf %get3A_2327, %sub3A_2328 : vector<128x128xf32>
      %exp3A_2330 = math.exp %sub3A_2329 : vector<128x128xf32>
      %add3A_2331 = arith.addf %exp3A_2316, %exp3A_2330 : vector<128x128xf32>
      %eq3A_2332 = vector.broadcast %broadcast_in_dim3A_2306 : vector<128x1xf32> to vector<128x128xf32>
      %eq3A_2333 = arith.cmpf oeq, %get3A_2327, %eq3A_2332 : vector<128x128xf32>
      %add3A_2334 = arith.constant 128 : i32
      %add3A_2335 = vector.broadcast %add3A_2334 : i32 to vector<128x128xi32>
      %add3A_2336 = arith.addi %add3A_2335, %iota3A : vector<128x128xi32>
      %jit3A_2337 = arith.constant 1073741824 : i32
      %broadcast_in_dim3A_2338 = vector.broadcast %jit3A_2337 : i32 to vector<128x128xi32>
      %select_n3A_2339 = arith.select %eq3A_2333, %add3A_2336, %broadcast_in_dim3A_2338 : vector<128x128xi1>, vector<128x128xi32>
      %min3A_2340 = arith.minsi %select_n3A_2324, %select_n3A_2339 : vector<128x128xi32>
      %get3A_2341 = arith.constant 0 : index
      %get3A_2342 = arith.constant 256 : index
      %get3A_2343 = vector.load %arg7[%get3A_2341, %get3A_2342] : memref<128x2048xf32, #tpu.memory_space<vmem>>, vector<128x128xf32>
      %sub3A_2344 = vector.broadcast %max3A_2310 : vector<128x1xf32> to vector<128x128xf32>
      %sub3A_2345 = arith.subf %get3A_2343, %sub3A_2344 : vector<128x128xf32>
      %exp3A_2346 = math.exp %sub3A_2345 : vector<128x128xf32>
      %add3A_2347 = arith.addf %add3A_2331, %exp3A_2346 : vector<128x128xf32>
      %eq3A_2348 = vector.broadcast %broadcast_in_dim3A_2306 : vector<128x1xf32> to vector<128x128xf32>
      %eq3A_2349 = arith.cmpf oeq, %get3A_2343, %eq3A_2348 : vector<128x128xf32>
      %add3A_2350 = arith.constant 256 : i32
      %add3A_2351 = vector.broadcast %add3A_2350 : i32 to vector<128x128xi32>
      %add3A_2352 = arith.addi %add3A_2351, %iota3A : vector<128x128xi32>
      %jit3A_2353 = arith.constant 1073741824 : i32
      %broadcast_in_dim3A_2354 = vector.broadcast %jit3A_2353 : i32 to vector<128x128xi32>
      %select_n3A_2355 = arith.select %eq3A_2349, %add3A_2352, %broadcast_in_dim3A_2354 : vector<128x128xi1>, vector<128x128xi32>
      %min3A_2356 = arith.minsi %min3A_2340, %select_n3A_2355 : vector<128x128xi32>
      %get3A_2357 = arith.constant 0 : index
      %get3A_2358 = arith.constant 384 : index
      %get3A_2359 = vector.load %arg7[%get3A_2357, %get3A_2358] : memref<128x2048xf32, #tpu.memory_space<vmem>>, vector<128x128xf32>
      %sub3A_2360 = vector.broadcast %max3A_2310 : vector<128x1xf32> to vector<128x128xf32>
      %sub3A_2361 = arith.subf %get3A_2359, %sub3A_2360 : vector<128x128xf32>
      %exp3A_2362 = math.exp %sub3A_2361 : vector<128x128xf32>
      %add3A_2363 = arith.addf %add3A_2347, %exp3A_2362 : vector<128x128xf32>
      %eq3A_2364 = vector.broadcast %broadcast_in_dim3A_2306 : vector<128x1xf32> to vector<128x128xf32>
      %eq3A_2365 = arith.cmpf oeq, %get3A_2359, %eq3A_2364 : vector<128x128xf32>
      %add3A_2366 = arith.constant 384 : i32
      %add3A_2367 = vector.broadcast %add3A_2366 : i32 to vector<128x128xi32>
      %add3A_2368 = arith.addi %add3A_2367, %iota3A : vector<128x128xi32>
      %jit3A_2369 = arith.constant 1073741824 : i32
      %broadcast_in_dim3A_2370 = vector.broadcast %jit3A_2369 : i32 to vector<128x128xi32>
      %select_n3A_2371 = arith.select %eq3A_2365, %add3A_2368, %broadcast_in_dim3A_2370 : vector<128x128xi1>, vector<128x128xi32>
      %min3A_2372 = arith.minsi %min3A_2356, %select_n3A_2371 : vector<128x128xi32>
      %get3A_2373 = arith.constant 0 : index
      %get3A_2374 = arith.constant 512 : index
      %get3A_2375 = vector.load %arg7[%get3A_2373, %get3A_2374] : memref<128x2048xf32, #tpu.memory_space<vmem>>, vector<128x128xf32>
      %sub3A_2376 = vector.broadcast %max3A_2310 : vector<128x1xf32> to vector<128x128xf32>
      %sub3A_2377 = arith.subf %get3A_2375, %sub3A_2376 : vector<128x128xf32>
      %exp3A_2378 = math.exp %sub3A_2377 : vector<128x128xf32>
      %add3A_2379 = arith.addf %add3A_2363, %exp3A_2378 : vector<128x128xf32>
      %eq3A_2380 = vector.broadcast %broadcast_in_dim3A_2306 : vector<128x1xf32> to vector<128x128xf32>
      %eq3A_2381 = arith.cmpf oeq, %get3A_2375, %eq3A_2380 : vector<128x128xf32>
      %add3A_2382 = arith.constant 512 : i32
      %add3A_2383 = vector.broadcast %add3A_2382 : i32 to vector<128x128xi32>
      %add3A_2384 = arith.addi %add3A_2383, %iota3A : vector<128x128xi32>
      %jit3A_2385 = arith.constant 1073741824 : i32
      %broadcast_in_dim3A_2386 = vector.broadcast %jit3A_2385 : i32 to vector<128x128xi32>
      %select_n3A_2387 = arith.select %eq3A_2381, %add3A_2384, %broadcast_in_dim3A_2386 : vector<128x128xi1>, vector<128x128xi32>
      %min3A_2388 = arith.minsi %min3A_2372, %select_n3A_2387 : vector<128x128xi32>
      %get3A_2389 = arith.constant 0 : index
      %get3A_2390 = arith.constant 640 : index
      %get3A_2391 = vector.load %arg7[%get3A_2389, %get3A_2390] : memref<128x2048xf32, #tpu.memory_space<vmem>>, vector<128x128xf32>
      %sub3A_2392 = vector.broadcast %max3A_2310 : vector<128x1xf32> to vector<128x128xf32>
      %sub3A_2393 = arith.subf %get3A_2391, %sub3A_2392 : vector<128x128xf32>
      %exp3A_2394 = math.exp %sub3A_2393 : vector<128x128xf32>
      %add3A_2395 = arith.addf %add3A_2379, %exp3A_2394 : vector<128x128xf32>
      %eq3A_2396 = vector.broadcast %broadcast_in_dim3A_2306 : vector<128x1xf32> to vector<128x128xf32>
      %eq3A_2397 = arith.cmpf oeq, %get3A_2391, %eq3A_2396 : vector<128x128xf32>
      %add3A_2398 = arith.constant 640 : i32
      %add3A_2399 = vector.broadcast %add3A_2398 : i32 to vector<128x128xi32>
      %add3A_2400 = arith.addi %add3A_2399, %iota3A : vector<128x128xi32>
      %jit3A_2401 = arith.constant 1073741824 : i32
      %broadcast_in_dim3A_2402 = vector.broadcast %jit3A_2401 : i32 to vector<128x128xi32>
      %select_n3A_2403 = arith.select %eq3A_2397, %add3A_2400, %broadcast_in_dim3A_2402 : vector<128x128xi1>, vector<128x128xi32>
      %min3A_2404 = arith.minsi %min3A_2388, %select_n3A_2403 : vector<128x128xi32>
      %get3A_2405 = arith.constant 0 : index
      %get3A_2406 = arith.constant 768 : index
      %get3A_2407 = vector.load %arg7[%get3A_2405, %get3A_2406] : memref<128x2048xf32, #tpu.memory_space<vmem>>, vector<128x128xf32>
      %sub3A_2408 = vector.broadcast %max3A_2310 : vector<128x1xf32> to vector<128x128xf32>
      %sub3A_2409 = arith.subf %get3A_2407, %sub3A_2408 : vector<128x128xf32>
      %exp3A_2410 = math.exp %sub3A_2409 : vector<128x128xf32>
      %add3A_2411 = arith.addf %add3A_2395, %exp3A_2410 : vector<128x128xf32>
      %eq3A_2412 = vector.broadcast %broadcast_in_dim3A_2306 : vector<128x1xf32> to vector<128x128xf32>
      %eq3A_2413 = arith.cmpf oeq, %get3A_2407, %eq3A_2412 : vector<128x128xf32>
      %add3A_2414 = arith.constant 768 : i32
      %add3A_2415 = vector.broadcast %add3A_2414 : i32 to vector<128x128xi32>
      %add3A_2416 = arith.addi %add3A_2415, %iota3A : vector<128x128xi32>
      %jit3A_2417 = arith.constant 1073741824 : i32
      %broadcast_in_dim3A_2418 = vector.broadcast %jit3A_2417 : i32 to vector<128x128xi32>
      %select_n3A_2419 = arith.select %eq3A_2413, %add3A_2416, %broadcast_in_dim3A_2418 : vector<128x128xi1>, vector<128x128xi32>
      %min3A_2420 = arith.minsi %min3A_2404, %select_n3A_2419 : vector<128x128xi32>
      %get3A_2421 = arith.constant 0 : index
      %get3A_2422 = arith.constant 896 : index
      %get3A_2423 = vector.load %arg7[%get3A_2421, %get3A_2422] : memref<128x2048xf32, #tpu.memory_space<vmem>>, vector<128x128xf32>
      %sub3A_2424 = vector.broadcast %max3A_2310 : vector<128x1xf32> to vector<128x128xf32>
      %sub3A_2425 = arith.subf %get3A_2423, %sub3A_2424 : vector<128x128xf32>
      %exp3A_2426 = math.exp %sub3A_2425 : vector<128x128xf32>
      %add3A_2427 = arith.addf %add3A_2411, %exp3A_2426 : vector<128x128xf32>
      %eq3A_2428 = vector.broadcast %broadcast_in_dim3A_2306 : vector<128x1xf32> to vector<128x128xf32>
      %eq3A_2429 = arith.cmpf oeq, %get3A_2423, %eq3A_2428 : vector<128x128xf32>
      %add3A_2430 = arith.constant 896 : i32
      %add3A_2431 = vector.broadcast %add3A_2430 : i32 to vector<128x128xi32>
      %add3A_2432 = arith.addi %add3A_2431, %iota3A : vector<128x128xi32>
      %jit3A_2433 = arith.constant 1073741824 : i32
      %broadcast_in_dim3A_2434 = vector.broadcast %jit3A_2433 : i32 to vector<128x128xi32>
      %select_n3A_2435 = arith.select %eq3A_2429, %add3A_2432, %broadcast_in_dim3A_2434 : vector<128x128xi1>, vector<128x128xi32>
      %min3A_2436 = arith.minsi %min3A_2420, %select_n3A_2435 : vector<128x128xi32>
      %get3A_2437 = arith.constant 0 : index
      %get3A_2438 = arith.constant 1024 : index
      %get3A_2439 = vector.load %arg7[%get3A_2437, %get3A_2438] : memref<128x2048xf32, #tpu.memory_space<vmem>>, vector<128x128xf32>
      %sub3A_2440 = vector.broadcast %max3A_2310 : vector<128x1xf32> to vector<128x128xf32>
      %sub3A_2441 = arith.subf %get3A_2439, %sub3A_2440 : vector<128x128xf32>
      %exp3A_2442 = math.exp %sub3A_2441 : vector<128x128xf32>
      %add3A_2443 = arith.addf %add3A_2427, %exp3A_2442 : vector<128x128xf32>
      %eq3A_2444 = vector.broadcast %broadcast_in_dim3A_2306 : vector<128x1xf32> to vector<128x128xf32>
      %eq3A_2445 = arith.cmpf oeq, %get3A_2439, %eq3A_2444 : vector<128x128xf32>
      %add3A_2446 = arith.constant 1024 : i32
      %add3A_2447 = vector.broadcast %add3A_2446 : i32 to vector<128x128xi32>
      %add3A_2448 = arith.addi %add3A_2447, %iota3A : vector<128x128xi32>
      %jit3A_2449 = arith.constant 1073741824 : i32
      %broadcast_in_dim3A_2450 = vector.broadcast %jit3A_2449 : i32 to vector<128x128xi32>
      %select_n3A_2451 = arith.select %eq3A_2445, %add3A_2448, %broadcast_in_dim3A_2450 : vector<128x128xi1>, vector<128x128xi32>
      %min3A_2452 = arith.minsi %min3A_2436, %select_n3A_2451 : vector<128x128xi32>
      %get3A_2453 = arith.constant 0 : index
      %get3A_2454 = arith.constant 1152 : index
      %get3A_2455 = vector.load %arg7[%get3A_2453, %get3A_2454] : memref<128x2048xf32, #tpu.memory_space<vmem>>, vector<128x128xf32>
      %sub3A_2456 = vector.broadcast %max3A_2310 : vector<128x1xf32> to vector<128x128xf32>
      %sub3A_2457 = arith.subf %get3A_2455, %sub3A_2456 : vector<128x128xf32>
      %exp3A_2458 = math.exp %sub3A_2457 : vector<128x128xf32>
      %add3A_2459 = arith.addf %add3A_2443, %exp3A_2458 : vector<128x128xf32>
      %eq3A_2460 = vector.broadcast %broadcast_in_dim3A_2306 : vector<128x1xf32> to vector<128x128xf32>
      %eq3A_2461 = arith.cmpf oeq, %get3A_2455, %eq3A_2460 : vector<128x128xf32>
      %add3A_2462 = arith.constant 1152 : i32
      %add3A_2463 = vector.broadcast %add3A_2462 : i32 to vector<128x128xi32>
      %add3A_2464 = arith.addi %add3A_2463, %iota3A : vector<128x128xi32>
      %jit3A_2465 = arith.constant 1073741824 : i32
      %broadcast_in_dim3A_2466 = vector.broadcast %jit3A_2465 : i32 to vector<128x128xi32>
      %select_n3A_2467 = arith.select %eq3A_2461, %add3A_2464, %broadcast_in_dim3A_2466 : vector<128x128xi1>, vector<128x128xi32>
      %min3A_2468 = arith.minsi %min3A_2452, %select_n3A_2467 : vector<128x128xi32>
      %get3A_2469 = arith.constant 0 : index
      %get3A_2470 = arith.constant 1280 : index
      %get3A_2471 = vector.load %arg7[%get3A_2469, %get3A_2470] : memref<128x2048xf32, #tpu.memory_space<vmem>>, vector<128x128xf32>
      %sub3A_2472 = vector.broadcast %max3A_2310 : vector<128x1xf32> to vector<128x128xf32>
      %sub3A_2473 = arith.subf %get3A_2471, %sub3A_2472 : vector<128x128xf32>
      %exp3A_2474 = math.exp %sub3A_2473 : vector<128x128xf32>
      %add3A_2475 = arith.addf %add3A_2459, %exp3A_2474 : vector<128x128xf32>
      %eq3A_2476 = vector.broadcast %broadcast_in_dim3A_2306 : vector<128x1xf32> to vector<128x128xf32>
      %eq3A_2477 = arith.cmpf oeq, %get3A_2471, %eq3A_2476 : vector<128x128xf32>
      %add3A_2478 = arith.constant 1280 : i32
      %add3A_2479 = vector.broadcast %add3A_2478 : i32 to vector<128x128xi32>
      %add3A_2480 = arith.addi %add3A_2479, %iota3A : vector<128x128xi32>
      %jit3A_2481 = arith.constant 1073741824 : i32
      %broadcast_in_dim3A_2482 = vector.broadcast %jit3A_2481 : i32 to vector<128x128xi32>
      %select_n3A_2483 = arith.select %eq3A_2477, %add3A_2480, %broadcast_in_dim3A_2482 : vector<128x128xi1>, vector<128x128xi32>
      %min3A_2484 = arith.minsi %min3A_2468, %select_n3A_2483 : vector<128x128xi32>
      %get3A_2485 = arith.constant 0 : index
      %get3A_2486 = arith.constant 1408 : index
      %get3A_2487 = vector.load %arg7[%get3A_2485, %get3A_2486] : memref<128x2048xf32, #tpu.memory_space<vmem>>, vector<128x128xf32>
      %sub3A_2488 = vector.broadcast %max3A_2310 : vector<128x1xf32> to vector<128x128xf32>
      %sub3A_2489 = arith.subf %get3A_2487, %sub3A_2488 : vector<128x128xf32>
      %exp3A_2490 = math.exp %sub3A_2489 : vector<128x128xf32>
      %add3A_2491 = arith.addf %add3A_2475, %exp3A_2490 : vector<128x128xf32>
      %eq3A_2492 = vector.broadcast %broadcast_in_dim3A_2306 : vector<128x1xf32> to vector<128x128xf32>
      %eq3A_2493 = arith.cmpf oeq, %get3A_2487, %eq3A_2492 : vector<128x128xf32>
      %add3A_2494 = arith.constant 1408 : i32
      %add3A_2495 = vector.broadcast %add3A_2494 : i32 to vector<128x128xi32>
      %add3A_2496 = arith.addi %add3A_2495, %iota3A : vector<128x128xi32>
      %jit3A_2497 = arith.constant 1073741824 : i32
      %broadcast_in_dim3A_2498 = vector.broadcast %jit3A_2497 : i32 to vector<128x128xi32>
      %select_n3A_2499 = arith.select %eq3A_2493, %add3A_2496, %broadcast_in_dim3A_2498 : vector<128x128xi1>, vector<128x128xi32>
      %min3A_2500 = arith.minsi %min3A_2484, %select_n3A_2499 : vector<128x128xi32>
      %get3A_2501 = arith.constant 0 : index
      %get3A_2502 = arith.constant 1536 : index
      %get3A_2503 = vector.load %arg7[%get3A_2501, %get3A_2502] : memref<128x2048xf32, #tpu.memory_space<vmem>>, vector<128x128xf32>
      %sub3A_2504 = vector.broadcast %max3A_2310 : vector<128x1xf32> to vector<128x128xf32>
      %sub3A_2505 = arith.subf %get3A_2503, %sub3A_2504 : vector<128x128xf32>
      %exp3A_2506 = math.exp %sub3A_2505 : vector<128x128xf32>
      %add3A_2507 = arith.addf %add3A_2491, %exp3A_2506 : vector<128x128xf32>
      %eq3A_2508 = vector.broadcast %broadcast_in_dim3A_2306 : vector<128x1xf32> to vector<128x128xf32>
      %eq3A_2509 = arith.cmpf oeq, %get3A_2503, %eq3A_2508 : vector<128x128xf32>
      %add3A_2510 = arith.constant 1536 : i32
      %add3A_2511 = vector.broadcast %add3A_2510 : i32 to vector<128x128xi32>
      %add3A_2512 = arith.addi %add3A_2511, %iota3A : vector<128x128xi32>
      %jit3A_2513 = arith.constant 1073741824 : i32
      %broadcast_in_dim3A_2514 = vector.broadcast %jit3A_2513 : i32 to vector<128x128xi32>
      %select_n3A_2515 = arith.select %eq3A_2509, %add3A_2512, %broadcast_in_dim3A_2514 : vector<128x128xi1>, vector<128x128xi32>
      %min3A_2516 = arith.minsi %min3A_2500, %select_n3A_2515 : vector<128x128xi32>
      %get3A_2517 = arith.constant 0 : index
      %get3A_2518 = arith.constant 1664 : index
      %get3A_2519 = vector.load %arg7[%get3A_2517, %get3A_2518] : memref<128x2048xf32, #tpu.memory_space<vmem>>, vector<128x128xf32>
      %add3A_2520 = arith.constant 1664 : i32
      %add3A_2521 = arith.addi %mul3A_2195, %add3A_2520 : i32
      %add3A_2522 = vector.broadcast %add3A_2521 : i32 to vector<128x128xi32>
      %add3A_2523 = arith.addi %add3A_2522, %iota3A : vector<128x128xi32>
      %lt3A_2524 = arith.constant 100000 : i32
      %lt3A_2525 = vector.broadcast %lt3A_2524 : i32 to vector<128x128xi32>
      %lt3A_2526 = arith.cmpi slt, %add3A_2523, %lt3A_2525 : vector<128x128xi32>
      %jit3A_2527 = arith.constant 0xFF800000 : f32
      %broadcast_in_dim3A_2528 = vector.broadcast %jit3A_2527 : f32 to vector<128x128xf32>
      %select_n3A_2529 = arith.select %lt3A_2526, %get3A_2519, %broadcast_in_dim3A_2528 : vector<128x128xi1>, vector<128x128xf32>
      %sub3A_2530 = vector.broadcast %max3A_2310 : vector<128x1xf32> to vector<128x128xf32>
      %sub3A_2531 = arith.subf %select_n3A_2529, %sub3A_2530 : vector<128x128xf32>
      %exp3A_2532 = math.exp %sub3A_2531 : vector<128x128xf32>
      %add3A_2533 = arith.addf %add3A_2507, %exp3A_2532 : vector<128x128xf32>
      %eq3A_2534 = vector.broadcast %broadcast_in_dim3A_2306 : vector<128x1xf32> to vector<128x128xf32>
      %eq3A_2535 = arith.cmpf oeq, %select_n3A_2529, %eq3A_2534 : vector<128x128xf32>
      %add3A_2536 = arith.constant 1664 : i32
      %add3A_2537 = vector.broadcast %add3A_2536 : i32 to vector<128x128xi32>
      %add3A_2538 = arith.addi %add3A_2537, %iota3A : vector<128x128xi32>
      %jit3A_2539 = arith.constant 1073741824 : i32
      %broadcast_in_dim3A_2540 = vector.broadcast %jit3A_2539 : i32 to vector<128x128xi32>
      %select_n3A_2541 = arith.select %eq3A_2535, %add3A_2538, %broadcast_in_dim3A_2540 : vector<128x128xi1>, vector<128x128xi32>
      %min3A_2542 = arith.minsi %min3A_2516, %select_n3A_2541 : vector<128x128xi32>
      %get3A_2543 = arith.constant 0 : index
      %get3A_2544 = arith.constant 1792 : index
      %get3A_2545 = vector.load %arg7[%get3A_2543, %get3A_2544] : memref<128x2048xf32, #tpu.memory_space<vmem>>, vector<128x128xf32>
      %add3A_2546 = arith.constant 1792 : i32
      %add3A_2547 = arith.addi %mul3A_2195, %add3A_2546 : i32
      %add3A_2548 = vector.broadcast %add3A_2547 : i32 to vector<128x128xi32>
      %add3A_2549 = arith.addi %add3A_2548, %iota3A : vector<128x128xi32>
      %lt3A_2550 = arith.constant 100000 : i32
      %lt3A_2551 = vector.broadcast %lt3A_2550 : i32 to vector<128x128xi32>
      %lt3A_2552 = arith.cmpi slt, %add3A_2549, %lt3A_2551 : vector<128x128xi32>
      %jit3A_2553 = arith.constant 0xFF800000 : f32
      %broadcast_in_dim3A_2554 = vector.broadcast %jit3A_2553 : f32 to vector<128x128xf32>
      %select_n3A_2555 = arith.select %lt3A_2552, %get3A_2545, %broadcast_in_dim3A_2554 : vector<128x128xi1>, vector<128x128xf32>
      %sub3A_2556 = vector.broadcast %max3A_2310 : vector<128x1xf32> to vector<128x128xf32>
      %sub3A_2557 = arith.subf %select_n3A_2555, %sub3A_2556 : vector<128x128xf32>
      %exp3A_2558 = math.exp %sub3A_2557 : vector<128x128xf32>
      %add3A_2559 = arith.addf %add3A_2533, %exp3A_2558 : vector<128x128xf32>
      %eq3A_2560 = vector.broadcast %broadcast_in_dim3A_2306 : vector<128x1xf32> to vector<128x128xf32>
      %eq3A_2561 = arith.cmpf oeq, %select_n3A_2555, %eq3A_2560 : vector<128x128xf32>
      %add3A_2562 = arith.constant 1792 : i32
      %add3A_2563 = vector.broadcast %add3A_2562 : i32 to vector<128x128xi32>
      %add3A_2564 = arith.addi %add3A_2563, %iota3A : vector<128x128xi32>
      %jit3A_2565 = arith.constant 1073741824 : i32
      %broadcast_in_dim3A_2566 = vector.broadcast %jit3A_2565 : i32 to vector<128x128xi32>
      %select_n3A_2567 = arith.select %eq3A_2561, %add3A_2564, %broadcast_in_dim3A_2566 : vector<128x128xi1>, vector<128x128xi32>
      %min3A_2568 = arith.minsi %min3A_2542, %select_n3A_2567 : vector<128x128xi32>
      %get3A_2569 = arith.constant 0 : index
      %get3A_2570 = arith.constant 1920 : index
      %get3A_2571 = vector.load %arg7[%get3A_2569, %get3A_2570] : memref<128x2048xf32, #tpu.memory_space<vmem>>, vector<128x128xf32>
      %add3A_2572 = arith.constant 1920 : i32
      %add3A_2573 = arith.addi %mul3A_2195, %add3A_2572 : i32
      %add3A_2574 = vector.broadcast %add3A_2573 : i32 to vector<128x128xi32>
      %add3A_2575 = arith.addi %add3A_2574, %iota3A : vector<128x128xi32>
      %lt3A_2576 = arith.constant 100000 : i32
      %lt3A_2577 = vector.broadcast %lt3A_2576 : i32 to vector<128x128xi32>
      %lt3A_2578 = arith.cmpi slt, %add3A_2575, %lt3A_2577 : vector<128x128xi32>
      %jit3A_2579 = arith.constant 0xFF800000 : f32
      %broadcast_in_dim3A_2580 = vector.broadcast %jit3A_2579 : f32 to vector<128x128xf32>
      %select_n3A_2581 = arith.select %lt3A_2578, %get3A_2571, %broadcast_in_dim3A_2580 : vector<128x128xi1>, vector<128x128xf32>
      %sub3A_2582 = vector.broadcast %max3A_2310 : vector<128x1xf32> to vector<128x128xf32>
      %sub3A_2583 = arith.subf %select_n3A_2581, %sub3A_2582 : vector<128x128xf32>
      %exp3A_2584 = math.exp %sub3A_2583 : vector<128x128xf32>
      %add3A_2585 = arith.addf %add3A_2559, %exp3A_2584 : vector<128x128xf32>
      %eq3A_2586 = vector.broadcast %broadcast_in_dim3A_2306 : vector<128x1xf32> to vector<128x128xf32>
      %eq3A_2587 = arith.cmpf oeq, %select_n3A_2581, %eq3A_2586 : vector<128x128xf32>
      %add3A_2588 = arith.constant 1920 : i32
      %add3A_2589 = vector.broadcast %add3A_2588 : i32 to vector<128x128xi32>
      %add3A_2590 = arith.addi %add3A_2589, %iota3A : vector<128x128xi32>
      %jit3A_2591 = arith.constant 1073741824 : i32
      %broadcast_in_dim3A_2592 = vector.broadcast %jit3A_2591 : i32 to vector<128x128xi32>
      %select_n3A_2593 = arith.select %eq3A_2587, %add3A_2590, %broadcast_in_dim3A_2592 : vector<128x128xi1>, vector<128x128xi32>
      %min3A_2594 = arith.minsi %min3A_2568, %select_n3A_2593 : vector<128x128xi32>
      %reduce_sum3A_2595 = arith.constant dense<0.000000e+00> : vector<128xf32>
      %reduce_sum3A_2596 = vector.multi_reduction <add>, %add3A_2585, %reduce_sum3A_2595 [1] : vector<128x128xf32> to vector<128xf32>
      %broadcast_in_dim3A_2597 = vector.shape_cast %reduce_sum3A_2596 : vector<128xf32> to vector<128x1xf32>
      %reduce_min3A_2598 = arith.constant dense<2147483647> : vector<128xi32>
      %reduce_min3A_2599 = vector.multi_reduction <minsi>, %min3A_2594, %reduce_min3A_2598 [1] : vector<128x128xi32> to vector<128xi32>
      %broadcast_in_dim3A_2600 = vector.shape_cast %reduce_min3A_2599 : vector<128xi32> to vector<128x1xi32>
      %add3A_2601 = vector.broadcast %mul3A_2195 : i32 to vector<128x1xi32>
      %add3A_2602 = arith.addi %broadcast_in_dim3A_2600, %add3A_2601 : vector<128x1xi32>
      %get3A_2603 = arith.constant 0 : index
      %get3A_2604 = arith.constant 0 : index
      %get3A_2605 = vector.load %arg11[%get3A_2603, %get3A_2604] : memref<128x1xf32, #tpu.memory_space<vmem>>, vector<128x1xf32>
      %sub3A_2606 = arith.subf %get3A_2309, %max3A_2310 : vector<128x1xf32>
      %exp3A_2607 = math.exp %sub3A_2606 : vector<128x1xf32>
      %mul3A_2608 = arith.mulf %get3A_2605, %exp3A_2607 : vector<128x1xf32>
      %add3A_2609 = arith.addf %mul3A_2608, %broadcast_in_dim3A_2597 : vector<128x1xf32>
      %swap3A_2610 = arith.constant 0 : index
      %swap3A_2611 = arith.constant 0 : index
      %swap3A_2612 = vector.load %arg11[%swap3A_2610, %swap3A_2611] : memref<128x1xf32, #tpu.memory_space<vmem>>, vector<128x1xf32>
      tpu.vector_store %arg11[%swap3A_2610, %swap3A_2611], %add3A_2609 {strides = array<i32>} : memref<128x1xf32, #tpu.memory_space<vmem>>, vector<128x1xf32>,
      %swap3A_2613 = arith.constant 0 : index
      %swap3A_2614 = arith.constant 0 : index
      %swap3A_2615 = vector.load %arg10[%swap3A_2613, %swap3A_2614] : memref<128x1xf32, #tpu.memory_space<vmem>>, vector<128x1xf32>
      tpu.vector_store %arg10[%swap3A_2613, %swap3A_2614], %max3A_2310 {strides = array<i32>} : memref<128x1xf32, #tpu.memory_space<vmem>>, vector<128x1xf32>,
      %get3A_2616 = arith.constant 0 : index
      %get3A_2617 = arith.constant 0 : index
      %get3A_2618 = vector.load %arg12[%get3A_2616, %get3A_2617] : memref<128x1xf32, #tpu.memory_space<vmem>>, vector<128x1xf32>
      %get3A_2619 = arith.constant 0 : index
      %get3A_2620 = arith.constant 0 : index
      %get3A_2621 = vector.load %arg13[%get3A_2619, %get3A_2620] : memref<128x1xi32, #tpu.memory_space<vmem>>, vector<128x1xi32>
      %gt3A_2622 = arith.cmpf ogt, %broadcast_in_dim3A_2306, %get3A_2618 : vector<128x1xf32>
      %eq3A_2623 = arith.cmpf oeq, %broadcast_in_dim3A_2306, %get3A_2618 : vector<128x1xf32>
      %lt3A_2624 = arith.cmpi slt, %add3A_2602, %get3A_2621 : vector<128x1xi32>
      %and3A_2625 = arith.andi %eq3A_2623, %lt3A_2624 : vector<128x1xi1>
      %or3A_2626 = arith.ori %gt3A_2622, %and3A_2625 : vector<128x1xi1>
      %select_n3A_2627 = arith.select %or3A_2626, %broadcast_in_dim3A_2306, %get3A_2618 : vector<128x1xi1>, vector<128x1xf32>
      %swap3A_2628 = arith.constant 0 : index
      %swap3A_2629 = arith.constant 0 : index
      %swap3A_2630 = vector.load %arg12[%swap3A_2628, %swap3A_2629] : memref<128x1xf32, #tpu.memory_space<vmem>>, vector<128x1xf32>
      tpu.vector_store %arg12[%swap3A_2628, %swap3A_2629], %select_n3A_2627 {strides = array<i32>} : memref<128x1xf32, #tpu.memory_space<vmem>>, vector<128x1xf32>,
      %select_n3A_2631 = arith.select %or3A_2626, %add3A_2602, %get3A_2621 : vector<128x1xi1>, vector<128x1xi32>
      %swap3A_2632 = arith.constant 0 : index
      %swap3A_2633 = arith.constant 0 : index
      %swap3A_2634 = vector.load %arg13[%swap3A_2632, %swap3A_2633] : memref<128x1xi32, #tpu.memory_space<vmem>>, vector<128x1xi32>
      tpu.vector_store %arg13[%swap3A_2632, %swap3A_2633], %select_n3A_2631 {strides = array<i32>} : memref<128x1xi32, #tpu.memory_space<vmem>>, vector<128x1xi32>,
    } else {
    }
    %eq3A_2206 = arith.constant 6 : i32
    %eq3A_2207 = arith.cmpi eq, %arg0, %eq3A_2206 : i32
    %convert_element_type3A_2208 = arith.extui %eq3A_2207 : i1 to i32
    %cond3A_2209 = arith.constant 0 : i32
    %cond3A_2210 = arith.cmpi ne, %convert_element_type3A_2208, %cond3A_2209 : i32
    scf.if %cond3A_2210 {
      %get3A_2211 = arith.constant 0 : index
      %get3A_2212 = arith.constant 0 : index
      %get3A_2213 = vector.load %arg10[%get3A_2211, %get3A_2212] : memref<128x1xf32, #tpu.memory_space<vmem>>, vector<128x1xf32>
      %get3A_2214 = arith.constant 0 : index
      %get3A_2215 = arith.constant 0 : index
      %get3A_2216 = vector.load %arg11[%get3A_2214, %get3A_2215] : memref<128x1xf32, #tpu.memory_space<vmem>>, vector<128x1xf32>
      %log3A = math.log %get3A_2216 : vector<128x1xf32>
      %add3A_2217 = arith.addf %get3A_2213, %log3A : vector<128x1xf32>
      %swap3A_2218 = arith.constant 0 : index
      %swap3A_2219 = arith.constant 0 : index
      %swap3A_2220 = vector.load %arg8[%swap3A_2218, %swap3A_2219] : memref<128x1xf32, #tpu.memory_space<vmem>>, vector<128x1xf32>
      tpu.vector_store %arg8[%swap3A_2218, %swap3A_2219], %add3A_2217 {strides = array<i32>} : memref<128x1xf32, #tpu.memory_space<vmem>>, vector<128x1xf32>,
      %get3A_2221 = arith.constant 0 : index
      %get3A_2222 = arith.constant 0 : index
      %get3A_2223 = vector.load %arg13[%get3A_2221, %get3A_2222] : memref<128x1xi32, #tpu.memory_space<vmem>>, vector<128x1xi32>
      %swap3A_2224 = arith.constant 0 : index
      %swap3A_2225 = arith.constant 0 : index
      %swap3A_2226 = vector.load %arg9[%swap3A_2224, %swap3A_2225] : memref<128x1xi32, #tpu.memory_space<vmem>>, vector<128x1xi32>
      tpu.vector_store %arg9[%swap3A_2224, %swap3A_2225], %get3A_2223 {strides = array<i32>} : memref<128x1xi32, #tpu.memory_space<vmem>>, vector<128x1xi32>,
    } else {
    }
    return
  }
  func.func @transform_0(%arg0: i32) -> (i32, i32) {
    %add3A = arith.constant 0 : i32
    %add3A_0 = arith.addi %add3A, %arg0 : i32
    %c0_i32 = arith.constant 0 : i32
    %c0_i32_1 = arith.constant 0 : i32
    return %c0_i32, %add3A_0 : i32, i32
  }
  func.func @transform_1(%arg0: i32) -> (i32, i32) {
    %add3A = arith.constant 7 : i32
    %add3A_0 = arith.addi %add3A, %arg0 : i32
    %c0_i32 = arith.constant 0 : i32
    %c0_i32_1 = arith.constant 0 : i32
    return %c0_i32, %add3A_0 : i32, i32
  }
  func.func @transform_2(%arg0: i32) -> (i32, i32) {
    %add3A = arith.constant 14 : i32
    %add3A_0 = arith.addi %add3A, %arg0 : i32
    %c0_i32 = arith.constant 0 : i32
    %c0_i32_1 = arith.constant 0 : i32
    return %c0_i32, %add3A_0 : i32, i32
  }
  func.func @transform_3(%arg0: i32) -> (i32, i32) {
    %add3A = arith.constant 21 : i32
    %add3A_0 = arith.addi %add3A, %arg0 : i32
    %c0_i32 = arith.constant 0 : i32
    %c0_i32_1 = arith.constant 0 : i32
    return %c0_i32, %add3A_0 : i32, i32
  }
  func.func @transform_4(%arg0: i32) -> (i32, i32) {
    %add3A = arith.constant 28 : i32
    %add3A_0 = arith.addi %add3A, %arg0 : i32
    %c0_i32 = arith.constant 0 : i32
    %c0_i32_1 = arith.constant 0 : i32
    return %c0_i32, %add3A_0 : i32, i32
  }
  func.func @transform_5(%arg0: i32) -> (i32, i32) {
    %add3A = arith.constant 35 : i32
    %add3A_0 = arith.addi %add3A, %arg0 : i32
    %c0_i32 = arith.constant 0 : i32
    %c0_i32_1 = arith.constant 0 : i32
    return %c0_i32, %add3A_0 : i32, i32
  }
  func.func @transform_6(%arg0: i32) -> (i32, i32) {
    %add3A = arith.constant 42 : i32
    %add3A_0 = arith.addi %add3A, %arg0 : i32
    %c0_i32 = arith.constant 0 : i32
    %c0_i32_1 = arith.constant 0 : i32
    return %c0_i32, %add3A_0 : i32, i32
  }
  func.func @transform_7(%arg0: i32) -> (i32, i32) {
    %c0_i32 = arith.constant 0 : i32
    %c0_i32_0 = arith.constant 0 : i32
    %c0_i32_1 = arith.constant 0 : i32
    return %c0_i32, %c0_i32_0 : i32, i32
  }
  func.func @transform_8(%arg0: i32) -> (i32, i32) {
    %c0_i32 = arith.constant 0 : i32
    %c0_i32_0 = arith.constant 0 : i32
    %c0_i32_1 = arith.constant 0 : i32
    return %c0_i32, %c0_i32_0 : i32, i32
  }
}

</mosaic_0001>

<sc_bundles>
// kernel: _run.4.cloned.1.call-start
scs
__scs_entry_jumppad:
0x0: {  	(pc) =	sbr.rel $0x88, $3  }
0x1: {  	(tag) =	ssettag $0x0;
	lr =	simm.s32 $0x1  }
0x2: {  	[smem:$0x3F9F] =	sst lr;
	_ =	strace $0xD0000000  }
0x3: {  	_ = 	snop  }
0x4: {  	_ = 	snop  }
0x5: {  	_ = 	snop  }
0x6: {  	_ = 	snop  }
0x7: {  	_ = 	snop  }
__scs_overlays_trampoline_lowered:
0x8: {  	[smem:$0x3FAE] =	sst s0  }
0x9: {  	[smem:$0x3FAF] =	sst s1  }
0xa: {  	[smem:$0x3FB0] =	sst s2  }
0xb: {  	[smem:$0x3FB1] =	sst s3  }
0xc: {  	[smem:$0x3FB2] =	sst s4  }
0xd: {  	[smem:$0x3FB3] =	sst s5  }
0xe: {  	[smem:$0x3FB4] =	sst s6  }
0xf: {  	[smem:$0x3FB5] =	sst s7  }
0x10: {  	[smem:$0x3FB6] =	sst s8  }
0x11: {  	[smem:$0x3FB7] =	sst s9;
	s0 =	simm.s32 @!p0 $0x0  }
0x12: {  	s1 =	sld [smem:$0x3F9D];
	s0 =	simm.s32 @p0 $0x1  }
0x13: {  	[smem:$0x3FB8] =	sst s0;
	s0 =	simm.s32 @!p1 $0x0  }
0x14: {  	s2 =	sld [smem:$0x3F9C];
	s0 =	simm.s32 @p1 $0x1  }
0x15: {  	[smem:$0x3FB9] =	sst s0;
	s0 =	simm.s32 @!p2 $0x0  }
0x16: {  	s3 =	sld [smem:$0x3FDB];
	s0 =	simm.s32 @p2 $0x1  }
0x17: {  	s4 =	simm.s32 $0x1BF5;
	[smem:$0x3FBB] =	sst s0  }
0x18: {  	s0 =	sld [smem:$0x3F9E];
	_ =	swait.ge [sflag:s4], $0x0  }
0x19: {  	s7 =	sld [smem:$0x3F9F]  }
0x1a: {  	s8 =	sadd.s32 $0xFFFFE003, lr  }
0x1b: {  	s9 =	sadd.s32 $0xFFFFFEF7, lr;
	s5 =	simm.s32 $0xFFFFFFFF;
	p2 =	slt.u32 s8, $0xFFFFF086  }
0x1c: {  	p1 =	slt.u32 s9, $0xF7A;
	s5 =	simm.s32 @!p2 $0x0  }
0x1d: {  	s5 =	simm.s32 @p1 $0x1;
	p0 =	seq.s32 s7, s2  }
0x1e: {  	s7 =	smul.u32 @!p0 $0xF7A, s2;
	p2 =	seq.s32 @!p0 s5, $0x0  }
0x1f: {  	s9 =	smul.u32 $0xF7A, s1;
	s8 =	simm.s32 @!p0 $0x1BF5;
	p2 =	por !p2, p0  }
0x20: {  	[sflag:s8] =	ssyncset.s32 @!p0 $0xFFFFF086;
	s6 =	sadd.s32 @!p0 s3, s7;
	s7 =	simm.s32 @!p0 $0x108  }
0x21: {  	s3 =	sadd.s32 s3, s9;
	s6 =	sadd.s32 @!p0 $0x88, s6;
	s7 =	simm.s32 @p2 $0x1082  }
0x22: {  	[simem:s7], [sflag:s8] =	dma.local @!p0 [hbm:s6], $0xF7A  }
0x23: {  	s9 =	sor.u32 $0xD0000000, s2;
	s6 =	simm.s32 $0x108;
	_ =	swait.ge @!p0 [sflag:s8], $0x0  }
0x24: {  	s3 =	sadd.s32 $0x88, s3;
	s6 =	simm.s32 @!p1 $0x1082;
	[sflag:s4] =	ssyncset.s32 $0xFFFFF086  }
0x25: {  	[simem:s6], [sflag:s4] =	dma.local [hbm:s3], $0xF7A  }
0x26: {  	[smem:$0x3F9F] =	sst s1;
	(tag) =	ssettag s2;
	_ =	strace s9  }
0x27: {  	s1 =	sld [smem:$0x3FAF]  }
0x28: {  	s2 =	sld [smem:$0x3FB0]  }
0x29: {  	s4 =	sld [smem:$0x3FB2]  }
0x2a: {  	p0 =	seq.s32 s5, $0x0;
	s5 =	sld [smem:$0x3FB3]  }
0x2b: {  	s6 =	sld [smem:$0x3FB4]  }
0x2c: {  	s7 =	sld [smem:$0x3FB5]  }
0x2d: {  	s3 =	simm.s32 $0x108;
	s8 =	sld [smem:$0x3FB6]  }
0x2e: {  	s3 =	simm.s32 @!p0 $0x1082;
	s9 =	sld [smem:$0x3FB7]  }
0x2f: {  	lr =	sadd.s32 s0, s3;
	s0 =	sld [smem:$0x3FAE]  }
0x30: {  	s3 =	sld [smem:$0x3FB1]  }
0x31: {  	[smem:$0x3FBA] =	sst s10  }
0x32: {  	s10 =	sld [smem:$0x3FB8];
	_ =	sdelay $0x3  }
0x33: {  	p0 =	seq.s32 s10, $0x1;
	s10 =	sld [smem:$0x3FBA];
	_ =	sdelay $0x3  }
0x34: {  	[smem:$0x3FBA] =	sst s10  }
0x35: {  	s10 =	sld [smem:$0x3FB9];
	_ =	sdelay $0x3  }
0x36: {  	p1 =	seq.s32 s10, $0x1;
	s10 =	sld [smem:$0x3FBA];
	_ =	sdelay $0x3  }
0x37: {  	[smem:$0x3FBA] =	sst s10  }
0x38: {  	s10 =	sld [smem:$0x3FBB]  }
0x39: {  	_ = 	snop;
	(pc) =	sbr.ind lr, $3  }
0x3a: {  	_ = 	snop  }
0x3b: {  	_ = 	snop  }
0x3c: {  	p2 =	seq.s32 s10, $0x1;
	s10 =	sld [smem:$0x3FBA]  }
0x3d: {  	_ =	shalt  }
0x3e: {  	_ =	shalt  }
0x3f: {  	_ =	shalt  }
0x40: {  	_ =	shalt  }
0x41: {  	_ =	shalt  }
0x42: {  	_ =	shalt  }
0x43: {  	_ =	shalt  }
0x44: {  	_ =	shalt  }
0x45: {  	_ =	shalt  }
0x46: {  	_ =	shalt  }
0x47: {  	_ =	shalt  }
0x48: {  	_ =	shalt  }
0x49: {  	_ =	shalt  }
0x4a: {  	_ =	shalt  }
0x4b: {  	_ =	shalt  }
0x4c: {  	_ =	shalt  }
0x4d: {  	_ =	shalt  }
0x4e: {  	_ =	shalt  }
0x4f: {  	_ =	shalt  }
0x50: {  	_ =	shalt  }
0x51: {  	_ =	shalt  }
0x52: {  	_ =	shalt  }
0x53: {  	_ =	shalt  }
0x54: {  	_ =	shalt  }
0x55: {  	_ =	shalt  }
0x56: {  	_ =	shalt  }
0x57: {  	_ =	shalt  }
0x58: {  	_ =	shalt  }
0x59: {  	_ =	shalt  }
0x5a: {  	_ =	shalt  }
0x5b: {  	_ =	shalt  }
0x5c: {  	_ =	shalt  }
0x5d: {  	_ =	shalt  }
0x5e: {  	_ =	shalt  }
0x5f: {  	_ =	shalt  }
0x60: {  	_ =	shalt  }
0x61: {  	_ =	shalt  }
0x62: {  	_ =	shalt  }
0x63: {  	_ =	shalt  }
0x64: {  	_ =	shalt  }
0x65: {  	_ =	shalt  }
0x66: {  	_ =	shalt  }
0x67: {  	_ =	shalt  }
0x68: {  	_ =	shalt  }
0x69: {  	_ =	shalt  }
0x6a: {  	_ =	shalt  }
0x6b: {  	_ =	shalt  }
0x6c: {  	_ =	shalt  }
0x6d: {  	_ =	shalt  }
0x6e: {  	_ =	shalt  }
0x6f: {  	_ =	shalt  }
0x70: {  	_ =	shalt  }
0x71: {  	_ =	shalt  }
0x72: {  	_ =	shalt  }
0x73: {  	_ =	shalt  }
0x74: {  	_ =	shalt  }
0x75: {  	_ =	shalt  }
0x76: {  	_ =	shalt  }
0x77: {  	_ =	shalt  }
0x78: {  	_ =	shalt  }
0x79: {  	_ =	shalt  }
0x7a: {  	_ =	shalt  }
0x7b: {  	_ =	shalt  }
0x7c: {  	_ =	shalt  }
0x7d: {  	_ =	shalt  }
0x7e: {  	_ =	shalt  }
0x7f: {  	_ =	shalt  }
0x80: {  	_ =	shalt  }
0x81: {  	_ =	shalt  }
0x82: {  	_ =	shalt  }
0x83: {  	_ =	shalt  }
0x84: {  	_ =	shalt  }
0x85: {  	_ =	shalt  }
0x86: {  	_ =	shalt  }
0x87: {  	_ =	shalt  }
.Lfunc_end0:
.L_simem_size_0:
called_computation_lowered:
.L_overlay_start_0:
0x88: {  	s2 =	sld [smem:$0x3FD9]  }
0x89: {  	s3 =	sld [smem:$0x3FFE];
	_ =	sdelay $0x1  }
0x8a: {  	s1 =	srdreg.scid  }
0x8b: {  	s0 =	sand.u32 $0x1, s1  }
0x8c: {  	s14 =	sshll.u32 s0, $0xA;
	s2 =	sadd.s32 s3, s2  }
0x8d: {  	s2 =	sadd.s32 s2, s14  }
0x8e: {  	[smem:$0x3FC6] =	sst s2  }
0x8f: {  	_ = 	snop  }
0x90: {  	s2 =	sld [smem:$0x3FD0];
	_ =	sdelay $0x2  }
0x91: {  	s4 =	simm.s32 $0xA;
	s5 =	simm.s32 $0x10;
	s15 =	sld [smem:$0x3FC8]  }
0x92: {  	[smem:s5], [sflag:s4] =	dma.local [hbm:s2], $0x1  }
0x93: {  	_ =	swait.eq [sflag:s4], $0x1  }
0x94: {  	[sflag:s4] =	ssyncset.done $0x0  }
0x95: {  	[sflag:s4] =	ssyncadd.s32 $0xFFFFFFFF  }
0x96: {  	s16 =	sld [smem:$0x10];
	(tm) =	ssettm $0x1  }
0x97: {  	s17 =	sld [smem:$0x3FFB];
	_ =	sdelay $0x3  }
0x98: {  	_ =	strace s17  }
0x99: {  	s4 =	sld [smem:$0x3FFC];
	_ =	sdelay $0x3  }
0x9a: {  	_ =	strace s4  }
0x9b: {  	s4 =	sld [smem:$0x3FFD];
	_ =	sdelay $0x3  }
0x9c: {  	_ =	strace s4  }
0x9d: {  	_ =	strace $0x8FFFFFFF  }
0x9e: {  	s18 =	sld [smem:$0x3FDB];
	_ =	sdelay $0x1  }
0x9f: {  	s19 =	simm.s32 $_scs_section_size  }
0xa0: {  	s6 =	simm.s32 $_size__tile_overlayer_lowered;
	s7 =	simm.s32 $_tile_overlayer_lowered  }
0xa1: {  	s22 =	simm.s32 $0x1BFF;
	s21 =	sshll.u32 s7, $0x1;
	s4 =	sadd.s32 s19, s18  }
0xa2: {  	s8 =	simm.s32 $0x0;
	s20 =	sshll.u32 s6, $0x1;
	s6 =	sadd.s32 s21, s4  }
0xa3: {  	[timem:s8], [sflag:s22] =	dma.local [hbm:s6], s20  }
0xa4: {  	_ =	swait.ge [sflag:s22], s20  }
0xa5: {  	s5 =	ssub.s32 $0x0, s20;
	[sflag:s22] =	ssyncset.done $0x0  }
0xa6: {  	[sflag:s22] =	ssyncadd.s32 s5;
	_ =	sdelay $0x1  }
0xa7: {  	s23 =	simm.s32 $0x1B8B  }
0xa8: {  	_ =	swait.ge [sflag:s23], $0x1  }
0xa9: {  	[sflag:s23] =	ssyncset.done $0x0  }
0xaa: {  	s25 =	simm.s32 $0x1B8E;
	s24 =	sld [smem:$0x3FFE];
	[sflag:s23] =	ssyncadd.s32 $0xFFFFFFFF  }
0xab: {  	s26 =	simm.s32 $execute0_lowered;
	[smem:$0x3FD2] =	sst s25  }
0xac: {  	s6 =	sshll.u32 s26, $0x1;
	_ =	strace $0x80000046;
	[dreg:$0x1] =	wrdreg $0xFFFFFFFF  }
0xad: {  	s28 =	simm.s32 $_size_execute0_lowered;
	s4 =	sadd.s32 s4, s6;
	[dreg:$0x0] =	wrdreg $0x0  }
0xae: {  	s6 =	sshll.u32 s28, $0x1;
	[dreg:$0x2] =	wrdreg s4  }
0xaf: {  	[dreg:$0x3] =	wrdreg s6  }
0xb0: {  	[dreg:$0x4] =	wrdreg $0xC0  }
0xb1: {  	_ =	task [dreg:s8], $0x5FFFF  }
0xb2: {  	[dreg:$0x1] =	wrdreg $0xFFFFFFFF  }
0xb3: {  	[dreg:$0x0] =	wrdreg $0x60  }
0xb4: {  	[dreg:$0x2] =	wrdreg s24  }
0xb5: {  	[dreg:$0x3] =	wrdreg s15  }
0xb6: {  	[dreg:$0x4] =	wrdreg s16  }
0xb7: {  	[dreg:$0x5] =	wrdreg $0x9  }
0xb8: {  	_ =	task.clear_ibuf [dreg:s8], $0x6FFFF;
	_ =	strace $0x90000046  }
0xb9: {  	s29 =	simm.s32 $0x9;
	_ =	strace $0x80000048  }
0xba: {  	_ =	swait.ge [sflag:s29], $0x1  }
0xbb: {  	[sflag:s29] =	ssyncadd.s32 $0xFFFFFFFF  }
0xbc: {  	_ =	strace $0x90000048  }
0xbd: {  	_ =	sfence  }
0xbe: {  	s30 =	sld [smem:$0x0];
	_ =	sdelay $0x2  }
0xbf: {  	s31 =	sshll.u32 s1, $0xD;
	s1 =	sshrl.u32 s1, $0x2  }
0xc0: {  	s3 =	sand.u32 $0x4000, s31;
	s1 =	sadd.s32 s1, s30  }
0xc1: {  	s0 =	sor.u32 s3, s0;
	s1 =	sshll.u32 s1, $0x11  }
0xc2: {  	s0 =	sor.u32 s1, s0  }
0xc3: {  	s0 =	sadd.s32 $0x8F2B, s0  }
0xc4: {  	[sflag:s0] =	ssyncadd.remote.s32 $0x1  }
0xc5: {  	_ =	sfence.sel $0xFFFF  }
0xc6: {  	[dreg:$0x0] =	wrdreg $0xFFFFFFFF;
	(pc) =	sbr.abs _section_cstart, $3  }
0xc7: {  	[dreg:$0x1] =	wrdreg $0xFFFFFFFF  }
0xc8: {  	_ =	task.clear_ibuf [dreg:s8], $0x2FFFF;
	_ =	strace $0x9FFFFFFF  }
0xc9: {  	(tm) =	ssettm $0x7FFFFFFF  }
tec
execute0_lowered:
.L_overlay_start_1:
0x0: {  	(tag) =	ssettag $0x1  }
0x1: {  	s1 =	stileid.u32  }
0x2: {  	p0 =	sgt.u32 s1, $0x3  }
.Ltmp0:
0x3: {  	s4 =	rddreg [dreg:$0x0];
	(pc) =	sbr.rel @p0 .LBB2_4-.Ltmp0, $4  }
0x4: {  	s3 =	rddreg [dreg:$0x1]  }
0x5: {  	s5 =	rddreg [dreg:$0x2];
	s2 =	simm.s32 $0x0  }
0x6: {  	[smem:$0x7FF] =	sst s2  }
0x7: {  	s0 =	rddreg [dreg:$0x3];
	_ =	strace $0x80000047  }
0x8: {  	s25 =	simm.s32 $0x480  }
0x9: {  	s26 =	simm.s32 $0x880;
	[dreg:$0x6] =	wrdreg s25  }
0xa: {  	s28 =	simm.s32 $0xC80;
	[dreg:$0x7] =	wrdreg s26  }
0xb: {  	s29 =	simm.s32 $0x1080;
	[dreg:$0x8] =	wrdreg s28  }
0xc: {  	s30 =	simm.s32 $0x1480;
	[dreg:$0x9] =	wrdreg s29  }
0xd: {  	s31 =	simm.s32 $0x1880;
	[dreg:$0xa] =	wrdreg s30  }
0xe: {  	s8 =	simm.s32 $0x2480;
	[dreg:$0xb] =	wrdreg s31  }
0xf: {  	s10 =	simm.s32 $0x2880;
	[dreg:$0xe] =	wrdreg s8  }
0x10: {  	s11 =	simm.s32 $0x2C80;
	[dreg:$0xf] =	wrdreg s10  }
0x11: {  	s6 =	srdreg.scid;
	s12 =	simm.s32 $0x3080;
	[dreg:$0x10] =	wrdreg s11  }
0x12: {  	s24 =	sshll.u32 s1, $0x1;
	s13 =	simm.s32 $0x3480;
	[dreg:$0x11] =	wrdreg s12  }
0x13: {  	s14 =	simm.s32 $0x3880;
	s9 =	sand.u32 $0x1, s6;
	[dreg:$0x12] =	wrdreg s13  }
0x14: {  	s15 =	simm.s32 $0x3C80;
	[dreg:$0x13] =	wrdreg s14;
	s6 =	sor.u32 s9, s24  }
0x15: {  	s17 =	simm.s32 $0x4080;
	[dreg:$0x14] =	wrdreg s15;
	s7 =	sshll.u32 s6, $0x1  }
0x16: {  	[dreg:$0x15] =	wrdreg s17;
	s5 =	sadd.s32 s5, s7  }
0x17: {  	s3 =	sadd.s32 s3, s7;
	[dreg:$0x4] =	wrdreg s5  }
0x18: {  	s7 =	simm.s32 $0x2080;
	[dreg:$0x5] =	wrdreg s3  }
0x19: {  	s5 =	simm.s32 $0x1C80;
	[dreg:$0xd] =	wrdreg s7  }
0x1a: {  	[dreg:$0xc] =	wrdreg s5  }
0x1b: {  	s3 =	simm.s32 $0x2;
	s16 =	rddreg [dreg:$0x5]  }
0x1c: {  	[tilespmem:s2], [sflag:$0x2] =	stream.linear.gather [hbm4b:s16+s2], $0x10, $0x38;
	[tilespmem:$0x4100] =	vst v63  }
0x1d: {  	_ =	swait.ge [sflag:s3], $0x10  }
0x1e: {  	[sflag:s3] =	ssyncset.done $0x0  }
0x1f: {  	[sflag:s3] =	ssyncadd.s32 $0xFFFFFFF0  }
0x20: {  	v1 =	vld [tilespmem:$0x0];
	_ =	sdelay $0x4  }
0x21: {  	v0 =	vshll.u32 v1, $0x3  }
0x22: {  	(v2sf) =	vpush v0, $0x1  }
0x23: {  	(v2sf) =	vpush v0, $0x9  }
0x24: {  	(v2sf) =	vpush v0, $0x3  }
0x25: {  	(v2sf) =	vpush v0, $0x0;
	_ =	sdelay $0x2  }
0x26: {  	(v2sf) =	vpush v0, $0x5  }
0x27: {  	(v2sf) =	vpush v0, $0x6;
	_ =	sdelay $0x1  }
0x28: {  	(v2sf) =	vpush v0, $0x2;
	_ =	sdelay $0x5  }
0x29: {  	s18 =	spop (v2sf)  }
0x2a: {  	s8 =	spop (v2sf)  }
0x2b: {  	s10 =	spop (v2sf)  }
0x2c: {  	s5 =	smul.u32 $0x187000, s6;
	(v2sf) =	vpush v0, $0x4;
	s11 =	spop (v2sf)  }
0x2d: {  	s6 =	sadd.s32 $0x600, s4;
	s11 =	sand.u32 $0x7FFFFC00, s11  }
0x2e: {  	s4 =	simm.s32 $0x80;
	s7 =	sand.u32 $0x7FFFFC00, s18;
	s11 =	sadd.s32 s5, s11  }
0x2f: {  	s7 =	sadd.s32 s5, s7;
	s13 =	spop (v2sf);
	s11 =	sshrl.u32 s11, $0x3  }
0x30: {  	s7 =	sshrl.u32 s7, $0x3;
	s19 =	spop (v2sf);
	s11 =	sadd.s32 s6, s11  }
0x31: {  	(v2sf) =	vpush v0, $0xA;
	[tilespmem:s4], [sflag:$0x1] =	stream.linear.gather [hbm4b:s11+s2], $0x400, $0x38;
	[tilespmem:$0x4100] =	vst v63  }
0x32: {  	s12 =	rddreg [dreg:$0x6];
	s7 =	sadd.s32 s6, s7;
	s20 =	spop (v2sf)  }
0x33: {  	(v2sf) =	vpush v0, $0x8;
	[tilespmem:s12], [sflag:$0x1] =	stream.linear.gather [hbm4b:s7+s2], $0x400, $0x38;
	[tilespmem:$0x4100] =	vst v63  }
0x34: {  	s7 =	sand.u32 $0x7FFFFC00, s20  }
0x35: {  	(v2sf) =	vpush v0, $0x7;
	s7 =	sadd.s32 s5, s7  }
0x36: {  	s7 =	sshrl.u32 s7, $0x3  }
0x37: {  	s21 =	rddreg [dreg:$0x7];
	s22 =	sand.u32 $0x7FFFFC00, s10;
	s7 =	sadd.s32 s6, s7  }
0x38: {  	[tilespmem:s21], [sflag:$0x1] =	stream.linear.gather [hbm4b:s7+s2], $0x400, $0x38;
	[tilespmem:$0x4100] =	vst v63  }
0x39: {  	s7 =	sadd.s32 s5, s22  }
0x3a: {  	s7 =	sshrl.u32 s7, $0x3  }
0x3b: {  	s23 =	rddreg [dreg:$0x8];
	s24 =	spop (v2sf);
	s7 =	sadd.s32 s6, s7  }
0x3c: {  	[tilespmem:s23], [sflag:$0x1] =	stream.linear.gather [hbm4b:s7+s2], $0x400, $0x38;
	[tilespmem:$0x4100] =	vst v63  }
0x3d: {  	s25 =	rddreg [dreg:$0x9];
	s26 =	sand.u32 $0x7FFFFC00, s13;
	s7 =	sand.u32 $0x7FFFFC00, s24  }
0x3e: {  	s28 =	rddreg [dreg:$0xa];
	s29 =	sadd.s32 s5, s26;
	s7 =	sadd.s32 s5, s7  }
0x3f: {  	s10 =	sshrl.u32 s29, $0x3;
	s11 =	sand.u32 $0x7FFFFC00, s19;
	s7 =	sshrl.u32 s7, $0x3  }
0x40: {  	s11 =	sadd.s32 s5, s11;
	s31 =	spop (v2sf);
	s7 =	sadd.s32 s6, s7  }
0x41: {  	[tilespmem:s25], [sflag:$0x1] =	stream.linear.gather [hbm4b:s7+s2], $0x400, $0x38;
	[tilespmem:$0x4100] =	vst v63  }
0x42: {  	s10 =	sadd.s32 s6, s10;
	s11 =	sshrl.u32 s11, $0x3;
	s13 =	spop (v2sf)  }
0x43: {  	[tilespmem:s28], [sflag:$0x1] =	stream.linear.gather [hbm4b:s10+s2], $0x400, $0x38;
	[tilespmem:$0x4100] =	vst v63  }
0x44: {  	s30 =	rddreg [dreg:$0xb];
	s14 =	spop (v2sf);
	s7 =	sadd.s32 s6, s11  }
0x45: {  	(v2sf) =	vpush v0, $0xB;
	[tilespmem:s30], [sflag:$0x1] =	stream.linear.gather [hbm4b:s7+s2], $0x400, $0x38;
	[tilespmem:$0x4100] =	vst v63  }
0x46: {  	s7 =	sand.u32 $0x7FFFFC00, s14  }
0x47: {  	s7 =	sadd.s32 s5, s7  }
0x48: {  	s7 =	sshrl.u32 s7, $0x3  }
0x49: {  	s15 =	rddreg [dreg:$0xc];
	s7 =	sadd.s32 s6, s7  }
0x4a: {  	(v2sf) =	vpush v0, $0xC;
	[tilespmem:s15], [sflag:$0x1] =	stream.linear.gather [hbm4b:s7+s2], $0x400, $0x38;
	[tilespmem:$0x4100] =	vst v63  }
0x4b: {  	s11 =	sand.u32 $0x7FFFFC00, s13;
	s7 =	sadd.s32 $0xC3800, s5  }
0x4c: {  	s8 =	sand.u32 $0x7FFFFC00, s8;
	s11 =	sadd.s32 s7, s11  }
0x4d: {  	s8 =	sadd.s32 s7, s8;
	s11 =	sshrl.u32 s11, $0x3  }
0x4e: {  	s16 =	rddreg [dreg:$0xd];
	s8 =	sshrl.u32 s8, $0x3;
	s11 =	sadd.s32 s6, s11  }
0x4f: {  	(v2sf) =	vpush v0, $0xD;
	[tilespmem:s16], [sflag:$0x1] =	stream.linear.gather [hbm4b:s11+s2], $0x400, $0x38;
	[tilespmem:$0x4100] =	vst v63  }
0x50: {  	s17 =	rddreg [dreg:$0xe];
	s18 =	sand.u32 $0x7FFFFC00, s31;
	s8 =	sadd.s32 s6, s8  }
0x51: {  	[tilespmem:s17], [sflag:$0x1] =	stream.linear.gather [hbm4b:s8+s2], $0x400, $0x38;
	[tilespmem:$0x4100] =	vst v63  }
0x52: {  	s8 =	sadd.s32 s7, s18  }
0x53: {  	s8 =	sshrl.u32 s8, $0x3  }
0x54: {  	s19 =	rddreg [dreg:$0xf];
	s20 =	spop (v2sf);
	(v2sf) =	vpush v0, $0xE;
	s8 =	sadd.s32 s6, s8  }
0x55: {  	[tilespmem:s19], [sflag:$0x1] =	stream.linear.gather [hbm4b:s8+s2], $0x400, $0x38;
	[tilespmem:$0x4100] =	vst v63  }
0x56: {  	s8 =	sand.u32 $0x7FFFFC00, s20  }
0x57: {  	s8 =	sadd.s32 s7, s8  }
0x58: {  	s8 =	sshrl.u32 s8, $0x3  }
0x59: {  	s21 =	rddreg [dreg:$0x10];
	s22 =	spop (v2sf);
	(v2sf) =	vpush v0, $0xF;
	s8 =	sadd.s32 s6, s8  }
0x5a: {  	[tilespmem:s21], [sflag:$0x1] =	stream.linear.gather [hbm4b:s8+s2], $0x400, $0x38;
	[tilespmem:$0x4100] =	vst v63  }
0x5b: {  	s8 =	sand.u32 $0x7FFFFC00, s22  }
0x5c: {  	s8 =	sadd.s32 s7, s8  }
0x5d: {  	s8 =	sshrl.u32 s8, $0x3  }
0x5e: {  	s23 =	rddreg [dreg:$0x11];
	s24 =	spop (v2sf);
	s8 =	sadd.s32 s6, s8  }
0x5f: {  	[tilespmem:s23], [sflag:$0x1] =	stream.linear.gather [hbm4b:s8+s2], $0x400, $0x38;
	[tilespmem:$0x4100] =	vst v63  }
0x60: {  	s8 =	sand.u32 $0x7FFFFC00, s24  }
0x61: {  	s8 =	sadd.s32 s7, s8  }
0x62: {  	s8 =	sshrl.u32 s8, $0x3  }
0x63: {  	s25 =	rddreg [dreg:$0x12];
	s26 =	spop (v2sf);
	s8 =	sadd.s32 s6, s8  }
0x64: {  	[tilespmem:s25], [sflag:$0x1] =	stream.linear.gather [hbm4b:s8+s2], $0x400, $0x38;
	[tilespmem:$0x4100] =	vst v63  }
0x65: {  	s8 =	sand.u32 $0x7FFFFC00, s26  }
0x66: {  	s8 =	sadd.s32 s7, s8  }
0x67: {  	s8 =	sshrl.u32 s8, $0x3  }
0x68: {  	s28 =	rddreg [dreg:$0x13];
	s29 =	spop (v2sf);
	s8 =	sadd.s32 s6, s8  }
0x69: {  	[tilespmem:s28], [sflag:$0x1] =	stream.linear.gather [hbm4b:s8+s2], $0x400, $0x38;
	[tilespmem:$0x4100] =	vst v63  }
0x6a: {  	s8 =	sand.u32 $0x7FFFFC00, s29  }
0x6b: {  	s8 =	sadd.s32 s7, s8  }
0x6c: {  	s8 =	sshrl.u32 s8, $0x3  }
0x6d: {  	s30 =	rddreg [dreg:$0x14];
	s8 =	sadd.s32 s6, s8  }
0x6e: {  	[tilespmem:s30], [sflag:$0x1] =	stream.linear.gather [hbm4b:s8+s2], $0x400, $0x38;
	[tilespmem:$0x4100] =	vst v63  }
0x6f: {  	s8 =	simm.s32 $0x1  }
0x70: {  	_ =	swait.ge [sflag:s8], $0x400  }
0x71: {  	[sflag:s8] =	ssyncset.done $0x0  }
0x72: {  	[sflag:s8] =	ssyncadd.s32 $0xFFFFFC00  }
0x73: {  	_ =	swait.ge [sflag:s8], $0x400  }
0x74: {  	[sflag:s8] =	ssyncset.done $0x0  }
0x75: {  	[sflag:s8] =	ssyncadd.s32 $0xFFFFFC00  }
0x76: {  	_ =	swait.ge [sflag:s8], $0x400  }
0x77: {  	[sflag:s8] =	ssyncset.done $0x0  }
0x78: {  	[sflag:s8] =	ssyncadd.s32 $0xFFFFFC00  }
0x79: {  	_ =	swait.ge [sflag:s8], $0x400  }
0x7a: {  	[sflag:s8] =	ssyncset.done $0x0  }
0x7b: {  	[sflag:s8] =	ssyncadd.s32 $0xFFFFFC00  }
0x7c: {  	_ =	swait.ge [sflag:s8], $0x400  }
0x7d: {  	[sflag:s8] =	ssyncset.done $0x0  }
0x7e: {  	[sflag:s8] =	ssyncadd.s32 $0xFFFFFC00  }
0x7f: {  	_ =	swait.ge [sflag:s8], $0x400  }
0x80: {  	[sflag:s8] =	ssyncset.done $0x0  }
0x81: {  	[sflag:s8] =	ssyncadd.s32 $0xFFFFFC00  }
0x82: {  	_ =	swait.ge [sflag:s8], $0x400  }
0x83: {  	[sflag:s8] =	ssyncset.done $0x0  }
0x84: {  	[sflag:s8] =	ssyncadd.s32 $0xFFFFFC00  }
0x85: {  	_ =	swait.ge [sflag:s8], $0x400  }
0x86: {  	[sflag:s8] =	ssyncset.done $0x0  }
0x87: {  	[sflag:s8] =	ssyncadd.s32 $0xFFFFFC00  }
0x88: {  	_ =	swait.ge [sflag:s8], $0x400  }
0x89: {  	vm0 =	vcmask $0x300;
	v0 =	vimm.s32 $0x3F80;
	[sflag:s8] =	ssyncset.done $0x0  }
0x8a: {  	vm14 =	vcmask $0x704;
	v0 =	vsel vm0, $0x0, v0;
	[sflag:s8] =	ssyncadd.s32 $0xFFFFFC00  }
0x8b: {  	vm15 =	vcmask $0xB08;
	v0 =	vsel vm14, $0x480, v0;
	_ =	swait.ge [sflag:s8], $0x400  }
0x8c: {  	vm4 =	vcmask $0xF0C;
	v0 =	vsel vm15, $0x900, v0;
	[sflag:s8] =	ssyncset.done $0x0  }
0x8d: {  	vm5 =	vcmask $0x1310;
	v0 =	vsel vm4, $0xD80, v0;
	[sflag:s8] =	ssyncadd.s32 $0xFFFFFC00  }
0x8e: {  	vm6 =	vcmask $0x1714;
	v0 =	vsel vm5, $0x1200, v0;
	_ =	swait.ge [sflag:s8], $0x400  }
0x8f: {  	vm7 =	vcmask $0x1B18;
	s9 =	ssub.s32 $0x2, s9;
	v0 =	vsel vm6, $0x1680, v0;
	[sflag:s8] =	ssyncset.done $0x0  }
0x90: {  	vm8 =	vcmask $0x1F1C;
	s31 =	sshrl.u32 s9, $0x1;
	v0 =	vsel vm7, $0x1B00, v0;
	[sflag:s8] =	ssyncadd.s32 $0xFFFFFC00  }
0x91: {  	vm9 =	vcmask $0x2320;
	s9 =	ssub.s32 s9, s31;
	v0 =	vsel vm8, $0x1F80, v0;
	_ =	swait.ge [sflag:s8], $0x400  }
0x92: {  	vm10 =	vcmask $0x2724;
	s9 =	smax.u32 s9, $0x1;
	v0 =	vsel vm9, $0x2000, v0;
	[sflag:s8] =	ssyncset.done $0x0  }
0x93: {  	vm11 =	vcmask $0x2B28;
	p0 =	sne.s32 s9, $0x1;
	v0 =	vsel vm10, $0x2480, v0;
	[sflag:s8] =	ssyncadd.s32 $0xFFFFFC00  }
.Ltmp1:
0x94: {  	vm12 =	vcmask $0x2F2C;
	v0 =	vsel vm11, $0x2900, v0;
	_ =	swait.ge [sflag:s8], $0x400;
	(pc) =	sbr.rel @!p0 .LBB2_3-.Ltmp1, $4  }
0x95: {  	vm13 =	vcmask $0x3330;
	v0 =	vsel vm12, $0x2D80, v0;
	[sflag:s8] =	ssyncset.done $0x0  }
0x96: {  	vm14 =	vcmask $0x3734;
	v0 =	vsel vm13, $0x3200, v0;
	[sflag:s8] =	ssyncadd.s32 $0xFFFFFC00  }
0x97: {  	vm15 =	vcmask $0x3B38;
	v0 =	vsel vm14, $0x3680, v0;
	_ =	swait.ge [sflag:s8], $0x400  }
0x98: {  	v1 =	vand.u32 $0x7F, v1;
	s9 =	sadd.s32 $0xFFFFFFFF, s9;
	v0 =	vsel vm15, $0x3B00, v0;
	[sflag:s8] =	ssyncset.done $0x0  }
.LBB2_2:
0x99: {  	[sflag:s8] =	ssyncadd.s32 $0xFFFFFC00  }
0x9a: {  	_ =	swait.ge [sflag:s8], $0x400  }
0x9b: {  	v1 =	vor.u32 v0, v1;
	[sflag:s8] =	ssyncset.done $0x0  }
0x9c: {  	[sflag:s8] =	ssyncadd.s32 $0xFFFFFC00  }
0x9d: {  	_ =	swait.ge [sflag:s8], $0x400  }
0x9e: {  	[sflag:s8] =	ssyncset.done $0x0  }
0x9f: {  	[sflag:s8] =	ssyncadd.s32 $0xFFFFFC00  }
0xa0: {  	v1 =	vld.idx.msk [tilespmem:v1+s4+$0x0], $0xffff;
	_ =	sdelay $0x3  }
0xa1: {  	s10 =	rddreg [dreg:$0x15]  }
0xa2: {  	s11 =	rddreg [dreg:$0x4];
	[tilespmem:$0x4080] =	vst v1  }
0xa3: {  	[hbm4b:s11+s2] =	stream.linear.scatter [tilespmem:s10], [sflag:$0x2], $0x10, $0x38;
	[tilespmem:$0x4100] =	vst v63  }
0xa4: {  	_ =	swait.ge [sflag:s3], $0x10  }
0xa5: {  	[sflag:s3] =	ssyncset.done $0x0  }
0xa6: {  	s30 =	rddreg [dreg:$0x5];
	[sflag:s3] =	ssyncadd.s32 $0xFFFFFFF0  }
0xa7: {  	[tilespmem:s2], [sflag:$0x2] =	stream.linear.gather [hbm4b:s30+s2], $0x10, $0x38;
	[tilespmem:$0x4100] =	vst v63  }
0xa8: {  	_ =	swait.ge [sflag:s3], $0x10  }
0xa9: {  	[sflag:s3] =	ssyncset.done $0x0  }
0xaa: {  	[sflag:s3] =	ssyncadd.s32 $0xFFFFFFF0  }
0xab: {  	v1 =	vld [tilespmem:$0x0];
	_ =	sdelay $0x4  }
0xac: {  	v2 =	vshll.u32 v1, $0x3  }
0xad: {  	(v2sf) =	vpush v2, $0x1  }
0xae: {  	(v2sf) =	vpush v2, $0x9  }
0xaf: {  	(v2sf) =	vpush v2, $0x3  }
0xb0: {  	(v2sf) =	vpush v2, $0x0;
	_ =	sdelay $0x1  }
0xb1: {  	s10 =	rddreg [dreg:$0x12];
	(v2sf) =	vpush v2, $0x5  }
0xb2: {  	s11 =	rddreg [dreg:$0x11];
	(v2sf) =	vpush v2, $0x6  }
0xb3: {  	s12 =	rddreg [dreg:$0x10];
	(v2sf) =	vpush v2, $0x2  }
0xb4: {  	s19 =	rddreg [dreg:$0x7]  }
0xb5: {  	s22 =	rddreg [dreg:$0x6];
	(v2sf) =	vpush v2, $0x4  }
0xb6: {  	s13 =	rddreg [dreg:$0xf]  }
0xb7: {  	s14 =	rddreg [dreg:$0xe]  }
0xb8: {  	s15 =	rddreg [dreg:$0xd];
	(v2sf) =	vpush v2, $0xA  }
0xb9: {  	s20 =	rddreg [dreg:$0x8]  }
0xba: {  	s16 =	rddreg [dreg:$0xc]  }
0xbb: {  	s17 =	rddreg [dreg:$0xb];
	(v2sf) =	vpush v2, $0x8;
	s21 =	spop (v2sf)  }
0xbc: {  	s18 =	rddreg [dreg:$0xa];
	s23 =	sand.u32 $0x7FFFFC00, s21;
	s24 =	spop (v2sf)  }
0xbd: {  	s21 =	rddreg [dreg:$0x9];
	s23 =	sadd.s32 s5, s23;
	s25 =	spop (v2sf)  }
0xbe: {  	s24 =	sand.u32 $0x7FFFFC00, s24;
	s23 =	sshrl.u32 s23, $0x3;
	s26 =	spop (v2sf)  }
0xbf: {  	(v2sf) =	vpush v2, $0x7;
	s25 =	sand.u32 $0x7FFFFC00, s25;
	s24 =	sadd.s32 s7, s24;
	s26 =	sand.u32 $0x7FFFFC00, s26  }
0xc0: {  	s25 =	sadd.s32 s5, s25;
	s28 =	spop (v2sf);
	s23 =	sadd.s32 s6, s23  }
0xc1: {  	s26 =	sadd.s32 s5, s26;
	s25 =	sshrl.u32 s25, $0x3;
	s29 =	spop (v2sf)  }
0xc2: {  	s28 =	sand.u32 $0x7FFFFC00, s28;
	s26 =	sshrl.u32 s26, $0x3;
	s30 =	spop (v2sf)  }
0xc3: {  	(v2sf) =	vpush v2, $0xB;
	s28 =	sadd.s32 s5, s28;
	s29 =	sand.u32 $0x7FFFFC00, s29;
	s26 =	sadd.s32 s6, s26  }
0xc4: {  	s30 =	sand.u32 $0x7FFFFC00, s30;
	s31 =	spop (v2sf);
	s28 =	sshrl.u32 s28, $0x3  }
0xc5: {  	[tilespmem:s4], [sflag:$0x1] =	stream.linear.gather [hbm4b:s26+s2], $0x400, $0x38;
	[tilespmem:$0x4100] =	vst v63  }
0xc6: {  	(v2sf) =	vpush v2, $0xC;
	s29 =	sadd.s32 s5, s29;
	s26 =	sadd.s32 s5, s30;
	s31 =	sand.u32 $0x7FFFFC00, s31  }
0xc7: {  	s26 =	sshrl.u32 s26, $0x3;
	s30 =	sadd.s32 s5, s31;
	s31 =	spop (v2sf)  }
0xc8: {  	[tilespmem:s22], [sflag:$0x1] =	stream.linear.gather [hbm4b:s23+s2], $0x400, $0x38;
	[tilespmem:$0x4100] =	vst v63  }
0xc9: {  	s31 =	sand.u32 $0x7FFFFC00, s31;
	s22 =	sshrl.u32 s29, $0x3;
	s30 =	sshrl.u32 s30, $0x3  }
0xca: {  	(v2sf) =	vpush v2, $0xD;
	s26 =	sadd.s32 s6, s26;
	s23 =	sadd.s32 s7, s31;
	s31 =	spop (v2sf)  }
0xcb: {  	[tilespmem:s19], [sflag:$0x1] =	stream.linear.gather [hbm4b:s26+s2], $0x400, $0x38;
	[tilespmem:$0x4100] =	vst v63  }
0xcc: {  	s30 =	sadd.s32 s6, s30;
	s22 =	sadd.s32 s6, s22;
	s19 =	sadd.s32 s6, s25  }
0xcd: {  	[tilespmem:s20], [sflag:$0x1] =	stream.linear.gather [hbm4b:s19+s2], $0x400, $0x38;
	[tilespmem:$0x4100] =	vst v63  }
0xce: {  	s29 =	sand.u32 $0x7FFFFC00, s31;
	s23 =	sshrl.u32 s23, $0x3;
	s31 =	spop (v2sf);
	(v2sf) =	vpush v2, $0xE  }
0xcf: {  	[tilespmem:s21], [sflag:$0x1] =	stream.linear.gather [hbm4b:s30+s2], $0x400, $0x38;
	[tilespmem:$0x4100] =	vst v63  }
0xd0: {  	s29 =	sadd.s32 s7, s29;
	s26 =	sand.u32 $0x7FFFFC00, s31;
	s30 =	sadd.s32 s6, s28  }
0xd1: {  	[tilespmem:s18], [sflag:$0x1] =	stream.linear.gather [hbm4b:s30+s2], $0x400, $0x38;
	[tilespmem:$0x4100] =	vst v63  }
0xd2: {  	s20 =	sshrl.u32 s24, $0x3;
	s25 =	sadd.s32 s5, s26;
	s31 =	spop (v2sf);
	(v2sf) =	vpush v2, $0xF  }
0xd3: {  	s26 =	sshrl.u32 s29, $0x3;
	s19 =	sshrl.u32 s25, $0x3;
	s29 =	sand.u32 $0x7FFFFC00, s31  }
0xd4: {  	[tilespmem:s17], [sflag:$0x1] =	stream.linear.gather [hbm4b:s22+s2], $0x400, $0x38;
	[tilespmem:$0x4100] =	vst v63  }
0xd5: {  	s24 =	sadd.s32 s7, s29;
	s29 =	sadd.s32 s6, s19;
	s31 =	spop (v2sf)  }
0xd6: {  	[tilespmem:s16], [sflag:$0x1] =	stream.linear.gather [hbm4b:s29+s2], $0x400, $0x38;
	[tilespmem:$0x4100] =	vst v63  }
0xd7: {  	s22 =	sadd.s32 s6, s26;
	s26 =	sadd.s32 s6, s20;
	s28 =	sand.u32 $0x7FFFFC00, s31  }
0xd8: {  	[tilespmem:s15], [sflag:$0x1] =	stream.linear.gather [hbm4b:s22+s2], $0x400, $0x38;
	[tilespmem:$0x4100] =	vst v63  }
0xd9: {  	s21 =	sshrl.u32 s24, $0x3;
	s30 =	sadd.s32 s7, s28;
	s31 =	spop (v2sf)  }
0xda: {  	[tilespmem:s14], [sflag:$0x1] =	stream.linear.gather [hbm4b:s26+s2], $0x400, $0x38;
	[tilespmem:$0x4100] =	vst v63  }
0xdb: {  	s24 =	sshrl.u32 s30, $0x3;
	s25 =	sand.u32 $0x7FFFFC00, s31;
	s30 =	sadd.s32 s6, s23  }
0xdc: {  	[tilespmem:s13], [sflag:$0x1] =	stream.linear.gather [hbm4b:s30+s2], $0x400, $0x38;
	[tilespmem:$0x4100] =	vst v63  }
0xdd: {  	s19 =	sadd.s32 s6, s21;
	s28 =	sadd.s32 s7, s25;
	s29 =	spop (v2sf)  }
0xde: {  	[tilespmem:s12], [sflag:$0x1] =	stream.linear.gather [hbm4b:s19+s2], $0x400, $0x38;
	[tilespmem:$0x4100] =	vst v63  }
0xdf: {  	s22 =	sadd.s32 s6, s24;
	s31 =	sshrl.u32 s28, $0x3;
	s18 =	sand.u32 $0x7FFFFC00, s29  }
0xe0: {  	[tilespmem:s11], [sflag:$0x1] =	stream.linear.gather [hbm4b:s22+s2], $0x400, $0x38;
	[tilespmem:$0x4100] =	vst v63  }
0xe1: {  	s25 =	sadd.s32 s6, s31;
	s20 =	sadd.s32 s7, s18;
	s21 =	spop (v2sf)  }
0xe2: {  	[tilespmem:s10], [sflag:$0x1] =	stream.linear.gather [hbm4b:s25+s2], $0x400, $0x38;
	[tilespmem:$0x4100] =	vst v63  }
0xe3: {  	s23 =	sshrl.u32 s20, $0x3;
	s24 =	sand.u32 $0x7FFFFC00, s21  }
0xe4: {  	s26 =	rddreg [dreg:$0x13];
	s28 =	sadd.s32 s6, s23;
	s14 =	sadd.s32 s7, s24  }
0xe5: {  	[tilespmem:s26], [sflag:$0x1] =	stream.linear.gather [hbm4b:s28+s2], $0x400, $0x38;
	[tilespmem:$0x4100] =	vst v63  }
0xe6: {  	s29 =	sshrl.u32 s14, $0x3  }
0xe7: {  	s30 =	rddreg [dreg:$0x14];
	s31 =	sadd.s32 s6, s29  }
0xe8: {  	[tilespmem:s30], [sflag:$0x1] =	stream.linear.gather [hbm4b:s31+s2], $0x400, $0x38;
	[tilespmem:$0x4100] =	vst v63  }
0xe9: {  	_ =	swait.ge [sflag:s8], $0x400  }
0xea: {  	[sflag:s8] =	ssyncset.done $0x0  }
0xeb: {  	[sflag:s8] =	ssyncadd.s32 $0xFFFFFC00  }
0xec: {  	_ =	swait.ge [sflag:s8], $0x400  }
0xed: {  	[sflag:s8] =	ssyncset.done $0x0  }
0xee: {  	[sflag:s8] =	ssyncadd.s32 $0xFFFFFC00  }
0xef: {  	_ =	swait.ge [sflag:s8], $0x400  }
0xf0: {  	[sflag:s8] =	ssyncset.done $0x0  }
0xf1: {  	[sflag:s8] =	ssyncadd.s32 $0xFFFFFC00  }
0xf2: {  	_ =	swait.ge [sflag:s8], $0x400  }
0xf3: {  	[sflag:s8] =	ssyncset.done $0x0  }
0xf4: {  	[sflag:s8] =	ssyncadd.s32 $0xFFFFFC00  }
0xf5: {  	_ =	swait.ge [sflag:s8], $0x400  }
0xf6: {  	[sflag:s8] =	ssyncset.done $0x0  }
0xf7: {  	[sflag:s8] =	ssyncadd.s32 $0xFFFFFC00  }
0xf8: {  	_ =	swait.ge [sflag:s8], $0x400  }
0xf9: {  	[sflag:s8] =	ssyncset.done $0x0  }
0xfa: {  	[sflag:s8] =	ssyncadd.s32 $0xFFFFFC00  }
0xfb: {  	_ =	swait.ge [sflag:s8], $0x400  }
0xfc: {  	[sflag:s8] =	ssyncset.done $0x0  }
0xfd: {  	[sflag:s8] =	ssyncadd.s32 $0xFFFFFC00  }
0xfe: {  	_ =	swait.ge [sflag:s8], $0x400  }
0xff: {  	[sflag:s8] =	ssyncset.done $0x0  }
0x100: {  	[sflag:s8] =	ssyncadd.s32 $0xFFFFFC00  }
0x101: {  	_ =	swait.ge [sflag:s8], $0x400  }
0x102: {  	[sflag:s8] =	ssyncset.done $0x0  }
0x103: {  	[sflag:s8] =	ssyncadd.s32 $0xFFFFFC00  }
0x104: {  	_ =	swait.ge [sflag:s8], $0x400  }
0x105: {  	[sflag:s8] =	ssyncset.done $0x0  }
0x106: {  	[sflag:s8] =	ssyncadd.s32 $0xFFFFFC00  }
0x107: {  	_ =	swait.ge [sflag:s8], $0x400  }
0x108: {  	[sflag:s8] =	ssyncset.done $0x0  }
0x109: {  	[sflag:s8] =	ssyncadd.s32 $0xFFFFFC00  }
0x10a: {  	_ =	swait.ge [sflag:s8], $0x400  }
0x10b: {  	[sflag:s8] =	ssyncset.done $0x0  }
0x10c: {  	p0 =	sne.s32 s9, $0x1;
	[sflag:s8] =	ssyncadd.s32 $0xFFFFFC00  }
.Ltmp2:
0x10d: {  	_ =	swait.ge [sflag:s8], $0x400;
	(pc) =	sbr.rel @p0 .LBB2_2-.Ltmp2, $4  }
0x10e: {  	[sflag:s8] =	ssyncset.done $0x0  }
0x10f: {  	[sflag:s8] =	ssyncadd.s32 $0xFFFFFC00  }
0x110: {  	_ =	swait.ge [sflag:s8], $0x400  }
0x111: {  	s9 =	sadd.s32 $0xFFFFFFFF, s9;
	v1 =	vand.u32 $0x7F, v1;
	[sflag:s8] =	ssyncset.done $0x0  }
.LBB2_3:
0x112: {  	[sflag:s8] =	ssyncadd.s32 $0xFFFFFC00  }
0x113: {  	_ =	swait.ge [sflag:s8], $0x400  }
0x114: {  	v0 =	vor.u32 v0, v1;
	[sflag:s8] =	ssyncset.done $0x0  }
0x115: {  	[sflag:s8] =	ssyncadd.s32 $0xFFFFFC00  }
0x116: {  	_ =	swait.ge [sflag:s8], $0x400  }
0x117: {  	[sflag:s8] =	ssyncset.done $0x0  }
0x118: {  	[sflag:s8] =	ssyncadd.s32 $0xFFFFFC00  }
0x119: {  	v0 =	vld.idx.msk [tilespmem:v0+s4+$0x0], $0xffff;
	_ =	sdelay $0x3  }
0x11a: {  	s31 =	rddreg [dreg:$0x15]  }
0x11b: {  	s5 =	rddreg [dreg:$0x4];
	[tilespmem:$0x4080] =	vst v0  }
0x11c: {  	[hbm4b:s5+s2] =	stream.linear.scatter [tilespmem:s31], [sflag:$0x2], $0x10, $0x38;
	[tilespmem:$0x4100] =	vst v63  }
0x11d: {  	_ =	swait.ge [sflag:s3], $0x10  }
0x11e: {  	[sflag:s3] =	ssyncset.done $0x0  }
0x11f: {  	[sflag:s3] =	ssyncadd.s32 $0xFFFFFFF0  }
.LBB2_4:
0x120: {  	_ =	sfence.sel $0x180000  }
0x121: {  	[bflag:$0x0] =	sbarrier.arrive $0xFFFF  }
0x122: {  	p0 =	sne.s32 s1, $0x0;
	_ =	strace $0x90000047  }
0x123: {  	s0 =	sadd.s32 @!p0 $0x100000, s0;
	[bflag:$0x2] =	sbarrier.arrive $0xFFFF  }
0x124: {  	[sflag:s0] =	ssyncadd.tile.s32 @!p0 $0x1;
	_ =	shalt  }
.Lfunc_end2:
_tile_overlayer_lowered:
.L_overlay_start_2:
0x125: {  	(tag) =	ssettag $0x2  }
0x126: {  	s0 =	rddreg [dreg:$0x0];
	s2 =	stileid.u32  }
0x127: {  	s1 =	rddreg [dreg:$0x1];
	p0 =	sne.s32 s2, $0x0  }
0x128: {  	s3 =	rddreg [dreg:$0x2];
	[bflag:$0x3] =	sbarrier.arrive $0xFFFF;
	s2 =	simm.s32 @!p0 $0x1C02  }
0x129: {  	[timem:s3], [sflag:s2] =	dma.local @!p0 [hbm:s0], s1  }
0x12a: {  	s0 =	simm.s32 @!p0 $0x2  }
0x12b: {  	_ =	swait.ge @!p0 [sflag:s0], s1  }
0x12c: {  	s1 =	ssub.s32 @!p0 $0x0, s1;
	[sflag:s0] =	ssyncset.done @!p0 $0x0  }
0x12d: {  	[sflag:s0] =	ssyncadd.s32 @!p0 s1  }
0x12e: {  	[bflag:$0x3] =	sbarrier.arrive $0xFFFF  }
0x12f: {  	_ =	shalt  }

</sc_bundles>
